<compile_context>
chip_gen: v7x
topology: tpu7x:2x2x1
jax: 0.10.2.dev20260603
libtpu: 0.0.44.dev20260713+nightly
codegen_flags: <defaults>
</compile_context>

<pallas_src>
import functools
import jax
import jax.numpy as jnp
from jax import lax
from jax.experimental import pallas as pl
from jax.experimental.pallas import tpu as pltpu
from jax.experimental.pallas import tpu_sc as plsc

NW = 32
L = 16
CAPW = 4096
CAPC = 2048
N_GROUPS = 100000
N_MOD = 3200000
WLIMW = N_MOD - CAPW
WLIMC = N_MOD - CAPC
GPW = N_GROUPS // NW
NB = (GPW + L - 1) // L
GPAD = NB * L
CSR_LEN = GPAD + 8
D_MOD = 16


def _sc_body(csr_hbm, xmapt_hbm, xmodt_hbm, out_rows,
             csr_v, win_v, args_v, seen_v, win2_v, rows_v, sem2):
    c = lax.axis_index("c")
    s = lax.axis_index("s")
    wid = s * 2 + c
    g0 = wid * GPW
    a0 = pl.multiple_of((g0 // 8) * 8, 8)
    off = g0 - a0
    pltpu.sync_copy(csr_hbm.at[pl.ds(a0, CSR_LEN)], csr_v)

    iot = lax.iota(jnp.int32, L)
    neg = jnp.float32(jnp.finfo(jnp.float32).min)
    negv = jnp.full((L,), neg, jnp.float32)
    sent = jnp.full((L,), N_MOD, jnp.int32)
    zl = jnp.zeros((L,), jnp.int32)

    def bcast(x):
        return jnp.broadcast_to(x, (L,))

    stv0 = csr_v[pl.ds(off, L)]
    start0 = stv0[0]
    w_init = pl.multiple_of(
        jnp.minimum((start0 // 128) * 128, WLIMW), 128)
    pltpu.sync_copy(
        xmapt_hbm.at[pl.ds(0, 8), pl.ds(w_init, CAPW)], win_v)

    def batch_body(b, w_cur):
        bb = b * L
        stv = csr_v[pl.ds(off + bb, L)]
        env = csr_v[pl.ds(off + bb + 1, L)]
        env = jnp.where((bcast(bb) + iot) < bcast(GPW), env, stv)
        seenv = env > stv
        bstart = stv[0]
        bend = jnp.max(env)
        kmax = jnp.max(env - stv)

        def store_results(argv):
            argv = jnp.where(seenv, argv, zl)
            args_v[pl.ds(bb, L)] = argv
            seen_v[pl.ds(bb, L)] = jnp.where(
                seenv, jnp.full((L,), 1.0, jnp.float32),
                jnp.zeros((L,), jnp.float32))

        def reload(a):
            wn = pl.multiple_of(
                jnp.minimum((a // 128) * 128, WLIMW), 128)
            pltpu.sync_copy(
                xmapt_hbm.at[pl.ds(0, 8), pl.ds(wn, CAPW)], win_v)
            return wn

        def good(w):
            w = lax.cond(bend > w + CAPW,
                         lambda a: reload(a[0]), lambda a: a[1],
                         (bstart, w))

            def stepk(k, carry):
                am, ai = carry
                idx = stv + bcast(k)
                m = idx < env
                rel = jnp.where(m, idx - bcast(w), zl)
                v = plsc.load_gather(win_v, [zl, rel])
                v = jnp.where(m, v, negv)
                upd = v > am
                am = jnp.where(upd, v, am)
                ai = jnp.where(upd, idx, ai)
                return (am, ai)

            _, ai = lax.fori_loop(0, kmax, stepk, (negv, sent))
            store_results(ai)
            return w

        def bad(w):
            argv = zl
            for j in range(L):
                st = stv[j]
                en = env[j]

                def cond_fn(carry):
                    return carry[0] < en

                def step_fn(carry):
                    p, w2, am, ai = carry
                    w2 = lax.cond(p + L > w2 + CAPW,
                                  lambda a: reload(a[0]),
                                  lambda a: a[1], (p, w2))
                    idx = bcast(p) + iot
                    m = idx < bcast(en)
                    rel = jnp.where(m, idx - bcast(w2), zl)
                    v = plsc.load_gather(win_v, [zl, rel])
                    v = jnp.where(m, v, negv)
                    upd = v > am
                    am = jnp.where(upd, v, am)
                    ai = jnp.where(upd, idx, ai)
                    return (p + L, w2, am, ai)

                _, w, am, ai = lax.while_loop(
                    cond_fn, step_fn, (st, w, negv, sent))
                gmax = jnp.max(am)
                cand = jnp.where(am == bcast(gmax), ai, sent)
                arg = jnp.min(cand)
                argv = jnp.where(iot == j, bcast(arg), argv)
            store_results(argv)
            return w

        return lax.cond(bend - bstart <= CAPW - 128, good, bad, w_cur)

    lax.fori_loop(0, NB, batch_body, w_init)

    def reload2(a):
        wn = pl.multiple_of(
            jnp.minimum((a // 128) * 128, WLIMC), 128)
        pltpu.sync_copy(
            xmodt_hbm.at[pl.ds(0, D_MOD), pl.ds(wn, CAPC)], win2_v)
        return wn

    wc_init = reload2(start0)

    def p2_body(b, wc):
        bb = b * L
        argv = args_v[pl.ds(bb, L)]
        sfv = seen_v[pl.ds(bb, L)]
        for j in range(L):
            a = argv[j]
            wc = lax.cond(a >= wc + CAPC,
                          lambda t: reload2(t[0]), lambda t: t[1],
                          (a, wc))
            relc = jnp.maximum(a - wc, 0)
            row = plsc.load_gather(win2_v, [iot, bcast(relc)])
            rows_v[pl.ds((bb + j) * D_MOD, D_MOD)] = (
                row * bcast(sfv[j]))
        return wc

    lax.fori_loop(0, NB, p2_body, wc_init)

    obase = pl.multiple_of(wid * (GPW * D_MOD), 8)
    pltpu.sync_copy(rows_v.at[pl.ds(0, GPW * D_MOD)],
                    out_rows.at[pl.ds(obase, GPW * D_MOD)])


@functools.partial(
    pl.kernel,
    mesh=plsc.VectorSubcoreMesh(core_axis_name="c", subcore_axis_name="s"),
    compiler_params=pltpu.CompilerParams(needs_layout_passes=False),
    out_type=jax.ShapeDtypeStruct((NW * GPW * D_MOD,), jnp.float32),
    scratch_types=[
        pltpu.VMEM((CSR_LEN,), jnp.int32),
        pltpu.VMEM((8, CAPW), jnp.float32),
        pltpu.VMEM((GPAD,), jnp.int32),
        pltpu.VMEM((GPAD,), jnp.float32),
        pltpu.VMEM((D_MOD, CAPC), jnp.float32),
        pltpu.VMEM((GPAD * D_MOD,), jnp.float32),
        pltpu.SemaphoreType.DMA,
    ],
)
def _sc_pool(csr_hbm, xmapt_hbm, xmodt_hbm, out_rows,
             csr_v, win_v, args_v, seen_v, win2_v, rows_v, sem2):
    _sc_body(csr_hbm, xmapt_hbm, xmodt_hbm, out_rows,
             csr_v, win_v, args_v, seen_v, win2_v, rows_v, sem2)


@jax.jit
def kernel(x_main, x_mod, x_map, csr_idx):
    del x_main
    csr = csr_idx.astype(jnp.int32)
    csr_pad = jnp.concatenate([csr, jnp.zeros((32,), jnp.int32)])
    out_rows = _sc_pool(csr_pad, x_map.T, x_mod.T)
    x_pool = out_rows.reshape(N_GROUPS, D_MOD)
    x_seen = csr_idx[1:] > csr_idx[:-1]
    return (x_pool, x_seen)

# --- scband reference (transcript-rebuilt; emitter-appended) ---
"""Pipeline reference for scband-heuristic-bimodal-csrpool-2233382994383 (READ-ONLY COPY).

The authoritative reference and input builder live on the scoring server;
editing this copy changes nothing except your own understanding.
"""

import jax, jax.numpy as jnp
import numpy as np

N_GROUPS = 100000
N_MOD = 3200000
D_MOD = 16
N_FEATS = 8
FEAT = 0


def setup_inputs(seed: int = 0) -> dict:
    key = jax.random.key(seed)
    k1, k2, k3, k4 = jax.random.split(key, 4)
    x_main = jax.random.normal(k1, (N_GROUPS, 128), dtype=jnp.float32)
    x_mod = jax.random.normal(k2, (N_MOD, D_MOD), dtype=jnp.float32)
    x_map = jax.random.uniform(k3, (N_MOD, N_FEATS), dtype=jnp.float32)
    csr = jnp.sort(jax.random.randint(k4, (N_GROUPS + 1,), 0, N_MOD, dtype=jnp.int64))
    # CSR pointers must start at 0 and end at N_MOD so every x_mod row belongs to a group
    csr = csr.at[0].set(0).at[-1].set(N_MOD)
    return {"x_main": x_main, "x_mod": x_mod, "x_map": x_map, "csr_idx": csr}


def reference(x_main, x_mod, x_map, csr_idx):
    n_groups = csr_idx.shape[0] - 1
    counts = csr_idx[1:] - csr_idx[:-1]
    # dense group id for every mapped element (eager, dynamic counts ok on CPU)
    dense_idx = jnp.repeat(
        jnp.arange(n_groups, dtype=csr_idx.dtype), counts,
        total_repeat_length=x_mod.shape[0],
    )
    n = x_mod.shape[0]
    vals = x_map[:, FEAT]
    # scatter_max with argmax: per-group max, then first index achieving it;
    # empty groups get arg == n (points at appended zero row), matching torch_scatter
    seg_max = jax.ops.segment_max(vals, dense_idx, num_segments=n_groups)
    is_max = vals == seg_max[dense_idx]
    cand = jnp.where(is_max, jnp.arange(n, dtype=csr_idx.dtype), jnp.asarray(n, dtype=csr_idx.dtype))
    arg_idx = jax.ops.segment_min(cand, dense_idx, num_segments=n_groups)
    arg_idx = jnp.minimum(arg_idx, jnp.asarray(n, dtype=csr_idx.dtype))
    x_mod_0 = jnp.concatenate([x_mod, jnp.zeros_like(x_mod[:1])], axis=0)
    x_pool = x_mod_0[arg_idx]
    x_seen = csr_idx[1:] > csr_idx[:-1]
    return (x_pool, x_seen)

if __name__ == "__main__":
    import jax
    _d = setup_inputs()
    print(jax.jit(kernel)(*tuple(_d.values())))

</pallas_src>

<mosaic_0001>
#map = affine_map<(d0, d1) -> (0)>
#map1 = affine_map<(d0, d1) -> (0, 0)>
module attributes {stable_mosaic.version = 14 : i64} {
  func.func @_sc_pool(%arg0: i32, %arg1: i32, %arg2: memref<100033xi32, #tpu.memory_space<hbm>>, %arg3: memref<8x3200000xf32, #tpu.memory_space<hbm>>, %arg4: memref<16x3200000xf32, #tpu.memory_space<hbm>>, %arg5: memref<1600000xf32, #tpu.memory_space<hbm>>, %arg6: memref<3144xi32, #tpu.memory_space<vmem>>, %arg7: memref<8x4096xf32, #tpu.memory_space<vmem>>, %arg8: memref<3136xi32, #tpu.memory_space<vmem>>, %arg9: memref<3136xf32, #tpu.memory_space<vmem>>, %arg10: memref<16x2048xf32, #tpu.memory_space<vmem>>, %arg11: memref<50176xf32, #tpu.memory_space<vmem>>, %arg12: memref<!tpu.dma_semaphore, #tpu.memory_space<semaphore_mem>>) attributes {dimension_semantics = [#tpu.dimension_semantics<core_parallel>, #tpu.dimension_semantics<subcore_parallel>], iteration_bounds = array<i64: 2, 16>, scalar_prefetch = 0 : i64, scratch_operands = 7 : i64, tpu.core_type = #tpu.core_type<sc_vector_subcore>, window_params = [{transform_indices = #map}, {transform_indices = #map1}, {transform_indices = #map1}, {transform_indices = #map}]} {
    %mul3A = arith.constant 2 : i32
    %mul3A_0 = arith.muli %arg1, %mul3A : i32
    %add3A = arith.addi %mul3A_0, %arg0 : i32
    %mul3A_1 = arith.constant 3125 : i32
    %mul3A_2 = arith.muli %add3A, %mul3A_1 : i32
    %jit3A = arith.constant 8 : i32
    %div3A = arith.divsi %mul3A_2, %jit3A : i32
    %sign3A = arith.constant 0 : i32
    %sign3A_3 = arith.cmpi sgt, %mul3A_2, %sign3A : i32
    %sign3A_4 = arith.extui %sign3A_3 : i1 to i32
    %sign3A_5 = arith.constant 0 : i32
    %sign3A_6 = arith.cmpi slt, %mul3A_2, %sign3A_5 : i32
    %sign3A_7 = arith.extui %sign3A_6 : i1 to i32
    %sign3A_8 = arith.subi %sign3A_4, %sign3A_7 : i32
    %sign3A_9 = arith.constant 0 : i32
    %sign3A_10 = arith.cmpi sgt, %jit3A, %sign3A_9 : i32
    %sign3A_11 = arith.extui %sign3A_10 : i1 to i32
    %sign3A_12 = arith.constant 0 : i32
    %sign3A_13 = arith.cmpi slt, %jit3A, %sign3A_12 : i32
    %sign3A_14 = arith.extui %sign3A_13 : i1 to i32
    %sign3A_15 = arith.subi %sign3A_11, %sign3A_14 : i32
    %ne3A = arith.cmpi ne, %sign3A_8, %sign3A_15 : i32
    %rem3A = arith.remsi %mul3A_2, %jit3A : i32
    %ne3A_16 = arith.constant 0 : i32
    %ne3A_17 = arith.cmpi ne, %rem3A, %ne3A_16 : i32
    %and3A = arith.andi %ne3A, %ne3A_17 : i1
    %sub3A = arith.constant 1 : i32
    %sub3A_18 = arith.subi %div3A, %sub3A : i32
    %select_n3A = arith.select %and3A, %sub3A_18, %div3A : i32
    %mul3A_19 = arith.constant 8 : i32
    %mul3A_20 = arith.muli %select_n3A, %mul3A_19 : i32
    %multiple_of3A = tpu.assume_multiple %mul3A_20, 8 : i32
    %sub3A_21 = arith.subi %mul3A_2, %multiple_of3A : i32
    "tpu.region"() ({
      %run_scoped3A = tpu.sem_alloc : memref<!tpu.dma_semaphore, #tpu.memory_space<semaphore_mem>>
      %dma_start3A = tpu.memref_slice %arg2[%multiple_of3A] : memref<100033xi32, #tpu.memory_space<hbm>> -> memref<3144xi32, #tpu.memory_space<hbm>>
      %dma_start3A_99 = tpu.memref_slice %arg2[%multiple_of3A] : memref<100033xi32, #tpu.memory_space<hbm>> -> memref<3144xi32, #tpu.memory_space<hbm>>
      tpu.enqueue_dma source(%dma_start3A_99 : memref<3144xi32, #tpu.memory_space<hbm>>) target(%arg6 : memref<3144xi32, #tpu.memory_space<vmem>>) target_semaphore(%run_scoped3A : memref<!tpu.dma_semaphore, #tpu.memory_space<semaphore_mem>>)
      %dma_wait3A = tpu.memref_slice %arg2[%multiple_of3A] : memref<100033xi32, #tpu.memory_space<hbm>> -> memref<3144xi32, #tpu.memory_space<hbm>>
      %dma_wait3A_100 = tpu.memref_slice %arg2[%multiple_of3A] : memref<100033xi32, #tpu.memory_space<hbm>> -> memref<3144xi32, #tpu.memory_space<hbm>>
      tpu.wait_dma2 semaphore(%run_scoped3A : memref<!tpu.dma_semaphore, #tpu.memory_space<semaphore_mem>>) src(%dma_wait3A_100 : memref<3144xi32, #tpu.memory_space<hbm>>) dst(%arg6 : memref<3144xi32, #tpu.memory_space<vmem>>)
      tpu.yield
    }) : () -> ()
    %iota3A = tpu.iota {dimensions = array<i32: 0>} : vector<16xi32>
    %broadcast_in_dim3A = arith.constant -3.40282347E+38 : f32
    %broadcast_in_dim3A_22 = vector.broadcast %broadcast_in_dim3A : f32 to vector<16xf32>
    %broadcast_in_dim3A_23 = arith.constant 3200000 : i32
    %broadcast_in_dim3A_24 = vector.broadcast %broadcast_in_dim3A_23 : i32 to vector<16xi32>
    %broadcast_in_dim3A_25 = arith.constant 0 : i32
    %broadcast_in_dim3A_26 = vector.broadcast %broadcast_in_dim3A_25 : i32 to vector<16xi32>
    %get3A = arith.index_cast %sub3A_21 : i32 to index
    %get3A_27 = tpu.vector_load %arg6[%get3A] {strides = array<i32>} : memref<3144xi32, #tpu.memory_space<vmem>>, vector<16xi32>,
    %slice3A = vector.extract_strided_slice %get3A_27 {offsets = [0], sizes = [1], strides = [1]} : vector<16xi32> to vector<1xi32>
    %squeeze3A = vector.extract %slice3A[0] : i32 from vector<1xi32>
    %jit3A_28 = arith.constant 128 : i32
    %div3A_29 = arith.divsi %squeeze3A, %jit3A_28 : i32
    %sign3A_30 = arith.constant 0 : i32
    %sign3A_31 = arith.cmpi sgt, %squeeze3A, %sign3A_30 : i32
    %sign3A_32 = arith.extui %sign3A_31 : i1 to i32
    %sign3A_33 = arith.constant 0 : i32
    %sign3A_34 = arith.cmpi slt, %squeeze3A, %sign3A_33 : i32
    %sign3A_35 = arith.extui %sign3A_34 : i1 to i32
    %sign3A_36 = arith.subi %sign3A_32, %sign3A_35 : i32
    %sign3A_37 = arith.constant 0 : i32
    %sign3A_38 = arith.cmpi sgt, %jit3A_28, %sign3A_37 : i32
    %sign3A_39 = arith.extui %sign3A_38 : i1 to i32
    %sign3A_40 = arith.constant 0 : i32
    %sign3A_41 = arith.cmpi slt, %jit3A_28, %sign3A_40 : i32
    %sign3A_42 = arith.extui %sign3A_41 : i1 to i32
    %sign3A_43 = arith.subi %sign3A_39, %sign3A_42 : i32
    %ne3A_44 = arith.cmpi ne, %sign3A_36, %sign3A_43 : i32
    %rem3A_45 = arith.remsi %squeeze3A, %jit3A_28 : i32
    %ne3A_46 = arith.constant 0 : i32
    %ne3A_47 = arith.cmpi ne, %rem3A_45, %ne3A_46 : i32
    %and3A_48 = arith.andi %ne3A_44, %ne3A_47 : i1
    %sub3A_49 = arith.constant 1 : i32
    %sub3A_50 = arith.subi %div3A_29, %sub3A_49 : i32
    %select_n3A_51 = arith.select %and3A_48, %sub3A_50, %div3A_29 : i32
    %mul3A_52 = arith.constant 128 : i32
    %mul3A_53 = arith.muli %select_n3A_51, %mul3A_52 : i32
    %min3A = arith.constant 3195904 : i32
    %min3A_54 = arith.minsi %mul3A_53, %min3A : i32
    %multiple_of3A_55 = tpu.assume_multiple %min3A_54, 128 : i32
    "tpu.region"() ({
      %run_scoped3A = tpu.sem_alloc : memref<!tpu.dma_semaphore, #tpu.memory_space<semaphore_mem>>
      %dma_start3A = arith.constant 0 : i32
      %dma_start3A_99 = tpu.memref_slice %arg3[%dma_start3A, %multiple_of3A_55] : memref<8x3200000xf32, #tpu.memory_space<hbm>> -> memref<8x4096xf32, #tpu.memory_space<hbm>>
      %dma_start3A_100 = arith.constant 0 : i32
      %dma_start3A_101 = tpu.memref_slice %arg3[%dma_start3A_100, %multiple_of3A_55] : memref<8x3200000xf32, #tpu.memory_space<hbm>> -> memref<8x4096xf32, #tpu.memory_space<hbm>>
      tpu.enqueue_dma source(%dma_start3A_101 : memref<8x4096xf32, #tpu.memory_space<hbm>>) target(%arg7 : memref<8x4096xf32, #tpu.memory_space<vmem>>) target_semaphore(%run_scoped3A : memref<!tpu.dma_semaphore, #tpu.memory_space<semaphore_mem>>)
      %dma_wait3A = arith.constant 0 : i32
      %dma_wait3A_102 = tpu.memref_slice %arg3[%dma_wait3A, %multiple_of3A_55] : memref<8x3200000xf32, #tpu.memory_space<hbm>> -> memref<8x4096xf32, #tpu.memory_space<hbm>>
      %dma_wait3A_103 = arith.constant 0 : i32
      %dma_wait3A_104 = tpu.memref_slice %arg3[%dma_wait3A_103, %multiple_of3A_55] : memref<8x3200000xf32, #tpu.memory_space<hbm>> -> memref<8x4096xf32, #tpu.memory_space<hbm>>
      tpu.wait_dma2 semaphore(%run_scoped3A : memref<!tpu.dma_semaphore, #tpu.memory_space<semaphore_mem>>) src(%dma_wait3A_104 : memref<8x4096xf32, #tpu.memory_space<hbm>>) dst(%arg7 : memref<8x4096xf32, #tpu.memory_space<vmem>>)
      tpu.yield
    }) : () -> ()
    %scan3A = arith.constant 0 : i32
    %scan3A_56 = arith.constant 196 : i32
    %scan3A_57 = arith.addi %scan3A, %scan3A_56 : i32
    %scan3A_58 = arith.constant 1 : i32
    %scan3A_59 = scf.for %scan3A_99 = %scan3A to %scan3A_57 step %scan3A_58 iter_args(%scan3A_100 = %multiple_of3A_55) -> (i32)  : i32 {
      %mul3A_101 = arith.constant 16 : i32
      %mul3A_102 = arith.muli %scan3A_99, %mul3A_101 : i32
      %add3A_103 = arith.addi %sub3A_21, %mul3A_102 : i32
      %get3A_104 = arith.index_cast %add3A_103 : i32 to index
      %get3A_105 = tpu.vector_load %arg6[%get3A_104] {strides = array<i32>} : memref<3144xi32, #tpu.memory_space<vmem>>, vector<16xi32>,
      %add3A_106 = arith.addi %sub3A_21, %mul3A_102 : i32
      %add3A_107 = arith.constant 1 : i32
      %add3A_108 = arith.addi %add3A_106, %add3A_107 : i32
      %get3A_109 = arith.index_cast %add3A_108 : i32 to index
      %get3A_110 = tpu.vector_load %arg6[%get3A_109] {strides = array<i32>} : memref<3144xi32, #tpu.memory_space<vmem>>, vector<16xi32>,
      %broadcast_in_dim3A_111 = vector.broadcast %mul3A_102 : i32 to vector<16xi32>
      %add3A_112 = arith.addi %broadcast_in_dim3A_111, %iota3A : vector<16xi32>
      %broadcast_in_dim3A_113 = arith.constant 3125 : i32
      %broadcast_in_dim3A_114 = vector.broadcast %broadcast_in_dim3A_113 : i32 to vector<16xi32>
      %lt3A = arith.cmpi slt, %add3A_112, %broadcast_in_dim3A_114 : vector<16xi32>
      %select_n3A_115 = arith.select %lt3A, %get3A_110, %get3A_105 : vector<16xi1>, vector<16xi32>
      %gt3A = arith.cmpi sgt, %select_n3A_115, %get3A_105 : vector<16xi32>
      %slice3A_116 = vector.extract_strided_slice %get3A_105 {offsets = [0], sizes = [1], strides = [1]} : vector<16xi32> to vector<1xi32>
      %squeeze3A_117 = vector.extract %slice3A_116[0] : i32 from vector<1xi32>
      %reduce_max3A = arith.constant true
      %reduce_max3A_118 = vector.broadcast %reduce_max3A : i1 to vector<16xi1>
      %reduce_max3A_119 = arith.constant -2147483648 : i32
      %reduce_max3A_120 = vector.broadcast %reduce_max3A_119 : i32 to vector<16xi32>
      %reduce_max3A_121 = arith.xori %select_n3A_115, %reduce_max3A_120 : vector<16xi32>
      %reduce_max3A_122 = tpu.scan <max>, %reduce_max3A_121 masked %reduce_max3A_118 : vector<16xi32>, vector<16xi1> -> vector<16xi32>
      %reduce_max3A_123 = arith.xori %reduce_max3A_122, %reduce_max3A_120 : vector<16xi32>
      %reduce_max3A_124 = vector.extract %reduce_max3A_123[15] : i32 from vector<16xi32>
      %sub3A_125 = arith.subi %select_n3A_115, %get3A_105 : vector<16xi32>
      %reduce_max3A_126 = arith.constant true
      %reduce_max3A_127 = vector.broadcast %reduce_max3A_126 : i1 to vector<16xi1>
      %reduce_max3A_128 = arith.constant -2147483648 : i32
      %reduce_max3A_129 = vector.broadcast %reduce_max3A_128 : i32 to vector<16xi32>
      %reduce_max3A_130 = arith.xori %sub3A_125, %reduce_max3A_129 : vector<16xi32>
      %reduce_max3A_131 = tpu.scan <max>, %reduce_max3A_130 masked %reduce_max3A_127 : vector<16xi32>, vector<16xi1> -> vector<16xi32>
      %reduce_max3A_132 = arith.xori %reduce_max3A_131, %reduce_max3A_129 : vector<16xi32>
      %reduce_max3A_133 = vector.extract %reduce_max3A_132[15] : i32 from vector<16xi32>
      %sub3A_134 = arith.subi %reduce_max3A_124, %squeeze3A_117 : i32
      %le3A = arith.constant 3968 : i32
      %le3A_135 = arith.cmpi sle, %sub3A_134, %le3A : i32
      %convert_element_type3A = arith.extui %le3A_135 : i1 to i32
      %cond3A = arith.constant 0 : i32
      %cond3A_136 = arith.cmpi ne, %convert_element_type3A, %cond3A : i32
      %cond3A_137 = scf.if %cond3A_136 -> (i32) {
        %add3A_138 = arith.constant 4096 : i32
        %add3A_139 = arith.addi %scan3A_100, %add3A_138 : i32
        %gt3A_140 = arith.cmpi sgt, %reduce_max3A_124, %add3A_139 : i32
        %convert_element_type3A_141 = arith.extui %gt3A_140 : i1 to i32
        %cond3A_142 = arith.constant 0 : i32
        %cond3A_143 = arith.cmpi ne, %convert_element_type3A_141, %cond3A_142 : i32
        %cond3A_144 = scf.if %cond3A_143 -> (i32) {
          %jit3A_164 = arith.constant 128 : i32
          %div3A_165 = arith.divsi %squeeze3A_117, %jit3A_164 : i32
          %sign3A_166 = arith.constant 0 : i32
          %sign3A_167 = arith.cmpi sgt, %squeeze3A_117, %sign3A_166 : i32
          %sign3A_168 = arith.extui %sign3A_167 : i1 to i32
          %sign3A_169 = arith.constant 0 : i32
          %sign3A_170 = arith.cmpi slt, %squeeze3A_117, %sign3A_169 : i32
          %sign3A_171 = arith.extui %sign3A_170 : i1 to i32
          %sign3A_172 = arith.subi %sign3A_168, %sign3A_171 : i32
          %sign3A_173 = arith.constant 0 : i32
          %sign3A_174 = arith.cmpi sgt, %jit3A_164, %sign3A_173 : i32
          %sign3A_175 = arith.extui %sign3A_174 : i1 to i32
          %sign3A_176 = arith.constant 0 : i32
          %sign3A_177 = arith.cmpi slt, %jit3A_164, %sign3A_176 : i32
          %sign3A_178 = arith.extui %sign3A_177 : i1 to i32
          %sign3A_179 = arith.subi %sign3A_175, %sign3A_178 : i32
          %ne3A_180 = arith.cmpi ne, %sign3A_172, %sign3A_179 : i32
          %rem3A_181 = arith.remsi %squeeze3A_117, %jit3A_164 : i32
          %ne3A_182 = arith.constant 0 : i32
          %ne3A_183 = arith.cmpi ne, %rem3A_181, %ne3A_182 : i32
          %and3A_184 = arith.andi %ne3A_180, %ne3A_183 : i1
          %sub3A_185 = arith.constant 1 : i32
          %sub3A_186 = arith.subi %div3A_165, %sub3A_185 : i32
          %select_n3A_187 = arith.select %and3A_184, %sub3A_186, %div3A_165 : i32
          %mul3A_188 = arith.constant 128 : i32
          %mul3A_189 = arith.muli %select_n3A_187, %mul3A_188 : i32
          %min3A_190 = arith.constant 3195904 : i32
          %min3A_191 = arith.minsi %mul3A_189, %min3A_190 : i32
          %multiple_of3A_192 = tpu.assume_multiple %min3A_191, 128 : i32
          "tpu.region"() ({
            %run_scoped3A = tpu.sem_alloc : memref<!tpu.dma_semaphore, #tpu.memory_space<semaphore_mem>>
            %dma_start3A = arith.constant 0 : i32
            %dma_start3A_193 = tpu.memref_slice %arg3[%dma_start3A, %multiple_of3A_192] : memref<8x3200000xf32, #tpu.memory_space<hbm>> -> memref<8x4096xf32, #tpu.memory_space<hbm>>
            %dma_start3A_194 = arith.constant 0 : i32
            %dma_start3A_195 = tpu.memref_slice %arg3[%dma_start3A_194, %multiple_of3A_192] : memref<8x3200000xf32, #tpu.memory_space<hbm>> -> memref<8x4096xf32, #tpu.memory_space<hbm>>
            tpu.enqueue_dma source(%dma_start3A_195 : memref<8x4096xf32, #tpu.memory_space<hbm>>) target(%arg7 : memref<8x4096xf32, #tpu.memory_space<vmem>>) target_semaphore(%run_scoped3A : memref<!tpu.dma_semaphore, #tpu.memory_space<semaphore_mem>>)
            %dma_wait3A = arith.constant 0 : i32
            %dma_wait3A_196 = tpu.memref_slice %arg3[%dma_wait3A, %multiple_of3A_192] : memref<8x3200000xf32, #tpu.memory_space<hbm>> -> memref<8x4096xf32, #tpu.memory_space<hbm>>
            %dma_wait3A_197 = arith.constant 0 : i32
            %dma_wait3A_198 = tpu.memref_slice %arg3[%dma_wait3A_197, %multiple_of3A_192] : memref<8x3200000xf32, #tpu.memory_space<hbm>> -> memref<8x4096xf32, #tpu.memory_space<hbm>>
            tpu.wait_dma2 semaphore(%run_scoped3A : memref<!tpu.dma_semaphore, #tpu.memory_space<semaphore_mem>>) src(%dma_wait3A_198 : memref<8x4096xf32, #tpu.memory_space<hbm>>) dst(%arg7 : memref<8x4096xf32, #tpu.memory_space<vmem>>)
            tpu.yield
          }) : () -> ()
          scf.yield %multiple_of3A_192 : i32
        } else {
          scf.yield %scan3A_100 : i32
        }
        %while3A = arith.constant 0 : i32
        %while3A_145 = arith.subi %reduce_max3A_133, %while3A : i32
        %while3A_146 = arith.addi %while3A, %while3A_145 : i32
        %while3A_147 = arith.constant 1 : i32
        %while3A_148 = arith.divsi %while3A_145, %while3A_147 : i32
        %while3A_149 = arith.muli %while3A_148, %while3A_147 : i32
        %while3A_150 = arith.addi %while3A, %while3A_149 : i32
        %while3A_151 = arith.constant 1 : i32
        %while3A_152:2 = scf.for %while3A_164 = %while3A to %while3A_150 step %while3A_151 iter_args(%while3A_165 = %broadcast_in_dim3A_22, %while3A_166 = %broadcast_in_dim3A_24) -> (vector<16xf32>, vector<16xi32>)  : i32 {
          %broadcast_in_dim3A_167 = vector.broadcast %while3A_164 : i32 to vector<16xi32>
          %add3A_168 = arith.addi %get3A_105, %broadcast_in_dim3A_167 : vector<16xi32>
          %lt3A_169 = arith.cmpi slt, %add3A_168, %select_n3A_115 : vector<16xi32>
          %broadcast_in_dim3A_170 = vector.broadcast %cond3A_144 : i32 to vector<16xi32>
          %sub3A_171 = arith.subi %add3A_168, %broadcast_in_dim3A_170 : vector<16xi32>
          %select_n3A_172 = arith.select %lt3A_169, %sub3A_171, %broadcast_in_dim3A_26 : vector<16xi1>, vector<16xi32>
          %gather3A = tpu.vector_load_idx %arg7[%broadcast_in_dim3A_26, %select_n3A_172] : memref<8x4096xf32, #tpu.memory_space<vmem>>[vector<16xi32>, vector<16xi32>], vector<16xf32>,
          %select_n3A_173 = arith.select %lt3A_169, %gather3A, %broadcast_in_dim3A_22 : vector<16xi1>, vector<16xf32>
          %gt3A_174 = arith.cmpf ogt, %select_n3A_173, %while3A_165 : vector<16xf32>
          %select_n3A_175 = arith.select %gt3A_174, %select_n3A_173, %while3A_165 : vector<16xi1>, vector<16xf32>
          %select_n3A_176 = arith.select %gt3A_174, %add3A_168, %while3A_166 : vector<16xi1>, vector<16xi32>
          scf.yield %select_n3A_175, %select_n3A_176 : vector<16xf32>, vector<16xi32>
        }
        %while3A_153 = arith.constant 1 : i32
        %while3A_154:2 = scf.for %while3A_164 = %while3A_150 to %while3A_146 step %while3A_153 iter_args(%while3A_165 = %while3A_152#0, %while3A_166 = %while3A_152#1) -> (vector<16xf32>, vector<16xi32>)  : i32 {
          %broadcast_in_dim3A_167 = vector.broadcast %while3A_164 : i32 to vector<16xi32>
          %add3A_168 = arith.addi %get3A_105, %broadcast_in_dim3A_167 : vector<16xi32>
          %lt3A_169 = arith.cmpi slt, %add3A_168, %select_n3A_115 : vector<16xi32>
          %broadcast_in_dim3A_170 = vector.broadcast %cond3A_144 : i32 to vector<16xi32>
          %sub3A_171 = arith.subi %add3A_168, %broadcast_in_dim3A_170 : vector<16xi32>
          %select_n3A_172 = arith.select %lt3A_169, %sub3A_171, %broadcast_in_dim3A_26 : vector<16xi1>, vector<16xi32>
          %gather3A = tpu.vector_load_idx %arg7[%broadcast_in_dim3A_26, %select_n3A_172] : memref<8x4096xf32, #tpu.memory_space<vmem>>[vector<16xi32>, vector<16xi32>], vector<16xf32>,
          %select_n3A_173 = arith.select %lt3A_169, %gather3A, %broadcast_in_dim3A_22 : vector<16xi1>, vector<16xf32>
          %gt3A_174 = arith.cmpf ogt, %select_n3A_173, %while3A_165 : vector<16xf32>
          %select_n3A_175 = arith.select %gt3A_174, %select_n3A_173, %while3A_165 : vector<16xi1>, vector<16xf32>
          %select_n3A_176 = arith.select %gt3A_174, %add3A_168, %while3A_166 : vector<16xi1>, vector<16xi32>
          scf.yield %select_n3A_175, %select_n3A_176 : vector<16xf32>, vector<16xi32>
        }
        %select_n3A_155 = arith.select %gt3A, %while3A_154#1, %broadcast_in_dim3A_26 : vector<16xi1>, vector<16xi32>
        %swap3A = arith.index_cast %mul3A_102 : i32 to index
        %swap3A_156 = tpu.vector_load %arg8[%swap3A] {strides = array<i32>} : memref<3136xi32, #tpu.memory_space<vmem>>, vector<16xi32>,
        tpu.vector_store %arg8[%swap3A], %select_n3A_155 {strides = array<i32>} : memref<3136xi32, #tpu.memory_space<vmem>>, vector<16xi32>,
        %broadcast_in_dim3A_157 = arith.constant 1.000000e+00 : f32
        %broadcast_in_dim3A_158 = vector.broadcast %broadcast_in_dim3A_157 : f32 to vector<16xf32>
        %broadcast_in_dim3A_159 = arith.constant 0.000000e+00 : f32
        %broadcast_in_dim3A_160 = vector.broadcast %broadcast_in_dim3A_159 : f32 to vector<16xf32>
        %select_n3A_161 = arith.select %gt3A, %broadcast_in_dim3A_158, %broadcast_in_dim3A_160 : vector<16xi1>, vector<16xf32>
        %swap3A_162 = arith.index_cast %mul3A_102 : i32 to index
        %swap3A_163 = tpu.vector_load %arg9[%swap3A_162] {strides = array<i32>} : memref<3136xf32, #tpu.memory_space<vmem>>, vector<16xf32>,
        tpu.vector_store %arg9[%swap3A_162], %select_n3A_161 {strides = array<i32>} : memref<3136xf32, #tpu.memory_space<vmem>>, vector<16xf32>,
        scf.yield %cond3A_144 : i32
      } else {
        %slice3A_138 = vector.extract_strided_slice %get3A_105 {offsets = [0], sizes = [1], strides = [1]} : vector<16xi32> to vector<1xi32>
        %squeeze3A_139 = vector.extract %slice3A_138[0] : i32 from vector<1xi32>
        %slice3A_140 = vector.extract_strided_slice %select_n3A_115 {offsets = [0], sizes = [1], strides = [1]} : vector<16xi32> to vector<1xi32>
        %squeeze3A_141 = vector.extract %slice3A_140[0] : i32 from vector<1xi32>
        %while3A:4 = scf.while (%while3A_544 = %squeeze3A_139, %while3A_545 = %scan3A_100, %while3A_546 = %broadcast_in_dim3A_22, %while3A_547 = %broadcast_in_dim3A_24) : (i32, i32, vector<16xf32>, vector<16xi32>) -> (i32, i32, vector<16xf32>, vector<16xi32>) {
          %lt3A_548 = arith.cmpi slt, %while3A_544, %squeeze3A_141 : i32
          scf.condition(%lt3A_548) %while3A_544, %while3A_545, %while3A_546, %while3A_547 : i32, i32, vector<16xf32>, vector<16xi32>
        } do {
        ^bb0(%while3A_544: i32, %while3A_545: i32, %while3A_546: vector<16xf32>, %while3A_547: vector<16xi32>):
          %add3A_548 = arith.constant 16 : i32
          %add3A_549 = arith.addi %while3A_544, %add3A_548 : i32
          %add3A_550 = arith.constant 4096 : i32
          %add3A_551 = arith.addi %while3A_545, %add3A_550 : i32
          %gt3A_552 = arith.cmpi sgt, %add3A_549, %add3A_551 : i32
          %convert_element_type3A_553 = arith.extui %gt3A_552 : i1 to i32
          %cond3A_554 = arith.constant 0 : i32
          %cond3A_555 = arith.cmpi ne, %convert_element_type3A_553, %cond3A_554 : i32
          %cond3A_556 = scf.if %cond3A_555 -> (i32) {
            %jit3A_570 = arith.constant 128 : i32
            %div3A_571 = arith.divsi %while3A_544, %jit3A_570 : i32
            %sign3A_572 = arith.constant 0 : i32
            %sign3A_573 = arith.cmpi sgt, %while3A_544, %sign3A_572 : i32
            %sign3A_574 = arith.extui %sign3A_573 : i1 to i32
            %sign3A_575 = arith.constant 0 : i32
            %sign3A_576 = arith.cmpi slt, %while3A_544, %sign3A_575 : i32
            %sign3A_577 = arith.extui %sign3A_576 : i1 to i32
            %sign3A_578 = arith.subi %sign3A_574, %sign3A_577 : i32
            %sign3A_579 = arith.constant 0 : i32
            %sign3A_580 = arith.cmpi sgt, %jit3A_570, %sign3A_579 : i32
            %sign3A_581 = arith.extui %sign3A_580 : i1 to i32
            %sign3A_582 = arith.constant 0 : i32
            %sign3A_583 = arith.cmpi slt, %jit3A_570, %sign3A_582 : i32
            %sign3A_584 = arith.extui %sign3A_583 : i1 to i32
            %sign3A_585 = arith.subi %sign3A_581, %sign3A_584 : i32
            %ne3A_586 = arith.cmpi ne, %sign3A_578, %sign3A_585 : i32
            %rem3A_587 = arith.remsi %while3A_544, %jit3A_570 : i32
            %ne3A_588 = arith.constant 0 : i32
            %ne3A_589 = arith.cmpi ne, %rem3A_587, %ne3A_588 : i32
            %and3A_590 = arith.andi %ne3A_586, %ne3A_589 : i1
            %sub3A_591 = arith.constant 1 : i32
            %sub3A_592 = arith.subi %div3A_571, %sub3A_591 : i32
            %select_n3A_593 = arith.select %and3A_590, %sub3A_592, %div3A_571 : i32
            %mul3A_594 = arith.constant 128 : i32
            %mul3A_595 = arith.muli %select_n3A_593, %mul3A_594 : i32
            %min3A_596 = arith.constant 3195904 : i32
            %min3A_597 = arith.minsi %mul3A_595, %min3A_596 : i32
            %multiple_of3A_598 = tpu.assume_multiple %min3A_597, 128 : i32
            "tpu.region"() ({
              %run_scoped3A = tpu.sem_alloc : memref<!tpu.dma_semaphore, #tpu.memory_space<semaphore_mem>>
              %dma_start3A = arith.constant 0 : i32
              %dma_start3A_599 = tpu.memref_slice %arg3[%dma_start3A, %multiple_of3A_598] : memref<8x3200000xf32, #tpu.memory_space<hbm>> -> memref<8x4096xf32, #tpu.memory_space<hbm>>
              %dma_start3A_600 = arith.constant 0 : i32
              %dma_start3A_601 = tpu.memref_slice %arg3[%dma_start3A_600, %multiple_of3A_598] : memref<8x3200000xf32, #tpu.memory_space<hbm>> -> memref<8x4096xf32, #tpu.memory_space<hbm>>
              tpu.enqueue_dma source(%dma_start3A_601 : memref<8x4096xf32, #tpu.memory_space<hbm>>) target(%arg7 : memref<8x4096xf32, #tpu.memory_space<vmem>>) target_semaphore(%run_scoped3A : memref<!tpu.dma_semaphore, #tpu.memory_space<semaphore_mem>>)
              %dma_wait3A = arith.constant 0 : i32
              %dma_wait3A_602 = tpu.memref_slice %arg3[%dma_wait3A, %multiple_of3A_598] : memref<8x3200000xf32, #tpu.memory_space<hbm>> -> memref<8x4096xf32, #tpu.memory_space<hbm>>
              %dma_wait3A_603 = arith.constant 0 : i32
              %dma_wait3A_604 = tpu.memref_slice %arg3[%dma_wait3A_603, %multiple_of3A_598] : memref<8x3200000xf32, #tpu.memory_space<hbm>> -> memref<8x4096xf32, #tpu.memory_space<hbm>>
              tpu.wait_dma2 semaphore(%run_scoped3A : memref<!tpu.dma_semaphore, #tpu.memory_space<semaphore_mem>>) src(%dma_wait3A_604 : memref<8x4096xf32, #tpu.memory_space<hbm>>) dst(%arg7 : memref<8x4096xf32, #tpu.memory_space<vmem>>)
              tpu.yield
            }) : () -> ()
            scf.yield %multiple_of3A_598 : i32
          } else {
            scf.yield %while3A_545 : i32
          }
          %broadcast_in_dim3A_557 = vector.broadcast %while3A_544 : i32 to vector<16xi32>
          %add3A_558 = arith.addi %broadcast_in_dim3A_557, %iota3A : vector<16xi32>
          %broadcast_in_dim3A_559 = vector.broadcast %squeeze3A_141 : i32 to vector<16xi32>
          %lt3A_560 = arith.cmpi slt, %add3A_558, %broadcast_in_dim3A_559 : vector<16xi32>
          %broadcast_in_dim3A_561 = vector.broadcast %cond3A_556 : i32 to vector<16xi32>
          %sub3A_562 = arith.subi %add3A_558, %broadcast_in_dim3A_561 : vector<16xi32>
          %select_n3A_563 = arith.select %lt3A_560, %sub3A_562, %broadcast_in_dim3A_26 : vector<16xi1>, vector<16xi32>
          %gather3A = tpu.vector_load_idx %arg7[%broadcast_in_dim3A_26, %select_n3A_563] : memref<8x4096xf32, #tpu.memory_space<vmem>>[vector<16xi32>, vector<16xi32>], vector<16xf32>,
          %select_n3A_564 = arith.select %lt3A_560, %gather3A, %broadcast_in_dim3A_22 : vector<16xi1>, vector<16xf32>
          %gt3A_565 = arith.cmpf ogt, %select_n3A_564, %while3A_546 : vector<16xf32>
          %select_n3A_566 = arith.select %gt3A_565, %select_n3A_564, %while3A_546 : vector<16xi1>, vector<16xf32>
          %select_n3A_567 = arith.select %gt3A_565, %add3A_558, %while3A_547 : vector<16xi1>, vector<16xi32>
          %add3A_568 = arith.constant 16 : i32
          %add3A_569 = arith.addi %while3A_544, %add3A_568 : i32
          scf.yield %add3A_569, %cond3A_556, %select_n3A_566, %select_n3A_567 : i32, i32, vector<16xf32>, vector<16xi32>
        }
        %reduce_max3A_142 = arith.constant true
        %reduce_max3A_143 = vector.broadcast %reduce_max3A_142 : i1 to vector<16xi1>
        %reduce_max3A_144 = tpu.scan <max>, %while3A#2 masked %reduce_max3A_143 : vector<16xf32>, vector<16xi1> -> vector<16xf32>
        %reduce_max3A_145 = vector.extract %reduce_max3A_144[15] : f32 from vector<16xf32>
        %broadcast_in_dim3A_146 = vector.broadcast %reduce_max3A_145 : f32 to vector<16xf32>
        %eq3A = arith.cmpf oeq, %while3A#2, %broadcast_in_dim3A_146 : vector<16xf32>
        %select_n3A_147 = arith.select %eq3A, %while3A#3, %broadcast_in_dim3A_24 : vector<16xi1>, vector<16xi32>
        %reduce_min3A = arith.constant true
        %reduce_min3A_148 = vector.broadcast %reduce_min3A : i1 to vector<16xi1>
        %reduce_min3A_149 = arith.constant -2147483648 : i32
        %reduce_min3A_150 = vector.broadcast %reduce_min3A_149 : i32 to vector<16xi32>
        %reduce_min3A_151 = arith.xori %select_n3A_147, %reduce_min3A_150 : vector<16xi32>
        %reduce_min3A_152 = tpu.scan <min>, %reduce_min3A_151 masked %reduce_min3A_148 : vector<16xi32>, vector<16xi1> -> vector<16xi32>
        %reduce_min3A_153 = arith.xori %reduce_min3A_152, %reduce_min3A_150 : vector<16xi32>
        %reduce_min3A_154 = vector.extract %reduce_min3A_153[15] : i32 from vector<16xi32>
        %eq3A_155 = arith.constant 0 : i32
        %eq3A_156 = vector.broadcast %eq3A_155 : i32 to vector<16xi32>
        %eq3A_157 = arith.cmpi eq, %iota3A, %eq3A_156 : vector<16xi32>
        %broadcast_in_dim3A_158 = vector.broadcast %reduce_min3A_154 : i32 to vector<16xi32>
        %select_n3A_159 = arith.select %eq3A_157, %broadcast_in_dim3A_158, %broadcast_in_dim3A_26 : vector<16xi1>, vector<16xi32>
        %slice3A_160 = vector.extract_strided_slice %get3A_105 {offsets = [1], sizes = [1], strides = [1]} : vector<16xi32> to vector<1xi32>
        %squeeze3A_161 = vector.extract %slice3A_160[0] : i32 from vector<1xi32>
        %slice3A_162 = vector.extract_strided_slice %select_n3A_115 {offsets = [1], sizes = [1], strides = [1]} : vector<16xi32> to vector<1xi32>
        %squeeze3A_163 = vector.extract %slice3A_162[0] : i32 from vector<1xi32>
        %while3A_164:4 = scf.while (%while3A_544 = %squeeze3A_161, %while3A_545 = %while3A#1, %while3A_546 = %broadcast_in_dim3A_22, %while3A_547 = %broadcast_in_dim3A_24) : (i32, i32, vector<16xf32>, vector<16xi32>) -> (i32, i32, vector<16xf32>, vector<16xi32>) {
          %lt3A_548 = arith.cmpi slt, %while3A_544, %squeeze3A_163 : i32
          scf.condition(%lt3A_548) %while3A_544, %while3A_545, %while3A_546, %while3A_547 : i32, i32, vector<16xf32>, vector<16xi32>
        } do {
        ^bb0(%while3A_544: i32, %while3A_545: i32, %while3A_546: vector<16xf32>, %while3A_547: vector<16xi32>):
          %add3A_548 = arith.constant 16 : i32
          %add3A_549 = arith.addi %while3A_544, %add3A_548 : i32
          %add3A_550 = arith.constant 4096 : i32
          %add3A_551 = arith.addi %while3A_545, %add3A_550 : i32
          %gt3A_552 = arith.cmpi sgt, %add3A_549, %add3A_551 : i32
          %convert_element_type3A_553 = arith.extui %gt3A_552 : i1 to i32
          %cond3A_554 = arith.constant 0 : i32
          %cond3A_555 = arith.cmpi ne, %convert_element_type3A_553, %cond3A_554 : i32
          %cond3A_556 = scf.if %cond3A_555 -> (i32) {
            %jit3A_570 = arith.constant 128 : i32
            %div3A_571 = arith.divsi %while3A_544, %jit3A_570 : i32
            %sign3A_572 = arith.constant 0 : i32
            %sign3A_573 = arith.cmpi sgt, %while3A_544, %sign3A_572 : i32
            %sign3A_574 = arith.extui %sign3A_573 : i1 to i32
            %sign3A_575 = arith.constant 0 : i32
            %sign3A_576 = arith.cmpi slt, %while3A_544, %sign3A_575 : i32
            %sign3A_577 = arith.extui %sign3A_576 : i1 to i32
            %sign3A_578 = arith.subi %sign3A_574, %sign3A_577 : i32
            %sign3A_579 = arith.constant 0 : i32
            %sign3A_580 = arith.cmpi sgt, %jit3A_570, %sign3A_579 : i32
            %sign3A_581 = arith.extui %sign3A_580 : i1 to i32
            %sign3A_582 = arith.constant 0 : i32
            %sign3A_583 = arith.cmpi slt, %jit3A_570, %sign3A_582 : i32
            %sign3A_584 = arith.extui %sign3A_583 : i1 to i32
            %sign3A_585 = arith.subi %sign3A_581, %sign3A_584 : i32
            %ne3A_586 = arith.cmpi ne, %sign3A_578, %sign3A_585 : i32
            %rem3A_587 = arith.remsi %while3A_544, %jit3A_570 : i32
            %ne3A_588 = arith.constant 0 : i32
            %ne3A_589 = arith.cmpi ne, %rem3A_587, %ne3A_588 : i32
            %and3A_590 = arith.andi %ne3A_586, %ne3A_589 : i1
            %sub3A_591 = arith.constant 1 : i32
            %sub3A_592 = arith.subi %div3A_571, %sub3A_591 : i32
            %select_n3A_593 = arith.select %and3A_590, %sub3A_592, %div3A_571 : i32
            %mul3A_594 = arith.constant 128 : i32
            %mul3A_595 = arith.muli %select_n3A_593, %mul3A_594 : i32
            %min3A_596 = arith.constant 3195904 : i32
            %min3A_597 = arith.minsi %mul3A_595, %min3A_596 : i32
            %multiple_of3A_598 = tpu.assume_multiple %min3A_597, 128 : i32
            "tpu.region"() ({
              %run_scoped3A = tpu.sem_alloc : memref<!tpu.dma_semaphore, #tpu.memory_space<semaphore_mem>>
              %dma_start3A = arith.constant 0 : i32
              %dma_start3A_599 = tpu.memref_slice %arg3[%dma_start3A, %multiple_of3A_598] : memref<8x3200000xf32, #tpu.memory_space<hbm>> -> memref<8x4096xf32, #tpu.memory_space<hbm>>
              %dma_start3A_600 = arith.constant 0 : i32
              %dma_start3A_601 = tpu.memref_slice %arg3[%dma_start3A_600, %multiple_of3A_598] : memref<8x3200000xf32, #tpu.memory_space<hbm>> -> memref<8x4096xf32, #tpu.memory_space<hbm>>
              tpu.enqueue_dma source(%dma_start3A_601 : memref<8x4096xf32, #tpu.memory_space<hbm>>) target(%arg7 : memref<8x4096xf32, #tpu.memory_space<vmem>>) target_semaphore(%run_scoped3A : memref<!tpu.dma_semaphore, #tpu.memory_space<semaphore_mem>>)
              %dma_wait3A = arith.constant 0 : i32
              %dma_wait3A_602 = tpu.memref_slice %arg3[%dma_wait3A, %multiple_of3A_598] : memref<8x3200000xf32, #tpu.memory_space<hbm>> -> memref<8x4096xf32, #tpu.memory_space<hbm>>
              %dma_wait3A_603 = arith.constant 0 : i32
              %dma_wait3A_604 = tpu.memref_slice %arg3[%dma_wait3A_603, %multiple_of3A_598] : memref<8x3200000xf32, #tpu.memory_space<hbm>> -> memref<8x4096xf32, #tpu.memory_space<hbm>>
              tpu.wait_dma2 semaphore(%run_scoped3A : memref<!tpu.dma_semaphore, #tpu.memory_space<semaphore_mem>>) src(%dma_wait3A_604 : memref<8x4096xf32, #tpu.memory_space<hbm>>) dst(%arg7 : memref<8x4096xf32, #tpu.memory_space<vmem>>)
              tpu.yield
            }) : () -> ()
            scf.yield %multiple_of3A_598 : i32
          } else {
            scf.yield %while3A_545 : i32
          }
          %broadcast_in_dim3A_557 = vector.broadcast %while3A_544 : i32 to vector<16xi32>
          %add3A_558 = arith.addi %broadcast_in_dim3A_557, %iota3A : vector<16xi32>
          %broadcast_in_dim3A_559 = vector.broadcast %squeeze3A_163 : i32 to vector<16xi32>
          %lt3A_560 = arith.cmpi slt, %add3A_558, %broadcast_in_dim3A_559 : vector<16xi32>
          %broadcast_in_dim3A_561 = vector.broadcast %cond3A_556 : i32 to vector<16xi32>
          %sub3A_562 = arith.subi %add3A_558, %broadcast_in_dim3A_561 : vector<16xi32>
          %select_n3A_563 = arith.select %lt3A_560, %sub3A_562, %broadcast_in_dim3A_26 : vector<16xi1>, vector<16xi32>
          %gather3A = tpu.vector_load_idx %arg7[%broadcast_in_dim3A_26, %select_n3A_563] : memref<8x4096xf32, #tpu.memory_space<vmem>>[vector<16xi32>, vector<16xi32>], vector<16xf32>,
          %select_n3A_564 = arith.select %lt3A_560, %gather3A, %broadcast_in_dim3A_22 : vector<16xi1>, vector<16xf32>
          %gt3A_565 = arith.cmpf ogt, %select_n3A_564, %while3A_546 : vector<16xf32>
          %select_n3A_566 = arith.select %gt3A_565, %select_n3A_564, %while3A_546 : vector<16xi1>, vector<16xf32>
          %select_n3A_567 = arith.select %gt3A_565, %add3A_558, %while3A_547 : vector<16xi1>, vector<16xi32>
          %add3A_568 = arith.constant 16 : i32
          %add3A_569 = arith.addi %while3A_544, %add3A_568 : i32
          scf.yield %add3A_569, %cond3A_556, %select_n3A_566, %select_n3A_567 : i32, i32, vector<16xf32>, vector<16xi32>
        }
        %reduce_max3A_165 = arith.constant true
        %reduce_max3A_166 = vector.broadcast %reduce_max3A_165 : i1 to vector<16xi1>
        %reduce_max3A_167 = tpu.scan <max>, %while3A_164#2 masked %reduce_max3A_166 : vector<16xf32>, vector<16xi1> -> vector<16xf32>
        %reduce_max3A_168 = vector.extract %reduce_max3A_167[15] : f32 from vector<16xf32>
        %broadcast_in_dim3A_169 = vector.broadcast %reduce_max3A_168 : f32 to vector<16xf32>
        %eq3A_170 = arith.cmpf oeq, %while3A_164#2, %broadcast_in_dim3A_169 : vector<16xf32>
        %select_n3A_171 = arith.select %eq3A_170, %while3A_164#3, %broadcast_in_dim3A_24 : vector<16xi1>, vector<16xi32>
        %reduce_min3A_172 = arith.constant true
        %reduce_min3A_173 = vector.broadcast %reduce_min3A_172 : i1 to vector<16xi1>
        %reduce_min3A_174 = arith.constant -2147483648 : i32
        %reduce_min3A_175 = vector.broadcast %reduce_min3A_174 : i32 to vector<16xi32>
        %reduce_min3A_176 = arith.xori %select_n3A_171, %reduce_min3A_175 : vector<16xi32>
        %reduce_min3A_177 = tpu.scan <min>, %reduce_min3A_176 masked %reduce_min3A_173 : vector<16xi32>, vector<16xi1> -> vector<16xi32>
        %reduce_min3A_178 = arith.xori %reduce_min3A_177, %reduce_min3A_175 : vector<16xi32>
        %reduce_min3A_179 = vector.extract %reduce_min3A_178[15] : i32 from vector<16xi32>
        %eq3A_180 = arith.constant 1 : i32
        %eq3A_181 = vector.broadcast %eq3A_180 : i32 to vector<16xi32>
        %eq3A_182 = arith.cmpi eq, %iota3A, %eq3A_181 : vector<16xi32>
        %broadcast_in_dim3A_183 = vector.broadcast %reduce_min3A_179 : i32 to vector<16xi32>
        %select_n3A_184 = arith.select %eq3A_182, %broadcast_in_dim3A_183, %select_n3A_159 : vector<16xi1>, vector<16xi32>
        %slice3A_185 = vector.extract_strided_slice %get3A_105 {offsets = [2], sizes = [1], strides = [1]} : vector<16xi32> to vector<1xi32>
        %squeeze3A_186 = vector.extract %slice3A_185[0] : i32 from vector<1xi32>
        %slice3A_187 = vector.extract_strided_slice %select_n3A_115 {offsets = [2], sizes = [1], strides = [1]} : vector<16xi32> to vector<1xi32>
        %squeeze3A_188 = vector.extract %slice3A_187[0] : i32 from vector<1xi32>
        %while3A_189:4 = scf.while (%while3A_544 = %squeeze3A_186, %while3A_545 = %while3A_164#1, %while3A_546 = %broadcast_in_dim3A_22, %while3A_547 = %broadcast_in_dim3A_24) : (i32, i32, vector<16xf32>, vector<16xi32>) -> (i32, i32, vector<16xf32>, vector<16xi32>) {
          %lt3A_548 = arith.cmpi slt, %while3A_544, %squeeze3A_188 : i32
          scf.condition(%lt3A_548) %while3A_544, %while3A_545, %while3A_546, %while3A_547 : i32, i32, vector<16xf32>, vector<16xi32>
        } do {
        ^bb0(%while3A_544: i32, %while3A_545: i32, %while3A_546: vector<16xf32>, %while3A_547: vector<16xi32>):
          %add3A_548 = arith.constant 16 : i32
          %add3A_549 = arith.addi %while3A_544, %add3A_548 : i32
          %add3A_550 = arith.constant 4096 : i32
          %add3A_551 = arith.addi %while3A_545, %add3A_550 : i32
          %gt3A_552 = arith.cmpi sgt, %add3A_549, %add3A_551 : i32
          %convert_element_type3A_553 = arith.extui %gt3A_552 : i1 to i32
          %cond3A_554 = arith.constant 0 : i32
          %cond3A_555 = arith.cmpi ne, %convert_element_type3A_553, %cond3A_554 : i32
          %cond3A_556 = scf.if %cond3A_555 -> (i32) {
            %jit3A_570 = arith.constant 128 : i32
            %div3A_571 = arith.divsi %while3A_544, %jit3A_570 : i32
            %sign3A_572 = arith.constant 0 : i32
            %sign3A_573 = arith.cmpi sgt, %while3A_544, %sign3A_572 : i32
            %sign3A_574 = arith.extui %sign3A_573 : i1 to i32
            %sign3A_575 = arith.constant 0 : i32
            %sign3A_576 = arith.cmpi slt, %while3A_544, %sign3A_575 : i32
            %sign3A_577 = arith.extui %sign3A_576 : i1 to i32
            %sign3A_578 = arith.subi %sign3A_574, %sign3A_577 : i32
            %sign3A_579 = arith.constant 0 : i32
            %sign3A_580 = arith.cmpi sgt, %jit3A_570, %sign3A_579 : i32
            %sign3A_581 = arith.extui %sign3A_580 : i1 to i32
            %sign3A_582 = arith.constant 0 : i32
            %sign3A_583 = arith.cmpi slt, %jit3A_570, %sign3A_582 : i32
            %sign3A_584 = arith.extui %sign3A_583 : i1 to i32
            %sign3A_585 = arith.subi %sign3A_581, %sign3A_584 : i32
            %ne3A_586 = arith.cmpi ne, %sign3A_578, %sign3A_585 : i32
            %rem3A_587 = arith.remsi %while3A_544, %jit3A_570 : i32
            %ne3A_588 = arith.constant 0 : i32
            %ne3A_589 = arith.cmpi ne, %rem3A_587, %ne3A_588 : i32
            %and3A_590 = arith.andi %ne3A_586, %ne3A_589 : i1
            %sub3A_591 = arith.constant 1 : i32
            %sub3A_592 = arith.subi %div3A_571, %sub3A_591 : i32
            %select_n3A_593 = arith.select %and3A_590, %sub3A_592, %div3A_571 : i32
            %mul3A_594 = arith.constant 128 : i32
            %mul3A_595 = arith.muli %select_n3A_593, %mul3A_594 : i32
            %min3A_596 = arith.constant 3195904 : i32
            %min3A_597 = arith.minsi %mul3A_595, %min3A_596 : i32
            %multiple_of3A_598 = tpu.assume_multiple %min3A_597, 128 : i32
            "tpu.region"() ({
              %run_scoped3A = tpu.sem_alloc : memref<!tpu.dma_semaphore, #tpu.memory_space<semaphore_mem>>
              %dma_start3A = arith.constant 0 : i32
              %dma_start3A_599 = tpu.memref_slice %arg3[%dma_start3A, %multiple_of3A_598] : memref<8x3200000xf32, #tpu.memory_space<hbm>> -> memref<8x4096xf32, #tpu.memory_space<hbm>>
              %dma_start3A_600 = arith.constant 0 : i32
              %dma_start3A_601 = tpu.memref_slice %arg3[%dma_start3A_600, %multiple_of3A_598] : memref<8x3200000xf32, #tpu.memory_space<hbm>> -> memref<8x4096xf32, #tpu.memory_space<hbm>>
              tpu.enqueue_dma source(%dma_start3A_601 : memref<8x4096xf32, #tpu.memory_space<hbm>>) target(%arg7 : memref<8x4096xf32, #tpu.memory_space<vmem>>) target_semaphore(%run_scoped3A : memref<!tpu.dma_semaphore, #tpu.memory_space<semaphore_mem>>)
              %dma_wait3A = arith.constant 0 : i32
              %dma_wait3A_602 = tpu.memref_slice %arg3[%dma_wait3A, %multiple_of3A_598] : memref<8x3200000xf32, #tpu.memory_space<hbm>> -> memref<8x4096xf32, #tpu.memory_space<hbm>>
              %dma_wait3A_603 = arith.constant 0 : i32
              %dma_wait3A_604 = tpu.memref_slice %arg3[%dma_wait3A_603, %multiple_of3A_598] : memref<8x3200000xf32, #tpu.memory_space<hbm>> -> memref<8x4096xf32, #tpu.memory_space<hbm>>
              tpu.wait_dma2 semaphore(%run_scoped3A : memref<!tpu.dma_semaphore, #tpu.memory_space<semaphore_mem>>) src(%dma_wait3A_604 : memref<8x4096xf32, #tpu.memory_space<hbm>>) dst(%arg7 : memref<8x4096xf32, #tpu.memory_space<vmem>>)
              tpu.yield
            }) : () -> ()
            scf.yield %multiple_of3A_598 : i32
          } else {
            scf.yield %while3A_545 : i32
          }
          %broadcast_in_dim3A_557 = vector.broadcast %while3A_544 : i32 to vector<16xi32>
          %add3A_558 = arith.addi %broadcast_in_dim3A_557, %iota3A : vector<16xi32>
          %broadcast_in_dim3A_559 = vector.broadcast %squeeze3A_188 : i32 to vector<16xi32>
          %lt3A_560 = arith.cmpi slt, %add3A_558, %broadcast_in_dim3A_559 : vector<16xi32>
          %broadcast_in_dim3A_561 = vector.broadcast %cond3A_556 : i32 to vector<16xi32>
          %sub3A_562 = arith.subi %add3A_558, %broadcast_in_dim3A_561 : vector<16xi32>
          %select_n3A_563 = arith.select %lt3A_560, %sub3A_562, %broadcast_in_dim3A_26 : vector<16xi1>, vector<16xi32>
          %gather3A = tpu.vector_load_idx %arg7[%broadcast_in_dim3A_26, %select_n3A_563] : memref<8x4096xf32, #tpu.memory_space<vmem>>[vector<16xi32>, vector<16xi32>], vector<16xf32>,
          %select_n3A_564 = arith.select %lt3A_560, %gather3A, %broadcast_in_dim3A_22 : vector<16xi1>, vector<16xf32>
          %gt3A_565 = arith.cmpf ogt, %select_n3A_564, %while3A_546 : vector<16xf32>
          %select_n3A_566 = arith.select %gt3A_565, %select_n3A_564, %while3A_546 : vector<16xi1>, vector<16xf32>
          %select_n3A_567 = arith.select %gt3A_565, %add3A_558, %while3A_547 : vector<16xi1>, vector<16xi32>
          %add3A_568 = arith.constant 16 : i32
          %add3A_569 = arith.addi %while3A_544, %add3A_568 : i32
          scf.yield %add3A_569, %cond3A_556, %select_n3A_566, %select_n3A_567 : i32, i32, vector<16xf32>, vector<16xi32>
        }
        %reduce_max3A_190 = arith.constant true
        %reduce_max3A_191 = vector.broadcast %reduce_max3A_190 : i1 to vector<16xi1>
        %reduce_max3A_192 = tpu.scan <max>, %while3A_189#2 masked %reduce_max3A_191 : vector<16xf32>, vector<16xi1> -> vector<16xf32>
        %reduce_max3A_193 = vector.extract %reduce_max3A_192[15] : f32 from vector<16xf32>
        %broadcast_in_dim3A_194 = vector.broadcast %reduce_max3A_193 : f32 to vector<16xf32>
        %eq3A_195 = arith.cmpf oeq, %while3A_189#2, %broadcast_in_dim3A_194 : vector<16xf32>
        %select_n3A_196 = arith.select %eq3A_195, %while3A_189#3, %broadcast_in_dim3A_24 : vector<16xi1>, vector<16xi32>
        %reduce_min3A_197 = arith.constant true
        %reduce_min3A_198 = vector.broadcast %reduce_min3A_197 : i1 to vector<16xi1>
        %reduce_min3A_199 = arith.constant -2147483648 : i32
        %reduce_min3A_200 = vector.broadcast %reduce_min3A_199 : i32 to vector<16xi32>
        %reduce_min3A_201 = arith.xori %select_n3A_196, %reduce_min3A_200 : vector<16xi32>
        %reduce_min3A_202 = tpu.scan <min>, %reduce_min3A_201 masked %reduce_min3A_198 : vector<16xi32>, vector<16xi1> -> vector<16xi32>
        %reduce_min3A_203 = arith.xori %reduce_min3A_202, %reduce_min3A_200 : vector<16xi32>
        %reduce_min3A_204 = vector.extract %reduce_min3A_203[15] : i32 from vector<16xi32>
        %eq3A_205 = arith.constant 2 : i32
        %eq3A_206 = vector.broadcast %eq3A_205 : i32 to vector<16xi32>
        %eq3A_207 = arith.cmpi eq, %iota3A, %eq3A_206 : vector<16xi32>
        %broadcast_in_dim3A_208 = vector.broadcast %reduce_min3A_204 : i32 to vector<16xi32>
        %select_n3A_209 = arith.select %eq3A_207, %broadcast_in_dim3A_208, %select_n3A_184 : vector<16xi1>, vector<16xi32>
        %slice3A_210 = vector.extract_strided_slice %get3A_105 {offsets = [3], sizes = [1], strides = [1]} : vector<16xi32> to vector<1xi32>
        %squeeze3A_211 = vector.extract %slice3A_210[0] : i32 from vector<1xi32>
        %slice3A_212 = vector.extract_strided_slice %select_n3A_115 {offsets = [3], sizes = [1], strides = [1]} : vector<16xi32> to vector<1xi32>
        %squeeze3A_213 = vector.extract %slice3A_212[0] : i32 from vector<1xi32>
        %while3A_214:4 = scf.while (%while3A_544 = %squeeze3A_211, %while3A_545 = %while3A_189#1, %while3A_546 = %broadcast_in_dim3A_22, %while3A_547 = %broadcast_in_dim3A_24) : (i32, i32, vector<16xf32>, vector<16xi32>) -> (i32, i32, vector<16xf32>, vector<16xi32>) {
          %lt3A_548 = arith.cmpi slt, %while3A_544, %squeeze3A_213 : i32
          scf.condition(%lt3A_548) %while3A_544, %while3A_545, %while3A_546, %while3A_547 : i32, i32, vector<16xf32>, vector<16xi32>
        } do {
        ^bb0(%while3A_544: i32, %while3A_545: i32, %while3A_546: vector<16xf32>, %while3A_547: vector<16xi32>):
          %add3A_548 = arith.constant 16 : i32
          %add3A_549 = arith.addi %while3A_544, %add3A_548 : i32
          %add3A_550 = arith.constant 4096 : i32
          %add3A_551 = arith.addi %while3A_545, %add3A_550 : i32
          %gt3A_552 = arith.cmpi sgt, %add3A_549, %add3A_551 : i32
          %convert_element_type3A_553 = arith.extui %gt3A_552 : i1 to i32
          %cond3A_554 = arith.constant 0 : i32
          %cond3A_555 = arith.cmpi ne, %convert_element_type3A_553, %cond3A_554 : i32
          %cond3A_556 = scf.if %cond3A_555 -> (i32) {
            %jit3A_570 = arith.constant 128 : i32
            %div3A_571 = arith.divsi %while3A_544, %jit3A_570 : i32
            %sign3A_572 = arith.constant 0 : i32
            %sign3A_573 = arith.cmpi sgt, %while3A_544, %sign3A_572 : i32
            %sign3A_574 = arith.extui %sign3A_573 : i1 to i32
            %sign3A_575 = arith.constant 0 : i32
            %sign3A_576 = arith.cmpi slt, %while3A_544, %sign3A_575 : i32
            %sign3A_577 = arith.extui %sign3A_576 : i1 to i32
            %sign3A_578 = arith.subi %sign3A_574, %sign3A_577 : i32
            %sign3A_579 = arith.constant 0 : i32
            %sign3A_580 = arith.cmpi sgt, %jit3A_570, %sign3A_579 : i32
            %sign3A_581 = arith.extui %sign3A_580 : i1 to i32
            %sign3A_582 = arith.constant 0 : i32
            %sign3A_583 = arith.cmpi slt, %jit3A_570, %sign3A_582 : i32
            %sign3A_584 = arith.extui %sign3A_583 : i1 to i32
            %sign3A_585 = arith.subi %sign3A_581, %sign3A_584 : i32
            %ne3A_586 = arith.cmpi ne, %sign3A_578, %sign3A_585 : i32
            %rem3A_587 = arith.remsi %while3A_544, %jit3A_570 : i32
            %ne3A_588 = arith.constant 0 : i32
            %ne3A_589 = arith.cmpi ne, %rem3A_587, %ne3A_588 : i32
            %and3A_590 = arith.andi %ne3A_586, %ne3A_589 : i1
            %sub3A_591 = arith.constant 1 : i32
            %sub3A_592 = arith.subi %div3A_571, %sub3A_591 : i32
            %select_n3A_593 = arith.select %and3A_590, %sub3A_592, %div3A_571 : i32
            %mul3A_594 = arith.constant 128 : i32
            %mul3A_595 = arith.muli %select_n3A_593, %mul3A_594 : i32
            %min3A_596 = arith.constant 3195904 : i32
            %min3A_597 = arith.minsi %mul3A_595, %min3A_596 : i32
            %multiple_of3A_598 = tpu.assume_multiple %min3A_597, 128 : i32
            "tpu.region"() ({
              %run_scoped3A = tpu.sem_alloc : memref<!tpu.dma_semaphore, #tpu.memory_space<semaphore_mem>>
              %dma_start3A = arith.constant 0 : i32
              %dma_start3A_599 = tpu.memref_slice %arg3[%dma_start3A, %multiple_of3A_598] : memref<8x3200000xf32, #tpu.memory_space<hbm>> -> memref<8x4096xf32, #tpu.memory_space<hbm>>
              %dma_start3A_600 = arith.constant 0 : i32
              %dma_start3A_601 = tpu.memref_slice %arg3[%dma_start3A_600, %multiple_of3A_598] : memref<8x3200000xf32, #tpu.memory_space<hbm>> -> memref<8x4096xf32, #tpu.memory_space<hbm>>
              tpu.enqueue_dma source(%dma_start3A_601 : memref<8x4096xf32, #tpu.memory_space<hbm>>) target(%arg7 : memref<8x4096xf32, #tpu.memory_space<vmem>>) target_semaphore(%run_scoped3A : memref<!tpu.dma_semaphore, #tpu.memory_space<semaphore_mem>>)
              %dma_wait3A = arith.constant 0 : i32
              %dma_wait3A_602 = tpu.memref_slice %arg3[%dma_wait3A, %multiple_of3A_598] : memref<8x3200000xf32, #tpu.memory_space<hbm>> -> memref<8x4096xf32, #tpu.memory_space<hbm>>
              %dma_wait3A_603 = arith.constant 0 : i32
              %dma_wait3A_604 = tpu.memref_slice %arg3[%dma_wait3A_603, %multiple_of3A_598] : memref<8x3200000xf32, #tpu.memory_space<hbm>> -> memref<8x4096xf32, #tpu.memory_space<hbm>>
              tpu.wait_dma2 semaphore(%run_scoped3A : memref<!tpu.dma_semaphore, #tpu.memory_space<semaphore_mem>>) src(%dma_wait3A_604 : memref<8x4096xf32, #tpu.memory_space<hbm>>) dst(%arg7 : memref<8x4096xf32, #tpu.memory_space<vmem>>)
              tpu.yield
            }) : () -> ()
            scf.yield %multiple_of3A_598 : i32
          } else {
            scf.yield %while3A_545 : i32
          }
          %broadcast_in_dim3A_557 = vector.broadcast %while3A_544 : i32 to vector<16xi32>
          %add3A_558 = arith.addi %broadcast_in_dim3A_557, %iota3A : vector<16xi32>
          %broadcast_in_dim3A_559 = vector.broadcast %squeeze3A_213 : i32 to vector<16xi32>
          %lt3A_560 = arith.cmpi slt, %add3A_558, %broadcast_in_dim3A_559 : vector<16xi32>
          %broadcast_in_dim3A_561 = vector.broadcast %cond3A_556 : i32 to vector<16xi32>
          %sub3A_562 = arith.subi %add3A_558, %broadcast_in_dim3A_561 : vector<16xi32>
          %select_n3A_563 = arith.select %lt3A_560, %sub3A_562, %broadcast_in_dim3A_26 : vector<16xi1>, vector<16xi32>
          %gather3A = tpu.vector_load_idx %arg7[%broadcast_in_dim3A_26, %select_n3A_563] : memref<8x4096xf32, #tpu.memory_space<vmem>>[vector<16xi32>, vector<16xi32>], vector<16xf32>,
          %select_n3A_564 = arith.select %lt3A_560, %gather3A, %broadcast_in_dim3A_22 : vector<16xi1>, vector<16xf32>
          %gt3A_565 = arith.cmpf ogt, %select_n3A_564, %while3A_546 : vector<16xf32>
          %select_n3A_566 = arith.select %gt3A_565, %select_n3A_564, %while3A_546 : vector<16xi1>, vector<16xf32>
          %select_n3A_567 = arith.select %gt3A_565, %add3A_558, %while3A_547 : vector<16xi1>, vector<16xi32>
          %add3A_568 = arith.constant 16 : i32
          %add3A_569 = arith.addi %while3A_544, %add3A_568 : i32
          scf.yield %add3A_569, %cond3A_556, %select_n3A_566, %select_n3A_567 : i32, i32, vector<16xf32>, vector<16xi32>
        }
        %reduce_max3A_215 = arith.constant true
        %reduce_max3A_216 = vector.broadcast %reduce_max3A_215 : i1 to vector<16xi1>
        %reduce_max3A_217 = tpu.scan <max>, %while3A_214#2 masked %reduce_max3A_216 : vector<16xf32>, vector<16xi1> -> vector<16xf32>
        %reduce_max3A_218 = vector.extract %reduce_max3A_217[15] : f32 from vector<16xf32>
        %broadcast_in_dim3A_219 = vector.broadcast %reduce_max3A_218 : f32 to vector<16xf32>
        %eq3A_220 = arith.cmpf oeq, %while3A_214#2, %broadcast_in_dim3A_219 : vector<16xf32>
        %select_n3A_221 = arith.select %eq3A_220, %while3A_214#3, %broadcast_in_dim3A_24 : vector<16xi1>, vector<16xi32>
        %reduce_min3A_222 = arith.constant true
        %reduce_min3A_223 = vector.broadcast %reduce_min3A_222 : i1 to vector<16xi1>
        %reduce_min3A_224 = arith.constant -2147483648 : i32
        %reduce_min3A_225 = vector.broadcast %reduce_min3A_224 : i32 to vector<16xi32>
        %reduce_min3A_226 = arith.xori %select_n3A_221, %reduce_min3A_225 : vector<16xi32>
        %reduce_min3A_227 = tpu.scan <min>, %reduce_min3A_226 masked %reduce_min3A_223 : vector<16xi32>, vector<16xi1> -> vector<16xi32>
        %reduce_min3A_228 = arith.xori %reduce_min3A_227, %reduce_min3A_225 : vector<16xi32>
        %reduce_min3A_229 = vector.extract %reduce_min3A_228[15] : i32 from vector<16xi32>
        %eq3A_230 = arith.constant 3 : i32
        %eq3A_231 = vector.broadcast %eq3A_230 : i32 to vector<16xi32>
        %eq3A_232 = arith.cmpi eq, %iota3A, %eq3A_231 : vector<16xi32>
        %broadcast_in_dim3A_233 = vector.broadcast %reduce_min3A_229 : i32 to vector<16xi32>
        %select_n3A_234 = arith.select %eq3A_232, %broadcast_in_dim3A_233, %select_n3A_209 : vector<16xi1>, vector<16xi32>
        %slice3A_235 = vector.extract_strided_slice %get3A_105 {offsets = [4], sizes = [1], strides = [1]} : vector<16xi32> to vector<1xi32>
        %squeeze3A_236 = vector.extract %slice3A_235[0] : i32 from vector<1xi32>
        %slice3A_237 = vector.extract_strided_slice %select_n3A_115 {offsets = [4], sizes = [1], strides = [1]} : vector<16xi32> to vector<1xi32>
        %squeeze3A_238 = vector.extract %slice3A_237[0] : i32 from vector<1xi32>
        %while3A_239:4 = scf.while (%while3A_544 = %squeeze3A_236, %while3A_545 = %while3A_214#1, %while3A_546 = %broadcast_in_dim3A_22, %while3A_547 = %broadcast_in_dim3A_24) : (i32, i32, vector<16xf32>, vector<16xi32>) -> (i32, i32, vector<16xf32>, vector<16xi32>) {
          %lt3A_548 = arith.cmpi slt, %while3A_544, %squeeze3A_238 : i32
          scf.condition(%lt3A_548) %while3A_544, %while3A_545, %while3A_546, %while3A_547 : i32, i32, vector<16xf32>, vector<16xi32>
        } do {
        ^bb0(%while3A_544: i32, %while3A_545: i32, %while3A_546: vector<16xf32>, %while3A_547: vector<16xi32>):
          %add3A_548 = arith.constant 16 : i32
          %add3A_549 = arith.addi %while3A_544, %add3A_548 : i32
          %add3A_550 = arith.constant 4096 : i32
          %add3A_551 = arith.addi %while3A_545, %add3A_550 : i32
          %gt3A_552 = arith.cmpi sgt, %add3A_549, %add3A_551 : i32
          %convert_element_type3A_553 = arith.extui %gt3A_552 : i1 to i32
          %cond3A_554 = arith.constant 0 : i32
          %cond3A_555 = arith.cmpi ne, %convert_element_type3A_553, %cond3A_554 : i32
          %cond3A_556 = scf.if %cond3A_555 -> (i32) {
            %jit3A_570 = arith.constant 128 : i32
            %div3A_571 = arith.divsi %while3A_544, %jit3A_570 : i32
            %sign3A_572 = arith.constant 0 : i32
            %sign3A_573 = arith.cmpi sgt, %while3A_544, %sign3A_572 : i32
            %sign3A_574 = arith.extui %sign3A_573 : i1 to i32
            %sign3A_575 = arith.constant 0 : i32
            %sign3A_576 = arith.cmpi slt, %while3A_544, %sign3A_575 : i32
            %sign3A_577 = arith.extui %sign3A_576 : i1 to i32
            %sign3A_578 = arith.subi %sign3A_574, %sign3A_577 : i32
            %sign3A_579 = arith.constant 0 : i32
            %sign3A_580 = arith.cmpi sgt, %jit3A_570, %sign3A_579 : i32
            %sign3A_581 = arith.extui %sign3A_580 : i1 to i32
            %sign3A_582 = arith.constant 0 : i32
            %sign3A_583 = arith.cmpi slt, %jit3A_570, %sign3A_582 : i32
            %sign3A_584 = arith.extui %sign3A_583 : i1 to i32
            %sign3A_585 = arith.subi %sign3A_581, %sign3A_584 : i32
            %ne3A_586 = arith.cmpi ne, %sign3A_578, %sign3A_585 : i32
            %rem3A_587 = arith.remsi %while3A_544, %jit3A_570 : i32
            %ne3A_588 = arith.constant 0 : i32
            %ne3A_589 = arith.cmpi ne, %rem3A_587, %ne3A_588 : i32
            %and3A_590 = arith.andi %ne3A_586, %ne3A_589 : i1
            %sub3A_591 = arith.constant 1 : i32
            %sub3A_592 = arith.subi %div3A_571, %sub3A_591 : i32
            %select_n3A_593 = arith.select %and3A_590, %sub3A_592, %div3A_571 : i32
            %mul3A_594 = arith.constant 128 : i32
            %mul3A_595 = arith.muli %select_n3A_593, %mul3A_594 : i32
            %min3A_596 = arith.constant 3195904 : i32
            %min3A_597 = arith.minsi %mul3A_595, %min3A_596 : i32
            %multiple_of3A_598 = tpu.assume_multiple %min3A_597, 128 : i32
            "tpu.region"() ({
              %run_scoped3A = tpu.sem_alloc : memref<!tpu.dma_semaphore, #tpu.memory_space<semaphore_mem>>
              %dma_start3A = arith.constant 0 : i32
              %dma_start3A_599 = tpu.memref_slice %arg3[%dma_start3A, %multiple_of3A_598] : memref<8x3200000xf32, #tpu.memory_space<hbm>> -> memref<8x4096xf32, #tpu.memory_space<hbm>>
              %dma_start3A_600 = arith.constant 0 : i32
              %dma_start3A_601 = tpu.memref_slice %arg3[%dma_start3A_600, %multiple_of3A_598] : memref<8x3200000xf32, #tpu.memory_space<hbm>> -> memref<8x4096xf32, #tpu.memory_space<hbm>>
              tpu.enqueue_dma source(%dma_start3A_601 : memref<8x4096xf32, #tpu.memory_space<hbm>>) target(%arg7 : memref<8x4096xf32, #tpu.memory_space<vmem>>) target_semaphore(%run_scoped3A : memref<!tpu.dma_semaphore, #tpu.memory_space<semaphore_mem>>)
              %dma_wait3A = arith.constant 0 : i32
              %dma_wait3A_602 = tpu.memref_slice %arg3[%dma_wait3A, %multiple_of3A_598] : memref<8x3200000xf32, #tpu.memory_space<hbm>> -> memref<8x4096xf32, #tpu.memory_space<hbm>>
              %dma_wait3A_603 = arith.constant 0 : i32
              %dma_wait3A_604 = tpu.memref_slice %arg3[%dma_wait3A_603, %multiple_of3A_598] : memref<8x3200000xf32, #tpu.memory_space<hbm>> -> memref<8x4096xf32, #tpu.memory_space<hbm>>
              tpu.wait_dma2 semaphore(%run_scoped3A : memref<!tpu.dma_semaphore, #tpu.memory_space<semaphore_mem>>) src(%dma_wait3A_604 : memref<8x4096xf32, #tpu.memory_space<hbm>>) dst(%arg7 : memref<8x4096xf32, #tpu.memory_space<vmem>>)
              tpu.yield
            }) : () -> ()
            scf.yield %multiple_of3A_598 : i32
          } else {
            scf.yield %while3A_545 : i32
          }
          %broadcast_in_dim3A_557 = vector.broadcast %while3A_544 : i32 to vector<16xi32>
          %add3A_558 = arith.addi %broadcast_in_dim3A_557, %iota3A : vector<16xi32>
          %broadcast_in_dim3A_559 = vector.broadcast %squeeze3A_238 : i32 to vector<16xi32>
          %lt3A_560 = arith.cmpi slt, %add3A_558, %broadcast_in_dim3A_559 : vector<16xi32>
          %broadcast_in_dim3A_561 = vector.broadcast %cond3A_556 : i32 to vector<16xi32>
          %sub3A_562 = arith.subi %add3A_558, %broadcast_in_dim3A_561 : vector<16xi32>
          %select_n3A_563 = arith.select %lt3A_560, %sub3A_562, %broadcast_in_dim3A_26 : vector<16xi1>, vector<16xi32>
          %gather3A = tpu.vector_load_idx %arg7[%broadcast_in_dim3A_26, %select_n3A_563] : memref<8x4096xf32, #tpu.memory_space<vmem>>[vector<16xi32>, vector<16xi32>], vector<16xf32>,
          %select_n3A_564 = arith.select %lt3A_560, %gather3A, %broadcast_in_dim3A_22 : vector<16xi1>, vector<16xf32>
          %gt3A_565 = arith.cmpf ogt, %select_n3A_564, %while3A_546 : vector<16xf32>
          %select_n3A_566 = arith.select %gt3A_565, %select_n3A_564, %while3A_546 : vector<16xi1>, vector<16xf32>
          %select_n3A_567 = arith.select %gt3A_565, %add3A_558, %while3A_547 : vector<16xi1>, vector<16xi32>
          %add3A_568 = arith.constant 16 : i32
          %add3A_569 = arith.addi %while3A_544, %add3A_568 : i32
          scf.yield %add3A_569, %cond3A_556, %select_n3A_566, %select_n3A_567 : i32, i32, vector<16xf32>, vector<16xi32>
        }
        %reduce_max3A_240 = arith.constant true
        %reduce_max3A_241 = vector.broadcast %reduce_max3A_240 : i1 to vector<16xi1>
        %reduce_max3A_242 = tpu.scan <max>, %while3A_239#2 masked %reduce_max3A_241 : vector<16xf32>, vector<16xi1> -> vector<16xf32>
        %reduce_max3A_243 = vector.extract %reduce_max3A_242[15] : f32 from vector<16xf32>
        %broadcast_in_dim3A_244 = vector.broadcast %reduce_max3A_243 : f32 to vector<16xf32>
        %eq3A_245 = arith.cmpf oeq, %while3A_239#2, %broadcast_in_dim3A_244 : vector<16xf32>
        %select_n3A_246 = arith.select %eq3A_245, %while3A_239#3, %broadcast_in_dim3A_24 : vector<16xi1>, vector<16xi32>
        %reduce_min3A_247 = arith.constant true
        %reduce_min3A_248 = vector.broadcast %reduce_min3A_247 : i1 to vector<16xi1>
        %reduce_min3A_249 = arith.constant -2147483648 : i32
        %reduce_min3A_250 = vector.broadcast %reduce_min3A_249 : i32 to vector<16xi32>
        %reduce_min3A_251 = arith.xori %select_n3A_246, %reduce_min3A_250 : vector<16xi32>
        %reduce_min3A_252 = tpu.scan <min>, %reduce_min3A_251 masked %reduce_min3A_248 : vector<16xi32>, vector<16xi1> -> vector<16xi32>
        %reduce_min3A_253 = arith.xori %reduce_min3A_252, %reduce_min3A_250 : vector<16xi32>
        %reduce_min3A_254 = vector.extract %reduce_min3A_253[15] : i32 from vector<16xi32>
        %eq3A_255 = arith.constant 4 : i32
        %eq3A_256 = vector.broadcast %eq3A_255 : i32 to vector<16xi32>
        %eq3A_257 = arith.cmpi eq, %iota3A, %eq3A_256 : vector<16xi32>
        %broadcast_in_dim3A_258 = vector.broadcast %reduce_min3A_254 : i32 to vector<16xi32>
        %select_n3A_259 = arith.select %eq3A_257, %broadcast_in_dim3A_258, %select_n3A_234 : vector<16xi1>, vector<16xi32>
        %slice3A_260 = vector.extract_strided_slice %get3A_105 {offsets = [5], sizes = [1], strides = [1]} : vector<16xi32> to vector<1xi32>
        %squeeze3A_261 = vector.extract %slice3A_260[0] : i32 from vector<1xi32>
        %slice3A_262 = vector.extract_strided_slice %select_n3A_115 {offsets = [5], sizes = [1], strides = [1]} : vector<16xi32> to vector<1xi32>
        %squeeze3A_263 = vector.extract %slice3A_262[0] : i32 from vector<1xi32>
        %while3A_264:4 = scf.while (%while3A_544 = %squeeze3A_261, %while3A_545 = %while3A_239#1, %while3A_546 = %broadcast_in_dim3A_22, %while3A_547 = %broadcast_in_dim3A_24) : (i32, i32, vector<16xf32>, vector<16xi32>) -> (i32, i32, vector<16xf32>, vector<16xi32>) {
          %lt3A_548 = arith.cmpi slt, %while3A_544, %squeeze3A_263 : i32
          scf.condition(%lt3A_548) %while3A_544, %while3A_545, %while3A_546, %while3A_547 : i32, i32, vector<16xf32>, vector<16xi32>
        } do {
        ^bb0(%while3A_544: i32, %while3A_545: i32, %while3A_546: vector<16xf32>, %while3A_547: vector<16xi32>):
          %add3A_548 = arith.constant 16 : i32
          %add3A_549 = arith.addi %while3A_544, %add3A_548 : i32
          %add3A_550 = arith.constant 4096 : i32
          %add3A_551 = arith.addi %while3A_545, %add3A_550 : i32
          %gt3A_552 = arith.cmpi sgt, %add3A_549, %add3A_551 : i32
          %convert_element_type3A_553 = arith.extui %gt3A_552 : i1 to i32
          %cond3A_554 = arith.constant 0 : i32
          %cond3A_555 = arith.cmpi ne, %convert_element_type3A_553, %cond3A_554 : i32
          %cond3A_556 = scf.if %cond3A_555 -> (i32) {
            %jit3A_570 = arith.constant 128 : i32
            %div3A_571 = arith.divsi %while3A_544, %jit3A_570 : i32
            %sign3A_572 = arith.constant 0 : i32
            %sign3A_573 = arith.cmpi sgt, %while3A_544, %sign3A_572 : i32
            %sign3A_574 = arith.extui %sign3A_573 : i1 to i32
            %sign3A_575 = arith.constant 0 : i32
            %sign3A_576 = arith.cmpi slt, %while3A_544, %sign3A_575 : i32
            %sign3A_577 = arith.extui %sign3A_576 : i1 to i32
            %sign3A_578 = arith.subi %sign3A_574, %sign3A_577 : i32
            %sign3A_579 = arith.constant 0 : i32
            %sign3A_580 = arith.cmpi sgt, %jit3A_570, %sign3A_579 : i32
            %sign3A_581 = arith.extui %sign3A_580 : i1 to i32
            %sign3A_582 = arith.constant 0 : i32
            %sign3A_583 = arith.cmpi slt, %jit3A_570, %sign3A_582 : i32
            %sign3A_584 = arith.extui %sign3A_583 : i1 to i32
            %sign3A_585 = arith.subi %sign3A_581, %sign3A_584 : i32
            %ne3A_586 = arith.cmpi ne, %sign3A_578, %sign3A_585 : i32
            %rem3A_587 = arith.remsi %while3A_544, %jit3A_570 : i32
            %ne3A_588 = arith.constant 0 : i32
            %ne3A_589 = arith.cmpi ne, %rem3A_587, %ne3A_588 : i32
            %and3A_590 = arith.andi %ne3A_586, %ne3A_589 : i1
            %sub3A_591 = arith.constant 1 : i32
            %sub3A_592 = arith.subi %div3A_571, %sub3A_591 : i32
            %select_n3A_593 = arith.select %and3A_590, %sub3A_592, %div3A_571 : i32
            %mul3A_594 = arith.constant 128 : i32
            %mul3A_595 = arith.muli %select_n3A_593, %mul3A_594 : i32
            %min3A_596 = arith.constant 3195904 : i32
            %min3A_597 = arith.minsi %mul3A_595, %min3A_596 : i32
            %multiple_of3A_598 = tpu.assume_multiple %min3A_597, 128 : i32
            "tpu.region"() ({
              %run_scoped3A = tpu.sem_alloc : memref<!tpu.dma_semaphore, #tpu.memory_space<semaphore_mem>>
              %dma_start3A = arith.constant 0 : i32
              %dma_start3A_599 = tpu.memref_slice %arg3[%dma_start3A, %multiple_of3A_598] : memref<8x3200000xf32, #tpu.memory_space<hbm>> -> memref<8x4096xf32, #tpu.memory_space<hbm>>
              %dma_start3A_600 = arith.constant 0 : i32
              %dma_start3A_601 = tpu.memref_slice %arg3[%dma_start3A_600, %multiple_of3A_598] : memref<8x3200000xf32, #tpu.memory_space<hbm>> -> memref<8x4096xf32, #tpu.memory_space<hbm>>
              tpu.enqueue_dma source(%dma_start3A_601 : memref<8x4096xf32, #tpu.memory_space<hbm>>) target(%arg7 : memref<8x4096xf32, #tpu.memory_space<vmem>>) target_semaphore(%run_scoped3A : memref<!tpu.dma_semaphore, #tpu.memory_space<semaphore_mem>>)
              %dma_wait3A = arith.constant 0 : i32
              %dma_wait3A_602 = tpu.memref_slice %arg3[%dma_wait3A, %multiple_of3A_598] : memref<8x3200000xf32, #tpu.memory_space<hbm>> -> memref<8x4096xf32, #tpu.memory_space<hbm>>
              %dma_wait3A_603 = arith.constant 0 : i32
              %dma_wait3A_604 = tpu.memref_slice %arg3[%dma_wait3A_603, %multiple_of3A_598] : memref<8x3200000xf32, #tpu.memory_space<hbm>> -> memref<8x4096xf32, #tpu.memory_space<hbm>>
              tpu.wait_dma2 semaphore(%run_scoped3A : memref<!tpu.dma_semaphore, #tpu.memory_space<semaphore_mem>>) src(%dma_wait3A_604 : memref<8x4096xf32, #tpu.memory_space<hbm>>) dst(%arg7 : memref<8x4096xf32, #tpu.memory_space<vmem>>)
              tpu.yield
            }) : () -> ()
            scf.yield %multiple_of3A_598 : i32
          } else {
            scf.yield %while3A_545 : i32
          }
          %broadcast_in_dim3A_557 = vector.broadcast %while3A_544 : i32 to vector<16xi32>
          %add3A_558 = arith.addi %broadcast_in_dim3A_557, %iota3A : vector<16xi32>
          %broadcast_in_dim3A_559 = vector.broadcast %squeeze3A_263 : i32 to vector<16xi32>
          %lt3A_560 = arith.cmpi slt, %add3A_558, %broadcast_in_dim3A_559 : vector<16xi32>
          %broadcast_in_dim3A_561 = vector.broadcast %cond3A_556 : i32 to vector<16xi32>
          %sub3A_562 = arith.subi %add3A_558, %broadcast_in_dim3A_561 : vector<16xi32>
          %select_n3A_563 = arith.select %lt3A_560, %sub3A_562, %broadcast_in_dim3A_26 : vector<16xi1>, vector<16xi32>
          %gather3A = tpu.vector_load_idx %arg7[%broadcast_in_dim3A_26, %select_n3A_563] : memref<8x4096xf32, #tpu.memory_space<vmem>>[vector<16xi32>, vector<16xi32>], vector<16xf32>,
          %select_n3A_564 = arith.select %lt3A_560, %gather3A, %broadcast_in_dim3A_22 : vector<16xi1>, vector<16xf32>
          %gt3A_565 = arith.cmpf ogt, %select_n3A_564, %while3A_546 : vector<16xf32>
          %select_n3A_566 = arith.select %gt3A_565, %select_n3A_564, %while3A_546 : vector<16xi1>, vector<16xf32>
          %select_n3A_567 = arith.select %gt3A_565, %add3A_558, %while3A_547 : vector<16xi1>, vector<16xi32>
          %add3A_568 = arith.constant 16 : i32
          %add3A_569 = arith.addi %while3A_544, %add3A_568 : i32
          scf.yield %add3A_569, %cond3A_556, %select_n3A_566, %select_n3A_567 : i32, i32, vector<16xf32>, vector<16xi32>
        }
        %reduce_max3A_265 = arith.constant true
        %reduce_max3A_266 = vector.broadcast %reduce_max3A_265 : i1 to vector<16xi1>
        %reduce_max3A_267 = tpu.scan <max>, %while3A_264#2 masked %reduce_max3A_266 : vector<16xf32>, vector<16xi1> -> vector<16xf32>
        %reduce_max3A_268 = vector.extract %reduce_max3A_267[15] : f32 from vector<16xf32>
        %broadcast_in_dim3A_269 = vector.broadcast %reduce_max3A_268 : f32 to vector<16xf32>
        %eq3A_270 = arith.cmpf oeq, %while3A_264#2, %broadcast_in_dim3A_269 : vector<16xf32>
        %select_n3A_271 = arith.select %eq3A_270, %while3A_264#3, %broadcast_in_dim3A_24 : vector<16xi1>, vector<16xi32>
        %reduce_min3A_272 = arith.constant true
        %reduce_min3A_273 = vector.broadcast %reduce_min3A_272 : i1 to vector<16xi1>
        %reduce_min3A_274 = arith.constant -2147483648 : i32
        %reduce_min3A_275 = vector.broadcast %reduce_min3A_274 : i32 to vector<16xi32>
        %reduce_min3A_276 = arith.xori %select_n3A_271, %reduce_min3A_275 : vector<16xi32>
        %reduce_min3A_277 = tpu.scan <min>, %reduce_min3A_276 masked %reduce_min3A_273 : vector<16xi32>, vector<16xi1> -> vector<16xi32>
        %reduce_min3A_278 = arith.xori %reduce_min3A_277, %reduce_min3A_275 : vector<16xi32>
        %reduce_min3A_279 = vector.extract %reduce_min3A_278[15] : i32 from vector<16xi32>
        %eq3A_280 = arith.constant 5 : i32
        %eq3A_281 = vector.broadcast %eq3A_280 : i32 to vector<16xi32>
        %eq3A_282 = arith.cmpi eq, %iota3A, %eq3A_281 : vector<16xi32>
        %broadcast_in_dim3A_283 = vector.broadcast %reduce_min3A_279 : i32 to vector<16xi32>
        %select_n3A_284 = arith.select %eq3A_282, %broadcast_in_dim3A_283, %select_n3A_259 : vector<16xi1>, vector<16xi32>
        %slice3A_285 = vector.extract_strided_slice %get3A_105 {offsets = [6], sizes = [1], strides = [1]} : vector<16xi32> to vector<1xi32>
        %squeeze3A_286 = vector.extract %slice3A_285[0] : i32 from vector<1xi32>
        %slice3A_287 = vector.extract_strided_slice %select_n3A_115 {offsets = [6], sizes = [1], strides = [1]} : vector<16xi32> to vector<1xi32>
        %squeeze3A_288 = vector.extract %slice3A_287[0] : i32 from vector<1xi32>
        %while3A_289:4 = scf.while (%while3A_544 = %squeeze3A_286, %while3A_545 = %while3A_264#1, %while3A_546 = %broadcast_in_dim3A_22, %while3A_547 = %broadcast_in_dim3A_24) : (i32, i32, vector<16xf32>, vector<16xi32>) -> (i32, i32, vector<16xf32>, vector<16xi32>) {
          %lt3A_548 = arith.cmpi slt, %while3A_544, %squeeze3A_288 : i32
          scf.condition(%lt3A_548) %while3A_544, %while3A_545, %while3A_546, %while3A_547 : i32, i32, vector<16xf32>, vector<16xi32>
        } do {
        ^bb0(%while3A_544: i32, %while3A_545: i32, %while3A_546: vector<16xf32>, %while3A_547: vector<16xi32>):
          %add3A_548 = arith.constant 16 : i32
          %add3A_549 = arith.addi %while3A_544, %add3A_548 : i32
          %add3A_550 = arith.constant 4096 : i32
          %add3A_551 = arith.addi %while3A_545, %add3A_550 : i32
          %gt3A_552 = arith.cmpi sgt, %add3A_549, %add3A_551 : i32
          %convert_element_type3A_553 = arith.extui %gt3A_552 : i1 to i32
          %cond3A_554 = arith.constant 0 : i32
          %cond3A_555 = arith.cmpi ne, %convert_element_type3A_553, %cond3A_554 : i32
          %cond3A_556 = scf.if %cond3A_555 -> (i32) {
            %jit3A_570 = arith.constant 128 : i32
            %div3A_571 = arith.divsi %while3A_544, %jit3A_570 : i32
            %sign3A_572 = arith.constant 0 : i32
            %sign3A_573 = arith.cmpi sgt, %while3A_544, %sign3A_572 : i32
            %sign3A_574 = arith.extui %sign3A_573 : i1 to i32
            %sign3A_575 = arith.constant 0 : i32
            %sign3A_576 = arith.cmpi slt, %while3A_544, %sign3A_575 : i32
            %sign3A_577 = arith.extui %sign3A_576 : i1 to i32
            %sign3A_578 = arith.subi %sign3A_574, %sign3A_577 : i32
            %sign3A_579 = arith.constant 0 : i32
            %sign3A_580 = arith.cmpi sgt, %jit3A_570, %sign3A_579 : i32
            %sign3A_581 = arith.extui %sign3A_580 : i1 to i32
            %sign3A_582 = arith.constant 0 : i32
            %sign3A_583 = arith.cmpi slt, %jit3A_570, %sign3A_582 : i32
            %sign3A_584 = arith.extui %sign3A_583 : i1 to i32
            %sign3A_585 = arith.subi %sign3A_581, %sign3A_584 : i32
            %ne3A_586 = arith.cmpi ne, %sign3A_578, %sign3A_585 : i32
            %rem3A_587 = arith.remsi %while3A_544, %jit3A_570 : i32
            %ne3A_588 = arith.constant 0 : i32
            %ne3A_589 = arith.cmpi ne, %rem3A_587, %ne3A_588 : i32
            %and3A_590 = arith.andi %ne3A_586, %ne3A_589 : i1
            %sub3A_591 = arith.constant 1 : i32
            %sub3A_592 = arith.subi %div3A_571, %sub3A_591 : i32
            %select_n3A_593 = arith.select %and3A_590, %sub3A_592, %div3A_571 : i32
            %mul3A_594 = arith.constant 128 : i32
            %mul3A_595 = arith.muli %select_n3A_593, %mul3A_594 : i32
            %min3A_596 = arith.constant 3195904 : i32
            %min3A_597 = arith.minsi %mul3A_595, %min3A_596 : i32
            %multiple_of3A_598 = tpu.assume_multiple %min3A_597, 128 : i32
            "tpu.region"() ({
              %run_scoped3A = tpu.sem_alloc : memref<!tpu.dma_semaphore, #tpu.memory_space<semaphore_mem>>
              %dma_start3A = arith.constant 0 : i32
              %dma_start3A_599 = tpu.memref_slice %arg3[%dma_start3A, %multiple_of3A_598] : memref<8x3200000xf32, #tpu.memory_space<hbm>> -> memref<8x4096xf32, #tpu.memory_space<hbm>>
              %dma_start3A_600 = arith.constant 0 : i32
              %dma_start3A_601 = tpu.memref_slice %arg3[%dma_start3A_600, %multiple_of3A_598] : memref<8x3200000xf32, #tpu.memory_space<hbm>> -> memref<8x4096xf32, #tpu.memory_space<hbm>>
              tpu.enqueue_dma source(%dma_start3A_601 : memref<8x4096xf32, #tpu.memory_space<hbm>>) target(%arg7 : memref<8x4096xf32, #tpu.memory_space<vmem>>) target_semaphore(%run_scoped3A : memref<!tpu.dma_semaphore, #tpu.memory_space<semaphore_mem>>)
              %dma_wait3A = arith.constant 0 : i32
              %dma_wait3A_602 = tpu.memref_slice %arg3[%dma_wait3A, %multiple_of3A_598] : memref<8x3200000xf32, #tpu.memory_space<hbm>> -> memref<8x4096xf32, #tpu.memory_space<hbm>>
              %dma_wait3A_603 = arith.constant 0 : i32
              %dma_wait3A_604 = tpu.memref_slice %arg3[%dma_wait3A_603, %multiple_of3A_598] : memref<8x3200000xf32, #tpu.memory_space<hbm>> -> memref<8x4096xf32, #tpu.memory_space<hbm>>
              tpu.wait_dma2 semaphore(%run_scoped3A : memref<!tpu.dma_semaphore, #tpu.memory_space<semaphore_mem>>) src(%dma_wait3A_604 : memref<8x4096xf32, #tpu.memory_space<hbm>>) dst(%arg7 : memref<8x4096xf32, #tpu.memory_space<vmem>>)
              tpu.yield
            }) : () -> ()
            scf.yield %multiple_of3A_598 : i32
          } else {
            scf.yield %while3A_545 : i32
          }
          %broadcast_in_dim3A_557 = vector.broadcast %while3A_544 : i32 to vector<16xi32>
          %add3A_558 = arith.addi %broadcast_in_dim3A_557, %iota3A : vector<16xi32>
          %broadcast_in_dim3A_559 = vector.broadcast %squeeze3A_288 : i32 to vector<16xi32>
          %lt3A_560 = arith.cmpi slt, %add3A_558, %broadcast_in_dim3A_559 : vector<16xi32>
          %broadcast_in_dim3A_561 = vector.broadcast %cond3A_556 : i32 to vector<16xi32>
          %sub3A_562 = arith.subi %add3A_558, %broadcast_in_dim3A_561 : vector<16xi32>
          %select_n3A_563 = arith.select %lt3A_560, %sub3A_562, %broadcast_in_dim3A_26 : vector<16xi1>, vector<16xi32>
          %gather3A = tpu.vector_load_idx %arg7[%broadcast_in_dim3A_26, %select_n3A_563] : memref<8x4096xf32, #tpu.memory_space<vmem>>[vector<16xi32>, vector<16xi32>], vector<16xf32>,
          %select_n3A_564 = arith.select %lt3A_560, %gather3A, %broadcast_in_dim3A_22 : vector<16xi1>, vector<16xf32>
          %gt3A_565 = arith.cmpf ogt, %select_n3A_564, %while3A_546 : vector<16xf32>
          %select_n3A_566 = arith.select %gt3A_565, %select_n3A_564, %while3A_546 : vector<16xi1>, vector<16xf32>
          %select_n3A_567 = arith.select %gt3A_565, %add3A_558, %while3A_547 : vector<16xi1>, vector<16xi32>
          %add3A_568 = arith.constant 16 : i32
          %add3A_569 = arith.addi %while3A_544, %add3A_568 : i32
          scf.yield %add3A_569, %cond3A_556, %select_n3A_566, %select_n3A_567 : i32, i32, vector<16xf32>, vector<16xi32>
        }
        %reduce_max3A_290 = arith.constant true
        %reduce_max3A_291 = vector.broadcast %reduce_max3A_290 : i1 to vector<16xi1>
        %reduce_max3A_292 = tpu.scan <max>, %while3A_289#2 masked %reduce_max3A_291 : vector<16xf32>, vector<16xi1> -> vector<16xf32>
        %reduce_max3A_293 = vector.extract %reduce_max3A_292[15] : f32 from vector<16xf32>
        %broadcast_in_dim3A_294 = vector.broadcast %reduce_max3A_293 : f32 to vector<16xf32>
        %eq3A_295 = arith.cmpf oeq, %while3A_289#2, %broadcast_in_dim3A_294 : vector<16xf32>
        %select_n3A_296 = arith.select %eq3A_295, %while3A_289#3, %broadcast_in_dim3A_24 : vector<16xi1>, vector<16xi32>
        %reduce_min3A_297 = arith.constant true
        %reduce_min3A_298 = vector.broadcast %reduce_min3A_297 : i1 to vector<16xi1>
        %reduce_min3A_299 = arith.constant -2147483648 : i32
        %reduce_min3A_300 = vector.broadcast %reduce_min3A_299 : i32 to vector<16xi32>
        %reduce_min3A_301 = arith.xori %select_n3A_296, %reduce_min3A_300 : vector<16xi32>
        %reduce_min3A_302 = tpu.scan <min>, %reduce_min3A_301 masked %reduce_min3A_298 : vector<16xi32>, vector<16xi1> -> vector<16xi32>
        %reduce_min3A_303 = arith.xori %reduce_min3A_302, %reduce_min3A_300 : vector<16xi32>
        %reduce_min3A_304 = vector.extract %reduce_min3A_303[15] : i32 from vector<16xi32>
        %eq3A_305 = arith.constant 6 : i32
        %eq3A_306 = vector.broadcast %eq3A_305 : i32 to vector<16xi32>
        %eq3A_307 = arith.cmpi eq, %iota3A, %eq3A_306 : vector<16xi32>
        %broadcast_in_dim3A_308 = vector.broadcast %reduce_min3A_304 : i32 to vector<16xi32>
        %select_n3A_309 = arith.select %eq3A_307, %broadcast_in_dim3A_308, %select_n3A_284 : vector<16xi1>, vector<16xi32>
        %slice3A_310 = vector.extract_strided_slice %get3A_105 {offsets = [7], sizes = [1], strides = [1]} : vector<16xi32> to vector<1xi32>
        %squeeze3A_311 = vector.extract %slice3A_310[0] : i32 from vector<1xi32>
        %slice3A_312 = vector.extract_strided_slice %select_n3A_115 {offsets = [7], sizes = [1], strides = [1]} : vector<16xi32> to vector<1xi32>
        %squeeze3A_313 = vector.extract %slice3A_312[0] : i32 from vector<1xi32>
        %while3A_314:4 = scf.while (%while3A_544 = %squeeze3A_311, %while3A_545 = %while3A_289#1, %while3A_546 = %broadcast_in_dim3A_22, %while3A_547 = %broadcast_in_dim3A_24) : (i32, i32, vector<16xf32>, vector<16xi32>) -> (i32, i32, vector<16xf32>, vector<16xi32>) {
          %lt3A_548 = arith.cmpi slt, %while3A_544, %squeeze3A_313 : i32
          scf.condition(%lt3A_548) %while3A_544, %while3A_545, %while3A_546, %while3A_547 : i32, i32, vector<16xf32>, vector<16xi32>
        } do {
        ^bb0(%while3A_544: i32, %while3A_545: i32, %while3A_546: vector<16xf32>, %while3A_547: vector<16xi32>):
          %add3A_548 = arith.constant 16 : i32
          %add3A_549 = arith.addi %while3A_544, %add3A_548 : i32
          %add3A_550 = arith.constant 4096 : i32
          %add3A_551 = arith.addi %while3A_545, %add3A_550 : i32
          %gt3A_552 = arith.cmpi sgt, %add3A_549, %add3A_551 : i32
          %convert_element_type3A_553 = arith.extui %gt3A_552 : i1 to i32
          %cond3A_554 = arith.constant 0 : i32
          %cond3A_555 = arith.cmpi ne, %convert_element_type3A_553, %cond3A_554 : i32
          %cond3A_556 = scf.if %cond3A_555 -> (i32) {
            %jit3A_570 = arith.constant 128 : i32
            %div3A_571 = arith.divsi %while3A_544, %jit3A_570 : i32
            %sign3A_572 = arith.constant 0 : i32
            %sign3A_573 = arith.cmpi sgt, %while3A_544, %sign3A_572 : i32
            %sign3A_574 = arith.extui %sign3A_573 : i1 to i32
            %sign3A_575 = arith.constant 0 : i32
            %sign3A_576 = arith.cmpi slt, %while3A_544, %sign3A_575 : i32
            %sign3A_577 = arith.extui %sign3A_576 : i1 to i32
            %sign3A_578 = arith.subi %sign3A_574, %sign3A_577 : i32
            %sign3A_579 = arith.constant 0 : i32
            %sign3A_580 = arith.cmpi sgt, %jit3A_570, %sign3A_579 : i32
            %sign3A_581 = arith.extui %sign3A_580 : i1 to i32
            %sign3A_582 = arith.constant 0 : i32
            %sign3A_583 = arith.cmpi slt, %jit3A_570, %sign3A_582 : i32
            %sign3A_584 = arith.extui %sign3A_583 : i1 to i32
            %sign3A_585 = arith.subi %sign3A_581, %sign3A_584 : i32
            %ne3A_586 = arith.cmpi ne, %sign3A_578, %sign3A_585 : i32
            %rem3A_587 = arith.remsi %while3A_544, %jit3A_570 : i32
            %ne3A_588 = arith.constant 0 : i32
            %ne3A_589 = arith.cmpi ne, %rem3A_587, %ne3A_588 : i32
            %and3A_590 = arith.andi %ne3A_586, %ne3A_589 : i1
            %sub3A_591 = arith.constant 1 : i32
            %sub3A_592 = arith.subi %div3A_571, %sub3A_591 : i32
            %select_n3A_593 = arith.select %and3A_590, %sub3A_592, %div3A_571 : i32
            %mul3A_594 = arith.constant 128 : i32
            %mul3A_595 = arith.muli %select_n3A_593, %mul3A_594 : i32
            %min3A_596 = arith.constant 3195904 : i32
            %min3A_597 = arith.minsi %mul3A_595, %min3A_596 : i32
            %multiple_of3A_598 = tpu.assume_multiple %min3A_597, 128 : i32
            "tpu.region"() ({
              %run_scoped3A = tpu.sem_alloc : memref<!tpu.dma_semaphore, #tpu.memory_space<semaphore_mem>>
              %dma_start3A = arith.constant 0 : i32
              %dma_start3A_599 = tpu.memref_slice %arg3[%dma_start3A, %multiple_of3A_598] : memref<8x3200000xf32, #tpu.memory_space<hbm>> -> memref<8x4096xf32, #tpu.memory_space<hbm>>
              %dma_start3A_600 = arith.constant 0 : i32
              %dma_start3A_601 = tpu.memref_slice %arg3[%dma_start3A_600, %multiple_of3A_598] : memref<8x3200000xf32, #tpu.memory_space<hbm>> -> memref<8x4096xf32, #tpu.memory_space<hbm>>
              tpu.enqueue_dma source(%dma_start3A_601 : memref<8x4096xf32, #tpu.memory_space<hbm>>) target(%arg7 : memref<8x4096xf32, #tpu.memory_space<vmem>>) target_semaphore(%run_scoped3A : memref<!tpu.dma_semaphore, #tpu.memory_space<semaphore_mem>>)
              %dma_wait3A = arith.constant 0 : i32
              %dma_wait3A_602 = tpu.memref_slice %arg3[%dma_wait3A, %multiple_of3A_598] : memref<8x3200000xf32, #tpu.memory_space<hbm>> -> memref<8x4096xf32, #tpu.memory_space<hbm>>
              %dma_wait3A_603 = arith.constant 0 : i32
              %dma_wait3A_604 = tpu.memref_slice %arg3[%dma_wait3A_603, %multiple_of3A_598] : memref<8x3200000xf32, #tpu.memory_space<hbm>> -> memref<8x4096xf32, #tpu.memory_space<hbm>>
              tpu.wait_dma2 semaphore(%run_scoped3A : memref<!tpu.dma_semaphore, #tpu.memory_space<semaphore_mem>>) src(%dma_wait3A_604 : memref<8x4096xf32, #tpu.memory_space<hbm>>) dst(%arg7 : memref<8x4096xf32, #tpu.memory_space<vmem>>)
              tpu.yield
            }) : () -> ()
            scf.yield %multiple_of3A_598 : i32
          } else {
            scf.yield %while3A_545 : i32
          }
          %broadcast_in_dim3A_557 = vector.broadcast %while3A_544 : i32 to vector<16xi32>
          %add3A_558 = arith.addi %broadcast_in_dim3A_557, %iota3A : vector<16xi32>
          %broadcast_in_dim3A_559 = vector.broadcast %squeeze3A_313 : i32 to vector<16xi32>
          %lt3A_560 = arith.cmpi slt, %add3A_558, %broadcast_in_dim3A_559 : vector<16xi32>
          %broadcast_in_dim3A_561 = vector.broadcast %cond3A_556 : i32 to vector<16xi32>
          %sub3A_562 = arith.subi %add3A_558, %broadcast_in_dim3A_561 : vector<16xi32>
          %select_n3A_563 = arith.select %lt3A_560, %sub3A_562, %broadcast_in_dim3A_26 : vector<16xi1>, vector<16xi32>
          %gather3A = tpu.vector_load_idx %arg7[%broadcast_in_dim3A_26, %select_n3A_563] : memref<8x4096xf32, #tpu.memory_space<vmem>>[vector<16xi32>, vector<16xi32>], vector<16xf32>,
          %select_n3A_564 = arith.select %lt3A_560, %gather3A, %broadcast_in_dim3A_22 : vector<16xi1>, vector<16xf32>
          %gt3A_565 = arith.cmpf ogt, %select_n3A_564, %while3A_546 : vector<16xf32>
          %select_n3A_566 = arith.select %gt3A_565, %select_n3A_564, %while3A_546 : vector<16xi1>, vector<16xf32>
          %select_n3A_567 = arith.select %gt3A_565, %add3A_558, %while3A_547 : vector<16xi1>, vector<16xi32>
          %add3A_568 = arith.constant 16 : i32
          %add3A_569 = arith.addi %while3A_544, %add3A_568 : i32
          scf.yield %add3A_569, %cond3A_556, %select_n3A_566, %select_n3A_567 : i32, i32, vector<16xf32>, vector<16xi32>
        }
        %reduce_max3A_315 = arith.constant true
        %reduce_max3A_316 = vector.broadcast %reduce_max3A_315 : i1 to vector<16xi1>
        %reduce_max3A_317 = tpu.scan <max>, %while3A_314#2 masked %reduce_max3A_316 : vector<16xf32>, vector<16xi1> -> vector<16xf32>
        %reduce_max3A_318 = vector.extract %reduce_max3A_317[15] : f32 from vector<16xf32>
        %broadcast_in_dim3A_319 = vector.broadcast %reduce_max3A_318 : f32 to vector<16xf32>
        %eq3A_320 = arith.cmpf oeq, %while3A_314#2, %broadcast_in_dim3A_319 : vector<16xf32>
        %select_n3A_321 = arith.select %eq3A_320, %while3A_314#3, %broadcast_in_dim3A_24 : vector<16xi1>, vector<16xi32>
        %reduce_min3A_322 = arith.constant true
        %reduce_min3A_323 = vector.broadcast %reduce_min3A_322 : i1 to vector<16xi1>
        %reduce_min3A_324 = arith.constant -2147483648 : i32
        %reduce_min3A_325 = vector.broadcast %reduce_min3A_324 : i32 to vector<16xi32>
        %reduce_min3A_326 = arith.xori %select_n3A_321, %reduce_min3A_325 : vector<16xi32>
        %reduce_min3A_327 = tpu.scan <min>, %reduce_min3A_326 masked %reduce_min3A_323 : vector<16xi32>, vector<16xi1> -> vector<16xi32>
        %reduce_min3A_328 = arith.xori %reduce_min3A_327, %reduce_min3A_325 : vector<16xi32>
        %reduce_min3A_329 = vector.extract %reduce_min3A_328[15] : i32 from vector<16xi32>
        %eq3A_330 = arith.constant 7 : i32
        %eq3A_331 = vector.broadcast %eq3A_330 : i32 to vector<16xi32>
        %eq3A_332 = arith.cmpi eq, %iota3A, %eq3A_331 : vector<16xi32>
        %broadcast_in_dim3A_333 = vector.broadcast %reduce_min3A_329 : i32 to vector<16xi32>
        %select_n3A_334 = arith.select %eq3A_332, %broadcast_in_dim3A_333, %select_n3A_309 : vector<16xi1>, vector<16xi32>
        %slice3A_335 = vector.extract_strided_slice %get3A_105 {offsets = [8], sizes = [1], strides = [1]} : vector<16xi32> to vector<1xi32>
        %squeeze3A_336 = vector.extract %slice3A_335[0] : i32 from vector<1xi32>
        %slice3A_337 = vector.extract_strided_slice %select_n3A_115 {offsets = [8], sizes = [1], strides = [1]} : vector<16xi32> to vector<1xi32>
        %squeeze3A_338 = vector.extract %slice3A_337[0] : i32 from vector<1xi32>
        %while3A_339:4 = scf.while (%while3A_544 = %squeeze3A_336, %while3A_545 = %while3A_314#1, %while3A_546 = %broadcast_in_dim3A_22, %while3A_547 = %broadcast_in_dim3A_24) : (i32, i32, vector<16xf32>, vector<16xi32>) -> (i32, i32, vector<16xf32>, vector<16xi32>) {
          %lt3A_548 = arith.cmpi slt, %while3A_544, %squeeze3A_338 : i32
          scf.condition(%lt3A_548) %while3A_544, %while3A_545, %while3A_546, %while3A_547 : i32, i32, vector<16xf32>, vector<16xi32>
        } do {
        ^bb0(%while3A_544: i32, %while3A_545: i32, %while3A_546: vector<16xf32>, %while3A_547: vector<16xi32>):
          %add3A_548 = arith.constant 16 : i32
          %add3A_549 = arith.addi %while3A_544, %add3A_548 : i32
          %add3A_550 = arith.constant 4096 : i32
          %add3A_551 = arith.addi %while3A_545, %add3A_550 : i32
          %gt3A_552 = arith.cmpi sgt, %add3A_549, %add3A_551 : i32
          %convert_element_type3A_553 = arith.extui %gt3A_552 : i1 to i32
          %cond3A_554 = arith.constant 0 : i32
          %cond3A_555 = arith.cmpi ne, %convert_element_type3A_553, %cond3A_554 : i32
          %cond3A_556 = scf.if %cond3A_555 -> (i32) {
            %jit3A_570 = arith.constant 128 : i32
            %div3A_571 = arith.divsi %while3A_544, %jit3A_570 : i32
            %sign3A_572 = arith.constant 0 : i32
            %sign3A_573 = arith.cmpi sgt, %while3A_544, %sign3A_572 : i32
            %sign3A_574 = arith.extui %sign3A_573 : i1 to i32
            %sign3A_575 = arith.constant 0 : i32
            %sign3A_576 = arith.cmpi slt, %while3A_544, %sign3A_575 : i32
            %sign3A_577 = arith.extui %sign3A_576 : i1 to i32
            %sign3A_578 = arith.subi %sign3A_574, %sign3A_577 : i32
            %sign3A_579 = arith.constant 0 : i32
            %sign3A_580 = arith.cmpi sgt, %jit3A_570, %sign3A_579 : i32
            %sign3A_581 = arith.extui %sign3A_580 : i1 to i32
            %sign3A_582 = arith.constant 0 : i32
            %sign3A_583 = arith.cmpi slt, %jit3A_570, %sign3A_582 : i32
            %sign3A_584 = arith.extui %sign3A_583 : i1 to i32
            %sign3A_585 = arith.subi %sign3A_581, %sign3A_584 : i32
            %ne3A_586 = arith.cmpi ne, %sign3A_578, %sign3A_585 : i32
            %rem3A_587 = arith.remsi %while3A_544, %jit3A_570 : i32
            %ne3A_588 = arith.constant 0 : i32
            %ne3A_589 = arith.cmpi ne, %rem3A_587, %ne3A_588 : i32
            %and3A_590 = arith.andi %ne3A_586, %ne3A_589 : i1
            %sub3A_591 = arith.constant 1 : i32
            %sub3A_592 = arith.subi %div3A_571, %sub3A_591 : i32
            %select_n3A_593 = arith.select %and3A_590, %sub3A_592, %div3A_571 : i32
            %mul3A_594 = arith.constant 128 : i32
            %mul3A_595 = arith.muli %select_n3A_593, %mul3A_594 : i32
            %min3A_596 = arith.constant 3195904 : i32
            %min3A_597 = arith.minsi %mul3A_595, %min3A_596 : i32
            %multiple_of3A_598 = tpu.assume_multiple %min3A_597, 128 : i32
            "tpu.region"() ({
              %run_scoped3A = tpu.sem_alloc : memref<!tpu.dma_semaphore, #tpu.memory_space<semaphore_mem>>
              %dma_start3A = arith.constant 0 : i32
              %dma_start3A_599 = tpu.memref_slice %arg3[%dma_start3A, %multiple_of3A_598] : memref<8x3200000xf32, #tpu.memory_space<hbm>> -> memref<8x4096xf32, #tpu.memory_space<hbm>>
              %dma_start3A_600 = arith.constant 0 : i32
              %dma_start3A_601 = tpu.memref_slice %arg3[%dma_start3A_600, %multiple_of3A_598] : memref<8x3200000xf32, #tpu.memory_space<hbm>> -> memref<8x4096xf32, #tpu.memory_space<hbm>>
              tpu.enqueue_dma source(%dma_start3A_601 : memref<8x4096xf32, #tpu.memory_space<hbm>>) target(%arg7 : memref<8x4096xf32, #tpu.memory_space<vmem>>) target_semaphore(%run_scoped3A : memref<!tpu.dma_semaphore, #tpu.memory_space<semaphore_mem>>)
              %dma_wait3A = arith.constant 0 : i32
              %dma_wait3A_602 = tpu.memref_slice %arg3[%dma_wait3A, %multiple_of3A_598] : memref<8x3200000xf32, #tpu.memory_space<hbm>> -> memref<8x4096xf32, #tpu.memory_space<hbm>>
              %dma_wait3A_603 = arith.constant 0 : i32
              %dma_wait3A_604 = tpu.memref_slice %arg3[%dma_wait3A_603, %multiple_of3A_598] : memref<8x3200000xf32, #tpu.memory_space<hbm>> -> memref<8x4096xf32, #tpu.memory_space<hbm>>
              tpu.wait_dma2 semaphore(%run_scoped3A : memref<!tpu.dma_semaphore, #tpu.memory_space<semaphore_mem>>) src(%dma_wait3A_604 : memref<8x4096xf32, #tpu.memory_space<hbm>>) dst(%arg7 : memref<8x4096xf32, #tpu.memory_space<vmem>>)
              tpu.yield
            }) : () -> ()
            scf.yield %multiple_of3A_598 : i32
          } else {
            scf.yield %while3A_545 : i32
          }
          %broadcast_in_dim3A_557 = vector.broadcast %while3A_544 : i32 to vector<16xi32>
          %add3A_558 = arith.addi %broadcast_in_dim3A_557, %iota3A : vector<16xi32>
          %broadcast_in_dim3A_559 = vector.broadcast %squeeze3A_338 : i32 to vector<16xi32>
          %lt3A_560 = arith.cmpi slt, %add3A_558, %broadcast_in_dim3A_559 : vector<16xi32>
          %broadcast_in_dim3A_561 = vector.broadcast %cond3A_556 : i32 to vector<16xi32>
          %sub3A_562 = arith.subi %add3A_558, %broadcast_in_dim3A_561 : vector<16xi32>
          %select_n3A_563 = arith.select %lt3A_560, %sub3A_562, %broadcast_in_dim3A_26 : vector<16xi1>, vector<16xi32>
          %gather3A = tpu.vector_load_idx %arg7[%broadcast_in_dim3A_26, %select_n3A_563] : memref<8x4096xf32, #tpu.memory_space<vmem>>[vector<16xi32>, vector<16xi32>], vector<16xf32>,
          %select_n3A_564 = arith.select %lt3A_560, %gather3A, %broadcast_in_dim3A_22 : vector<16xi1>, vector<16xf32>
          %gt3A_565 = arith.cmpf ogt, %select_n3A_564, %while3A_546 : vector<16xf32>
          %select_n3A_566 = arith.select %gt3A_565, %select_n3A_564, %while3A_546 : vector<16xi1>, vector<16xf32>
          %select_n3A_567 = arith.select %gt3A_565, %add3A_558, %while3A_547 : vector<16xi1>, vector<16xi32>
          %add3A_568 = arith.constant 16 : i32
          %add3A_569 = arith.addi %while3A_544, %add3A_568 : i32
          scf.yield %add3A_569, %cond3A_556, %select_n3A_566, %select_n3A_567 : i32, i32, vector<16xf32>, vector<16xi32>
        }
        %reduce_max3A_340 = arith.constant true
        %reduce_max3A_341 = vector.broadcast %reduce_max3A_340 : i1 to vector<16xi1>
        %reduce_max3A_342 = tpu.scan <max>, %while3A_339#2 masked %reduce_max3A_341 : vector<16xf32>, vector<16xi1> -> vector<16xf32>
        %reduce_max3A_343 = vector.extract %reduce_max3A_342[15] : f32 from vector<16xf32>
        %broadcast_in_dim3A_344 = vector.broadcast %reduce_max3A_343 : f32 to vector<16xf32>
        %eq3A_345 = arith.cmpf oeq, %while3A_339#2, %broadcast_in_dim3A_344 : vector<16xf32>
        %select_n3A_346 = arith.select %eq3A_345, %while3A_339#3, %broadcast_in_dim3A_24 : vector<16xi1>, vector<16xi32>
        %reduce_min3A_347 = arith.constant true
        %reduce_min3A_348 = vector.broadcast %reduce_min3A_347 : i1 to vector<16xi1>
        %reduce_min3A_349 = arith.constant -2147483648 : i32
        %reduce_min3A_350 = vector.broadcast %reduce_min3A_349 : i32 to vector<16xi32>
        %reduce_min3A_351 = arith.xori %select_n3A_346, %reduce_min3A_350 : vector<16xi32>
        %reduce_min3A_352 = tpu.scan <min>, %reduce_min3A_351 masked %reduce_min3A_348 : vector<16xi32>, vector<16xi1> -> vector<16xi32>
        %reduce_min3A_353 = arith.xori %reduce_min3A_352, %reduce_min3A_350 : vector<16xi32>
        %reduce_min3A_354 = vector.extract %reduce_min3A_353[15] : i32 from vector<16xi32>
        %eq3A_355 = arith.constant 8 : i32
        %eq3A_356 = vector.broadcast %eq3A_355 : i32 to vector<16xi32>
        %eq3A_357 = arith.cmpi eq, %iota3A, %eq3A_356 : vector<16xi32>
        %broadcast_in_dim3A_358 = vector.broadcast %reduce_min3A_354 : i32 to vector<16xi32>
        %select_n3A_359 = arith.select %eq3A_357, %broadcast_in_dim3A_358, %select_n3A_334 : vector<16xi1>, vector<16xi32>
        %slice3A_360 = vector.extract_strided_slice %get3A_105 {offsets = [9], sizes = [1], strides = [1]} : vector<16xi32> to vector<1xi32>
        %squeeze3A_361 = vector.extract %slice3A_360[0] : i32 from vector<1xi32>
        %slice3A_362 = vector.extract_strided_slice %select_n3A_115 {offsets = [9], sizes = [1], strides = [1]} : vector<16xi32> to vector<1xi32>
        %squeeze3A_363 = vector.extract %slice3A_362[0] : i32 from vector<1xi32>
        %while3A_364:4 = scf.while (%while3A_544 = %squeeze3A_361, %while3A_545 = %while3A_339#1, %while3A_546 = %broadcast_in_dim3A_22, %while3A_547 = %broadcast_in_dim3A_24) : (i32, i32, vector<16xf32>, vector<16xi32>) -> (i32, i32, vector<16xf32>, vector<16xi32>) {
          %lt3A_548 = arith.cmpi slt, %while3A_544, %squeeze3A_363 : i32
          scf.condition(%lt3A_548) %while3A_544, %while3A_545, %while3A_546, %while3A_547 : i32, i32, vector<16xf32>, vector<16xi32>
        } do {
        ^bb0(%while3A_544: i32, %while3A_545: i32, %while3A_546: vector<16xf32>, %while3A_547: vector<16xi32>):
          %add3A_548 = arith.constant 16 : i32
          %add3A_549 = arith.addi %while3A_544, %add3A_548 : i32
          %add3A_550 = arith.constant 4096 : i32
          %add3A_551 = arith.addi %while3A_545, %add3A_550 : i32
          %gt3A_552 = arith.cmpi sgt, %add3A_549, %add3A_551 : i32
          %convert_element_type3A_553 = arith.extui %gt3A_552 : i1 to i32
          %cond3A_554 = arith.constant 0 : i32
          %cond3A_555 = arith.cmpi ne, %convert_element_type3A_553, %cond3A_554 : i32
          %cond3A_556 = scf.if %cond3A_555 -> (i32) {
            %jit3A_570 = arith.constant 128 : i32
            %div3A_571 = arith.divsi %while3A_544, %jit3A_570 : i32
            %sign3A_572 = arith.constant 0 : i32
            %sign3A_573 = arith.cmpi sgt, %while3A_544, %sign3A_572 : i32
            %sign3A_574 = arith.extui %sign3A_573 : i1 to i32
            %sign3A_575 = arith.constant 0 : i32
            %sign3A_576 = arith.cmpi slt, %while3A_544, %sign3A_575 : i32
            %sign3A_577 = arith.extui %sign3A_576 : i1 to i32
            %sign3A_578 = arith.subi %sign3A_574, %sign3A_577 : i32
            %sign3A_579 = arith.constant 0 : i32
            %sign3A_580 = arith.cmpi sgt, %jit3A_570, %sign3A_579 : i32
            %sign3A_581 = arith.extui %sign3A_580 : i1 to i32
            %sign3A_582 = arith.constant 0 : i32
            %sign3A_583 = arith.cmpi slt, %jit3A_570, %sign3A_582 : i32
            %sign3A_584 = arith.extui %sign3A_583 : i1 to i32
            %sign3A_585 = arith.subi %sign3A_581, %sign3A_584 : i32
            %ne3A_586 = arith.cmpi ne, %sign3A_578, %sign3A_585 : i32
            %rem3A_587 = arith.remsi %while3A_544, %jit3A_570 : i32
            %ne3A_588 = arith.constant 0 : i32
            %ne3A_589 = arith.cmpi ne, %rem3A_587, %ne3A_588 : i32
            %and3A_590 = arith.andi %ne3A_586, %ne3A_589 : i1
            %sub3A_591 = arith.constant 1 : i32
            %sub3A_592 = arith.subi %div3A_571, %sub3A_591 : i32
            %select_n3A_593 = arith.select %and3A_590, %sub3A_592, %div3A_571 : i32
            %mul3A_594 = arith.constant 128 : i32
            %mul3A_595 = arith.muli %select_n3A_593, %mul3A_594 : i32
            %min3A_596 = arith.constant 3195904 : i32
            %min3A_597 = arith.minsi %mul3A_595, %min3A_596 : i32
            %multiple_of3A_598 = tpu.assume_multiple %min3A_597, 128 : i32
            "tpu.region"() ({
              %run_scoped3A = tpu.sem_alloc : memref<!tpu.dma_semaphore, #tpu.memory_space<semaphore_mem>>
              %dma_start3A = arith.constant 0 : i32
              %dma_start3A_599 = tpu.memref_slice %arg3[%dma_start3A, %multiple_of3A_598] : memref<8x3200000xf32, #tpu.memory_space<hbm>> -> memref<8x4096xf32, #tpu.memory_space<hbm>>
              %dma_start3A_600 = arith.constant 0 : i32
              %dma_start3A_601 = tpu.memref_slice %arg3[%dma_start3A_600, %multiple_of3A_598] : memref<8x3200000xf32, #tpu.memory_space<hbm>> -> memref<8x4096xf32, #tpu.memory_space<hbm>>
              tpu.enqueue_dma source(%dma_start3A_601 : memref<8x4096xf32, #tpu.memory_space<hbm>>) target(%arg7 : memref<8x4096xf32, #tpu.memory_space<vmem>>) target_semaphore(%run_scoped3A : memref<!tpu.dma_semaphore, #tpu.memory_space<semaphore_mem>>)
              %dma_wait3A = arith.constant 0 : i32
              %dma_wait3A_602 = tpu.memref_slice %arg3[%dma_wait3A, %multiple_of3A_598] : memref<8x3200000xf32, #tpu.memory_space<hbm>> -> memref<8x4096xf32, #tpu.memory_space<hbm>>
              %dma_wait3A_603 = arith.constant 0 : i32
              %dma_wait3A_604 = tpu.memref_slice %arg3[%dma_wait3A_603, %multiple_of3A_598] : memref<8x3200000xf32, #tpu.memory_space<hbm>> -> memref<8x4096xf32, #tpu.memory_space<hbm>>
              tpu.wait_dma2 semaphore(%run_scoped3A : memref<!tpu.dma_semaphore, #tpu.memory_space<semaphore_mem>>) src(%dma_wait3A_604 : memref<8x4096xf32, #tpu.memory_space<hbm>>) dst(%arg7 : memref<8x4096xf32, #tpu.memory_space<vmem>>)
              tpu.yield
            }) : () -> ()
            scf.yield %multiple_of3A_598 : i32
          } else {
            scf.yield %while3A_545 : i32
          }
          %broadcast_in_dim3A_557 = vector.broadcast %while3A_544 : i32 to vector<16xi32>
          %add3A_558 = arith.addi %broadcast_in_dim3A_557, %iota3A : vector<16xi32>
          %broadcast_in_dim3A_559 = vector.broadcast %squeeze3A_363 : i32 to vector<16xi32>
          %lt3A_560 = arith.cmpi slt, %add3A_558, %broadcast_in_dim3A_559 : vector<16xi32>
          %broadcast_in_dim3A_561 = vector.broadcast %cond3A_556 : i32 to vector<16xi32>
          %sub3A_562 = arith.subi %add3A_558, %broadcast_in_dim3A_561 : vector<16xi32>
          %select_n3A_563 = arith.select %lt3A_560, %sub3A_562, %broadcast_in_dim3A_26 : vector<16xi1>, vector<16xi32>
          %gather3A = tpu.vector_load_idx %arg7[%broadcast_in_dim3A_26, %select_n3A_563] : memref<8x4096xf32, #tpu.memory_space<vmem>>[vector<16xi32>, vector<16xi32>], vector<16xf32>,
          %select_n3A_564 = arith.select %lt3A_560, %gather3A, %broadcast_in_dim3A_22 : vector<16xi1>, vector<16xf32>
          %gt3A_565 = arith.cmpf ogt, %select_n3A_564, %while3A_546 : vector<16xf32>
          %select_n3A_566 = arith.select %gt3A_565, %select_n3A_564, %while3A_546 : vector<16xi1>, vector<16xf32>
          %select_n3A_567 = arith.select %gt3A_565, %add3A_558, %while3A_547 : vector<16xi1>, vector<16xi32>
          %add3A_568 = arith.constant 16 : i32
          %add3A_569 = arith.addi %while3A_544, %add3A_568 : i32
          scf.yield %add3A_569, %cond3A_556, %select_n3A_566, %select_n3A_567 : i32, i32, vector<16xf32>, vector<16xi32>
        }
        %reduce_max3A_365 = arith.constant true
        %reduce_max3A_366 = vector.broadcast %reduce_max3A_365 : i1 to vector<16xi1>
        %reduce_max3A_367 = tpu.scan <max>, %while3A_364#2 masked %reduce_max3A_366 : vector<16xf32>, vector<16xi1> -> vector<16xf32>
        %reduce_max3A_368 = vector.extract %reduce_max3A_367[15] : f32 from vector<16xf32>
        %broadcast_in_dim3A_369 = vector.broadcast %reduce_max3A_368 : f32 to vector<16xf32>
        %eq3A_370 = arith.cmpf oeq, %while3A_364#2, %broadcast_in_dim3A_369 : vector<16xf32>
        %select_n3A_371 = arith.select %eq3A_370, %while3A_364#3, %broadcast_in_dim3A_24 : vector<16xi1>, vector<16xi32>
        %reduce_min3A_372 = arith.constant true
        %reduce_min3A_373 = vector.broadcast %reduce_min3A_372 : i1 to vector<16xi1>
        %reduce_min3A_374 = arith.constant -2147483648 : i32
        %reduce_min3A_375 = vector.broadcast %reduce_min3A_374 : i32 to vector<16xi32>
        %reduce_min3A_376 = arith.xori %select_n3A_371, %reduce_min3A_375 : vector<16xi32>
        %reduce_min3A_377 = tpu.scan <min>, %reduce_min3A_376 masked %reduce_min3A_373 : vector<16xi32>, vector<16xi1> -> vector<16xi32>
        %reduce_min3A_378 = arith.xori %reduce_min3A_377, %reduce_min3A_375 : vector<16xi32>
        %reduce_min3A_379 = vector.extract %reduce_min3A_378[15] : i32 from vector<16xi32>
        %eq3A_380 = arith.constant 9 : i32
        %eq3A_381 = vector.broadcast %eq3A_380 : i32 to vector<16xi32>
        %eq3A_382 = arith.cmpi eq, %iota3A, %eq3A_381 : vector<16xi32>
        %broadcast_in_dim3A_383 = vector.broadcast %reduce_min3A_379 : i32 to vector<16xi32>
        %select_n3A_384 = arith.select %eq3A_382, %broadcast_in_dim3A_383, %select_n3A_359 : vector<16xi1>, vector<16xi32>
        %slice3A_385 = vector.extract_strided_slice %get3A_105 {offsets = [10], sizes = [1], strides = [1]} : vector<16xi32> to vector<1xi32>
        %squeeze3A_386 = vector.extract %slice3A_385[0] : i32 from vector<1xi32>
        %slice3A_387 = vector.extract_strided_slice %select_n3A_115 {offsets = [10], sizes = [1], strides = [1]} : vector<16xi32> to vector<1xi32>
        %squeeze3A_388 = vector.extract %slice3A_387[0] : i32 from vector<1xi32>
        %while3A_389:4 = scf.while (%while3A_544 = %squeeze3A_386, %while3A_545 = %while3A_364#1, %while3A_546 = %broadcast_in_dim3A_22, %while3A_547 = %broadcast_in_dim3A_24) : (i32, i32, vector<16xf32>, vector<16xi32>) -> (i32, i32, vector<16xf32>, vector<16xi32>) {
          %lt3A_548 = arith.cmpi slt, %while3A_544, %squeeze3A_388 : i32
          scf.condition(%lt3A_548) %while3A_544, %while3A_545, %while3A_546, %while3A_547 : i32, i32, vector<16xf32>, vector<16xi32>
        } do {
        ^bb0(%while3A_544: i32, %while3A_545: i32, %while3A_546: vector<16xf32>, %while3A_547: vector<16xi32>):
          %add3A_548 = arith.constant 16 : i32
          %add3A_549 = arith.addi %while3A_544, %add3A_548 : i32
          %add3A_550 = arith.constant 4096 : i32
          %add3A_551 = arith.addi %while3A_545, %add3A_550 : i32
          %gt3A_552 = arith.cmpi sgt, %add3A_549, %add3A_551 : i32
          %convert_element_type3A_553 = arith.extui %gt3A_552 : i1 to i32
          %cond3A_554 = arith.constant 0 : i32
          %cond3A_555 = arith.cmpi ne, %convert_element_type3A_553, %cond3A_554 : i32
          %cond3A_556 = scf.if %cond3A_555 -> (i32) {
            %jit3A_570 = arith.constant 128 : i32
            %div3A_571 = arith.divsi %while3A_544, %jit3A_570 : i32
            %sign3A_572 = arith.constant 0 : i32
            %sign3A_573 = arith.cmpi sgt, %while3A_544, %sign3A_572 : i32
            %sign3A_574 = arith.extui %sign3A_573 : i1 to i32
            %sign3A_575 = arith.constant 0 : i32
            %sign3A_576 = arith.cmpi slt, %while3A_544, %sign3A_575 : i32
            %sign3A_577 = arith.extui %sign3A_576 : i1 to i32
            %sign3A_578 = arith.subi %sign3A_574, %sign3A_577 : i32
            %sign3A_579 = arith.constant 0 : i32
            %sign3A_580 = arith.cmpi sgt, %jit3A_570, %sign3A_579 : i32
            %sign3A_581 = arith.extui %sign3A_580 : i1 to i32
            %sign3A_582 = arith.constant 0 : i32
            %sign3A_583 = arith.cmpi slt, %jit3A_570, %sign3A_582 : i32
            %sign3A_584 = arith.extui %sign3A_583 : i1 to i32
            %sign3A_585 = arith.subi %sign3A_581, %sign3A_584 : i32
            %ne3A_586 = arith.cmpi ne, %sign3A_578, %sign3A_585 : i32
            %rem3A_587 = arith.remsi %while3A_544, %jit3A_570 : i32
            %ne3A_588 = arith.constant 0 : i32
            %ne3A_589 = arith.cmpi ne, %rem3A_587, %ne3A_588 : i32
            %and3A_590 = arith.andi %ne3A_586, %ne3A_589 : i1
            %sub3A_591 = arith.constant 1 : i32
            %sub3A_592 = arith.subi %div3A_571, %sub3A_591 : i32
            %select_n3A_593 = arith.select %and3A_590, %sub3A_592, %div3A_571 : i32
            %mul3A_594 = arith.constant 128 : i32
            %mul3A_595 = arith.muli %select_n3A_593, %mul3A_594 : i32
            %min3A_596 = arith.constant 3195904 : i32
            %min3A_597 = arith.minsi %mul3A_595, %min3A_596 : i32
            %multiple_of3A_598 = tpu.assume_multiple %min3A_597, 128 : i32
            "tpu.region"() ({
              %run_scoped3A = tpu.sem_alloc : memref<!tpu.dma_semaphore, #tpu.memory_space<semaphore_mem>>
              %dma_start3A = arith.constant 0 : i32
              %dma_start3A_599 = tpu.memref_slice %arg3[%dma_start3A, %multiple_of3A_598] : memref<8x3200000xf32, #tpu.memory_space<hbm>> -> memref<8x4096xf32, #tpu.memory_space<hbm>>
              %dma_start3A_600 = arith.constant 0 : i32
              %dma_start3A_601 = tpu.memref_slice %arg3[%dma_start3A_600, %multiple_of3A_598] : memref<8x3200000xf32, #tpu.memory_space<hbm>> -> memref<8x4096xf32, #tpu.memory_space<hbm>>
              tpu.enqueue_dma source(%dma_start3A_601 : memref<8x4096xf32, #tpu.memory_space<hbm>>) target(%arg7 : memref<8x4096xf32, #tpu.memory_space<vmem>>) target_semaphore(%run_scoped3A : memref<!tpu.dma_semaphore, #tpu.memory_space<semaphore_mem>>)
              %dma_wait3A = arith.constant 0 : i32
              %dma_wait3A_602 = tpu.memref_slice %arg3[%dma_wait3A, %multiple_of3A_598] : memref<8x3200000xf32, #tpu.memory_space<hbm>> -> memref<8x4096xf32, #tpu.memory_space<hbm>>
              %dma_wait3A_603 = arith.constant 0 : i32
              %dma_wait3A_604 = tpu.memref_slice %arg3[%dma_wait3A_603, %multiple_of3A_598] : memref<8x3200000xf32, #tpu.memory_space<hbm>> -> memref<8x4096xf32, #tpu.memory_space<hbm>>
              tpu.wait_dma2 semaphore(%run_scoped3A : memref<!tpu.dma_semaphore, #tpu.memory_space<semaphore_mem>>) src(%dma_wait3A_604 : memref<8x4096xf32, #tpu.memory_space<hbm>>) dst(%arg7 : memref<8x4096xf32, #tpu.memory_space<vmem>>)
              tpu.yield
            }) : () -> ()
            scf.yield %multiple_of3A_598 : i32
          } else {
            scf.yield %while3A_545 : i32
          }
          %broadcast_in_dim3A_557 = vector.broadcast %while3A_544 : i32 to vector<16xi32>
          %add3A_558 = arith.addi %broadcast_in_dim3A_557, %iota3A : vector<16xi32>
          %broadcast_in_dim3A_559 = vector.broadcast %squeeze3A_388 : i32 to vector<16xi32>
          %lt3A_560 = arith.cmpi slt, %add3A_558, %broadcast_in_dim3A_559 : vector<16xi32>
          %broadcast_in_dim3A_561 = vector.broadcast %cond3A_556 : i32 to vector<16xi32>
          %sub3A_562 = arith.subi %add3A_558, %broadcast_in_dim3A_561 : vector<16xi32>
          %select_n3A_563 = arith.select %lt3A_560, %sub3A_562, %broadcast_in_dim3A_26 : vector<16xi1>, vector<16xi32>
          %gather3A = tpu.vector_load_idx %arg7[%broadcast_in_dim3A_26, %select_n3A_563] : memref<8x4096xf32, #tpu.memory_space<vmem>>[vector<16xi32>, vector<16xi32>], vector<16xf32>,
          %select_n3A_564 = arith.select %lt3A_560, %gather3A, %broadcast_in_dim3A_22 : vector<16xi1>, vector<16xf32>
          %gt3A_565 = arith.cmpf ogt, %select_n3A_564, %while3A_546 : vector<16xf32>
          %select_n3A_566 = arith.select %gt3A_565, %select_n3A_564, %while3A_546 : vector<16xi1>, vector<16xf32>
          %select_n3A_567 = arith.select %gt3A_565, %add3A_558, %while3A_547 : vector<16xi1>, vector<16xi32>
          %add3A_568 = arith.constant 16 : i32
          %add3A_569 = arith.addi %while3A_544, %add3A_568 : i32
          scf.yield %add3A_569, %cond3A_556, %select_n3A_566, %select_n3A_567 : i32, i32, vector<16xf32>, vector<16xi32>
        }
        %reduce_max3A_390 = arith.constant true
        %reduce_max3A_391 = vector.broadcast %reduce_max3A_390 : i1 to vector<16xi1>
        %reduce_max3A_392 = tpu.scan <max>, %while3A_389#2 masked %reduce_max3A_391 : vector<16xf32>, vector<16xi1> -> vector<16xf32>
        %reduce_max3A_393 = vector.extract %reduce_max3A_392[15] : f32 from vector<16xf32>
        %broadcast_in_dim3A_394 = vector.broadcast %reduce_max3A_393 : f32 to vector<16xf32>
        %eq3A_395 = arith.cmpf oeq, %while3A_389#2, %broadcast_in_dim3A_394 : vector<16xf32>
        %select_n3A_396 = arith.select %eq3A_395, %while3A_389#3, %broadcast_in_dim3A_24 : vector<16xi1>, vector<16xi32>
        %reduce_min3A_397 = arith.constant true
        %reduce_min3A_398 = vector.broadcast %reduce_min3A_397 : i1 to vector<16xi1>
        %reduce_min3A_399 = arith.constant -2147483648 : i32
        %reduce_min3A_400 = vector.broadcast %reduce_min3A_399 : i32 to vector<16xi32>
        %reduce_min3A_401 = arith.xori %select_n3A_396, %reduce_min3A_400 : vector<16xi32>
        %reduce_min3A_402 = tpu.scan <min>, %reduce_min3A_401 masked %reduce_min3A_398 : vector<16xi32>, vector<16xi1> -> vector<16xi32>
        %reduce_min3A_403 = arith.xori %reduce_min3A_402, %reduce_min3A_400 : vector<16xi32>
        %reduce_min3A_404 = vector.extract %reduce_min3A_403[15] : i32 from vector<16xi32>
        %eq3A_405 = arith.constant 10 : i32
        %eq3A_406 = vector.broadcast %eq3A_405 : i32 to vector<16xi32>
        %eq3A_407 = arith.cmpi eq, %iota3A, %eq3A_406 : vector<16xi32>
        %broadcast_in_dim3A_408 = vector.broadcast %reduce_min3A_404 : i32 to vector<16xi32>
        %select_n3A_409 = arith.select %eq3A_407, %broadcast_in_dim3A_408, %select_n3A_384 : vector<16xi1>, vector<16xi32>
        %slice3A_410 = vector.extract_strided_slice %get3A_105 {offsets = [11], sizes = [1], strides = [1]} : vector<16xi32> to vector<1xi32>
        %squeeze3A_411 = vector.extract %slice3A_410[0] : i32 from vector<1xi32>
        %slice3A_412 = vector.extract_strided_slice %select_n3A_115 {offsets = [11], sizes = [1], strides = [1]} : vector<16xi32> to vector<1xi32>
        %squeeze3A_413 = vector.extract %slice3A_412[0] : i32 from vector<1xi32>
        %while3A_414:4 = scf.while (%while3A_544 = %squeeze3A_411, %while3A_545 = %while3A_389#1, %while3A_546 = %broadcast_in_dim3A_22, %while3A_547 = %broadcast_in_dim3A_24) : (i32, i32, vector<16xf32>, vector<16xi32>) -> (i32, i32, vector<16xf32>, vector<16xi32>) {
          %lt3A_548 = arith.cmpi slt, %while3A_544, %squeeze3A_413 : i32
          scf.condition(%lt3A_548) %while3A_544, %while3A_545, %while3A_546, %while3A_547 : i32, i32, vector<16xf32>, vector<16xi32>
        } do {
        ^bb0(%while3A_544: i32, %while3A_545: i32, %while3A_546: vector<16xf32>, %while3A_547: vector<16xi32>):
          %add3A_548 = arith.constant 16 : i32
          %add3A_549 = arith.addi %while3A_544, %add3A_548 : i32
          %add3A_550 = arith.constant 4096 : i32
          %add3A_551 = arith.addi %while3A_545, %add3A_550 : i32
          %gt3A_552 = arith.cmpi sgt, %add3A_549, %add3A_551 : i32
          %convert_element_type3A_553 = arith.extui %gt3A_552 : i1 to i32
          %cond3A_554 = arith.constant 0 : i32
          %cond3A_555 = arith.cmpi ne, %convert_element_type3A_553, %cond3A_554 : i32
          %cond3A_556 = scf.if %cond3A_555 -> (i32) {
            %jit3A_570 = arith.constant 128 : i32
            %div3A_571 = arith.divsi %while3A_544, %jit3A_570 : i32
            %sign3A_572 = arith.constant 0 : i32
            %sign3A_573 = arith.cmpi sgt, %while3A_544, %sign3A_572 : i32
            %sign3A_574 = arith.extui %sign3A_573 : i1 to i32
            %sign3A_575 = arith.constant 0 : i32
            %sign3A_576 = arith.cmpi slt, %while3A_544, %sign3A_575 : i32
            %sign3A_577 = arith.extui %sign3A_576 : i1 to i32
            %sign3A_578 = arith.subi %sign3A_574, %sign3A_577 : i32
            %sign3A_579 = arith.constant 0 : i32
            %sign3A_580 = arith.cmpi sgt, %jit3A_570, %sign3A_579 : i32
            %sign3A_581 = arith.extui %sign3A_580 : i1 to i32
            %sign3A_582 = arith.constant 0 : i32
            %sign3A_583 = arith.cmpi slt, %jit3A_570, %sign3A_582 : i32
            %sign3A_584 = arith.extui %sign3A_583 : i1 to i32
            %sign3A_585 = arith.subi %sign3A_581, %sign3A_584 : i32
            %ne3A_586 = arith.cmpi ne, %sign3A_578, %sign3A_585 : i32
            %rem3A_587 = arith.remsi %while3A_544, %jit3A_570 : i32
            %ne3A_588 = arith.constant 0 : i32
            %ne3A_589 = arith.cmpi ne, %rem3A_587, %ne3A_588 : i32
            %and3A_590 = arith.andi %ne3A_586, %ne3A_589 : i1
            %sub3A_591 = arith.constant 1 : i32
            %sub3A_592 = arith.subi %div3A_571, %sub3A_591 : i32
            %select_n3A_593 = arith.select %and3A_590, %sub3A_592, %div3A_571 : i32
            %mul3A_594 = arith.constant 128 : i32
            %mul3A_595 = arith.muli %select_n3A_593, %mul3A_594 : i32
            %min3A_596 = arith.constant 3195904 : i32
            %min3A_597 = arith.minsi %mul3A_595, %min3A_596 : i32
            %multiple_of3A_598 = tpu.assume_multiple %min3A_597, 128 : i32
            "tpu.region"() ({
              %run_scoped3A = tpu.sem_alloc : memref<!tpu.dma_semaphore, #tpu.memory_space<semaphore_mem>>
              %dma_start3A = arith.constant 0 : i32
              %dma_start3A_599 = tpu.memref_slice %arg3[%dma_start3A, %multiple_of3A_598] : memref<8x3200000xf32, #tpu.memory_space<hbm>> -> memref<8x4096xf32, #tpu.memory_space<hbm>>
              %dma_start3A_600 = arith.constant 0 : i32
              %dma_start3A_601 = tpu.memref_slice %arg3[%dma_start3A_600, %multiple_of3A_598] : memref<8x3200000xf32, #tpu.memory_space<hbm>> -> memref<8x4096xf32, #tpu.memory_space<hbm>>
              tpu.enqueue_dma source(%dma_start3A_601 : memref<8x4096xf32, #tpu.memory_space<hbm>>) target(%arg7 : memref<8x4096xf32, #tpu.memory_space<vmem>>) target_semaphore(%run_scoped3A : memref<!tpu.dma_semaphore, #tpu.memory_space<semaphore_mem>>)
              %dma_wait3A = arith.constant 0 : i32
              %dma_wait3A_602 = tpu.memref_slice %arg3[%dma_wait3A, %multiple_of3A_598] : memref<8x3200000xf32, #tpu.memory_space<hbm>> -> memref<8x4096xf32, #tpu.memory_space<hbm>>
              %dma_wait3A_603 = arith.constant 0 : i32
              %dma_wait3A_604 = tpu.memref_slice %arg3[%dma_wait3A_603, %multiple_of3A_598] : memref<8x3200000xf32, #tpu.memory_space<hbm>> -> memref<8x4096xf32, #tpu.memory_space<hbm>>
              tpu.wait_dma2 semaphore(%run_scoped3A : memref<!tpu.dma_semaphore, #tpu.memory_space<semaphore_mem>>) src(%dma_wait3A_604 : memref<8x4096xf32, #tpu.memory_space<hbm>>) dst(%arg7 : memref<8x4096xf32, #tpu.memory_space<vmem>>)
              tpu.yield
            }) : () -> ()
            scf.yield %multiple_of3A_598 : i32
          } else {
            scf.yield %while3A_545 : i32
          }
          %broadcast_in_dim3A_557 = vector.broadcast %while3A_544 : i32 to vector<16xi32>
          %add3A_558 = arith.addi %broadcast_in_dim3A_557, %iota3A : vector<16xi32>
          %broadcast_in_dim3A_559 = vector.broadcast %squeeze3A_413 : i32 to vector<16xi32>
          %lt3A_560 = arith.cmpi slt, %add3A_558, %broadcast_in_dim3A_559 : vector<16xi32>
          %broadcast_in_dim3A_561 = vector.broadcast %cond3A_556 : i32 to vector<16xi32>
          %sub3A_562 = arith.subi %add3A_558, %broadcast_in_dim3A_561 : vector<16xi32>
          %select_n3A_563 = arith.select %lt3A_560, %sub3A_562, %broadcast_in_dim3A_26 : vector<16xi1>, vector<16xi32>
          %gather3A = tpu.vector_load_idx %arg7[%broadcast_in_dim3A_26, %select_n3A_563] : memref<8x4096xf32, #tpu.memory_space<vmem>>[vector<16xi32>, vector<16xi32>], vector<16xf32>,
          %select_n3A_564 = arith.select %lt3A_560, %gather3A, %broadcast_in_dim3A_22 : vector<16xi1>, vector<16xf32>
          %gt3A_565 = arith.cmpf ogt, %select_n3A_564, %while3A_546 : vector<16xf32>
          %select_n3A_566 = arith.select %gt3A_565, %select_n3A_564, %while3A_546 : vector<16xi1>, vector<16xf32>
          %select_n3A_567 = arith.select %gt3A_565, %add3A_558, %while3A_547 : vector<16xi1>, vector<16xi32>
          %add3A_568 = arith.constant 16 : i32
          %add3A_569 = arith.addi %while3A_544, %add3A_568 : i32
          scf.yield %add3A_569, %cond3A_556, %select_n3A_566, %select_n3A_567 : i32, i32, vector<16xf32>, vector<16xi32>
        }
        %reduce_max3A_415 = arith.constant true
        %reduce_max3A_416 = vector.broadcast %reduce_max3A_415 : i1 to vector<16xi1>
        %reduce_max3A_417 = tpu.scan <max>, %while3A_414#2 masked %reduce_max3A_416 : vector<16xf32>, vector<16xi1> -> vector<16xf32>
        %reduce_max3A_418 = vector.extract %reduce_max3A_417[15] : f32 from vector<16xf32>
        %broadcast_in_dim3A_419 = vector.broadcast %reduce_max3A_418 : f32 to vector<16xf32>
        %eq3A_420 = arith.cmpf oeq, %while3A_414#2, %broadcast_in_dim3A_419 : vector<16xf32>
        %select_n3A_421 = arith.select %eq3A_420, %while3A_414#3, %broadcast_in_dim3A_24 : vector<16xi1>, vector<16xi32>
        %reduce_min3A_422 = arith.constant true
        %reduce_min3A_423 = vector.broadcast %reduce_min3A_422 : i1 to vector<16xi1>
        %reduce_min3A_424 = arith.constant -2147483648 : i32
        %reduce_min3A_425 = vector.broadcast %reduce_min3A_424 : i32 to vector<16xi32>
        %reduce_min3A_426 = arith.xori %select_n3A_421, %reduce_min3A_425 : vector<16xi32>
        %reduce_min3A_427 = tpu.scan <min>, %reduce_min3A_426 masked %reduce_min3A_423 : vector<16xi32>, vector<16xi1> -> vector<16xi32>
        %reduce_min3A_428 = arith.xori %reduce_min3A_427, %reduce_min3A_425 : vector<16xi32>
        %reduce_min3A_429 = vector.extract %reduce_min3A_428[15] : i32 from vector<16xi32>
        %eq3A_430 = arith.constant 11 : i32
        %eq3A_431 = vector.broadcast %eq3A_430 : i32 to vector<16xi32>
        %eq3A_432 = arith.cmpi eq, %iota3A, %eq3A_431 : vector<16xi32>
        %broadcast_in_dim3A_433 = vector.broadcast %reduce_min3A_429 : i32 to vector<16xi32>
        %select_n3A_434 = arith.select %eq3A_432, %broadcast_in_dim3A_433, %select_n3A_409 : vector<16xi1>, vector<16xi32>
        %slice3A_435 = vector.extract_strided_slice %get3A_105 {offsets = [12], sizes = [1], strides = [1]} : vector<16xi32> to vector<1xi32>
        %squeeze3A_436 = vector.extract %slice3A_435[0] : i32 from vector<1xi32>
        %slice3A_437 = vector.extract_strided_slice %select_n3A_115 {offsets = [12], sizes = [1], strides = [1]} : vector<16xi32> to vector<1xi32>
        %squeeze3A_438 = vector.extract %slice3A_437[0] : i32 from vector<1xi32>
        %while3A_439:4 = scf.while (%while3A_544 = %squeeze3A_436, %while3A_545 = %while3A_414#1, %while3A_546 = %broadcast_in_dim3A_22, %while3A_547 = %broadcast_in_dim3A_24) : (i32, i32, vector<16xf32>, vector<16xi32>) -> (i32, i32, vector<16xf32>, vector<16xi32>) {
          %lt3A_548 = arith.cmpi slt, %while3A_544, %squeeze3A_438 : i32
          scf.condition(%lt3A_548) %while3A_544, %while3A_545, %while3A_546, %while3A_547 : i32, i32, vector<16xf32>, vector<16xi32>
        } do {
        ^bb0(%while3A_544: i32, %while3A_545: i32, %while3A_546: vector<16xf32>, %while3A_547: vector<16xi32>):
          %add3A_548 = arith.constant 16 : i32
          %add3A_549 = arith.addi %while3A_544, %add3A_548 : i32
          %add3A_550 = arith.constant 4096 : i32
          %add3A_551 = arith.addi %while3A_545, %add3A_550 : i32
          %gt3A_552 = arith.cmpi sgt, %add3A_549, %add3A_551 : i32
          %convert_element_type3A_553 = arith.extui %gt3A_552 : i1 to i32
          %cond3A_554 = arith.constant 0 : i32
          %cond3A_555 = arith.cmpi ne, %convert_element_type3A_553, %cond3A_554 : i32
          %cond3A_556 = scf.if %cond3A_555 -> (i32) {
            %jit3A_570 = arith.constant 128 : i32
            %div3A_571 = arith.divsi %while3A_544, %jit3A_570 : i32
            %sign3A_572 = arith.constant 0 : i32
            %sign3A_573 = arith.cmpi sgt, %while3A_544, %sign3A_572 : i32
            %sign3A_574 = arith.extui %sign3A_573 : i1 to i32
            %sign3A_575 = arith.constant 0 : i32
            %sign3A_576 = arith.cmpi slt, %while3A_544, %sign3A_575 : i32
            %sign3A_577 = arith.extui %sign3A_576 : i1 to i32
            %sign3A_578 = arith.subi %sign3A_574, %sign3A_577 : i32
            %sign3A_579 = arith.constant 0 : i32
            %sign3A_580 = arith.cmpi sgt, %jit3A_570, %sign3A_579 : i32
            %sign3A_581 = arith.extui %sign3A_580 : i1 to i32
            %sign3A_582 = arith.constant 0 : i32
            %sign3A_583 = arith.cmpi slt, %jit3A_570, %sign3A_582 : i32
            %sign3A_584 = arith.extui %sign3A_583 : i1 to i32
            %sign3A_585 = arith.subi %sign3A_581, %sign3A_584 : i32
            %ne3A_586 = arith.cmpi ne, %sign3A_578, %sign3A_585 : i32
            %rem3A_587 = arith.remsi %while3A_544, %jit3A_570 : i32
            %ne3A_588 = arith.constant 0 : i32
            %ne3A_589 = arith.cmpi ne, %rem3A_587, %ne3A_588 : i32
            %and3A_590 = arith.andi %ne3A_586, %ne3A_589 : i1
            %sub3A_591 = arith.constant 1 : i32
            %sub3A_592 = arith.subi %div3A_571, %sub3A_591 : i32
            %select_n3A_593 = arith.select %and3A_590, %sub3A_592, %div3A_571 : i32
            %mul3A_594 = arith.constant 128 : i32
            %mul3A_595 = arith.muli %select_n3A_593, %mul3A_594 : i32
            %min3A_596 = arith.constant 3195904 : i32
            %min3A_597 = arith.minsi %mul3A_595, %min3A_596 : i32
            %multiple_of3A_598 = tpu.assume_multiple %min3A_597, 128 : i32
            "tpu.region"() ({
              %run_scoped3A = tpu.sem_alloc : memref<!tpu.dma_semaphore, #tpu.memory_space<semaphore_mem>>
              %dma_start3A = arith.constant 0 : i32
              %dma_start3A_599 = tpu.memref_slice %arg3[%dma_start3A, %multiple_of3A_598] : memref<8x3200000xf32, #tpu.memory_space<hbm>> -> memref<8x4096xf32, #tpu.memory_space<hbm>>
              %dma_start3A_600 = arith.constant 0 : i32
              %dma_start3A_601 = tpu.memref_slice %arg3[%dma_start3A_600, %multiple_of3A_598] : memref<8x3200000xf32, #tpu.memory_space<hbm>> -> memref<8x4096xf32, #tpu.memory_space<hbm>>
              tpu.enqueue_dma source(%dma_start3A_601 : memref<8x4096xf32, #tpu.memory_space<hbm>>) target(%arg7 : memref<8x4096xf32, #tpu.memory_space<vmem>>) target_semaphore(%run_scoped3A : memref<!tpu.dma_semaphore, #tpu.memory_space<semaphore_mem>>)
              %dma_wait3A = arith.constant 0 : i32
              %dma_wait3A_602 = tpu.memref_slice %arg3[%dma_wait3A, %multiple_of3A_598] : memref<8x3200000xf32, #tpu.memory_space<hbm>> -> memref<8x4096xf32, #tpu.memory_space<hbm>>
              %dma_wait3A_603 = arith.constant 0 : i32
              %dma_wait3A_604 = tpu.memref_slice %arg3[%dma_wait3A_603, %multiple_of3A_598] : memref<8x3200000xf32, #tpu.memory_space<hbm>> -> memref<8x4096xf32, #tpu.memory_space<hbm>>
              tpu.wait_dma2 semaphore(%run_scoped3A : memref<!tpu.dma_semaphore, #tpu.memory_space<semaphore_mem>>) src(%dma_wait3A_604 : memref<8x4096xf32, #tpu.memory_space<hbm>>) dst(%arg7 : memref<8x4096xf32, #tpu.memory_space<vmem>>)
              tpu.yield
            }) : () -> ()
            scf.yield %multiple_of3A_598 : i32
          } else {
            scf.yield %while3A_545 : i32
          }
          %broadcast_in_dim3A_557 = vector.broadcast %while3A_544 : i32 to vector<16xi32>
          %add3A_558 = arith.addi %broadcast_in_dim3A_557, %iota3A : vector<16xi32>
          %broadcast_in_dim3A_559 = vector.broadcast %squeeze3A_438 : i32 to vector<16xi32>
          %lt3A_560 = arith.cmpi slt, %add3A_558, %broadcast_in_dim3A_559 : vector<16xi32>
          %broadcast_in_dim3A_561 = vector.broadcast %cond3A_556 : i32 to vector<16xi32>
          %sub3A_562 = arith.subi %add3A_558, %broadcast_in_dim3A_561 : vector<16xi32>
          %select_n3A_563 = arith.select %lt3A_560, %sub3A_562, %broadcast_in_dim3A_26 : vector<16xi1>, vector<16xi32>
          %gather3A = tpu.vector_load_idx %arg7[%broadcast_in_dim3A_26, %select_n3A_563] : memref<8x4096xf32, #tpu.memory_space<vmem>>[vector<16xi32>, vector<16xi32>], vector<16xf32>,
          %select_n3A_564 = arith.select %lt3A_560, %gather3A, %broadcast_in_dim3A_22 : vector<16xi1>, vector<16xf32>
          %gt3A_565 = arith.cmpf ogt, %select_n3A_564, %while3A_546 : vector<16xf32>
          %select_n3A_566 = arith.select %gt3A_565, %select_n3A_564, %while3A_546 : vector<16xi1>, vector<16xf32>
          %select_n3A_567 = arith.select %gt3A_565, %add3A_558, %while3A_547 : vector<16xi1>, vector<16xi32>
          %add3A_568 = arith.constant 16 : i32
          %add3A_569 = arith.addi %while3A_544, %add3A_568 : i32
          scf.yield %add3A_569, %cond3A_556, %select_n3A_566, %select_n3A_567 : i32, i32, vector<16xf32>, vector<16xi32>
        }
        %reduce_max3A_440 = arith.constant true
        %reduce_max3A_441 = vector.broadcast %reduce_max3A_440 : i1 to vector<16xi1>
        %reduce_max3A_442 = tpu.scan <max>, %while3A_439#2 masked %reduce_max3A_441 : vector<16xf32>, vector<16xi1> -> vector<16xf32>
        %reduce_max3A_443 = vector.extract %reduce_max3A_442[15] : f32 from vector<16xf32>
        %broadcast_in_dim3A_444 = vector.broadcast %reduce_max3A_443 : f32 to vector<16xf32>
        %eq3A_445 = arith.cmpf oeq, %while3A_439#2, %broadcast_in_dim3A_444 : vector<16xf32>
        %select_n3A_446 = arith.select %eq3A_445, %while3A_439#3, %broadcast_in_dim3A_24 : vector<16xi1>, vector<16xi32>
        %reduce_min3A_447 = arith.constant true
        %reduce_min3A_448 = vector.broadcast %reduce_min3A_447 : i1 to vector<16xi1>
        %reduce_min3A_449 = arith.constant -2147483648 : i32
        %reduce_min3A_450 = vector.broadcast %reduce_min3A_449 : i32 to vector<16xi32>
        %reduce_min3A_451 = arith.xori %select_n3A_446, %reduce_min3A_450 : vector<16xi32>
        %reduce_min3A_452 = tpu.scan <min>, %reduce_min3A_451 masked %reduce_min3A_448 : vector<16xi32>, vector<16xi1> -> vector<16xi32>
        %reduce_min3A_453 = arith.xori %reduce_min3A_452, %reduce_min3A_450 : vector<16xi32>
        %reduce_min3A_454 = vector.extract %reduce_min3A_453[15] : i32 from vector<16xi32>
        %eq3A_455 = arith.constant 12 : i32
        %eq3A_456 = vector.broadcast %eq3A_455 : i32 to vector<16xi32>
        %eq3A_457 = arith.cmpi eq, %iota3A, %eq3A_456 : vector<16xi32>
        %broadcast_in_dim3A_458 = vector.broadcast %reduce_min3A_454 : i32 to vector<16xi32>
        %select_n3A_459 = arith.select %eq3A_457, %broadcast_in_dim3A_458, %select_n3A_434 : vector<16xi1>, vector<16xi32>
        %slice3A_460 = vector.extract_strided_slice %get3A_105 {offsets = [13], sizes = [1], strides = [1]} : vector<16xi32> to vector<1xi32>
        %squeeze3A_461 = vector.extract %slice3A_460[0] : i32 from vector<1xi32>
        %slice3A_462 = vector.extract_strided_slice %select_n3A_115 {offsets = [13], sizes = [1], strides = [1]} : vector<16xi32> to vector<1xi32>
        %squeeze3A_463 = vector.extract %slice3A_462[0] : i32 from vector<1xi32>
        %while3A_464:4 = scf.while (%while3A_544 = %squeeze3A_461, %while3A_545 = %while3A_439#1, %while3A_546 = %broadcast_in_dim3A_22, %while3A_547 = %broadcast_in_dim3A_24) : (i32, i32, vector<16xf32>, vector<16xi32>) -> (i32, i32, vector<16xf32>, vector<16xi32>) {
          %lt3A_548 = arith.cmpi slt, %while3A_544, %squeeze3A_463 : i32
          scf.condition(%lt3A_548) %while3A_544, %while3A_545, %while3A_546, %while3A_547 : i32, i32, vector<16xf32>, vector<16xi32>
        } do {
        ^bb0(%while3A_544: i32, %while3A_545: i32, %while3A_546: vector<16xf32>, %while3A_547: vector<16xi32>):
          %add3A_548 = arith.constant 16 : i32
          %add3A_549 = arith.addi %while3A_544, %add3A_548 : i32
          %add3A_550 = arith.constant 4096 : i32
          %add3A_551 = arith.addi %while3A_545, %add3A_550 : i32
          %gt3A_552 = arith.cmpi sgt, %add3A_549, %add3A_551 : i32
          %convert_element_type3A_553 = arith.extui %gt3A_552 : i1 to i32
          %cond3A_554 = arith.constant 0 : i32
          %cond3A_555 = arith.cmpi ne, %convert_element_type3A_553, %cond3A_554 : i32
          %cond3A_556 = scf.if %cond3A_555 -> (i32) {
            %jit3A_570 = arith.constant 128 : i32
            %div3A_571 = arith.divsi %while3A_544, %jit3A_570 : i32
            %sign3A_572 = arith.constant 0 : i32
            %sign3A_573 = arith.cmpi sgt, %while3A_544, %sign3A_572 : i32
            %sign3A_574 = arith.extui %sign3A_573 : i1 to i32
            %sign3A_575 = arith.constant 0 : i32
            %sign3A_576 = arith.cmpi slt, %while3A_544, %sign3A_575 : i32
            %sign3A_577 = arith.extui %sign3A_576 : i1 to i32
            %sign3A_578 = arith.subi %sign3A_574, %sign3A_577 : i32
            %sign3A_579 = arith.constant 0 : i32
            %sign3A_580 = arith.cmpi sgt, %jit3A_570, %sign3A_579 : i32
            %sign3A_581 = arith.extui %sign3A_580 : i1 to i32
            %sign3A_582 = arith.constant 0 : i32
            %sign3A_583 = arith.cmpi slt, %jit3A_570, %sign3A_582 : i32
            %sign3A_584 = arith.extui %sign3A_583 : i1 to i32
            %sign3A_585 = arith.subi %sign3A_581, %sign3A_584 : i32
            %ne3A_586 = arith.cmpi ne, %sign3A_578, %sign3A_585 : i32
            %rem3A_587 = arith.remsi %while3A_544, %jit3A_570 : i32
            %ne3A_588 = arith.constant 0 : i32
            %ne3A_589 = arith.cmpi ne, %rem3A_587, %ne3A_588 : i32
            %and3A_590 = arith.andi %ne3A_586, %ne3A_589 : i1
            %sub3A_591 = arith.constant 1 : i32
            %sub3A_592 = arith.subi %div3A_571, %sub3A_591 : i32
            %select_n3A_593 = arith.select %and3A_590, %sub3A_592, %div3A_571 : i32
            %mul3A_594 = arith.constant 128 : i32
            %mul3A_595 = arith.muli %select_n3A_593, %mul3A_594 : i32
            %min3A_596 = arith.constant 3195904 : i32
            %min3A_597 = arith.minsi %mul3A_595, %min3A_596 : i32
            %multiple_of3A_598 = tpu.assume_multiple %min3A_597, 128 : i32
            "tpu.region"() ({
              %run_scoped3A = tpu.sem_alloc : memref<!tpu.dma_semaphore, #tpu.memory_space<semaphore_mem>>
              %dma_start3A = arith.constant 0 : i32
              %dma_start3A_599 = tpu.memref_slice %arg3[%dma_start3A, %multiple_of3A_598] : memref<8x3200000xf32, #tpu.memory_space<hbm>> -> memref<8x4096xf32, #tpu.memory_space<hbm>>
              %dma_start3A_600 = arith.constant 0 : i32
              %dma_start3A_601 = tpu.memref_slice %arg3[%dma_start3A_600, %multiple_of3A_598] : memref<8x3200000xf32, #tpu.memory_space<hbm>> -> memref<8x4096xf32, #tpu.memory_space<hbm>>
              tpu.enqueue_dma source(%dma_start3A_601 : memref<8x4096xf32, #tpu.memory_space<hbm>>) target(%arg7 : memref<8x4096xf32, #tpu.memory_space<vmem>>) target_semaphore(%run_scoped3A : memref<!tpu.dma_semaphore, #tpu.memory_space<semaphore_mem>>)
              %dma_wait3A = arith.constant 0 : i32
              %dma_wait3A_602 = tpu.memref_slice %arg3[%dma_wait3A, %multiple_of3A_598] : memref<8x3200000xf32, #tpu.memory_space<hbm>> -> memref<8x4096xf32, #tpu.memory_space<hbm>>
              %dma_wait3A_603 = arith.constant 0 : i32
              %dma_wait3A_604 = tpu.memref_slice %arg3[%dma_wait3A_603, %multiple_of3A_598] : memref<8x3200000xf32, #tpu.memory_space<hbm>> -> memref<8x4096xf32, #tpu.memory_space<hbm>>
              tpu.wait_dma2 semaphore(%run_scoped3A : memref<!tpu.dma_semaphore, #tpu.memory_space<semaphore_mem>>) src(%dma_wait3A_604 : memref<8x4096xf32, #tpu.memory_space<hbm>>) dst(%arg7 : memref<8x4096xf32, #tpu.memory_space<vmem>>)
              tpu.yield
            }) : () -> ()
            scf.yield %multiple_of3A_598 : i32
          } else {
            scf.yield %while3A_545 : i32
          }
          %broadcast_in_dim3A_557 = vector.broadcast %while3A_544 : i32 to vector<16xi32>
          %add3A_558 = arith.addi %broadcast_in_dim3A_557, %iota3A : vector<16xi32>
          %broadcast_in_dim3A_559 = vector.broadcast %squeeze3A_463 : i32 to vector<16xi32>
          %lt3A_560 = arith.cmpi slt, %add3A_558, %broadcast_in_dim3A_559 : vector<16xi32>
          %broadcast_in_dim3A_561 = vector.broadcast %cond3A_556 : i32 to vector<16xi32>
          %sub3A_562 = arith.subi %add3A_558, %broadcast_in_dim3A_561 : vector<16xi32>
          %select_n3A_563 = arith.select %lt3A_560, %sub3A_562, %broadcast_in_dim3A_26 : vector<16xi1>, vector<16xi32>
          %gather3A = tpu.vector_load_idx %arg7[%broadcast_in_dim3A_26, %select_n3A_563] : memref<8x4096xf32, #tpu.memory_space<vmem>>[vector<16xi32>, vector<16xi32>], vector<16xf32>,
          %select_n3A_564 = arith.select %lt3A_560, %gather3A, %broadcast_in_dim3A_22 : vector<16xi1>, vector<16xf32>
          %gt3A_565 = arith.cmpf ogt, %select_n3A_564, %while3A_546 : vector<16xf32>
          %select_n3A_566 = arith.select %gt3A_565, %select_n3A_564, %while3A_546 : vector<16xi1>, vector<16xf32>
          %select_n3A_567 = arith.select %gt3A_565, %add3A_558, %while3A_547 : vector<16xi1>, vector<16xi32>
          %add3A_568 = arith.constant 16 : i32
          %add3A_569 = arith.addi %while3A_544, %add3A_568 : i32
          scf.yield %add3A_569, %cond3A_556, %select_n3A_566, %select_n3A_567 : i32, i32, vector<16xf32>, vector<16xi32>
        }
        %reduce_max3A_465 = arith.constant true
        %reduce_max3A_466 = vector.broadcast %reduce_max3A_465 : i1 to vector<16xi1>
        %reduce_max3A_467 = tpu.scan <max>, %while3A_464#2 masked %reduce_max3A_466 : vector<16xf32>, vector<16xi1> -> vector<16xf32>
        %reduce_max3A_468 = vector.extract %reduce_max3A_467[15] : f32 from vector<16xf32>
        %broadcast_in_dim3A_469 = vector.broadcast %reduce_max3A_468 : f32 to vector<16xf32>
        %eq3A_470 = arith.cmpf oeq, %while3A_464#2, %broadcast_in_dim3A_469 : vector<16xf32>
        %select_n3A_471 = arith.select %eq3A_470, %while3A_464#3, %broadcast_in_dim3A_24 : vector<16xi1>, vector<16xi32>
        %reduce_min3A_472 = arith.constant true
        %reduce_min3A_473 = vector.broadcast %reduce_min3A_472 : i1 to vector<16xi1>
        %reduce_min3A_474 = arith.constant -2147483648 : i32
        %reduce_min3A_475 = vector.broadcast %reduce_min3A_474 : i32 to vector<16xi32>
        %reduce_min3A_476 = arith.xori %select_n3A_471, %reduce_min3A_475 : vector<16xi32>
        %reduce_min3A_477 = tpu.scan <min>, %reduce_min3A_476 masked %reduce_min3A_473 : vector<16xi32>, vector<16xi1> -> vector<16xi32>
        %reduce_min3A_478 = arith.xori %reduce_min3A_477, %reduce_min3A_475 : vector<16xi32>
        %reduce_min3A_479 = vector.extract %reduce_min3A_478[15] : i32 from vector<16xi32>
        %eq3A_480 = arith.constant 13 : i32
        %eq3A_481 = vector.broadcast %eq3A_480 : i32 to vector<16xi32>
        %eq3A_482 = arith.cmpi eq, %iota3A, %eq3A_481 : vector<16xi32>
        %broadcast_in_dim3A_483 = vector.broadcast %reduce_min3A_479 : i32 to vector<16xi32>
        %select_n3A_484 = arith.select %eq3A_482, %broadcast_in_dim3A_483, %select_n3A_459 : vector<16xi1>, vector<16xi32>
        %slice3A_485 = vector.extract_strided_slice %get3A_105 {offsets = [14], sizes = [1], strides = [1]} : vector<16xi32> to vector<1xi32>
        %squeeze3A_486 = vector.extract %slice3A_485[0] : i32 from vector<1xi32>
        %slice3A_487 = vector.extract_strided_slice %select_n3A_115 {offsets = [14], sizes = [1], strides = [1]} : vector<16xi32> to vector<1xi32>
        %squeeze3A_488 = vector.extract %slice3A_487[0] : i32 from vector<1xi32>
        %while3A_489:4 = scf.while (%while3A_544 = %squeeze3A_486, %while3A_545 = %while3A_464#1, %while3A_546 = %broadcast_in_dim3A_22, %while3A_547 = %broadcast_in_dim3A_24) : (i32, i32, vector<16xf32>, vector<16xi32>) -> (i32, i32, vector<16xf32>, vector<16xi32>) {
          %lt3A_548 = arith.cmpi slt, %while3A_544, %squeeze3A_488 : i32
          scf.condition(%lt3A_548) %while3A_544, %while3A_545, %while3A_546, %while3A_547 : i32, i32, vector<16xf32>, vector<16xi32>
        } do {
        ^bb0(%while3A_544: i32, %while3A_545: i32, %while3A_546: vector<16xf32>, %while3A_547: vector<16xi32>):
          %add3A_548 = arith.constant 16 : i32
          %add3A_549 = arith.addi %while3A_544, %add3A_548 : i32
          %add3A_550 = arith.constant 4096 : i32
          %add3A_551 = arith.addi %while3A_545, %add3A_550 : i32
          %gt3A_552 = arith.cmpi sgt, %add3A_549, %add3A_551 : i32
          %convert_element_type3A_553 = arith.extui %gt3A_552 : i1 to i32
          %cond3A_554 = arith.constant 0 : i32
          %cond3A_555 = arith.cmpi ne, %convert_element_type3A_553, %cond3A_554 : i32
          %cond3A_556 = scf.if %cond3A_555 -> (i32) {
            %jit3A_570 = arith.constant 128 : i32
            %div3A_571 = arith.divsi %while3A_544, %jit3A_570 : i32
            %sign3A_572 = arith.constant 0 : i32
            %sign3A_573 = arith.cmpi sgt, %while3A_544, %sign3A_572 : i32
            %sign3A_574 = arith.extui %sign3A_573 : i1 to i32
            %sign3A_575 = arith.constant 0 : i32
            %sign3A_576 = arith.cmpi slt, %while3A_544, %sign3A_575 : i32
            %sign3A_577 = arith.extui %sign3A_576 : i1 to i32
            %sign3A_578 = arith.subi %sign3A_574, %sign3A_577 : i32
            %sign3A_579 = arith.constant 0 : i32
            %sign3A_580 = arith.cmpi sgt, %jit3A_570, %sign3A_579 : i32
            %sign3A_581 = arith.extui %sign3A_580 : i1 to i32
            %sign3A_582 = arith.constant 0 : i32
            %sign3A_583 = arith.cmpi slt, %jit3A_570, %sign3A_582 : i32
            %sign3A_584 = arith.extui %sign3A_583 : i1 to i32
            %sign3A_585 = arith.subi %sign3A_581, %sign3A_584 : i32
            %ne3A_586 = arith.cmpi ne, %sign3A_578, %sign3A_585 : i32
            %rem3A_587 = arith.remsi %while3A_544, %jit3A_570 : i32
            %ne3A_588 = arith.constant 0 : i32
            %ne3A_589 = arith.cmpi ne, %rem3A_587, %ne3A_588 : i32
            %and3A_590 = arith.andi %ne3A_586, %ne3A_589 : i1
            %sub3A_591 = arith.constant 1 : i32
            %sub3A_592 = arith.subi %div3A_571, %sub3A_591 : i32
            %select_n3A_593 = arith.select %and3A_590, %sub3A_592, %div3A_571 : i32
            %mul3A_594 = arith.constant 128 : i32
            %mul3A_595 = arith.muli %select_n3A_593, %mul3A_594 : i32
            %min3A_596 = arith.constant 3195904 : i32
            %min3A_597 = arith.minsi %mul3A_595, %min3A_596 : i32
            %multiple_of3A_598 = tpu.assume_multiple %min3A_597, 128 : i32
            "tpu.region"() ({
              %run_scoped3A = tpu.sem_alloc : memref<!tpu.dma_semaphore, #tpu.memory_space<semaphore_mem>>
              %dma_start3A = arith.constant 0 : i32
              %dma_start3A_599 = tpu.memref_slice %arg3[%dma_start3A, %multiple_of3A_598] : memref<8x3200000xf32, #tpu.memory_space<hbm>> -> memref<8x4096xf32, #tpu.memory_space<hbm>>
              %dma_start3A_600 = arith.constant 0 : i32
              %dma_start3A_601 = tpu.memref_slice %arg3[%dma_start3A_600, %multiple_of3A_598] : memref<8x3200000xf32, #tpu.memory_space<hbm>> -> memref<8x4096xf32, #tpu.memory_space<hbm>>
              tpu.enqueue_dma source(%dma_start3A_601 : memref<8x4096xf32, #tpu.memory_space<hbm>>) target(%arg7 : memref<8x4096xf32, #tpu.memory_space<vmem>>) target_semaphore(%run_scoped3A : memref<!tpu.dma_semaphore, #tpu.memory_space<semaphore_mem>>)
              %dma_wait3A = arith.constant 0 : i32
              %dma_wait3A_602 = tpu.memref_slice %arg3[%dma_wait3A, %multiple_of3A_598] : memref<8x3200000xf32, #tpu.memory_space<hbm>> -> memref<8x4096xf32, #tpu.memory_space<hbm>>
              %dma_wait3A_603 = arith.constant 0 : i32
              %dma_wait3A_604 = tpu.memref_slice %arg3[%dma_wait3A_603, %multiple_of3A_598] : memref<8x3200000xf32, #tpu.memory_space<hbm>> -> memref<8x4096xf32, #tpu.memory_space<hbm>>
              tpu.wait_dma2 semaphore(%run_scoped3A : memref<!tpu.dma_semaphore, #tpu.memory_space<semaphore_mem>>) src(%dma_wait3A_604 : memref<8x4096xf32, #tpu.memory_space<hbm>>) dst(%arg7 : memref<8x4096xf32, #tpu.memory_space<vmem>>)
              tpu.yield
            }) : () -> ()
            scf.yield %multiple_of3A_598 : i32
          } else {
            scf.yield %while3A_545 : i32
          }
          %broadcast_in_dim3A_557 = vector.broadcast %while3A_544 : i32 to vector<16xi32>
          %add3A_558 = arith.addi %broadcast_in_dim3A_557, %iota3A : vector<16xi32>
          %broadcast_in_dim3A_559 = vector.broadcast %squeeze3A_488 : i32 to vector<16xi32>
          %lt3A_560 = arith.cmpi slt, %add3A_558, %broadcast_in_dim3A_559 : vector<16xi32>
          %broadcast_in_dim3A_561 = vector.broadcast %cond3A_556 : i32 to vector<16xi32>
          %sub3A_562 = arith.subi %add3A_558, %broadcast_in_dim3A_561 : vector<16xi32>
          %select_n3A_563 = arith.select %lt3A_560, %sub3A_562, %broadcast_in_dim3A_26 : vector<16xi1>, vector<16xi32>
          %gather3A = tpu.vector_load_idx %arg7[%broadcast_in_dim3A_26, %select_n3A_563] : memref<8x4096xf32, #tpu.memory_space<vmem>>[vector<16xi32>, vector<16xi32>], vector<16xf32>,
          %select_n3A_564 = arith.select %lt3A_560, %gather3A, %broadcast_in_dim3A_22 : vector<16xi1>, vector<16xf32>
          %gt3A_565 = arith.cmpf ogt, %select_n3A_564, %while3A_546 : vector<16xf32>
          %select_n3A_566 = arith.select %gt3A_565, %select_n3A_564, %while3A_546 : vector<16xi1>, vector<16xf32>
          %select_n3A_567 = arith.select %gt3A_565, %add3A_558, %while3A_547 : vector<16xi1>, vector<16xi32>
          %add3A_568 = arith.constant 16 : i32
          %add3A_569 = arith.addi %while3A_544, %add3A_568 : i32
          scf.yield %add3A_569, %cond3A_556, %select_n3A_566, %select_n3A_567 : i32, i32, vector<16xf32>, vector<16xi32>
        }
        %reduce_max3A_490 = arith.constant true
        %reduce_max3A_491 = vector.broadcast %reduce_max3A_490 : i1 to vector<16xi1>
        %reduce_max3A_492 = tpu.scan <max>, %while3A_489#2 masked %reduce_max3A_491 : vector<16xf32>, vector<16xi1> -> vector<16xf32>
        %reduce_max3A_493 = vector.extract %reduce_max3A_492[15] : f32 from vector<16xf32>
        %broadcast_in_dim3A_494 = vector.broadcast %reduce_max3A_493 : f32 to vector<16xf32>
        %eq3A_495 = arith.cmpf oeq, %while3A_489#2, %broadcast_in_dim3A_494 : vector<16xf32>
        %select_n3A_496 = arith.select %eq3A_495, %while3A_489#3, %broadcast_in_dim3A_24 : vector<16xi1>, vector<16xi32>
        %reduce_min3A_497 = arith.constant true
        %reduce_min3A_498 = vector.broadcast %reduce_min3A_497 : i1 to vector<16xi1>
        %reduce_min3A_499 = arith.constant -2147483648 : i32
        %reduce_min3A_500 = vector.broadcast %reduce_min3A_499 : i32 to vector<16xi32>
        %reduce_min3A_501 = arith.xori %select_n3A_496, %reduce_min3A_500 : vector<16xi32>
        %reduce_min3A_502 = tpu.scan <min>, %reduce_min3A_501 masked %reduce_min3A_498 : vector<16xi32>, vector<16xi1> -> vector<16xi32>
        %reduce_min3A_503 = arith.xori %reduce_min3A_502, %reduce_min3A_500 : vector<16xi32>
        %reduce_min3A_504 = vector.extract %reduce_min3A_503[15] : i32 from vector<16xi32>
        %eq3A_505 = arith.constant 14 : i32
        %eq3A_506 = vector.broadcast %eq3A_505 : i32 to vector<16xi32>
        %eq3A_507 = arith.cmpi eq, %iota3A, %eq3A_506 : vector<16xi32>
        %broadcast_in_dim3A_508 = vector.broadcast %reduce_min3A_504 : i32 to vector<16xi32>
        %select_n3A_509 = arith.select %eq3A_507, %broadcast_in_dim3A_508, %select_n3A_484 : vector<16xi1>, vector<16xi32>
        %slice3A_510 = vector.extract_strided_slice %get3A_105 {offsets = [15], sizes = [1], strides = [1]} : vector<16xi32> to vector<1xi32>
        %squeeze3A_511 = vector.extract %slice3A_510[0] : i32 from vector<1xi32>
        %slice3A_512 = vector.extract_strided_slice %select_n3A_115 {offsets = [15], sizes = [1], strides = [1]} : vector<16xi32> to vector<1xi32>
        %squeeze3A_513 = vector.extract %slice3A_512[0] : i32 from vector<1xi32>
        %while3A_514:4 = scf.while (%while3A_544 = %squeeze3A_511, %while3A_545 = %while3A_489#1, %while3A_546 = %broadcast_in_dim3A_22, %while3A_547 = %broadcast_in_dim3A_24) : (i32, i32, vector<16xf32>, vector<16xi32>) -> (i32, i32, vector<16xf32>, vector<16xi32>) {
          %lt3A_548 = arith.cmpi slt, %while3A_544, %squeeze3A_513 : i32
          scf.condition(%lt3A_548) %while3A_544, %while3A_545, %while3A_546, %while3A_547 : i32, i32, vector<16xf32>, vector<16xi32>
        } do {
        ^bb0(%while3A_544: i32, %while3A_545: i32, %while3A_546: vector<16xf32>, %while3A_547: vector<16xi32>):
          %add3A_548 = arith.constant 16 : i32
          %add3A_549 = arith.addi %while3A_544, %add3A_548 : i32
          %add3A_550 = arith.constant 4096 : i32
          %add3A_551 = arith.addi %while3A_545, %add3A_550 : i32
          %gt3A_552 = arith.cmpi sgt, %add3A_549, %add3A_551 : i32
          %convert_element_type3A_553 = arith.extui %gt3A_552 : i1 to i32
          %cond3A_554 = arith.constant 0 : i32
          %cond3A_555 = arith.cmpi ne, %convert_element_type3A_553, %cond3A_554 : i32
          %cond3A_556 = scf.if %cond3A_555 -> (i32) {
            %jit3A_570 = arith.constant 128 : i32
            %div3A_571 = arith.divsi %while3A_544, %jit3A_570 : i32
            %sign3A_572 = arith.constant 0 : i32
            %sign3A_573 = arith.cmpi sgt, %while3A_544, %sign3A_572 : i32
            %sign3A_574 = arith.extui %sign3A_573 : i1 to i32
            %sign3A_575 = arith.constant 0 : i32
            %sign3A_576 = arith.cmpi slt, %while3A_544, %sign3A_575 : i32
            %sign3A_577 = arith.extui %sign3A_576 : i1 to i32
            %sign3A_578 = arith.subi %sign3A_574, %sign3A_577 : i32
            %sign3A_579 = arith.constant 0 : i32
            %sign3A_580 = arith.cmpi sgt, %jit3A_570, %sign3A_579 : i32
            %sign3A_581 = arith.extui %sign3A_580 : i1 to i32
            %sign3A_582 = arith.constant 0 : i32
            %sign3A_583 = arith.cmpi slt, %jit3A_570, %sign3A_582 : i32
            %sign3A_584 = arith.extui %sign3A_583 : i1 to i32
            %sign3A_585 = arith.subi %sign3A_581, %sign3A_584 : i32
            %ne3A_586 = arith.cmpi ne, %sign3A_578, %sign3A_585 : i32
            %rem3A_587 = arith.remsi %while3A_544, %jit3A_570 : i32
            %ne3A_588 = arith.constant 0 : i32
            %ne3A_589 = arith.cmpi ne, %rem3A_587, %ne3A_588 : i32
            %and3A_590 = arith.andi %ne3A_586, %ne3A_589 : i1
            %sub3A_591 = arith.constant 1 : i32
            %sub3A_592 = arith.subi %div3A_571, %sub3A_591 : i32
            %select_n3A_593 = arith.select %and3A_590, %sub3A_592, %div3A_571 : i32
            %mul3A_594 = arith.constant 128 : i32
            %mul3A_595 = arith.muli %select_n3A_593, %mul3A_594 : i32
            %min3A_596 = arith.constant 3195904 : i32
            %min3A_597 = arith.minsi %mul3A_595, %min3A_596 : i32
            %multiple_of3A_598 = tpu.assume_multiple %min3A_597, 128 : i32
            "tpu.region"() ({
              %run_scoped3A = tpu.sem_alloc : memref<!tpu.dma_semaphore, #tpu.memory_space<semaphore_mem>>
              %dma_start3A = arith.constant 0 : i32
              %dma_start3A_599 = tpu.memref_slice %arg3[%dma_start3A, %multiple_of3A_598] : memref<8x3200000xf32, #tpu.memory_space<hbm>> -> memref<8x4096xf32, #tpu.memory_space<hbm>>
              %dma_start3A_600 = arith.constant 0 : i32
              %dma_start3A_601 = tpu.memref_slice %arg3[%dma_start3A_600, %multiple_of3A_598] : memref<8x3200000xf32, #tpu.memory_space<hbm>> -> memref<8x4096xf32, #tpu.memory_space<hbm>>
              tpu.enqueue_dma source(%dma_start3A_601 : memref<8x4096xf32, #tpu.memory_space<hbm>>) target(%arg7 : memref<8x4096xf32, #tpu.memory_space<vmem>>) target_semaphore(%run_scoped3A : memref<!tpu.dma_semaphore, #tpu.memory_space<semaphore_mem>>)
              %dma_wait3A = arith.constant 0 : i32
              %dma_wait3A_602 = tpu.memref_slice %arg3[%dma_wait3A, %multiple_of3A_598] : memref<8x3200000xf32, #tpu.memory_space<hbm>> -> memref<8x4096xf32, #tpu.memory_space<hbm>>
              %dma_wait3A_603 = arith.constant 0 : i32
              %dma_wait3A_604 = tpu.memref_slice %arg3[%dma_wait3A_603, %multiple_of3A_598] : memref<8x3200000xf32, #tpu.memory_space<hbm>> -> memref<8x4096xf32, #tpu.memory_space<hbm>>
              tpu.wait_dma2 semaphore(%run_scoped3A : memref<!tpu.dma_semaphore, #tpu.memory_space<semaphore_mem>>) src(%dma_wait3A_604 : memref<8x4096xf32, #tpu.memory_space<hbm>>) dst(%arg7 : memref<8x4096xf32, #tpu.memory_space<vmem>>)
              tpu.yield
            }) : () -> ()
            scf.yield %multiple_of3A_598 : i32
          } else {
            scf.yield %while3A_545 : i32
          }
          %broadcast_in_dim3A_557 = vector.broadcast %while3A_544 : i32 to vector<16xi32>
          %add3A_558 = arith.addi %broadcast_in_dim3A_557, %iota3A : vector<16xi32>
          %broadcast_in_dim3A_559 = vector.broadcast %squeeze3A_513 : i32 to vector<16xi32>
          %lt3A_560 = arith.cmpi slt, %add3A_558, %broadcast_in_dim3A_559 : vector<16xi32>
          %broadcast_in_dim3A_561 = vector.broadcast %cond3A_556 : i32 to vector<16xi32>
          %sub3A_562 = arith.subi %add3A_558, %broadcast_in_dim3A_561 : vector<16xi32>
          %select_n3A_563 = arith.select %lt3A_560, %sub3A_562, %broadcast_in_dim3A_26 : vector<16xi1>, vector<16xi32>
          %gather3A = tpu.vector_load_idx %arg7[%broadcast_in_dim3A_26, %select_n3A_563] : memref<8x4096xf32, #tpu.memory_space<vmem>>[vector<16xi32>, vector<16xi32>], vector<16xf32>,
          %select_n3A_564 = arith.select %lt3A_560, %gather3A, %broadcast_in_dim3A_22 : vector<16xi1>, vector<16xf32>
          %gt3A_565 = arith.cmpf ogt, %select_n3A_564, %while3A_546 : vector<16xf32>
          %select_n3A_566 = arith.select %gt3A_565, %select_n3A_564, %while3A_546 : vector<16xi1>, vector<16xf32>
          %select_n3A_567 = arith.select %gt3A_565, %add3A_558, %while3A_547 : vector<16xi1>, vector<16xi32>
          %add3A_568 = arith.constant 16 : i32
          %add3A_569 = arith.addi %while3A_544, %add3A_568 : i32
          scf.yield %add3A_569, %cond3A_556, %select_n3A_566, %select_n3A_567 : i32, i32, vector<16xf32>, vector<16xi32>
        }
        %reduce_max3A_515 = arith.constant true
        %reduce_max3A_516 = vector.broadcast %reduce_max3A_515 : i1 to vector<16xi1>
        %reduce_max3A_517 = tpu.scan <max>, %while3A_514#2 masked %reduce_max3A_516 : vector<16xf32>, vector<16xi1> -> vector<16xf32>
        %reduce_max3A_518 = vector.extract %reduce_max3A_517[15] : f32 from vector<16xf32>
        %broadcast_in_dim3A_519 = vector.broadcast %reduce_max3A_518 : f32 to vector<16xf32>
        %eq3A_520 = arith.cmpf oeq, %while3A_514#2, %broadcast_in_dim3A_519 : vector<16xf32>
        %select_n3A_521 = arith.select %eq3A_520, %while3A_514#3, %broadcast_in_dim3A_24 : vector<16xi1>, vector<16xi32>
        %reduce_min3A_522 = arith.constant true
        %reduce_min3A_523 = vector.broadcast %reduce_min3A_522 : i1 to vector<16xi1>
        %reduce_min3A_524 = arith.constant -2147483648 : i32
        %reduce_min3A_525 = vector.broadcast %reduce_min3A_524 : i32 to vector<16xi32>
        %reduce_min3A_526 = arith.xori %select_n3A_521, %reduce_min3A_525 : vector<16xi32>
        %reduce_min3A_527 = tpu.scan <min>, %reduce_min3A_526 masked %reduce_min3A_523 : vector<16xi32>, vector<16xi1> -> vector<16xi32>
        %reduce_min3A_528 = arith.xori %reduce_min3A_527, %reduce_min3A_525 : vector<16xi32>
        %reduce_min3A_529 = vector.extract %reduce_min3A_528[15] : i32 from vector<16xi32>
        %eq3A_530 = arith.constant 15 : i32
        %eq3A_531 = vector.broadcast %eq3A_530 : i32 to vector<16xi32>
        %eq3A_532 = arith.cmpi eq, %iota3A, %eq3A_531 : vector<16xi32>
        %broadcast_in_dim3A_533 = vector.broadcast %reduce_min3A_529 : i32 to vector<16xi32>
        %select_n3A_534 = arith.select %eq3A_532, %broadcast_in_dim3A_533, %select_n3A_509 : vector<16xi1>, vector<16xi32>
        %select_n3A_535 = arith.select %gt3A, %select_n3A_534, %broadcast_in_dim3A_26 : vector<16xi1>, vector<16xi32>
        %swap3A = arith.index_cast %mul3A_102 : i32 to index
        %swap3A_536 = tpu.vector_load %arg8[%swap3A] {strides = array<i32>} : memref<3136xi32, #tpu.memory_space<vmem>>, vector<16xi32>,
        tpu.vector_store %arg8[%swap3A], %select_n3A_535 {strides = array<i32>} : memref<3136xi32, #tpu.memory_space<vmem>>, vector<16xi32>,
        %broadcast_in_dim3A_537 = arith.constant 1.000000e+00 : f32
        %broadcast_in_dim3A_538 = vector.broadcast %broadcast_in_dim3A_537 : f32 to vector<16xf32>
        %broadcast_in_dim3A_539 = arith.constant 0.000000e+00 : f32
        %broadcast_in_dim3A_540 = vector.broadcast %broadcast_in_dim3A_539 : f32 to vector<16xf32>
        %select_n3A_541 = arith.select %gt3A, %broadcast_in_dim3A_538, %broadcast_in_dim3A_540 : vector<16xi1>, vector<16xf32>
        %swap3A_542 = arith.index_cast %mul3A_102 : i32 to index
        %swap3A_543 = tpu.vector_load %arg9[%swap3A_542] {strides = array<i32>} : memref<3136xf32, #tpu.memory_space<vmem>>, vector<16xf32>,
        tpu.vector_store %arg9[%swap3A_542], %select_n3A_541 {strides = array<i32>} : memref<3136xf32, #tpu.memory_space<vmem>>, vector<16xf32>,
        scf.yield %while3A_514#1 : i32
      }
      scf.yield %cond3A_137 : i32
    }
    %scan3A_60 = arith.constant 196 : i32
    %jit3A_61 = arith.constant 128 : i32
    %div3A_62 = arith.divsi %squeeze3A, %jit3A_61 : i32
    %sign3A_63 = arith.constant 0 : i32
    %sign3A_64 = arith.cmpi sgt, %squeeze3A, %sign3A_63 : i32
    %sign3A_65 = arith.extui %sign3A_64 : i1 to i32
    %sign3A_66 = arith.constant 0 : i32
    %sign3A_67 = arith.cmpi slt, %squeeze3A, %sign3A_66 : i32
    %sign3A_68 = arith.extui %sign3A_67 : i1 to i32
    %sign3A_69 = arith.subi %sign3A_65, %sign3A_68 : i32
    %sign3A_70 = arith.constant 0 : i32
    %sign3A_71 = arith.cmpi sgt, %jit3A_61, %sign3A_70 : i32
    %sign3A_72 = arith.extui %sign3A_71 : i1 to i32
    %sign3A_73 = arith.constant 0 : i32
    %sign3A_74 = arith.cmpi slt, %jit3A_61, %sign3A_73 : i32
    %sign3A_75 = arith.extui %sign3A_74 : i1 to i32
    %sign3A_76 = arith.subi %sign3A_72, %sign3A_75 : i32
    %ne3A_77 = arith.cmpi ne, %sign3A_69, %sign3A_76 : i32
    %rem3A_78 = arith.remsi %squeeze3A, %jit3A_61 : i32
    %ne3A_79 = arith.constant 0 : i32
    %ne3A_80 = arith.cmpi ne, %rem3A_78, %ne3A_79 : i32
    %and3A_81 = arith.andi %ne3A_77, %ne3A_80 : i1
    %sub3A_82 = arith.constant 1 : i32
    %sub3A_83 = arith.subi %div3A_62, %sub3A_82 : i32
    %select_n3A_84 = arith.select %and3A_81, %sub3A_83, %div3A_62 : i32
    %mul3A_85 = arith.constant 128 : i32
    %mul3A_86 = arith.muli %select_n3A_84, %mul3A_85 : i32
    %min3A_87 = arith.constant 3197952 : i32
    %min3A_88 = arith.minsi %mul3A_86, %min3A_87 : i32
    %multiple_of3A_89 = tpu.assume_multiple %min3A_88, 128 : i32
    "tpu.region"() ({
      %run_scoped3A = tpu.sem_alloc : memref<!tpu.dma_semaphore, #tpu.memory_space<semaphore_mem>>
      %dma_start3A = arith.constant 0 : i32
      %dma_start3A_99 = tpu.memref_slice %arg4[%dma_start3A, %multiple_of3A_89] : memref<16x3200000xf32, #tpu.memory_space<hbm>> -> memref<16x2048xf32, #tpu.memory_space<hbm>>
      %dma_start3A_100 = arith.constant 0 : i32
      %dma_start3A_101 = tpu.memref_slice %arg4[%dma_start3A_100, %multiple_of3A_89] : memref<16x3200000xf32, #tpu.memory_space<hbm>> -> memref<16x2048xf32, #tpu.memory_space<hbm>>
      tpu.enqueue_dma source(%dma_start3A_101 : memref<16x2048xf32, #tpu.memory_space<hbm>>) target(%arg10 : memref<16x2048xf32, #tpu.memory_space<vmem>>) target_semaphore(%run_scoped3A : memref<!tpu.dma_semaphore, #tpu.memory_space<semaphore_mem>>)
      %dma_wait3A = arith.constant 0 : i32
      %dma_wait3A_102 = tpu.memref_slice %arg4[%dma_wait3A, %multiple_of3A_89] : memref<16x3200000xf32, #tpu.memory_space<hbm>> -> memref<16x2048xf32, #tpu.memory_space<hbm>>
      %dma_wait3A_103 = arith.constant 0 : i32
      %dma_wait3A_104 = tpu.memref_slice %arg4[%dma_wait3A_103, %multiple_of3A_89] : memref<16x3200000xf32, #tpu.memory_space<hbm>> -> memref<16x2048xf32, #tpu.memory_space<hbm>>
      tpu.wait_dma2 semaphore(%run_scoped3A : memref<!tpu.dma_semaphore, #tpu.memory_space<semaphore_mem>>) src(%dma_wait3A_104 : memref<16x2048xf32, #tpu.memory_space<hbm>>) dst(%arg10 : memref<16x2048xf32, #tpu.memory_space<vmem>>)
      tpu.yield
    }) : () -> ()
    %scan3A_90 = arith.constant 0 : i32
    %scan3A_91 = arith.constant 196 : i32
    %scan3A_92 = arith.addi %scan3A_90, %scan3A_91 : i32
    %scan3A_93 = arith.constant 1 : i32
    %scan3A_94 = scf.for %scan3A_99 = %scan3A_90 to %scan3A_92 step %scan3A_93 iter_args(%scan3A_100 = %multiple_of3A_89) -> (i32)  : i32 {
      %mul3A_101 = arith.constant 16 : i32
      %mul3A_102 = arith.muli %scan3A_99, %mul3A_101 : i32
      %get3A_103 = arith.index_cast %mul3A_102 : i32 to index
      %get3A_104 = tpu.vector_load %arg8[%get3A_103] {strides = array<i32>} : memref<3136xi32, #tpu.memory_space<vmem>>, vector<16xi32>,
      %get3A_105 = arith.index_cast %mul3A_102 : i32 to index
      %get3A_106 = tpu.vector_load %arg9[%get3A_105] {strides = array<i32>} : memref<3136xf32, #tpu.memory_space<vmem>>, vector<16xf32>,
      %slice3A_107 = vector.extract_strided_slice %get3A_104 {offsets = [0], sizes = [1], strides = [1]} : vector<16xi32> to vector<1xi32>
      %squeeze3A_108 = vector.extract %slice3A_107[0] : i32 from vector<1xi32>
      %add3A_109 = arith.constant 2048 : i32
      %add3A_110 = arith.addi %scan3A_100, %add3A_109 : i32
      %ge3A = arith.cmpi sge, %squeeze3A_108, %add3A_110 : i32
      %convert_element_type3A = arith.extui %ge3A : i1 to i32
      %cond3A = arith.constant 0 : i32
      %cond3A_111 = arith.cmpi ne, %convert_element_type3A, %cond3A : i32
      %cond3A_112 = scf.if %cond3A_111 -> (i32) {
        %jit3A_485 = arith.constant 128 : i32
        %div3A_486 = arith.divsi %squeeze3A_108, %jit3A_485 : i32
        %sign3A_487 = arith.constant 0 : i32
        %sign3A_488 = arith.cmpi sgt, %squeeze3A_108, %sign3A_487 : i32
        %sign3A_489 = arith.extui %sign3A_488 : i1 to i32
        %sign3A_490 = arith.constant 0 : i32
        %sign3A_491 = arith.cmpi slt, %squeeze3A_108, %sign3A_490 : i32
        %sign3A_492 = arith.extui %sign3A_491 : i1 to i32
        %sign3A_493 = arith.subi %sign3A_489, %sign3A_492 : i32
        %sign3A_494 = arith.constant 0 : i32
        %sign3A_495 = arith.cmpi sgt, %jit3A_485, %sign3A_494 : i32
        %sign3A_496 = arith.extui %sign3A_495 : i1 to i32
        %sign3A_497 = arith.constant 0 : i32
        %sign3A_498 = arith.cmpi slt, %jit3A_485, %sign3A_497 : i32
        %sign3A_499 = arith.extui %sign3A_498 : i1 to i32
        %sign3A_500 = arith.subi %sign3A_496, %sign3A_499 : i32
        %ne3A_501 = arith.cmpi ne, %sign3A_493, %sign3A_500 : i32
        %rem3A_502 = arith.remsi %squeeze3A_108, %jit3A_485 : i32
        %ne3A_503 = arith.constant 0 : i32
        %ne3A_504 = arith.cmpi ne, %rem3A_502, %ne3A_503 : i32
        %and3A_505 = arith.andi %ne3A_501, %ne3A_504 : i1
        %sub3A_506 = arith.constant 1 : i32
        %sub3A_507 = arith.subi %div3A_486, %sub3A_506 : i32
        %select_n3A_508 = arith.select %and3A_505, %sub3A_507, %div3A_486 : i32
        %mul3A_509 = arith.constant 128 : i32
        %mul3A_510 = arith.muli %select_n3A_508, %mul3A_509 : i32
        %min3A_511 = arith.constant 3197952 : i32
        %min3A_512 = arith.minsi %mul3A_510, %min3A_511 : i32
        %multiple_of3A_513 = tpu.assume_multiple %min3A_512, 128 : i32
        "tpu.region"() ({
          %run_scoped3A = tpu.sem_alloc : memref<!tpu.dma_semaphore, #tpu.memory_space<semaphore_mem>>
          %dma_start3A = arith.constant 0 : i32
          %dma_start3A_514 = tpu.memref_slice %arg4[%dma_start3A, %multiple_of3A_513] : memref<16x3200000xf32, #tpu.memory_space<hbm>> -> memref<16x2048xf32, #tpu.memory_space<hbm>>
          %dma_start3A_515 = arith.constant 0 : i32
          %dma_start3A_516 = tpu.memref_slice %arg4[%dma_start3A_515, %multiple_of3A_513] : memref<16x3200000xf32, #tpu.memory_space<hbm>> -> memref<16x2048xf32, #tpu.memory_space<hbm>>
          tpu.enqueue_dma source(%dma_start3A_516 : memref<16x2048xf32, #tpu.memory_space<hbm>>) target(%arg10 : memref<16x2048xf32, #tpu.memory_space<vmem>>) target_semaphore(%run_scoped3A : memref<!tpu.dma_semaphore, #tpu.memory_space<semaphore_mem>>)
          %dma_wait3A = arith.constant 0 : i32
          %dma_wait3A_517 = tpu.memref_slice %arg4[%dma_wait3A, %multiple_of3A_513] : memref<16x3200000xf32, #tpu.memory_space<hbm>> -> memref<16x2048xf32, #tpu.memory_space<hbm>>
          %dma_wait3A_518 = arith.constant 0 : i32
          %dma_wait3A_519 = tpu.memref_slice %arg4[%dma_wait3A_518, %multiple_of3A_513] : memref<16x3200000xf32, #tpu.memory_space<hbm>> -> memref<16x2048xf32, #tpu.memory_space<hbm>>
          tpu.wait_dma2 semaphore(%run_scoped3A : memref<!tpu.dma_semaphore, #tpu.memory_space<semaphore_mem>>) src(%dma_wait3A_519 : memref<16x2048xf32, #tpu.memory_space<hbm>>) dst(%arg10 : memref<16x2048xf32, #tpu.memory_space<vmem>>)
          tpu.yield
        }) : () -> ()
        scf.yield %multiple_of3A_513 : i32
      } else {
        scf.yield %scan3A_100 : i32
      }
      %sub3A_113 = arith.subi %squeeze3A_108, %cond3A_112 : i32
      %max3A = arith.constant 0 : i32
      %max3A_114 = arith.maxsi %sub3A_113, %max3A : i32
      %broadcast_in_dim3A_115 = vector.broadcast %max3A_114 : i32 to vector<16xi32>
      %gather3A = tpu.vector_load_idx %arg10[%iota3A, %broadcast_in_dim3A_115] : memref<16x2048xf32, #tpu.memory_space<vmem>>[vector<16xi32>, vector<16xi32>], vector<16xf32>,
      %slice3A_116 = vector.extract_strided_slice %get3A_106 {offsets = [0], sizes = [1], strides = [1]} : vector<16xf32> to vector<1xf32>
      %squeeze3A_117 = vector.extract %slice3A_116[0] : f32 from vector<1xf32>
      %broadcast_in_dim3A_118 = vector.broadcast %squeeze3A_117 : f32 to vector<16xf32>
      %mul3A_119 = arith.mulf %gather3A, %broadcast_in_dim3A_118 : vector<16xf32>
      %add3A_120 = arith.constant 0 : i32
      %add3A_121 = arith.addi %mul3A_102, %add3A_120 : i32
      %mul3A_122 = arith.constant 16 : i32
      %mul3A_123 = arith.muli %add3A_121, %mul3A_122 : i32
      %swap3A = arith.index_cast %mul3A_123 : i32 to index
      %swap3A_124 = tpu.vector_load %arg11[%swap3A] {strides = array<i32>} : memref<50176xf32, #tpu.memory_space<vmem>>, vector<16xf32>,
      tpu.vector_store %arg11[%swap3A], %mul3A_119 {strides = array<i32>} : memref<50176xf32, #tpu.memory_space<vmem>>, vector<16xf32>,
      %slice3A_125 = vector.extract_strided_slice %get3A_104 {offsets = [1], sizes = [1], strides = [1]} : vector<16xi32> to vector<1xi32>
      %squeeze3A_126 = vector.extract %slice3A_125[0] : i32 from vector<1xi32>
      %add3A_127 = arith.constant 2048 : i32
      %add3A_128 = arith.addi %cond3A_112, %add3A_127 : i32
      %ge3A_129 = arith.cmpi sge, %squeeze3A_126, %add3A_128 : i32
      %convert_element_type3A_130 = arith.extui %ge3A_129 : i1 to i32
      %cond3A_131 = arith.constant 0 : i32
      %cond3A_132 = arith.cmpi ne, %convert_element_type3A_130, %cond3A_131 : i32
      %cond3A_133 = scf.if %cond3A_132 -> (i32) {
        %jit3A_485 = arith.constant 128 : i32
        %div3A_486 = arith.divsi %squeeze3A_126, %jit3A_485 : i32
        %sign3A_487 = arith.constant 0 : i32
        %sign3A_488 = arith.cmpi sgt, %squeeze3A_126, %sign3A_487 : i32
        %sign3A_489 = arith.extui %sign3A_488 : i1 to i32
        %sign3A_490 = arith.constant 0 : i32
        %sign3A_491 = arith.cmpi slt, %squeeze3A_126, %sign3A_490 : i32
        %sign3A_492 = arith.extui %sign3A_491 : i1 to i32
        %sign3A_493 = arith.subi %sign3A_489, %sign3A_492 : i32
        %sign3A_494 = arith.constant 0 : i32
        %sign3A_495 = arith.cmpi sgt, %jit3A_485, %sign3A_494 : i32
        %sign3A_496 = arith.extui %sign3A_495 : i1 to i32
        %sign3A_497 = arith.constant 0 : i32
        %sign3A_498 = arith.cmpi slt, %jit3A_485, %sign3A_497 : i32
        %sign3A_499 = arith.extui %sign3A_498 : i1 to i32
        %sign3A_500 = arith.subi %sign3A_496, %sign3A_499 : i32
        %ne3A_501 = arith.cmpi ne, %sign3A_493, %sign3A_500 : i32
        %rem3A_502 = arith.remsi %squeeze3A_126, %jit3A_485 : i32
        %ne3A_503 = arith.constant 0 : i32
        %ne3A_504 = arith.cmpi ne, %rem3A_502, %ne3A_503 : i32
        %and3A_505 = arith.andi %ne3A_501, %ne3A_504 : i1
        %sub3A_506 = arith.constant 1 : i32
        %sub3A_507 = arith.subi %div3A_486, %sub3A_506 : i32
        %select_n3A_508 = arith.select %and3A_505, %sub3A_507, %div3A_486 : i32
        %mul3A_509 = arith.constant 128 : i32
        %mul3A_510 = arith.muli %select_n3A_508, %mul3A_509 : i32
        %min3A_511 = arith.constant 3197952 : i32
        %min3A_512 = arith.minsi %mul3A_510, %min3A_511 : i32
        %multiple_of3A_513 = tpu.assume_multiple %min3A_512, 128 : i32
        "tpu.region"() ({
          %run_scoped3A = tpu.sem_alloc : memref<!tpu.dma_semaphore, #tpu.memory_space<semaphore_mem>>
          %dma_start3A = arith.constant 0 : i32
          %dma_start3A_514 = tpu.memref_slice %arg4[%dma_start3A, %multiple_of3A_513] : memref<16x3200000xf32, #tpu.memory_space<hbm>> -> memref<16x2048xf32, #tpu.memory_space<hbm>>
          %dma_start3A_515 = arith.constant 0 : i32
          %dma_start3A_516 = tpu.memref_slice %arg4[%dma_start3A_515, %multiple_of3A_513] : memref<16x3200000xf32, #tpu.memory_space<hbm>> -> memref<16x2048xf32, #tpu.memory_space<hbm>>
          tpu.enqueue_dma source(%dma_start3A_516 : memref<16x2048xf32, #tpu.memory_space<hbm>>) target(%arg10 : memref<16x2048xf32, #tpu.memory_space<vmem>>) target_semaphore(%run_scoped3A : memref<!tpu.dma_semaphore, #tpu.memory_space<semaphore_mem>>)
          %dma_wait3A = arith.constant 0 : i32
          %dma_wait3A_517 = tpu.memref_slice %arg4[%dma_wait3A, %multiple_of3A_513] : memref<16x3200000xf32, #tpu.memory_space<hbm>> -> memref<16x2048xf32, #tpu.memory_space<hbm>>
          %dma_wait3A_518 = arith.constant 0 : i32
          %dma_wait3A_519 = tpu.memref_slice %arg4[%dma_wait3A_518, %multiple_of3A_513] : memref<16x3200000xf32, #tpu.memory_space<hbm>> -> memref<16x2048xf32, #tpu.memory_space<hbm>>
          tpu.wait_dma2 semaphore(%run_scoped3A : memref<!tpu.dma_semaphore, #tpu.memory_space<semaphore_mem>>) src(%dma_wait3A_519 : memref<16x2048xf32, #tpu.memory_space<hbm>>) dst(%arg10 : memref<16x2048xf32, #tpu.memory_space<vmem>>)
          tpu.yield
        }) : () -> ()
        scf.yield %multiple_of3A_513 : i32
      } else {
        scf.yield %cond3A_112 : i32
      }
      %sub3A_134 = arith.subi %squeeze3A_126, %cond3A_133 : i32
      %max3A_135 = arith.constant 0 : i32
      %max3A_136 = arith.maxsi %sub3A_134, %max3A_135 : i32
      %broadcast_in_dim3A_137 = vector.broadcast %max3A_136 : i32 to vector<16xi32>
      %gather3A_138 = tpu.vector_load_idx %arg10[%iota3A, %broadcast_in_dim3A_137] : memref<16x2048xf32, #tpu.memory_space<vmem>>[vector<16xi32>, vector<16xi32>], vector<16xf32>,
      %slice3A_139 = vector.extract_strided_slice %get3A_106 {offsets = [1], sizes = [1], strides = [1]} : vector<16xf32> to vector<1xf32>
      %squeeze3A_140 = vector.extract %slice3A_139[0] : f32 from vector<1xf32>
      %broadcast_in_dim3A_141 = vector.broadcast %squeeze3A_140 : f32 to vector<16xf32>
      %mul3A_142 = arith.mulf %gather3A_138, %broadcast_in_dim3A_141 : vector<16xf32>
      %add3A_143 = arith.constant 1 : i32
      %add3A_144 = arith.addi %mul3A_102, %add3A_143 : i32
      %mul3A_145 = arith.constant 16 : i32
      %mul3A_146 = arith.muli %add3A_144, %mul3A_145 : i32
      %swap3A_147 = arith.index_cast %mul3A_146 : i32 to index
      %swap3A_148 = tpu.vector_load %arg11[%swap3A_147] {strides = array<i32>} : memref<50176xf32, #tpu.memory_space<vmem>>, vector<16xf32>,
      tpu.vector_store %arg11[%swap3A_147], %mul3A_142 {strides = array<i32>} : memref<50176xf32, #tpu.memory_space<vmem>>, vector<16xf32>,
      %slice3A_149 = vector.extract_strided_slice %get3A_104 {offsets = [2], sizes = [1], strides = [1]} : vector<16xi32> to vector<1xi32>
      %squeeze3A_150 = vector.extract %slice3A_149[0] : i32 from vector<1xi32>
      %add3A_151 = arith.constant 2048 : i32
      %add3A_152 = arith.addi %cond3A_133, %add3A_151 : i32
      %ge3A_153 = arith.cmpi sge, %squeeze3A_150, %add3A_152 : i32
      %convert_element_type3A_154 = arith.extui %ge3A_153 : i1 to i32
      %cond3A_155 = arith.constant 0 : i32
      %cond3A_156 = arith.cmpi ne, %convert_element_type3A_154, %cond3A_155 : i32
      %cond3A_157 = scf.if %cond3A_156 -> (i32) {
        %jit3A_485 = arith.constant 128 : i32
        %div3A_486 = arith.divsi %squeeze3A_150, %jit3A_485 : i32
        %sign3A_487 = arith.constant 0 : i32
        %sign3A_488 = arith.cmpi sgt, %squeeze3A_150, %sign3A_487 : i32
        %sign3A_489 = arith.extui %sign3A_488 : i1 to i32
        %sign3A_490 = arith.constant 0 : i32
        %sign3A_491 = arith.cmpi slt, %squeeze3A_150, %sign3A_490 : i32
        %sign3A_492 = arith.extui %sign3A_491 : i1 to i32
        %sign3A_493 = arith.subi %sign3A_489, %sign3A_492 : i32
        %sign3A_494 = arith.constant 0 : i32
        %sign3A_495 = arith.cmpi sgt, %jit3A_485, %sign3A_494 : i32
        %sign3A_496 = arith.extui %sign3A_495 : i1 to i32
        %sign3A_497 = arith.constant 0 : i32
        %sign3A_498 = arith.cmpi slt, %jit3A_485, %sign3A_497 : i32
        %sign3A_499 = arith.extui %sign3A_498 : i1 to i32
        %sign3A_500 = arith.subi %sign3A_496, %sign3A_499 : i32
        %ne3A_501 = arith.cmpi ne, %sign3A_493, %sign3A_500 : i32
        %rem3A_502 = arith.remsi %squeeze3A_150, %jit3A_485 : i32
        %ne3A_503 = arith.constant 0 : i32
        %ne3A_504 = arith.cmpi ne, %rem3A_502, %ne3A_503 : i32
        %and3A_505 = arith.andi %ne3A_501, %ne3A_504 : i1
        %sub3A_506 = arith.constant 1 : i32
        %sub3A_507 = arith.subi %div3A_486, %sub3A_506 : i32
        %select_n3A_508 = arith.select %and3A_505, %sub3A_507, %div3A_486 : i32
        %mul3A_509 = arith.constant 128 : i32
        %mul3A_510 = arith.muli %select_n3A_508, %mul3A_509 : i32
        %min3A_511 = arith.constant 3197952 : i32
        %min3A_512 = arith.minsi %mul3A_510, %min3A_511 : i32
        %multiple_of3A_513 = tpu.assume_multiple %min3A_512, 128 : i32
        "tpu.region"() ({
          %run_scoped3A = tpu.sem_alloc : memref<!tpu.dma_semaphore, #tpu.memory_space<semaphore_mem>>
          %dma_start3A = arith.constant 0 : i32
          %dma_start3A_514 = tpu.memref_slice %arg4[%dma_start3A, %multiple_of3A_513] : memref<16x3200000xf32, #tpu.memory_space<hbm>> -> memref<16x2048xf32, #tpu.memory_space<hbm>>
          %dma_start3A_515 = arith.constant 0 : i32
          %dma_start3A_516 = tpu.memref_slice %arg4[%dma_start3A_515, %multiple_of3A_513] : memref<16x3200000xf32, #tpu.memory_space<hbm>> -> memref<16x2048xf32, #tpu.memory_space<hbm>>
          tpu.enqueue_dma source(%dma_start3A_516 : memref<16x2048xf32, #tpu.memory_space<hbm>>) target(%arg10 : memref<16x2048xf32, #tpu.memory_space<vmem>>) target_semaphore(%run_scoped3A : memref<!tpu.dma_semaphore, #tpu.memory_space<semaphore_mem>>)
          %dma_wait3A = arith.constant 0 : i32
          %dma_wait3A_517 = tpu.memref_slice %arg4[%dma_wait3A, %multiple_of3A_513] : memref<16x3200000xf32, #tpu.memory_space<hbm>> -> memref<16x2048xf32, #tpu.memory_space<hbm>>
          %dma_wait3A_518 = arith.constant 0 : i32
          %dma_wait3A_519 = tpu.memref_slice %arg4[%dma_wait3A_518, %multiple_of3A_513] : memref<16x3200000xf32, #tpu.memory_space<hbm>> -> memref<16x2048xf32, #tpu.memory_space<hbm>>
          tpu.wait_dma2 semaphore(%run_scoped3A : memref<!tpu.dma_semaphore, #tpu.memory_space<semaphore_mem>>) src(%dma_wait3A_519 : memref<16x2048xf32, #tpu.memory_space<hbm>>) dst(%arg10 : memref<16x2048xf32, #tpu.memory_space<vmem>>)
          tpu.yield
        }) : () -> ()
        scf.yield %multiple_of3A_513 : i32
      } else {
        scf.yield %cond3A_133 : i32
      }
      %sub3A_158 = arith.subi %squeeze3A_150, %cond3A_157 : i32
      %max3A_159 = arith.constant 0 : i32
      %max3A_160 = arith.maxsi %sub3A_158, %max3A_159 : i32
      %broadcast_in_dim3A_161 = vector.broadcast %max3A_160 : i32 to vector<16xi32>
      %gather3A_162 = tpu.vector_load_idx %arg10[%iota3A, %broadcast_in_dim3A_161] : memref<16x2048xf32, #tpu.memory_space<vmem>>[vector<16xi32>, vector<16xi32>], vector<16xf32>,
      %slice3A_163 = vector.extract_strided_slice %get3A_106 {offsets = [2], sizes = [1], strides = [1]} : vector<16xf32> to vector<1xf32>
      %squeeze3A_164 = vector.extract %slice3A_163[0] : f32 from vector<1xf32>
      %broadcast_in_dim3A_165 = vector.broadcast %squeeze3A_164 : f32 to vector<16xf32>
      %mul3A_166 = arith.mulf %gather3A_162, %broadcast_in_dim3A_165 : vector<16xf32>
      %add3A_167 = arith.constant 2 : i32
      %add3A_168 = arith.addi %mul3A_102, %add3A_167 : i32
      %mul3A_169 = arith.constant 16 : i32
      %mul3A_170 = arith.muli %add3A_168, %mul3A_169 : i32
      %swap3A_171 = arith.index_cast %mul3A_170 : i32 to index
      %swap3A_172 = tpu.vector_load %arg11[%swap3A_171] {strides = array<i32>} : memref<50176xf32, #tpu.memory_space<vmem>>, vector<16xf32>,
      tpu.vector_store %arg11[%swap3A_171], %mul3A_166 {strides = array<i32>} : memref<50176xf32, #tpu.memory_space<vmem>>, vector<16xf32>,
      %slice3A_173 = vector.extract_strided_slice %get3A_104 {offsets = [3], sizes = [1], strides = [1]} : vector<16xi32> to vector<1xi32>
      %squeeze3A_174 = vector.extract %slice3A_173[0] : i32 from vector<1xi32>
      %add3A_175 = arith.constant 2048 : i32
      %add3A_176 = arith.addi %cond3A_157, %add3A_175 : i32
      %ge3A_177 = arith.cmpi sge, %squeeze3A_174, %add3A_176 : i32
      %convert_element_type3A_178 = arith.extui %ge3A_177 : i1 to i32
      %cond3A_179 = arith.constant 0 : i32
      %cond3A_180 = arith.cmpi ne, %convert_element_type3A_178, %cond3A_179 : i32
      %cond3A_181 = scf.if %cond3A_180 -> (i32) {
        %jit3A_485 = arith.constant 128 : i32
        %div3A_486 = arith.divsi %squeeze3A_174, %jit3A_485 : i32
        %sign3A_487 = arith.constant 0 : i32
        %sign3A_488 = arith.cmpi sgt, %squeeze3A_174, %sign3A_487 : i32
        %sign3A_489 = arith.extui %sign3A_488 : i1 to i32
        %sign3A_490 = arith.constant 0 : i32
        %sign3A_491 = arith.cmpi slt, %squeeze3A_174, %sign3A_490 : i32
        %sign3A_492 = arith.extui %sign3A_491 : i1 to i32
        %sign3A_493 = arith.subi %sign3A_489, %sign3A_492 : i32
        %sign3A_494 = arith.constant 0 : i32
        %sign3A_495 = arith.cmpi sgt, %jit3A_485, %sign3A_494 : i32
        %sign3A_496 = arith.extui %sign3A_495 : i1 to i32
        %sign3A_497 = arith.constant 0 : i32
        %sign3A_498 = arith.cmpi slt, %jit3A_485, %sign3A_497 : i32
        %sign3A_499 = arith.extui %sign3A_498 : i1 to i32
        %sign3A_500 = arith.subi %sign3A_496, %sign3A_499 : i32
        %ne3A_501 = arith.cmpi ne, %sign3A_493, %sign3A_500 : i32
        %rem3A_502 = arith.remsi %squeeze3A_174, %jit3A_485 : i32
        %ne3A_503 = arith.constant 0 : i32
        %ne3A_504 = arith.cmpi ne, %rem3A_502, %ne3A_503 : i32
        %and3A_505 = arith.andi %ne3A_501, %ne3A_504 : i1
        %sub3A_506 = arith.constant 1 : i32
        %sub3A_507 = arith.subi %div3A_486, %sub3A_506 : i32
        %select_n3A_508 = arith.select %and3A_505, %sub3A_507, %div3A_486 : i32
        %mul3A_509 = arith.constant 128 : i32
        %mul3A_510 = arith.muli %select_n3A_508, %mul3A_509 : i32
        %min3A_511 = arith.constant 3197952 : i32
        %min3A_512 = arith.minsi %mul3A_510, %min3A_511 : i32
        %multiple_of3A_513 = tpu.assume_multiple %min3A_512, 128 : i32
        "tpu.region"() ({
          %run_scoped3A = tpu.sem_alloc : memref<!tpu.dma_semaphore, #tpu.memory_space<semaphore_mem>>
          %dma_start3A = arith.constant 0 : i32
          %dma_start3A_514 = tpu.memref_slice %arg4[%dma_start3A, %multiple_of3A_513] : memref<16x3200000xf32, #tpu.memory_space<hbm>> -> memref<16x2048xf32, #tpu.memory_space<hbm>>
          %dma_start3A_515 = arith.constant 0 : i32
          %dma_start3A_516 = tpu.memref_slice %arg4[%dma_start3A_515, %multiple_of3A_513] : memref<16x3200000xf32, #tpu.memory_space<hbm>> -> memref<16x2048xf32, #tpu.memory_space<hbm>>
          tpu.enqueue_dma source(%dma_start3A_516 : memref<16x2048xf32, #tpu.memory_space<hbm>>) target(%arg10 : memref<16x2048xf32, #tpu.memory_space<vmem>>) target_semaphore(%run_scoped3A : memref<!tpu.dma_semaphore, #tpu.memory_space<semaphore_mem>>)
          %dma_wait3A = arith.constant 0 : i32
          %dma_wait3A_517 = tpu.memref_slice %arg4[%dma_wait3A, %multiple_of3A_513] : memref<16x3200000xf32, #tpu.memory_space<hbm>> -> memref<16x2048xf32, #tpu.memory_space<hbm>>
          %dma_wait3A_518 = arith.constant 0 : i32
          %dma_wait3A_519 = tpu.memref_slice %arg4[%dma_wait3A_518, %multiple_of3A_513] : memref<16x3200000xf32, #tpu.memory_space<hbm>> -> memref<16x2048xf32, #tpu.memory_space<hbm>>
          tpu.wait_dma2 semaphore(%run_scoped3A : memref<!tpu.dma_semaphore, #tpu.memory_space<semaphore_mem>>) src(%dma_wait3A_519 : memref<16x2048xf32, #tpu.memory_space<hbm>>) dst(%arg10 : memref<16x2048xf32, #tpu.memory_space<vmem>>)
          tpu.yield
        }) : () -> ()
        scf.yield %multiple_of3A_513 : i32
      } else {
        scf.yield %cond3A_157 : i32
      }
      %sub3A_182 = arith.subi %squeeze3A_174, %cond3A_181 : i32
      %max3A_183 = arith.constant 0 : i32
      %max3A_184 = arith.maxsi %sub3A_182, %max3A_183 : i32
      %broadcast_in_dim3A_185 = vector.broadcast %max3A_184 : i32 to vector<16xi32>
      %gather3A_186 = tpu.vector_load_idx %arg10[%iota3A, %broadcast_in_dim3A_185] : memref<16x2048xf32, #tpu.memory_space<vmem>>[vector<16xi32>, vector<16xi32>], vector<16xf32>,
      %slice3A_187 = vector.extract_strided_slice %get3A_106 {offsets = [3], sizes = [1], strides = [1]} : vector<16xf32> to vector<1xf32>
      %squeeze3A_188 = vector.extract %slice3A_187[0] : f32 from vector<1xf32>
      %broadcast_in_dim3A_189 = vector.broadcast %squeeze3A_188 : f32 to vector<16xf32>
      %mul3A_190 = arith.mulf %gather3A_186, %broadcast_in_dim3A_189 : vector<16xf32>
      %add3A_191 = arith.constant 3 : i32
      %add3A_192 = arith.addi %mul3A_102, %add3A_191 : i32
      %mul3A_193 = arith.constant 16 : i32
      %mul3A_194 = arith.muli %add3A_192, %mul3A_193 : i32
      %swap3A_195 = arith.index_cast %mul3A_194 : i32 to index
      %swap3A_196 = tpu.vector_load %arg11[%swap3A_195] {strides = array<i32>} : memref<50176xf32, #tpu.memory_space<vmem>>, vector<16xf32>,
      tpu.vector_store %arg11[%swap3A_195], %mul3A_190 {strides = array<i32>} : memref<50176xf32, #tpu.memory_space<vmem>>, vector<16xf32>,
      %slice3A_197 = vector.extract_strided_slice %get3A_104 {offsets = [4], sizes = [1], strides = [1]} : vector<16xi32> to vector<1xi32>
      %squeeze3A_198 = vector.extract %slice3A_197[0] : i32 from vector<1xi32>
      %add3A_199 = arith.constant 2048 : i32
      %add3A_200 = arith.addi %cond3A_181, %add3A_199 : i32
      %ge3A_201 = arith.cmpi sge, %squeeze3A_198, %add3A_200 : i32
      %convert_element_type3A_202 = arith.extui %ge3A_201 : i1 to i32
      %cond3A_203 = arith.constant 0 : i32
      %cond3A_204 = arith.cmpi ne, %convert_element_type3A_202, %cond3A_203 : i32
      %cond3A_205 = scf.if %cond3A_204 -> (i32) {
        %jit3A_485 = arith.constant 128 : i32
        %div3A_486 = arith.divsi %squeeze3A_198, %jit3A_485 : i32
        %sign3A_487 = arith.constant 0 : i32
        %sign3A_488 = arith.cmpi sgt, %squeeze3A_198, %sign3A_487 : i32
        %sign3A_489 = arith.extui %sign3A_488 : i1 to i32
        %sign3A_490 = arith.constant 0 : i32
        %sign3A_491 = arith.cmpi slt, %squeeze3A_198, %sign3A_490 : i32
        %sign3A_492 = arith.extui %sign3A_491 : i1 to i32
        %sign3A_493 = arith.subi %sign3A_489, %sign3A_492 : i32
        %sign3A_494 = arith.constant 0 : i32
        %sign3A_495 = arith.cmpi sgt, %jit3A_485, %sign3A_494 : i32
        %sign3A_496 = arith.extui %sign3A_495 : i1 to i32
        %sign3A_497 = arith.constant 0 : i32
        %sign3A_498 = arith.cmpi slt, %jit3A_485, %sign3A_497 : i32
        %sign3A_499 = arith.extui %sign3A_498 : i1 to i32
        %sign3A_500 = arith.subi %sign3A_496, %sign3A_499 : i32
        %ne3A_501 = arith.cmpi ne, %sign3A_493, %sign3A_500 : i32
        %rem3A_502 = arith.remsi %squeeze3A_198, %jit3A_485 : i32
        %ne3A_503 = arith.constant 0 : i32
        %ne3A_504 = arith.cmpi ne, %rem3A_502, %ne3A_503 : i32
        %and3A_505 = arith.andi %ne3A_501, %ne3A_504 : i1
        %sub3A_506 = arith.constant 1 : i32
        %sub3A_507 = arith.subi %div3A_486, %sub3A_506 : i32
        %select_n3A_508 = arith.select %and3A_505, %sub3A_507, %div3A_486 : i32
        %mul3A_509 = arith.constant 128 : i32
        %mul3A_510 = arith.muli %select_n3A_508, %mul3A_509 : i32
        %min3A_511 = arith.constant 3197952 : i32
        %min3A_512 = arith.minsi %mul3A_510, %min3A_511 : i32
        %multiple_of3A_513 = tpu.assume_multiple %min3A_512, 128 : i32
        "tpu.region"() ({
          %run_scoped3A = tpu.sem_alloc : memref<!tpu.dma_semaphore, #tpu.memory_space<semaphore_mem>>
          %dma_start3A = arith.constant 0 : i32
          %dma_start3A_514 = tpu.memref_slice %arg4[%dma_start3A, %multiple_of3A_513] : memref<16x3200000xf32, #tpu.memory_space<hbm>> -> memref<16x2048xf32, #tpu.memory_space<hbm>>
          %dma_start3A_515 = arith.constant 0 : i32
          %dma_start3A_516 = tpu.memref_slice %arg4[%dma_start3A_515, %multiple_of3A_513] : memref<16x3200000xf32, #tpu.memory_space<hbm>> -> memref<16x2048xf32, #tpu.memory_space<hbm>>
          tpu.enqueue_dma source(%dma_start3A_516 : memref<16x2048xf32, #tpu.memory_space<hbm>>) target(%arg10 : memref<16x2048xf32, #tpu.memory_space<vmem>>) target_semaphore(%run_scoped3A : memref<!tpu.dma_semaphore, #tpu.memory_space<semaphore_mem>>)
          %dma_wait3A = arith.constant 0 : i32
          %dma_wait3A_517 = tpu.memref_slice %arg4[%dma_wait3A, %multiple_of3A_513] : memref<16x3200000xf32, #tpu.memory_space<hbm>> -> memref<16x2048xf32, #tpu.memory_space<hbm>>
          %dma_wait3A_518 = arith.constant 0 : i32
          %dma_wait3A_519 = tpu.memref_slice %arg4[%dma_wait3A_518, %multiple_of3A_513] : memref<16x3200000xf32, #tpu.memory_space<hbm>> -> memref<16x2048xf32, #tpu.memory_space<hbm>>
          tpu.wait_dma2 semaphore(%run_scoped3A : memref<!tpu.dma_semaphore, #tpu.memory_space<semaphore_mem>>) src(%dma_wait3A_519 : memref<16x2048xf32, #tpu.memory_space<hbm>>) dst(%arg10 : memref<16x2048xf32, #tpu.memory_space<vmem>>)
          tpu.yield
        }) : () -> ()
        scf.yield %multiple_of3A_513 : i32
      } else {
        scf.yield %cond3A_181 : i32
      }
      %sub3A_206 = arith.subi %squeeze3A_198, %cond3A_205 : i32
      %max3A_207 = arith.constant 0 : i32
      %max3A_208 = arith.maxsi %sub3A_206, %max3A_207 : i32
      %broadcast_in_dim3A_209 = vector.broadcast %max3A_208 : i32 to vector<16xi32>
      %gather3A_210 = tpu.vector_load_idx %arg10[%iota3A, %broadcast_in_dim3A_209] : memref<16x2048xf32, #tpu.memory_space<vmem>>[vector<16xi32>, vector<16xi32>], vector<16xf32>,
      %slice3A_211 = vector.extract_strided_slice %get3A_106 {offsets = [4], sizes = [1], strides = [1]} : vector<16xf32> to vector<1xf32>
      %squeeze3A_212 = vector.extract %slice3A_211[0] : f32 from vector<1xf32>
      %broadcast_in_dim3A_213 = vector.broadcast %squeeze3A_212 : f32 to vector<16xf32>
      %mul3A_214 = arith.mulf %gather3A_210, %broadcast_in_dim3A_213 : vector<16xf32>
      %add3A_215 = arith.constant 4 : i32
      %add3A_216 = arith.addi %mul3A_102, %add3A_215 : i32
      %mul3A_217 = arith.constant 16 : i32
      %mul3A_218 = arith.muli %add3A_216, %mul3A_217 : i32
      %swap3A_219 = arith.index_cast %mul3A_218 : i32 to index
      %swap3A_220 = tpu.vector_load %arg11[%swap3A_219] {strides = array<i32>} : memref<50176xf32, #tpu.memory_space<vmem>>, vector<16xf32>,
      tpu.vector_store %arg11[%swap3A_219], %mul3A_214 {strides = array<i32>} : memref<50176xf32, #tpu.memory_space<vmem>>, vector<16xf32>,
      %slice3A_221 = vector.extract_strided_slice %get3A_104 {offsets = [5], sizes = [1], strides = [1]} : vector<16xi32> to vector<1xi32>
      %squeeze3A_222 = vector.extract %slice3A_221[0] : i32 from vector<1xi32>
      %add3A_223 = arith.constant 2048 : i32
      %add3A_224 = arith.addi %cond3A_205, %add3A_223 : i32
      %ge3A_225 = arith.cmpi sge, %squeeze3A_222, %add3A_224 : i32
      %convert_element_type3A_226 = arith.extui %ge3A_225 : i1 to i32
      %cond3A_227 = arith.constant 0 : i32
      %cond3A_228 = arith.cmpi ne, %convert_element_type3A_226, %cond3A_227 : i32
      %cond3A_229 = scf.if %cond3A_228 -> (i32) {
        %jit3A_485 = arith.constant 128 : i32
        %div3A_486 = arith.divsi %squeeze3A_222, %jit3A_485 : i32
        %sign3A_487 = arith.constant 0 : i32
        %sign3A_488 = arith.cmpi sgt, %squeeze3A_222, %sign3A_487 : i32
        %sign3A_489 = arith.extui %sign3A_488 : i1 to i32
        %sign3A_490 = arith.constant 0 : i32
        %sign3A_491 = arith.cmpi slt, %squeeze3A_222, %sign3A_490 : i32
        %sign3A_492 = arith.extui %sign3A_491 : i1 to i32
        %sign3A_493 = arith.subi %sign3A_489, %sign3A_492 : i32
        %sign3A_494 = arith.constant 0 : i32
        %sign3A_495 = arith.cmpi sgt, %jit3A_485, %sign3A_494 : i32
        %sign3A_496 = arith.extui %sign3A_495 : i1 to i32
        %sign3A_497 = arith.constant 0 : i32
        %sign3A_498 = arith.cmpi slt, %jit3A_485, %sign3A_497 : i32
        %sign3A_499 = arith.extui %sign3A_498 : i1 to i32
        %sign3A_500 = arith.subi %sign3A_496, %sign3A_499 : i32
        %ne3A_501 = arith.cmpi ne, %sign3A_493, %sign3A_500 : i32
        %rem3A_502 = arith.remsi %squeeze3A_222, %jit3A_485 : i32
        %ne3A_503 = arith.constant 0 : i32
        %ne3A_504 = arith.cmpi ne, %rem3A_502, %ne3A_503 : i32
        %and3A_505 = arith.andi %ne3A_501, %ne3A_504 : i1
        %sub3A_506 = arith.constant 1 : i32
        %sub3A_507 = arith.subi %div3A_486, %sub3A_506 : i32
        %select_n3A_508 = arith.select %and3A_505, %sub3A_507, %div3A_486 : i32
        %mul3A_509 = arith.constant 128 : i32
        %mul3A_510 = arith.muli %select_n3A_508, %mul3A_509 : i32
        %min3A_511 = arith.constant 3197952 : i32
        %min3A_512 = arith.minsi %mul3A_510, %min3A_511 : i32
        %multiple_of3A_513 = tpu.assume_multiple %min3A_512, 128 : i32
        "tpu.region"() ({
          %run_scoped3A = tpu.sem_alloc : memref<!tpu.dma_semaphore, #tpu.memory_space<semaphore_mem>>
          %dma_start3A = arith.constant 0 : i32
          %dma_start3A_514 = tpu.memref_slice %arg4[%dma_start3A, %multiple_of3A_513] : memref<16x3200000xf32, #tpu.memory_space<hbm>> -> memref<16x2048xf32, #tpu.memory_space<hbm>>
          %dma_start3A_515 = arith.constant 0 : i32
          %dma_start3A_516 = tpu.memref_slice %arg4[%dma_start3A_515, %multiple_of3A_513] : memref<16x3200000xf32, #tpu.memory_space<hbm>> -> memref<16x2048xf32, #tpu.memory_space<hbm>>
          tpu.enqueue_dma source(%dma_start3A_516 : memref<16x2048xf32, #tpu.memory_space<hbm>>) target(%arg10 : memref<16x2048xf32, #tpu.memory_space<vmem>>) target_semaphore(%run_scoped3A : memref<!tpu.dma_semaphore, #tpu.memory_space<semaphore_mem>>)
          %dma_wait3A = arith.constant 0 : i32
          %dma_wait3A_517 = tpu.memref_slice %arg4[%dma_wait3A, %multiple_of3A_513] : memref<16x3200000xf32, #tpu.memory_space<hbm>> -> memref<16x2048xf32, #tpu.memory_space<hbm>>
          %dma_wait3A_518 = arith.constant 0 : i32
          %dma_wait3A_519 = tpu.memref_slice %arg4[%dma_wait3A_518, %multiple_of3A_513] : memref<16x3200000xf32, #tpu.memory_space<hbm>> -> memref<16x2048xf32, #tpu.memory_space<hbm>>
          tpu.wait_dma2 semaphore(%run_scoped3A : memref<!tpu.dma_semaphore, #tpu.memory_space<semaphore_mem>>) src(%dma_wait3A_519 : memref<16x2048xf32, #tpu.memory_space<hbm>>) dst(%arg10 : memref<16x2048xf32, #tpu.memory_space<vmem>>)
          tpu.yield
        }) : () -> ()
        scf.yield %multiple_of3A_513 : i32
      } else {
        scf.yield %cond3A_205 : i32
      }
      %sub3A_230 = arith.subi %squeeze3A_222, %cond3A_229 : i32
      %max3A_231 = arith.constant 0 : i32
      %max3A_232 = arith.maxsi %sub3A_230, %max3A_231 : i32
      %broadcast_in_dim3A_233 = vector.broadcast %max3A_232 : i32 to vector<16xi32>
      %gather3A_234 = tpu.vector_load_idx %arg10[%iota3A, %broadcast_in_dim3A_233] : memref<16x2048xf32, #tpu.memory_space<vmem>>[vector<16xi32>, vector<16xi32>], vector<16xf32>,
      %slice3A_235 = vector.extract_strided_slice %get3A_106 {offsets = [5], sizes = [1], strides = [1]} : vector<16xf32> to vector<1xf32>
      %squeeze3A_236 = vector.extract %slice3A_235[0] : f32 from vector<1xf32>
      %broadcast_in_dim3A_237 = vector.broadcast %squeeze3A_236 : f32 to vector<16xf32>
      %mul3A_238 = arith.mulf %gather3A_234, %broadcast_in_dim3A_237 : vector<16xf32>
      %add3A_239 = arith.constant 5 : i32
      %add3A_240 = arith.addi %mul3A_102, %add3A_239 : i32
      %mul3A_241 = arith.constant 16 : i32
      %mul3A_242 = arith.muli %add3A_240, %mul3A_241 : i32
      %swap3A_243 = arith.index_cast %mul3A_242 : i32 to index
      %swap3A_244 = tpu.vector_load %arg11[%swap3A_243] {strides = array<i32>} : memref<50176xf32, #tpu.memory_space<vmem>>, vector<16xf32>,
      tpu.vector_store %arg11[%swap3A_243], %mul3A_238 {strides = array<i32>} : memref<50176xf32, #tpu.memory_space<vmem>>, vector<16xf32>,
      %slice3A_245 = vector.extract_strided_slice %get3A_104 {offsets = [6], sizes = [1], strides = [1]} : vector<16xi32> to vector<1xi32>
      %squeeze3A_246 = vector.extract %slice3A_245[0] : i32 from vector<1xi32>
      %add3A_247 = arith.constant 2048 : i32
      %add3A_248 = arith.addi %cond3A_229, %add3A_247 : i32
      %ge3A_249 = arith.cmpi sge, %squeeze3A_246, %add3A_248 : i32
      %convert_element_type3A_250 = arith.extui %ge3A_249 : i1 to i32
      %cond3A_251 = arith.constant 0 : i32
      %cond3A_252 = arith.cmpi ne, %convert_element_type3A_250, %cond3A_251 : i32
      %cond3A_253 = scf.if %cond3A_252 -> (i32) {
        %jit3A_485 = arith.constant 128 : i32
        %div3A_486 = arith.divsi %squeeze3A_246, %jit3A_485 : i32
        %sign3A_487 = arith.constant 0 : i32
        %sign3A_488 = arith.cmpi sgt, %squeeze3A_246, %sign3A_487 : i32
        %sign3A_489 = arith.extui %sign3A_488 : i1 to i32
        %sign3A_490 = arith.constant 0 : i32
        %sign3A_491 = arith.cmpi slt, %squeeze3A_246, %sign3A_490 : i32
        %sign3A_492 = arith.extui %sign3A_491 : i1 to i32
        %sign3A_493 = arith.subi %sign3A_489, %sign3A_492 : i32
        %sign3A_494 = arith.constant 0 : i32
        %sign3A_495 = arith.cmpi sgt, %jit3A_485, %sign3A_494 : i32
        %sign3A_496 = arith.extui %sign3A_495 : i1 to i32
        %sign3A_497 = arith.constant 0 : i32
        %sign3A_498 = arith.cmpi slt, %jit3A_485, %sign3A_497 : i32
        %sign3A_499 = arith.extui %sign3A_498 : i1 to i32
        %sign3A_500 = arith.subi %sign3A_496, %sign3A_499 : i32
        %ne3A_501 = arith.cmpi ne, %sign3A_493, %sign3A_500 : i32
        %rem3A_502 = arith.remsi %squeeze3A_246, %jit3A_485 : i32
        %ne3A_503 = arith.constant 0 : i32
        %ne3A_504 = arith.cmpi ne, %rem3A_502, %ne3A_503 : i32
        %and3A_505 = arith.andi %ne3A_501, %ne3A_504 : i1
        %sub3A_506 = arith.constant 1 : i32
        %sub3A_507 = arith.subi %div3A_486, %sub3A_506 : i32
        %select_n3A_508 = arith.select %and3A_505, %sub3A_507, %div3A_486 : i32
        %mul3A_509 = arith.constant 128 : i32
        %mul3A_510 = arith.muli %select_n3A_508, %mul3A_509 : i32
        %min3A_511 = arith.constant 3197952 : i32
        %min3A_512 = arith.minsi %mul3A_510, %min3A_511 : i32
        %multiple_of3A_513 = tpu.assume_multiple %min3A_512, 128 : i32
        "tpu.region"() ({
          %run_scoped3A = tpu.sem_alloc : memref<!tpu.dma_semaphore, #tpu.memory_space<semaphore_mem>>
          %dma_start3A = arith.constant 0 : i32
          %dma_start3A_514 = tpu.memref_slice %arg4[%dma_start3A, %multiple_of3A_513] : memref<16x3200000xf32, #tpu.memory_space<hbm>> -> memref<16x2048xf32, #tpu.memory_space<hbm>>
          %dma_start3A_515 = arith.constant 0 : i32
          %dma_start3A_516 = tpu.memref_slice %arg4[%dma_start3A_515, %multiple_of3A_513] : memref<16x3200000xf32, #tpu.memory_space<hbm>> -> memref<16x2048xf32, #tpu.memory_space<hbm>>
          tpu.enqueue_dma source(%dma_start3A_516 : memref<16x2048xf32, #tpu.memory_space<hbm>>) target(%arg10 : memref<16x2048xf32, #tpu.memory_space<vmem>>) target_semaphore(%run_scoped3A : memref<!tpu.dma_semaphore, #tpu.memory_space<semaphore_mem>>)
          %dma_wait3A = arith.constant 0 : i32
          %dma_wait3A_517 = tpu.memref_slice %arg4[%dma_wait3A, %multiple_of3A_513] : memref<16x3200000xf32, #tpu.memory_space<hbm>> -> memref<16x2048xf32, #tpu.memory_space<hbm>>
          %dma_wait3A_518 = arith.constant 0 : i32
          %dma_wait3A_519 = tpu.memref_slice %arg4[%dma_wait3A_518, %multiple_of3A_513] : memref<16x3200000xf32, #tpu.memory_space<hbm>> -> memref<16x2048xf32, #tpu.memory_space<hbm>>
          tpu.wait_dma2 semaphore(%run_scoped3A : memref<!tpu.dma_semaphore, #tpu.memory_space<semaphore_mem>>) src(%dma_wait3A_519 : memref<16x2048xf32, #tpu.memory_space<hbm>>) dst(%arg10 : memref<16x2048xf32, #tpu.memory_space<vmem>>)
          tpu.yield
        }) : () -> ()
        scf.yield %multiple_of3A_513 : i32
      } else {
        scf.yield %cond3A_229 : i32
      }
      %sub3A_254 = arith.subi %squeeze3A_246, %cond3A_253 : i32
      %max3A_255 = arith.constant 0 : i32
      %max3A_256 = arith.maxsi %sub3A_254, %max3A_255 : i32
      %broadcast_in_dim3A_257 = vector.broadcast %max3A_256 : i32 to vector<16xi32>
      %gather3A_258 = tpu.vector_load_idx %arg10[%iota3A, %broadcast_in_dim3A_257] : memref<16x2048xf32, #tpu.memory_space<vmem>>[vector<16xi32>, vector<16xi32>], vector<16xf32>,
      %slice3A_259 = vector.extract_strided_slice %get3A_106 {offsets = [6], sizes = [1], strides = [1]} : vector<16xf32> to vector<1xf32>
      %squeeze3A_260 = vector.extract %slice3A_259[0] : f32 from vector<1xf32>
      %broadcast_in_dim3A_261 = vector.broadcast %squeeze3A_260 : f32 to vector<16xf32>
      %mul3A_262 = arith.mulf %gather3A_258, %broadcast_in_dim3A_261 : vector<16xf32>
      %add3A_263 = arith.constant 6 : i32
      %add3A_264 = arith.addi %mul3A_102, %add3A_263 : i32
      %mul3A_265 = arith.constant 16 : i32
      %mul3A_266 = arith.muli %add3A_264, %mul3A_265 : i32
      %swap3A_267 = arith.index_cast %mul3A_266 : i32 to index
      %swap3A_268 = tpu.vector_load %arg11[%swap3A_267] {strides = array<i32>} : memref<50176xf32, #tpu.memory_space<vmem>>, vector<16xf32>,
      tpu.vector_store %arg11[%swap3A_267], %mul3A_262 {strides = array<i32>} : memref<50176xf32, #tpu.memory_space<vmem>>, vector<16xf32>,
      %slice3A_269 = vector.extract_strided_slice %get3A_104 {offsets = [7], sizes = [1], strides = [1]} : vector<16xi32> to vector<1xi32>
      %squeeze3A_270 = vector.extract %slice3A_269[0] : i32 from vector<1xi32>
      %add3A_271 = arith.constant 2048 : i32
      %add3A_272 = arith.addi %cond3A_253, %add3A_271 : i32
      %ge3A_273 = arith.cmpi sge, %squeeze3A_270, %add3A_272 : i32
      %convert_element_type3A_274 = arith.extui %ge3A_273 : i1 to i32
      %cond3A_275 = arith.constant 0 : i32
      %cond3A_276 = arith.cmpi ne, %convert_element_type3A_274, %cond3A_275 : i32
      %cond3A_277 = scf.if %cond3A_276 -> (i32) {
        %jit3A_485 = arith.constant 128 : i32
        %div3A_486 = arith.divsi %squeeze3A_270, %jit3A_485 : i32
        %sign3A_487 = arith.constant 0 : i32
        %sign3A_488 = arith.cmpi sgt, %squeeze3A_270, %sign3A_487 : i32
        %sign3A_489 = arith.extui %sign3A_488 : i1 to i32
        %sign3A_490 = arith.constant 0 : i32
        %sign3A_491 = arith.cmpi slt, %squeeze3A_270, %sign3A_490 : i32
        %sign3A_492 = arith.extui %sign3A_491 : i1 to i32
        %sign3A_493 = arith.subi %sign3A_489, %sign3A_492 : i32
        %sign3A_494 = arith.constant 0 : i32
        %sign3A_495 = arith.cmpi sgt, %jit3A_485, %sign3A_494 : i32
        %sign3A_496 = arith.extui %sign3A_495 : i1 to i32
        %sign3A_497 = arith.constant 0 : i32
        %sign3A_498 = arith.cmpi slt, %jit3A_485, %sign3A_497 : i32
        %sign3A_499 = arith.extui %sign3A_498 : i1 to i32
        %sign3A_500 = arith.subi %sign3A_496, %sign3A_499 : i32
        %ne3A_501 = arith.cmpi ne, %sign3A_493, %sign3A_500 : i32
        %rem3A_502 = arith.remsi %squeeze3A_270, %jit3A_485 : i32
        %ne3A_503 = arith.constant 0 : i32
        %ne3A_504 = arith.cmpi ne, %rem3A_502, %ne3A_503 : i32
        %and3A_505 = arith.andi %ne3A_501, %ne3A_504 : i1
        %sub3A_506 = arith.constant 1 : i32
        %sub3A_507 = arith.subi %div3A_486, %sub3A_506 : i32
        %select_n3A_508 = arith.select %and3A_505, %sub3A_507, %div3A_486 : i32
        %mul3A_509 = arith.constant 128 : i32
        %mul3A_510 = arith.muli %select_n3A_508, %mul3A_509 : i32
        %min3A_511 = arith.constant 3197952 : i32
        %min3A_512 = arith.minsi %mul3A_510, %min3A_511 : i32
        %multiple_of3A_513 = tpu.assume_multiple %min3A_512, 128 : i32
        "tpu.region"() ({
          %run_scoped3A = tpu.sem_alloc : memref<!tpu.dma_semaphore, #tpu.memory_space<semaphore_mem>>
          %dma_start3A = arith.constant 0 : i32
          %dma_start3A_514 = tpu.memref_slice %arg4[%dma_start3A, %multiple_of3A_513] : memref<16x3200000xf32, #tpu.memory_space<hbm>> -> memref<16x2048xf32, #tpu.memory_space<hbm>>
          %dma_start3A_515 = arith.constant 0 : i32
          %dma_start3A_516 = tpu.memref_slice %arg4[%dma_start3A_515, %multiple_of3A_513] : memref<16x3200000xf32, #tpu.memory_space<hbm>> -> memref<16x2048xf32, #tpu.memory_space<hbm>>
          tpu.enqueue_dma source(%dma_start3A_516 : memref<16x2048xf32, #tpu.memory_space<hbm>>) target(%arg10 : memref<16x2048xf32, #tpu.memory_space<vmem>>) target_semaphore(%run_scoped3A : memref<!tpu.dma_semaphore, #tpu.memory_space<semaphore_mem>>)
          %dma_wait3A = arith.constant 0 : i32
          %dma_wait3A_517 = tpu.memref_slice %arg4[%dma_wait3A, %multiple_of3A_513] : memref<16x3200000xf32, #tpu.memory_space<hbm>> -> memref<16x2048xf32, #tpu.memory_space<hbm>>
          %dma_wait3A_518 = arith.constant 0 : i32
          %dma_wait3A_519 = tpu.memref_slice %arg4[%dma_wait3A_518, %multiple_of3A_513] : memref<16x3200000xf32, #tpu.memory_space<hbm>> -> memref<16x2048xf32, #tpu.memory_space<hbm>>
          tpu.wait_dma2 semaphore(%run_scoped3A : memref<!tpu.dma_semaphore, #tpu.memory_space<semaphore_mem>>) src(%dma_wait3A_519 : memref<16x2048xf32, #tpu.memory_space<hbm>>) dst(%arg10 : memref<16x2048xf32, #tpu.memory_space<vmem>>)
          tpu.yield
        }) : () -> ()
        scf.yield %multiple_of3A_513 : i32
      } else {
        scf.yield %cond3A_253 : i32
      }
      %sub3A_278 = arith.subi %squeeze3A_270, %cond3A_277 : i32
      %max3A_279 = arith.constant 0 : i32
      %max3A_280 = arith.maxsi %sub3A_278, %max3A_279 : i32
      %broadcast_in_dim3A_281 = vector.broadcast %max3A_280 : i32 to vector<16xi32>
      %gather3A_282 = tpu.vector_load_idx %arg10[%iota3A, %broadcast_in_dim3A_281] : memref<16x2048xf32, #tpu.memory_space<vmem>>[vector<16xi32>, vector<16xi32>], vector<16xf32>,
      %slice3A_283 = vector.extract_strided_slice %get3A_106 {offsets = [7], sizes = [1], strides = [1]} : vector<16xf32> to vector<1xf32>
      %squeeze3A_284 = vector.extract %slice3A_283[0] : f32 from vector<1xf32>
      %broadcast_in_dim3A_285 = vector.broadcast %squeeze3A_284 : f32 to vector<16xf32>
      %mul3A_286 = arith.mulf %gather3A_282, %broadcast_in_dim3A_285 : vector<16xf32>
      %add3A_287 = arith.constant 7 : i32
      %add3A_288 = arith.addi %mul3A_102, %add3A_287 : i32
      %mul3A_289 = arith.constant 16 : i32
      %mul3A_290 = arith.muli %add3A_288, %mul3A_289 : i32
      %swap3A_291 = arith.index_cast %mul3A_290 : i32 to index
      %swap3A_292 = tpu.vector_load %arg11[%swap3A_291] {strides = array<i32>} : memref<50176xf32, #tpu.memory_space<vmem>>, vector<16xf32>,
      tpu.vector_store %arg11[%swap3A_291], %mul3A_286 {strides = array<i32>} : memref<50176xf32, #tpu.memory_space<vmem>>, vector<16xf32>,
      %slice3A_293 = vector.extract_strided_slice %get3A_104 {offsets = [8], sizes = [1], strides = [1]} : vector<16xi32> to vector<1xi32>
      %squeeze3A_294 = vector.extract %slice3A_293[0] : i32 from vector<1xi32>
      %add3A_295 = arith.constant 2048 : i32
      %add3A_296 = arith.addi %cond3A_277, %add3A_295 : i32
      %ge3A_297 = arith.cmpi sge, %squeeze3A_294, %add3A_296 : i32
      %convert_element_type3A_298 = arith.extui %ge3A_297 : i1 to i32
      %cond3A_299 = arith.constant 0 : i32
      %cond3A_300 = arith.cmpi ne, %convert_element_type3A_298, %cond3A_299 : i32
      %cond3A_301 = scf.if %cond3A_300 -> (i32) {
        %jit3A_485 = arith.constant 128 : i32
        %div3A_486 = arith.divsi %squeeze3A_294, %jit3A_485 : i32
        %sign3A_487 = arith.constant 0 : i32
        %sign3A_488 = arith.cmpi sgt, %squeeze3A_294, %sign3A_487 : i32
        %sign3A_489 = arith.extui %sign3A_488 : i1 to i32
        %sign3A_490 = arith.constant 0 : i32
        %sign3A_491 = arith.cmpi slt, %squeeze3A_294, %sign3A_490 : i32
        %sign3A_492 = arith.extui %sign3A_491 : i1 to i32
        %sign3A_493 = arith.subi %sign3A_489, %sign3A_492 : i32
        %sign3A_494 = arith.constant 0 : i32
        %sign3A_495 = arith.cmpi sgt, %jit3A_485, %sign3A_494 : i32
        %sign3A_496 = arith.extui %sign3A_495 : i1 to i32
        %sign3A_497 = arith.constant 0 : i32
        %sign3A_498 = arith.cmpi slt, %jit3A_485, %sign3A_497 : i32
        %sign3A_499 = arith.extui %sign3A_498 : i1 to i32
        %sign3A_500 = arith.subi %sign3A_496, %sign3A_499 : i32
        %ne3A_501 = arith.cmpi ne, %sign3A_493, %sign3A_500 : i32
        %rem3A_502 = arith.remsi %squeeze3A_294, %jit3A_485 : i32
        %ne3A_503 = arith.constant 0 : i32
        %ne3A_504 = arith.cmpi ne, %rem3A_502, %ne3A_503 : i32
        %and3A_505 = arith.andi %ne3A_501, %ne3A_504 : i1
        %sub3A_506 = arith.constant 1 : i32
        %sub3A_507 = arith.subi %div3A_486, %sub3A_506 : i32
        %select_n3A_508 = arith.select %and3A_505, %sub3A_507, %div3A_486 : i32
        %mul3A_509 = arith.constant 128 : i32
        %mul3A_510 = arith.muli %select_n3A_508, %mul3A_509 : i32
        %min3A_511 = arith.constant 3197952 : i32
        %min3A_512 = arith.minsi %mul3A_510, %min3A_511 : i32
        %multiple_of3A_513 = tpu.assume_multiple %min3A_512, 128 : i32
        "tpu.region"() ({
          %run_scoped3A = tpu.sem_alloc : memref<!tpu.dma_semaphore, #tpu.memory_space<semaphore_mem>>
          %dma_start3A = arith.constant 0 : i32
          %dma_start3A_514 = tpu.memref_slice %arg4[%dma_start3A, %multiple_of3A_513] : memref<16x3200000xf32, #tpu.memory_space<hbm>> -> memref<16x2048xf32, #tpu.memory_space<hbm>>
          %dma_start3A_515 = arith.constant 0 : i32
          %dma_start3A_516 = tpu.memref_slice %arg4[%dma_start3A_515, %multiple_of3A_513] : memref<16x3200000xf32, #tpu.memory_space<hbm>> -> memref<16x2048xf32, #tpu.memory_space<hbm>>
          tpu.enqueue_dma source(%dma_start3A_516 : memref<16x2048xf32, #tpu.memory_space<hbm>>) target(%arg10 : memref<16x2048xf32, #tpu.memory_space<vmem>>) target_semaphore(%run_scoped3A : memref<!tpu.dma_semaphore, #tpu.memory_space<semaphore_mem>>)
          %dma_wait3A = arith.constant 0 : i32
          %dma_wait3A_517 = tpu.memref_slice %arg4[%dma_wait3A, %multiple_of3A_513] : memref<16x3200000xf32, #tpu.memory_space<hbm>> -> memref<16x2048xf32, #tpu.memory_space<hbm>>
          %dma_wait3A_518 = arith.constant 0 : i32
          %dma_wait3A_519 = tpu.memref_slice %arg4[%dma_wait3A_518, %multiple_of3A_513] : memref<16x3200000xf32, #tpu.memory_space<hbm>> -> memref<16x2048xf32, #tpu.memory_space<hbm>>
          tpu.wait_dma2 semaphore(%run_scoped3A : memref<!tpu.dma_semaphore, #tpu.memory_space<semaphore_mem>>) src(%dma_wait3A_519 : memref<16x2048xf32, #tpu.memory_space<hbm>>) dst(%arg10 : memref<16x2048xf32, #tpu.memory_space<vmem>>)
          tpu.yield
        }) : () -> ()
        scf.yield %multiple_of3A_513 : i32
      } else {
        scf.yield %cond3A_277 : i32
      }
      %sub3A_302 = arith.subi %squeeze3A_294, %cond3A_301 : i32
      %max3A_303 = arith.constant 0 : i32
      %max3A_304 = arith.maxsi %sub3A_302, %max3A_303 : i32
      %broadcast_in_dim3A_305 = vector.broadcast %max3A_304 : i32 to vector<16xi32>
      %gather3A_306 = tpu.vector_load_idx %arg10[%iota3A, %broadcast_in_dim3A_305] : memref<16x2048xf32, #tpu.memory_space<vmem>>[vector<16xi32>, vector<16xi32>], vector<16xf32>,
      %slice3A_307 = vector.extract_strided_slice %get3A_106 {offsets = [8], sizes = [1], strides = [1]} : vector<16xf32> to vector<1xf32>
      %squeeze3A_308 = vector.extract %slice3A_307[0] : f32 from vector<1xf32>
      %broadcast_in_dim3A_309 = vector.broadcast %squeeze3A_308 : f32 to vector<16xf32>
      %mul3A_310 = arith.mulf %gather3A_306, %broadcast_in_dim3A_309 : vector<16xf32>
      %add3A_311 = arith.constant 8 : i32
      %add3A_312 = arith.addi %mul3A_102, %add3A_311 : i32
      %mul3A_313 = arith.constant 16 : i32
      %mul3A_314 = arith.muli %add3A_312, %mul3A_313 : i32
      %swap3A_315 = arith.index_cast %mul3A_314 : i32 to index
      %swap3A_316 = tpu.vector_load %arg11[%swap3A_315] {strides = array<i32>} : memref<50176xf32, #tpu.memory_space<vmem>>, vector<16xf32>,
      tpu.vector_store %arg11[%swap3A_315], %mul3A_310 {strides = array<i32>} : memref<50176xf32, #tpu.memory_space<vmem>>, vector<16xf32>,
      %slice3A_317 = vector.extract_strided_slice %get3A_104 {offsets = [9], sizes = [1], strides = [1]} : vector<16xi32> to vector<1xi32>
      %squeeze3A_318 = vector.extract %slice3A_317[0] : i32 from vector<1xi32>
      %add3A_319 = arith.constant 2048 : i32
      %add3A_320 = arith.addi %cond3A_301, %add3A_319 : i32
      %ge3A_321 = arith.cmpi sge, %squeeze3A_318, %add3A_320 : i32
      %convert_element_type3A_322 = arith.extui %ge3A_321 : i1 to i32
      %cond3A_323 = arith.constant 0 : i32
      %cond3A_324 = arith.cmpi ne, %convert_element_type3A_322, %cond3A_323 : i32
      %cond3A_325 = scf.if %cond3A_324 -> (i32) {
        %jit3A_485 = arith.constant 128 : i32
        %div3A_486 = arith.divsi %squeeze3A_318, %jit3A_485 : i32
        %sign3A_487 = arith.constant 0 : i32
        %sign3A_488 = arith.cmpi sgt, %squeeze3A_318, %sign3A_487 : i32
        %sign3A_489 = arith.extui %sign3A_488 : i1 to i32
        %sign3A_490 = arith.constant 0 : i32
        %sign3A_491 = arith.cmpi slt, %squeeze3A_318, %sign3A_490 : i32
        %sign3A_492 = arith.extui %sign3A_491 : i1 to i32
        %sign3A_493 = arith.subi %sign3A_489, %sign3A_492 : i32
        %sign3A_494 = arith.constant 0 : i32
        %sign3A_495 = arith.cmpi sgt, %jit3A_485, %sign3A_494 : i32
        %sign3A_496 = arith.extui %sign3A_495 : i1 to i32
        %sign3A_497 = arith.constant 0 : i32
        %sign3A_498 = arith.cmpi slt, %jit3A_485, %sign3A_497 : i32
        %sign3A_499 = arith.extui %sign3A_498 : i1 to i32
        %sign3A_500 = arith.subi %sign3A_496, %sign3A_499 : i32
        %ne3A_501 = arith.cmpi ne, %sign3A_493, %sign3A_500 : i32
        %rem3A_502 = arith.remsi %squeeze3A_318, %jit3A_485 : i32
        %ne3A_503 = arith.constant 0 : i32
        %ne3A_504 = arith.cmpi ne, %rem3A_502, %ne3A_503 : i32
        %and3A_505 = arith.andi %ne3A_501, %ne3A_504 : i1
        %sub3A_506 = arith.constant 1 : i32
        %sub3A_507 = arith.subi %div3A_486, %sub3A_506 : i32
        %select_n3A_508 = arith.select %and3A_505, %sub3A_507, %div3A_486 : i32
        %mul3A_509 = arith.constant 128 : i32
        %mul3A_510 = arith.muli %select_n3A_508, %mul3A_509 : i32
        %min3A_511 = arith.constant 3197952 : i32
        %min3A_512 = arith.minsi %mul3A_510, %min3A_511 : i32
        %multiple_of3A_513 = tpu.assume_multiple %min3A_512, 128 : i32
        "tpu.region"() ({
          %run_scoped3A = tpu.sem_alloc : memref<!tpu.dma_semaphore, #tpu.memory_space<semaphore_mem>>
          %dma_start3A = arith.constant 0 : i32
          %dma_start3A_514 = tpu.memref_slice %arg4[%dma_start3A, %multiple_of3A_513] : memref<16x3200000xf32, #tpu.memory_space<hbm>> -> memref<16x2048xf32, #tpu.memory_space<hbm>>
          %dma_start3A_515 = arith.constant 0 : i32
          %dma_start3A_516 = tpu.memref_slice %arg4[%dma_start3A_515, %multiple_of3A_513] : memref<16x3200000xf32, #tpu.memory_space<hbm>> -> memref<16x2048xf32, #tpu.memory_space<hbm>>
          tpu.enqueue_dma source(%dma_start3A_516 : memref<16x2048xf32, #tpu.memory_space<hbm>>) target(%arg10 : memref<16x2048xf32, #tpu.memory_space<vmem>>) target_semaphore(%run_scoped3A : memref<!tpu.dma_semaphore, #tpu.memory_space<semaphore_mem>>)
          %dma_wait3A = arith.constant 0 : i32
          %dma_wait3A_517 = tpu.memref_slice %arg4[%dma_wait3A, %multiple_of3A_513] : memref<16x3200000xf32, #tpu.memory_space<hbm>> -> memref<16x2048xf32, #tpu.memory_space<hbm>>
          %dma_wait3A_518 = arith.constant 0 : i32
          %dma_wait3A_519 = tpu.memref_slice %arg4[%dma_wait3A_518, %multiple_of3A_513] : memref<16x3200000xf32, #tpu.memory_space<hbm>> -> memref<16x2048xf32, #tpu.memory_space<hbm>>
          tpu.wait_dma2 semaphore(%run_scoped3A : memref<!tpu.dma_semaphore, #tpu.memory_space<semaphore_mem>>) src(%dma_wait3A_519 : memref<16x2048xf32, #tpu.memory_space<hbm>>) dst(%arg10 : memref<16x2048xf32, #tpu.memory_space<vmem>>)
          tpu.yield
        }) : () -> ()
        scf.yield %multiple_of3A_513 : i32
      } else {
        scf.yield %cond3A_301 : i32
      }
      %sub3A_326 = arith.subi %squeeze3A_318, %cond3A_325 : i32
      %max3A_327 = arith.constant 0 : i32
      %max3A_328 = arith.maxsi %sub3A_326, %max3A_327 : i32
      %broadcast_in_dim3A_329 = vector.broadcast %max3A_328 : i32 to vector<16xi32>
      %gather3A_330 = tpu.vector_load_idx %arg10[%iota3A, %broadcast_in_dim3A_329] : memref<16x2048xf32, #tpu.memory_space<vmem>>[vector<16xi32>, vector<16xi32>], vector<16xf32>,
      %slice3A_331 = vector.extract_strided_slice %get3A_106 {offsets = [9], sizes = [1], strides = [1]} : vector<16xf32> to vector<1xf32>
      %squeeze3A_332 = vector.extract %slice3A_331[0] : f32 from vector<1xf32>
      %broadcast_in_dim3A_333 = vector.broadcast %squeeze3A_332 : f32 to vector<16xf32>
      %mul3A_334 = arith.mulf %gather3A_330, %broadcast_in_dim3A_333 : vector<16xf32>
      %add3A_335 = arith.constant 9 : i32
      %add3A_336 = arith.addi %mul3A_102, %add3A_335 : i32
      %mul3A_337 = arith.constant 16 : i32
      %mul3A_338 = arith.muli %add3A_336, %mul3A_337 : i32
      %swap3A_339 = arith.index_cast %mul3A_338 : i32 to index
      %swap3A_340 = tpu.vector_load %arg11[%swap3A_339] {strides = array<i32>} : memref<50176xf32, #tpu.memory_space<vmem>>, vector<16xf32>,
      tpu.vector_store %arg11[%swap3A_339], %mul3A_334 {strides = array<i32>} : memref<50176xf32, #tpu.memory_space<vmem>>, vector<16xf32>,
      %slice3A_341 = vector.extract_strided_slice %get3A_104 {offsets = [10], sizes = [1], strides = [1]} : vector<16xi32> to vector<1xi32>
      %squeeze3A_342 = vector.extract %slice3A_341[0] : i32 from vector<1xi32>
      %add3A_343 = arith.constant 2048 : i32
      %add3A_344 = arith.addi %cond3A_325, %add3A_343 : i32
      %ge3A_345 = arith.cmpi sge, %squeeze3A_342, %add3A_344 : i32
      %convert_element_type3A_346 = arith.extui %ge3A_345 : i1 to i32
      %cond3A_347 = arith.constant 0 : i32
      %cond3A_348 = arith.cmpi ne, %convert_element_type3A_346, %cond3A_347 : i32
      %cond3A_349 = scf.if %cond3A_348 -> (i32) {
        %jit3A_485 = arith.constant 128 : i32
        %div3A_486 = arith.divsi %squeeze3A_342, %jit3A_485 : i32
        %sign3A_487 = arith.constant 0 : i32
        %sign3A_488 = arith.cmpi sgt, %squeeze3A_342, %sign3A_487 : i32
        %sign3A_489 = arith.extui %sign3A_488 : i1 to i32
        %sign3A_490 = arith.constant 0 : i32
        %sign3A_491 = arith.cmpi slt, %squeeze3A_342, %sign3A_490 : i32
        %sign3A_492 = arith.extui %sign3A_491 : i1 to i32
        %sign3A_493 = arith.subi %sign3A_489, %sign3A_492 : i32
        %sign3A_494 = arith.constant 0 : i32
        %sign3A_495 = arith.cmpi sgt, %jit3A_485, %sign3A_494 : i32
        %sign3A_496 = arith.extui %sign3A_495 : i1 to i32
        %sign3A_497 = arith.constant 0 : i32
        %sign3A_498 = arith.cmpi slt, %jit3A_485, %sign3A_497 : i32
        %sign3A_499 = arith.extui %sign3A_498 : i1 to i32
        %sign3A_500 = arith.subi %sign3A_496, %sign3A_499 : i32
        %ne3A_501 = arith.cmpi ne, %sign3A_493, %sign3A_500 : i32
        %rem3A_502 = arith.remsi %squeeze3A_342, %jit3A_485 : i32
        %ne3A_503 = arith.constant 0 : i32
        %ne3A_504 = arith.cmpi ne, %rem3A_502, %ne3A_503 : i32
        %and3A_505 = arith.andi %ne3A_501, %ne3A_504 : i1
        %sub3A_506 = arith.constant 1 : i32
        %sub3A_507 = arith.subi %div3A_486, %sub3A_506 : i32
        %select_n3A_508 = arith.select %and3A_505, %sub3A_507, %div3A_486 : i32
        %mul3A_509 = arith.constant 128 : i32
        %mul3A_510 = arith.muli %select_n3A_508, %mul3A_509 : i32
        %min3A_511 = arith.constant 3197952 : i32
        %min3A_512 = arith.minsi %mul3A_510, %min3A_511 : i32
        %multiple_of3A_513 = tpu.assume_multiple %min3A_512, 128 : i32
        "tpu.region"() ({
          %run_scoped3A = tpu.sem_alloc : memref<!tpu.dma_semaphore, #tpu.memory_space<semaphore_mem>>
          %dma_start3A = arith.constant 0 : i32
          %dma_start3A_514 = tpu.memref_slice %arg4[%dma_start3A, %multiple_of3A_513] : memref<16x3200000xf32, #tpu.memory_space<hbm>> -> memref<16x2048xf32, #tpu.memory_space<hbm>>
          %dma_start3A_515 = arith.constant 0 : i32
          %dma_start3A_516 = tpu.memref_slice %arg4[%dma_start3A_515, %multiple_of3A_513] : memref<16x3200000xf32, #tpu.memory_space<hbm>> -> memref<16x2048xf32, #tpu.memory_space<hbm>>
          tpu.enqueue_dma source(%dma_start3A_516 : memref<16x2048xf32, #tpu.memory_space<hbm>>) target(%arg10 : memref<16x2048xf32, #tpu.memory_space<vmem>>) target_semaphore(%run_scoped3A : memref<!tpu.dma_semaphore, #tpu.memory_space<semaphore_mem>>)
          %dma_wait3A = arith.constant 0 : i32
          %dma_wait3A_517 = tpu.memref_slice %arg4[%dma_wait3A, %multiple_of3A_513] : memref<16x3200000xf32, #tpu.memory_space<hbm>> -> memref<16x2048xf32, #tpu.memory_space<hbm>>
          %dma_wait3A_518 = arith.constant 0 : i32
          %dma_wait3A_519 = tpu.memref_slice %arg4[%dma_wait3A_518, %multiple_of3A_513] : memref<16x3200000xf32, #tpu.memory_space<hbm>> -> memref<16x2048xf32, #tpu.memory_space<hbm>>
          tpu.wait_dma2 semaphore(%run_scoped3A : memref<!tpu.dma_semaphore, #tpu.memory_space<semaphore_mem>>) src(%dma_wait3A_519 : memref<16x2048xf32, #tpu.memory_space<hbm>>) dst(%arg10 : memref<16x2048xf32, #tpu.memory_space<vmem>>)
          tpu.yield
        }) : () -> ()
        scf.yield %multiple_of3A_513 : i32
      } else {
        scf.yield %cond3A_325 : i32
      }
      %sub3A_350 = arith.subi %squeeze3A_342, %cond3A_349 : i32
      %max3A_351 = arith.constant 0 : i32
      %max3A_352 = arith.maxsi %sub3A_350, %max3A_351 : i32
      %broadcast_in_dim3A_353 = vector.broadcast %max3A_352 : i32 to vector<16xi32>
      %gather3A_354 = tpu.vector_load_idx %arg10[%iota3A, %broadcast_in_dim3A_353] : memref<16x2048xf32, #tpu.memory_space<vmem>>[vector<16xi32>, vector<16xi32>], vector<16xf32>,
      %slice3A_355 = vector.extract_strided_slice %get3A_106 {offsets = [10], sizes = [1], strides = [1]} : vector<16xf32> to vector<1xf32>
      %squeeze3A_356 = vector.extract %slice3A_355[0] : f32 from vector<1xf32>
      %broadcast_in_dim3A_357 = vector.broadcast %squeeze3A_356 : f32 to vector<16xf32>
      %mul3A_358 = arith.mulf %gather3A_354, %broadcast_in_dim3A_357 : vector<16xf32>
      %add3A_359 = arith.constant 10 : i32
      %add3A_360 = arith.addi %mul3A_102, %add3A_359 : i32
      %mul3A_361 = arith.constant 16 : i32
      %mul3A_362 = arith.muli %add3A_360, %mul3A_361 : i32
      %swap3A_363 = arith.index_cast %mul3A_362 : i32 to index
      %swap3A_364 = tpu.vector_load %arg11[%swap3A_363] {strides = array<i32>} : memref<50176xf32, #tpu.memory_space<vmem>>, vector<16xf32>,
      tpu.vector_store %arg11[%swap3A_363], %mul3A_358 {strides = array<i32>} : memref<50176xf32, #tpu.memory_space<vmem>>, vector<16xf32>,
      %slice3A_365 = vector.extract_strided_slice %get3A_104 {offsets = [11], sizes = [1], strides = [1]} : vector<16xi32> to vector<1xi32>
      %squeeze3A_366 = vector.extract %slice3A_365[0] : i32 from vector<1xi32>
      %add3A_367 = arith.constant 2048 : i32
      %add3A_368 = arith.addi %cond3A_349, %add3A_367 : i32
      %ge3A_369 = arith.cmpi sge, %squeeze3A_366, %add3A_368 : i32
      %convert_element_type3A_370 = arith.extui %ge3A_369 : i1 to i32
      %cond3A_371 = arith.constant 0 : i32
      %cond3A_372 = arith.cmpi ne, %convert_element_type3A_370, %cond3A_371 : i32
      %cond3A_373 = scf.if %cond3A_372 -> (i32) {
        %jit3A_485 = arith.constant 128 : i32
        %div3A_486 = arith.divsi %squeeze3A_366, %jit3A_485 : i32
        %sign3A_487 = arith.constant 0 : i32
        %sign3A_488 = arith.cmpi sgt, %squeeze3A_366, %sign3A_487 : i32
        %sign3A_489 = arith.extui %sign3A_488 : i1 to i32
        %sign3A_490 = arith.constant 0 : i32
        %sign3A_491 = arith.cmpi slt, %squeeze3A_366, %sign3A_490 : i32
        %sign3A_492 = arith.extui %sign3A_491 : i1 to i32
        %sign3A_493 = arith.subi %sign3A_489, %sign3A_492 : i32
        %sign3A_494 = arith.constant 0 : i32
        %sign3A_495 = arith.cmpi sgt, %jit3A_485, %sign3A_494 : i32
        %sign3A_496 = arith.extui %sign3A_495 : i1 to i32
        %sign3A_497 = arith.constant 0 : i32
        %sign3A_498 = arith.cmpi slt, %jit3A_485, %sign3A_497 : i32
        %sign3A_499 = arith.extui %sign3A_498 : i1 to i32
        %sign3A_500 = arith.subi %sign3A_496, %sign3A_499 : i32
        %ne3A_501 = arith.cmpi ne, %sign3A_493, %sign3A_500 : i32
        %rem3A_502 = arith.remsi %squeeze3A_366, %jit3A_485 : i32
        %ne3A_503 = arith.constant 0 : i32
        %ne3A_504 = arith.cmpi ne, %rem3A_502, %ne3A_503 : i32
        %and3A_505 = arith.andi %ne3A_501, %ne3A_504 : i1
        %sub3A_506 = arith.constant 1 : i32
        %sub3A_507 = arith.subi %div3A_486, %sub3A_506 : i32
        %select_n3A_508 = arith.select %and3A_505, %sub3A_507, %div3A_486 : i32
        %mul3A_509 = arith.constant 128 : i32
        %mul3A_510 = arith.muli %select_n3A_508, %mul3A_509 : i32
        %min3A_511 = arith.constant 3197952 : i32
        %min3A_512 = arith.minsi %mul3A_510, %min3A_511 : i32
        %multiple_of3A_513 = tpu.assume_multiple %min3A_512, 128 : i32
        "tpu.region"() ({
          %run_scoped3A = tpu.sem_alloc : memref<!tpu.dma_semaphore, #tpu.memory_space<semaphore_mem>>
          %dma_start3A = arith.constant 0 : i32
          %dma_start3A_514 = tpu.memref_slice %arg4[%dma_start3A, %multiple_of3A_513] : memref<16x3200000xf32, #tpu.memory_space<hbm>> -> memref<16x2048xf32, #tpu.memory_space<hbm>>
          %dma_start3A_515 = arith.constant 0 : i32
          %dma_start3A_516 = tpu.memref_slice %arg4[%dma_start3A_515, %multiple_of3A_513] : memref<16x3200000xf32, #tpu.memory_space<hbm>> -> memref<16x2048xf32, #tpu.memory_space<hbm>>
          tpu.enqueue_dma source(%dma_start3A_516 : memref<16x2048xf32, #tpu.memory_space<hbm>>) target(%arg10 : memref<16x2048xf32, #tpu.memory_space<vmem>>) target_semaphore(%run_scoped3A : memref<!tpu.dma_semaphore, #tpu.memory_space<semaphore_mem>>)
          %dma_wait3A = arith.constant 0 : i32
          %dma_wait3A_517 = tpu.memref_slice %arg4[%dma_wait3A, %multiple_of3A_513] : memref<16x3200000xf32, #tpu.memory_space<hbm>> -> memref<16x2048xf32, #tpu.memory_space<hbm>>
          %dma_wait3A_518 = arith.constant 0 : i32
          %dma_wait3A_519 = tpu.memref_slice %arg4[%dma_wait3A_518, %multiple_of3A_513] : memref<16x3200000xf32, #tpu.memory_space<hbm>> -> memref<16x2048xf32, #tpu.memory_space<hbm>>
          tpu.wait_dma2 semaphore(%run_scoped3A : memref<!tpu.dma_semaphore, #tpu.memory_space<semaphore_mem>>) src(%dma_wait3A_519 : memref<16x2048xf32, #tpu.memory_space<hbm>>) dst(%arg10 : memref<16x2048xf32, #tpu.memory_space<vmem>>)
          tpu.yield
        }) : () -> ()
        scf.yield %multiple_of3A_513 : i32
      } else {
        scf.yield %cond3A_349 : i32
      }
      %sub3A_374 = arith.subi %squeeze3A_366, %cond3A_373 : i32
      %max3A_375 = arith.constant 0 : i32
      %max3A_376 = arith.maxsi %sub3A_374, %max3A_375 : i32
      %broadcast_in_dim3A_377 = vector.broadcast %max3A_376 : i32 to vector<16xi32>
      %gather3A_378 = tpu.vector_load_idx %arg10[%iota3A, %broadcast_in_dim3A_377] : memref<16x2048xf32, #tpu.memory_space<vmem>>[vector<16xi32>, vector<16xi32>], vector<16xf32>,
      %slice3A_379 = vector.extract_strided_slice %get3A_106 {offsets = [11], sizes = [1], strides = [1]} : vector<16xf32> to vector<1xf32>
      %squeeze3A_380 = vector.extract %slice3A_379[0] : f32 from vector<1xf32>
      %broadcast_in_dim3A_381 = vector.broadcast %squeeze3A_380 : f32 to vector<16xf32>
      %mul3A_382 = arith.mulf %gather3A_378, %broadcast_in_dim3A_381 : vector<16xf32>
      %add3A_383 = arith.constant 11 : i32
      %add3A_384 = arith.addi %mul3A_102, %add3A_383 : i32
      %mul3A_385 = arith.constant 16 : i32
      %mul3A_386 = arith.muli %add3A_384, %mul3A_385 : i32
      %swap3A_387 = arith.index_cast %mul3A_386 : i32 to index
      %swap3A_388 = tpu.vector_load %arg11[%swap3A_387] {strides = array<i32>} : memref<50176xf32, #tpu.memory_space<vmem>>, vector<16xf32>,
      tpu.vector_store %arg11[%swap3A_387], %mul3A_382 {strides = array<i32>} : memref<50176xf32, #tpu.memory_space<vmem>>, vector<16xf32>,
      %slice3A_389 = vector.extract_strided_slice %get3A_104 {offsets = [12], sizes = [1], strides = [1]} : vector<16xi32> to vector<1xi32>
      %squeeze3A_390 = vector.extract %slice3A_389[0] : i32 from vector<1xi32>
      %add3A_391 = arith.constant 2048 : i32
      %add3A_392 = arith.addi %cond3A_373, %add3A_391 : i32
      %ge3A_393 = arith.cmpi sge, %squeeze3A_390, %add3A_392 : i32
      %convert_element_type3A_394 = arith.extui %ge3A_393 : i1 to i32
      %cond3A_395 = arith.constant 0 : i32
      %cond3A_396 = arith.cmpi ne, %convert_element_type3A_394, %cond3A_395 : i32
      %cond3A_397 = scf.if %cond3A_396 -> (i32) {
        %jit3A_485 = arith.constant 128 : i32
        %div3A_486 = arith.divsi %squeeze3A_390, %jit3A_485 : i32
        %sign3A_487 = arith.constant 0 : i32
        %sign3A_488 = arith.cmpi sgt, %squeeze3A_390, %sign3A_487 : i32
        %sign3A_489 = arith.extui %sign3A_488 : i1 to i32
        %sign3A_490 = arith.constant 0 : i32
        %sign3A_491 = arith.cmpi slt, %squeeze3A_390, %sign3A_490 : i32
        %sign3A_492 = arith.extui %sign3A_491 : i1 to i32
        %sign3A_493 = arith.subi %sign3A_489, %sign3A_492 : i32
        %sign3A_494 = arith.constant 0 : i32
        %sign3A_495 = arith.cmpi sgt, %jit3A_485, %sign3A_494 : i32
        %sign3A_496 = arith.extui %sign3A_495 : i1 to i32
        %sign3A_497 = arith.constant 0 : i32
        %sign3A_498 = arith.cmpi slt, %jit3A_485, %sign3A_497 : i32
        %sign3A_499 = arith.extui %sign3A_498 : i1 to i32
        %sign3A_500 = arith.subi %sign3A_496, %sign3A_499 : i32
        %ne3A_501 = arith.cmpi ne, %sign3A_493, %sign3A_500 : i32
        %rem3A_502 = arith.remsi %squeeze3A_390, %jit3A_485 : i32
        %ne3A_503 = arith.constant 0 : i32
        %ne3A_504 = arith.cmpi ne, %rem3A_502, %ne3A_503 : i32
        %and3A_505 = arith.andi %ne3A_501, %ne3A_504 : i1
        %sub3A_506 = arith.constant 1 : i32
        %sub3A_507 = arith.subi %div3A_486, %sub3A_506 : i32
        %select_n3A_508 = arith.select %and3A_505, %sub3A_507, %div3A_486 : i32
        %mul3A_509 = arith.constant 128 : i32
        %mul3A_510 = arith.muli %select_n3A_508, %mul3A_509 : i32
        %min3A_511 = arith.constant 3197952 : i32
        %min3A_512 = arith.minsi %mul3A_510, %min3A_511 : i32
        %multiple_of3A_513 = tpu.assume_multiple %min3A_512, 128 : i32
        "tpu.region"() ({
          %run_scoped3A = tpu.sem_alloc : memref<!tpu.dma_semaphore, #tpu.memory_space<semaphore_mem>>
          %dma_start3A = arith.constant 0 : i32
          %dma_start3A_514 = tpu.memref_slice %arg4[%dma_start3A, %multiple_of3A_513] : memref<16x3200000xf32, #tpu.memory_space<hbm>> -> memref<16x2048xf32, #tpu.memory_space<hbm>>
          %dma_start3A_515 = arith.constant 0 : i32
          %dma_start3A_516 = tpu.memref_slice %arg4[%dma_start3A_515, %multiple_of3A_513] : memref<16x3200000xf32, #tpu.memory_space<hbm>> -> memref<16x2048xf32, #tpu.memory_space<hbm>>
          tpu.enqueue_dma source(%dma_start3A_516 : memref<16x2048xf32, #tpu.memory_space<hbm>>) target(%arg10 : memref<16x2048xf32, #tpu.memory_space<vmem>>) target_semaphore(%run_scoped3A : memref<!tpu.dma_semaphore, #tpu.memory_space<semaphore_mem>>)
          %dma_wait3A = arith.constant 0 : i32
          %dma_wait3A_517 = tpu.memref_slice %arg4[%dma_wait3A, %multiple_of3A_513] : memref<16x3200000xf32, #tpu.memory_space<hbm>> -> memref<16x2048xf32, #tpu.memory_space<hbm>>
          %dma_wait3A_518 = arith.constant 0 : i32
          %dma_wait3A_519 = tpu.memref_slice %arg4[%dma_wait3A_518, %multiple_of3A_513] : memref<16x3200000xf32, #tpu.memory_space<hbm>> -> memref<16x2048xf32, #tpu.memory_space<hbm>>
          tpu.wait_dma2 semaphore(%run_scoped3A : memref<!tpu.dma_semaphore, #tpu.memory_space<semaphore_mem>>) src(%dma_wait3A_519 : memref<16x2048xf32, #tpu.memory_space<hbm>>) dst(%arg10 : memref<16x2048xf32, #tpu.memory_space<vmem>>)
          tpu.yield
        }) : () -> ()
        scf.yield %multiple_of3A_513 : i32
      } else {
        scf.yield %cond3A_373 : i32
      }
      %sub3A_398 = arith.subi %squeeze3A_390, %cond3A_397 : i32
      %max3A_399 = arith.constant 0 : i32
      %max3A_400 = arith.maxsi %sub3A_398, %max3A_399 : i32
      %broadcast_in_dim3A_401 = vector.broadcast %max3A_400 : i32 to vector<16xi32>
      %gather3A_402 = tpu.vector_load_idx %arg10[%iota3A, %broadcast_in_dim3A_401] : memref<16x2048xf32, #tpu.memory_space<vmem>>[vector<16xi32>, vector<16xi32>], vector<16xf32>,
      %slice3A_403 = vector.extract_strided_slice %get3A_106 {offsets = [12], sizes = [1], strides = [1]} : vector<16xf32> to vector<1xf32>
      %squeeze3A_404 = vector.extract %slice3A_403[0] : f32 from vector<1xf32>
      %broadcast_in_dim3A_405 = vector.broadcast %squeeze3A_404 : f32 to vector<16xf32>
      %mul3A_406 = arith.mulf %gather3A_402, %broadcast_in_dim3A_405 : vector<16xf32>
      %add3A_407 = arith.constant 12 : i32
      %add3A_408 = arith.addi %mul3A_102, %add3A_407 : i32
      %mul3A_409 = arith.constant 16 : i32
      %mul3A_410 = arith.muli %add3A_408, %mul3A_409 : i32
      %swap3A_411 = arith.index_cast %mul3A_410 : i32 to index
      %swap3A_412 = tpu.vector_load %arg11[%swap3A_411] {strides = array<i32>} : memref<50176xf32, #tpu.memory_space<vmem>>, vector<16xf32>,
      tpu.vector_store %arg11[%swap3A_411], %mul3A_406 {strides = array<i32>} : memref<50176xf32, #tpu.memory_space<vmem>>, vector<16xf32>,
      %slice3A_413 = vector.extract_strided_slice %get3A_104 {offsets = [13], sizes = [1], strides = [1]} : vector<16xi32> to vector<1xi32>
      %squeeze3A_414 = vector.extract %slice3A_413[0] : i32 from vector<1xi32>
      %add3A_415 = arith.constant 2048 : i32
      %add3A_416 = arith.addi %cond3A_397, %add3A_415 : i32
      %ge3A_417 = arith.cmpi sge, %squeeze3A_414, %add3A_416 : i32
      %convert_element_type3A_418 = arith.extui %ge3A_417 : i1 to i32
      %cond3A_419 = arith.constant 0 : i32
      %cond3A_420 = arith.cmpi ne, %convert_element_type3A_418, %cond3A_419 : i32
      %cond3A_421 = scf.if %cond3A_420 -> (i32) {
        %jit3A_485 = arith.constant 128 : i32
        %div3A_486 = arith.divsi %squeeze3A_414, %jit3A_485 : i32
        %sign3A_487 = arith.constant 0 : i32
        %sign3A_488 = arith.cmpi sgt, %squeeze3A_414, %sign3A_487 : i32
        %sign3A_489 = arith.extui %sign3A_488 : i1 to i32
        %sign3A_490 = arith.constant 0 : i32
        %sign3A_491 = arith.cmpi slt, %squeeze3A_414, %sign3A_490 : i32
        %sign3A_492 = arith.extui %sign3A_491 : i1 to i32
        %sign3A_493 = arith.subi %sign3A_489, %sign3A_492 : i32
        %sign3A_494 = arith.constant 0 : i32
        %sign3A_495 = arith.cmpi sgt, %jit3A_485, %sign3A_494 : i32
        %sign3A_496 = arith.extui %sign3A_495 : i1 to i32
        %sign3A_497 = arith.constant 0 : i32
        %sign3A_498 = arith.cmpi slt, %jit3A_485, %sign3A_497 : i32
        %sign3A_499 = arith.extui %sign3A_498 : i1 to i32
        %sign3A_500 = arith.subi %sign3A_496, %sign3A_499 : i32
        %ne3A_501 = arith.cmpi ne, %sign3A_493, %sign3A_500 : i32
        %rem3A_502 = arith.remsi %squeeze3A_414, %jit3A_485 : i32
        %ne3A_503 = arith.constant 0 : i32
        %ne3A_504 = arith.cmpi ne, %rem3A_502, %ne3A_503 : i32
        %and3A_505 = arith.andi %ne3A_501, %ne3A_504 : i1
        %sub3A_506 = arith.constant 1 : i32
        %sub3A_507 = arith.subi %div3A_486, %sub3A_506 : i32
        %select_n3A_508 = arith.select %and3A_505, %sub3A_507, %div3A_486 : i32
        %mul3A_509 = arith.constant 128 : i32
        %mul3A_510 = arith.muli %select_n3A_508, %mul3A_509 : i32
        %min3A_511 = arith.constant 3197952 : i32
        %min3A_512 = arith.minsi %mul3A_510, %min3A_511 : i32
        %multiple_of3A_513 = tpu.assume_multiple %min3A_512, 128 : i32
        "tpu.region"() ({
          %run_scoped3A = tpu.sem_alloc : memref<!tpu.dma_semaphore, #tpu.memory_space<semaphore_mem>>
          %dma_start3A = arith.constant 0 : i32
          %dma_start3A_514 = tpu.memref_slice %arg4[%dma_start3A, %multiple_of3A_513] : memref<16x3200000xf32, #tpu.memory_space<hbm>> -> memref<16x2048xf32, #tpu.memory_space<hbm>>
          %dma_start3A_515 = arith.constant 0 : i32
          %dma_start3A_516 = tpu.memref_slice %arg4[%dma_start3A_515, %multiple_of3A_513] : memref<16x3200000xf32, #tpu.memory_space<hbm>> -> memref<16x2048xf32, #tpu.memory_space<hbm>>
          tpu.enqueue_dma source(%dma_start3A_516 : memref<16x2048xf32, #tpu.memory_space<hbm>>) target(%arg10 : memref<16x2048xf32, #tpu.memory_space<vmem>>) target_semaphore(%run_scoped3A : memref<!tpu.dma_semaphore, #tpu.memory_space<semaphore_mem>>)
          %dma_wait3A = arith.constant 0 : i32
          %dma_wait3A_517 = tpu.memref_slice %arg4[%dma_wait3A, %multiple_of3A_513] : memref<16x3200000xf32, #tpu.memory_space<hbm>> -> memref<16x2048xf32, #tpu.memory_space<hbm>>
          %dma_wait3A_518 = arith.constant 0 : i32
          %dma_wait3A_519 = tpu.memref_slice %arg4[%dma_wait3A_518, %multiple_of3A_513] : memref<16x3200000xf32, #tpu.memory_space<hbm>> -> memref<16x2048xf32, #tpu.memory_space<hbm>>
          tpu.wait_dma2 semaphore(%run_scoped3A : memref<!tpu.dma_semaphore, #tpu.memory_space<semaphore_mem>>) src(%dma_wait3A_519 : memref<16x2048xf32, #tpu.memory_space<hbm>>) dst(%arg10 : memref<16x2048xf32, #tpu.memory_space<vmem>>)
          tpu.yield
        }) : () -> ()
        scf.yield %multiple_of3A_513 : i32
      } else {
        scf.yield %cond3A_397 : i32
      }
      %sub3A_422 = arith.subi %squeeze3A_414, %cond3A_421 : i32
      %max3A_423 = arith.constant 0 : i32
      %max3A_424 = arith.maxsi %sub3A_422, %max3A_423 : i32
      %broadcast_in_dim3A_425 = vector.broadcast %max3A_424 : i32 to vector<16xi32>
      %gather3A_426 = tpu.vector_load_idx %arg10[%iota3A, %broadcast_in_dim3A_425] : memref<16x2048xf32, #tpu.memory_space<vmem>>[vector<16xi32>, vector<16xi32>], vector<16xf32>,
      %slice3A_427 = vector.extract_strided_slice %get3A_106 {offsets = [13], sizes = [1], strides = [1]} : vector<16xf32> to vector<1xf32>
      %squeeze3A_428 = vector.extract %slice3A_427[0] : f32 from vector<1xf32>
      %broadcast_in_dim3A_429 = vector.broadcast %squeeze3A_428 : f32 to vector<16xf32>
      %mul3A_430 = arith.mulf %gather3A_426, %broadcast_in_dim3A_429 : vector<16xf32>
      %add3A_431 = arith.constant 13 : i32
      %add3A_432 = arith.addi %mul3A_102, %add3A_431 : i32
      %mul3A_433 = arith.constant 16 : i32
      %mul3A_434 = arith.muli %add3A_432, %mul3A_433 : i32
      %swap3A_435 = arith.index_cast %mul3A_434 : i32 to index
      %swap3A_436 = tpu.vector_load %arg11[%swap3A_435] {strides = array<i32>} : memref<50176xf32, #tpu.memory_space<vmem>>, vector<16xf32>,
      tpu.vector_store %arg11[%swap3A_435], %mul3A_430 {strides = array<i32>} : memref<50176xf32, #tpu.memory_space<vmem>>, vector<16xf32>,
      %slice3A_437 = vector.extract_strided_slice %get3A_104 {offsets = [14], sizes = [1], strides = [1]} : vector<16xi32> to vector<1xi32>
      %squeeze3A_438 = vector.extract %slice3A_437[0] : i32 from vector<1xi32>
      %add3A_439 = arith.constant 2048 : i32
      %add3A_440 = arith.addi %cond3A_421, %add3A_439 : i32
      %ge3A_441 = arith.cmpi sge, %squeeze3A_438, %add3A_440 : i32
      %convert_element_type3A_442 = arith.extui %ge3A_441 : i1 to i32
      %cond3A_443 = arith.constant 0 : i32
      %cond3A_444 = arith.cmpi ne, %convert_element_type3A_442, %cond3A_443 : i32
      %cond3A_445 = scf.if %cond3A_444 -> (i32) {
        %jit3A_485 = arith.constant 128 : i32
        %div3A_486 = arith.divsi %squeeze3A_438, %jit3A_485 : i32
        %sign3A_487 = arith.constant 0 : i32
        %sign3A_488 = arith.cmpi sgt, %squeeze3A_438, %sign3A_487 : i32
        %sign3A_489 = arith.extui %sign3A_488 : i1 to i32
        %sign3A_490 = arith.constant 0 : i32
        %sign3A_491 = arith.cmpi slt, %squeeze3A_438, %sign3A_490 : i32
        %sign3A_492 = arith.extui %sign3A_491 : i1 to i32
        %sign3A_493 = arith.subi %sign3A_489, %sign3A_492 : i32
        %sign3A_494 = arith.constant 0 : i32
        %sign3A_495 = arith.cmpi sgt, %jit3A_485, %sign3A_494 : i32
        %sign3A_496 = arith.extui %sign3A_495 : i1 to i32
        %sign3A_497 = arith.constant 0 : i32
        %sign3A_498 = arith.cmpi slt, %jit3A_485, %sign3A_497 : i32
        %sign3A_499 = arith.extui %sign3A_498 : i1 to i32
        %sign3A_500 = arith.subi %sign3A_496, %sign3A_499 : i32
        %ne3A_501 = arith.cmpi ne, %sign3A_493, %sign3A_500 : i32
        %rem3A_502 = arith.remsi %squeeze3A_438, %jit3A_485 : i32
        %ne3A_503 = arith.constant 0 : i32
        %ne3A_504 = arith.cmpi ne, %rem3A_502, %ne3A_503 : i32
        %and3A_505 = arith.andi %ne3A_501, %ne3A_504 : i1
        %sub3A_506 = arith.constant 1 : i32
        %sub3A_507 = arith.subi %div3A_486, %sub3A_506 : i32
        %select_n3A_508 = arith.select %and3A_505, %sub3A_507, %div3A_486 : i32
        %mul3A_509 = arith.constant 128 : i32
        %mul3A_510 = arith.muli %select_n3A_508, %mul3A_509 : i32
        %min3A_511 = arith.constant 3197952 : i32
        %min3A_512 = arith.minsi %mul3A_510, %min3A_511 : i32
        %multiple_of3A_513 = tpu.assume_multiple %min3A_512, 128 : i32
        "tpu.region"() ({
          %run_scoped3A = tpu.sem_alloc : memref<!tpu.dma_semaphore, #tpu.memory_space<semaphore_mem>>
          %dma_start3A = arith.constant 0 : i32
          %dma_start3A_514 = tpu.memref_slice %arg4[%dma_start3A, %multiple_of3A_513] : memref<16x3200000xf32, #tpu.memory_space<hbm>> -> memref<16x2048xf32, #tpu.memory_space<hbm>>
          %dma_start3A_515 = arith.constant 0 : i32
          %dma_start3A_516 = tpu.memref_slice %arg4[%dma_start3A_515, %multiple_of3A_513] : memref<16x3200000xf32, #tpu.memory_space<hbm>> -> memref<16x2048xf32, #tpu.memory_space<hbm>>
          tpu.enqueue_dma source(%dma_start3A_516 : memref<16x2048xf32, #tpu.memory_space<hbm>>) target(%arg10 : memref<16x2048xf32, #tpu.memory_space<vmem>>) target_semaphore(%run_scoped3A : memref<!tpu.dma_semaphore, #tpu.memory_space<semaphore_mem>>)
          %dma_wait3A = arith.constant 0 : i32
          %dma_wait3A_517 = tpu.memref_slice %arg4[%dma_wait3A, %multiple_of3A_513] : memref<16x3200000xf32, #tpu.memory_space<hbm>> -> memref<16x2048xf32, #tpu.memory_space<hbm>>
          %dma_wait3A_518 = arith.constant 0 : i32
          %dma_wait3A_519 = tpu.memref_slice %arg4[%dma_wait3A_518, %multiple_of3A_513] : memref<16x3200000xf32, #tpu.memory_space<hbm>> -> memref<16x2048xf32, #tpu.memory_space<hbm>>
          tpu.wait_dma2 semaphore(%run_scoped3A : memref<!tpu.dma_semaphore, #tpu.memory_space<semaphore_mem>>) src(%dma_wait3A_519 : memref<16x2048xf32, #tpu.memory_space<hbm>>) dst(%arg10 : memref<16x2048xf32, #tpu.memory_space<vmem>>)
          tpu.yield
        }) : () -> ()
        scf.yield %multiple_of3A_513 : i32
      } else {
        scf.yield %cond3A_421 : i32
      }
      %sub3A_446 = arith.subi %squeeze3A_438, %cond3A_445 : i32
      %max3A_447 = arith.constant 0 : i32
      %max3A_448 = arith.maxsi %sub3A_446, %max3A_447 : i32
      %broadcast_in_dim3A_449 = vector.broadcast %max3A_448 : i32 to vector<16xi32>
      %gather3A_450 = tpu.vector_load_idx %arg10[%iota3A, %broadcast_in_dim3A_449] : memref<16x2048xf32, #tpu.memory_space<vmem>>[vector<16xi32>, vector<16xi32>], vector<16xf32>,
      %slice3A_451 = vector.extract_strided_slice %get3A_106 {offsets = [14], sizes = [1], strides = [1]} : vector<16xf32> to vector<1xf32>
      %squeeze3A_452 = vector.extract %slice3A_451[0] : f32 from vector<1xf32>
      %broadcast_in_dim3A_453 = vector.broadcast %squeeze3A_452 : f32 to vector<16xf32>
      %mul3A_454 = arith.mulf %gather3A_450, %broadcast_in_dim3A_453 : vector<16xf32>
      %add3A_455 = arith.constant 14 : i32
      %add3A_456 = arith.addi %mul3A_102, %add3A_455 : i32
      %mul3A_457 = arith.constant 16 : i32
      %mul3A_458 = arith.muli %add3A_456, %mul3A_457 : i32
      %swap3A_459 = arith.index_cast %mul3A_458 : i32 to index
      %swap3A_460 = tpu.vector_load %arg11[%swap3A_459] {strides = array<i32>} : memref<50176xf32, #tpu.memory_space<vmem>>, vector<16xf32>,
      tpu.vector_store %arg11[%swap3A_459], %mul3A_454 {strides = array<i32>} : memref<50176xf32, #tpu.memory_space<vmem>>, vector<16xf32>,
      %slice3A_461 = vector.extract_strided_slice %get3A_104 {offsets = [15], sizes = [1], strides = [1]} : vector<16xi32> to vector<1xi32>
      %squeeze3A_462 = vector.extract %slice3A_461[0] : i32 from vector<1xi32>
      %add3A_463 = arith.constant 2048 : i32
      %add3A_464 = arith.addi %cond3A_445, %add3A_463 : i32
      %ge3A_465 = arith.cmpi sge, %squeeze3A_462, %add3A_464 : i32
      %convert_element_type3A_466 = arith.extui %ge3A_465 : i1 to i32
      %cond3A_467 = arith.constant 0 : i32
      %cond3A_468 = arith.cmpi ne, %convert_element_type3A_466, %cond3A_467 : i32
      %cond3A_469 = scf.if %cond3A_468 -> (i32) {
        %jit3A_485 = arith.constant 128 : i32
        %div3A_486 = arith.divsi %squeeze3A_462, %jit3A_485 : i32
        %sign3A_487 = arith.constant 0 : i32
        %sign3A_488 = arith.cmpi sgt, %squeeze3A_462, %sign3A_487 : i32
        %sign3A_489 = arith.extui %sign3A_488 : i1 to i32
        %sign3A_490 = arith.constant 0 : i32
        %sign3A_491 = arith.cmpi slt, %squeeze3A_462, %sign3A_490 : i32
        %sign3A_492 = arith.extui %sign3A_491 : i1 to i32
        %sign3A_493 = arith.subi %sign3A_489, %sign3A_492 : i32
        %sign3A_494 = arith.constant 0 : i32
        %sign3A_495 = arith.cmpi sgt, %jit3A_485, %sign3A_494 : i32
        %sign3A_496 = arith.extui %sign3A_495 : i1 to i32
        %sign3A_497 = arith.constant 0 : i32
        %sign3A_498 = arith.cmpi slt, %jit3A_485, %sign3A_497 : i32
        %sign3A_499 = arith.extui %sign3A_498 : i1 to i32
        %sign3A_500 = arith.subi %sign3A_496, %sign3A_499 : i32
        %ne3A_501 = arith.cmpi ne, %sign3A_493, %sign3A_500 : i32
        %rem3A_502 = arith.remsi %squeeze3A_462, %jit3A_485 : i32
        %ne3A_503 = arith.constant 0 : i32
        %ne3A_504 = arith.cmpi ne, %rem3A_502, %ne3A_503 : i32
        %and3A_505 = arith.andi %ne3A_501, %ne3A_504 : i1
        %sub3A_506 = arith.constant 1 : i32
        %sub3A_507 = arith.subi %div3A_486, %sub3A_506 : i32
        %select_n3A_508 = arith.select %and3A_505, %sub3A_507, %div3A_486 : i32
        %mul3A_509 = arith.constant 128 : i32
        %mul3A_510 = arith.muli %select_n3A_508, %mul3A_509 : i32
        %min3A_511 = arith.constant 3197952 : i32
        %min3A_512 = arith.minsi %mul3A_510, %min3A_511 : i32
        %multiple_of3A_513 = tpu.assume_multiple %min3A_512, 128 : i32
        "tpu.region"() ({
          %run_scoped3A = tpu.sem_alloc : memref<!tpu.dma_semaphore, #tpu.memory_space<semaphore_mem>>
          %dma_start3A = arith.constant 0 : i32
          %dma_start3A_514 = tpu.memref_slice %arg4[%dma_start3A, %multiple_of3A_513] : memref<16x3200000xf32, #tpu.memory_space<hbm>> -> memref<16x2048xf32, #tpu.memory_space<hbm>>
          %dma_start3A_515 = arith.constant 0 : i32
          %dma_start3A_516 = tpu.memref_slice %arg4[%dma_start3A_515, %multiple_of3A_513] : memref<16x3200000xf32, #tpu.memory_space<hbm>> -> memref<16x2048xf32, #tpu.memory_space<hbm>>
          tpu.enqueue_dma source(%dma_start3A_516 : memref<16x2048xf32, #tpu.memory_space<hbm>>) target(%arg10 : memref<16x2048xf32, #tpu.memory_space<vmem>>) target_semaphore(%run_scoped3A : memref<!tpu.dma_semaphore, #tpu.memory_space<semaphore_mem>>)
          %dma_wait3A = arith.constant 0 : i32
          %dma_wait3A_517 = tpu.memref_slice %arg4[%dma_wait3A, %multiple_of3A_513] : memref<16x3200000xf32, #tpu.memory_space<hbm>> -> memref<16x2048xf32, #tpu.memory_space<hbm>>
          %dma_wait3A_518 = arith.constant 0 : i32
          %dma_wait3A_519 = tpu.memref_slice %arg4[%dma_wait3A_518, %multiple_of3A_513] : memref<16x3200000xf32, #tpu.memory_space<hbm>> -> memref<16x2048xf32, #tpu.memory_space<hbm>>
          tpu.wait_dma2 semaphore(%run_scoped3A : memref<!tpu.dma_semaphore, #tpu.memory_space<semaphore_mem>>) src(%dma_wait3A_519 : memref<16x2048xf32, #tpu.memory_space<hbm>>) dst(%arg10 : memref<16x2048xf32, #tpu.memory_space<vmem>>)
          tpu.yield
        }) : () -> ()
        scf.yield %multiple_of3A_513 : i32
      } else {
        scf.yield %cond3A_445 : i32
      }
      %sub3A_470 = arith.subi %squeeze3A_462, %cond3A_469 : i32
      %max3A_471 = arith.constant 0 : i32
      %max3A_472 = arith.maxsi %sub3A_470, %max3A_471 : i32
      %broadcast_in_dim3A_473 = vector.broadcast %max3A_472 : i32 to vector<16xi32>
      %gather3A_474 = tpu.vector_load_idx %arg10[%iota3A, %broadcast_in_dim3A_473] : memref<16x2048xf32, #tpu.memory_space<vmem>>[vector<16xi32>, vector<16xi32>], vector<16xf32>,
      %slice3A_475 = vector.extract_strided_slice %get3A_106 {offsets = [15], sizes = [1], strides = [1]} : vector<16xf32> to vector<1xf32>
      %squeeze3A_476 = vector.extract %slice3A_475[0] : f32 from vector<1xf32>
      %broadcast_in_dim3A_477 = vector.broadcast %squeeze3A_476 : f32 to vector<16xf32>
      %mul3A_478 = arith.mulf %gather3A_474, %broadcast_in_dim3A_477 : vector<16xf32>
      %add3A_479 = arith.constant 15 : i32
      %add3A_480 = arith.addi %mul3A_102, %add3A_479 : i32
      %mul3A_481 = arith.constant 16 : i32
      %mul3A_482 = arith.muli %add3A_480, %mul3A_481 : i32
      %swap3A_483 = arith.index_cast %mul3A_482 : i32 to index
      %swap3A_484 = tpu.vector_load %arg11[%swap3A_483] {strides = array<i32>} : memref<50176xf32, #tpu.memory_space<vmem>>, vector<16xf32>,
      tpu.vector_store %arg11[%swap3A_483], %mul3A_478 {strides = array<i32>} : memref<50176xf32, #tpu.memory_space<vmem>>, vector<16xf32>,
      scf.yield %cond3A_469 : i32
    }
    %scan3A_95 = arith.constant 196 : i32
    %mul3A_96 = arith.constant 50000 : i32
    %mul3A_97 = arith.muli %add3A, %mul3A_96 : i32
    %multiple_of3A_98 = tpu.assume_multiple %mul3A_97, 8 : i32
    "tpu.region"() ({
      %run_scoped3A = tpu.sem_alloc : memref<!tpu.dma_semaphore, #tpu.memory_space<semaphore_mem>>
      %dma_start3A = arith.constant 0 : i32
      %dma_start3A_99 = tpu.memref_slice %arg11[%dma_start3A] : memref<50176xf32, #tpu.memory_space<vmem>> -> memref<50000xf32, #tpu.memory_space<vmem>>
      %dma_start3A_100 = tpu.memref_slice %arg5[%multiple_of3A_98] : memref<1600000xf32, #tpu.memory_space<hbm>> -> memref<50000xf32, #tpu.memory_space<hbm>>
      %dma_start3A_101 = tpu.memref_slice %arg5[%multiple_of3A_98] : memref<1600000xf32, #tpu.memory_space<hbm>> -> memref<50000xf32, #tpu.memory_space<hbm>>
      %dma_start3A_102 = arith.constant 0 : i32
      %dma_start3A_103 = tpu.memref_slice %arg11[%dma_start3A_102] : memref<50176xf32, #tpu.memory_space<vmem>> -> memref<50000xf32, #tpu.memory_space<vmem>>
      tpu.enqueue_dma source(%dma_start3A_103 : memref<50000xf32, #tpu.memory_space<vmem>>) target(%dma_start3A_101 : memref<50000xf32, #tpu.memory_space<hbm>>) target_semaphore(%run_scoped3A : memref<!tpu.dma_semaphore, #tpu.memory_space<semaphore_mem>>)
      %dma_wait3A = arith.constant 0 : i32
      %dma_wait3A_104 = tpu.memref_slice %arg11[%dma_wait3A] : memref<50176xf32, #tpu.memory_space<vmem>> -> memref<50000xf32, #tpu.memory_space<vmem>>
      %dma_wait3A_105 = tpu.memref_slice %arg5[%multiple_of3A_98] : memref<1600000xf32, #tpu.memory_space<hbm>> -> memref<50000xf32, #tpu.memory_space<hbm>>
      %dma_wait3A_106 = tpu.memref_slice %arg5[%multiple_of3A_98] : memref<1600000xf32, #tpu.memory_space<hbm>> -> memref<50000xf32, #tpu.memory_space<hbm>>
      %dma_wait3A_107 = arith.constant 0 : i32
      %dma_wait3A_108 = tpu.memref_slice %arg11[%dma_wait3A_107] : memref<50176xf32, #tpu.memory_space<vmem>> -> memref<50000xf32, #tpu.memory_space<vmem>>
      tpu.wait_dma2 semaphore(%run_scoped3A : memref<!tpu.dma_semaphore, #tpu.memory_space<semaphore_mem>>) src(%dma_wait3A_108 : memref<50000xf32, #tpu.memory_space<vmem>>) dst(%dma_wait3A_106 : memref<50000xf32, #tpu.memory_space<hbm>>)
      tpu.yield
    }) : () -> ()
    return
  }
}

</mosaic_0001>

<sc_bundles>
// kernel: kernel.3.cloned.1.call-start
scs
__scs_entry_jumppad:
0x0: {  	(pc) =	sbr.rel $0x88, $3  }
0x1: {  	(tag) =	ssettag $0x0;
	lr =	simm.s32 $0x1  }
0x2: {  	[smem:$0x3F9E] =	sst lr;
	_ =	strace $0xD0000000  }
0x3: {  	_ = 	snop  }
0x4: {  	_ = 	snop  }
0x5: {  	_ = 	snop  }
0x6: {  	_ = 	snop  }
0x7: {  	_ = 	snop  }
__scs_overlays_trampoline_lowered:
0x8: {  	[smem:$0x3FAD] =	sst s0  }
0x9: {  	[smem:$0x3FAE] =	sst s1  }
0xa: {  	[smem:$0x3FAF] =	sst s2  }
0xb: {  	[smem:$0x3FB0] =	sst s3  }
0xc: {  	[smem:$0x3FB1] =	sst s4  }
0xd: {  	[smem:$0x3FB2] =	sst s5  }
0xe: {  	[smem:$0x3FB3] =	sst s6  }
0xf: {  	[smem:$0x3FB4] =	sst s7  }
0x10: {  	[smem:$0x3FB5] =	sst s8  }
0x11: {  	[smem:$0x3FB6] =	sst s9;
	s0 =	simm.s32 @!p0 $0x0  }
0x12: {  	s1 =	sld [smem:$0x3F9C];
	s0 =	simm.s32 @p0 $0x1  }
0x13: {  	[smem:$0x3FB7] =	sst s0;
	s0 =	simm.s32 @!p1 $0x0  }
0x14: {  	s2 =	sld [smem:$0x3F9B];
	s0 =	simm.s32 @p1 $0x1  }
0x15: {  	[smem:$0x3FB8] =	sst s0;
	s0 =	simm.s32 @!p2 $0x0  }
0x16: {  	s3 =	sld [smem:$0x3FDB];
	s0 =	simm.s32 @p2 $0x1  }
0x17: {  	s4 =	simm.s32 $0x1BF5;
	[smem:$0x3FBA] =	sst s0  }
0x18: {  	s0 =	sld [smem:$0x3F9D];
	_ =	swait.ge [sflag:s4], $0x0  }
0x19: {  	s7 =	sld [smem:$0x3F9E]  }
0x1a: {  	s8 =	sadd.s32 $0xFFFFE003, lr  }
0x1b: {  	s9 =	sadd.s32 $0xFFFFFEF7, lr;
	s5 =	simm.s32 $0xFFFFFFFF;
	p2 =	slt.u32 s8, $0xFFFFF086  }
0x1c: {  	p1 =	slt.u32 s9, $0xF7A;
	s5 =	simm.s32 @!p2 $0x0  }
0x1d: {  	s5 =	simm.s32 @p1 $0x1;
	p0 =	seq.s32 s7, s2  }
0x1e: {  	s7 =	smul.u32 @!p0 $0xF7A, s2;
	p2 =	seq.s32 @!p0 s5, $0x0  }
0x1f: {  	s9 =	smul.u32 $0xF7A, s1;
	s8 =	simm.s32 @!p0 $0x1BF5;
	p2 =	por !p2, p0  }
0x20: {  	[sflag:s8] =	ssyncset.s32 @!p0 $0xFFFFF086;
	s6 =	sadd.s32 @!p0 s3, s7;
	s7 =	simm.s32 @!p0 $0x108  }
0x21: {  	s3 =	sadd.s32 s3, s9;
	s6 =	sadd.s32 @!p0 $0x88, s6;
	s7 =	simm.s32 @p2 $0x1082  }
0x22: {  	[simem:s7], [sflag:s8] =	dma.local @!p0 [hbm:s6], $0xF7A  }
0x23: {  	s9 =	sor.u32 $0xD0000000, s2;
	s6 =	simm.s32 $0x108;
	_ =	swait.ge @!p0 [sflag:s8], $0x0  }
0x24: {  	s3 =	sadd.s32 $0x88, s3;
	s6 =	simm.s32 @!p1 $0x1082;
	[sflag:s4] =	ssyncset.s32 $0xFFFFF086  }
0x25: {  	[simem:s6], [sflag:s4] =	dma.local [hbm:s3], $0xF7A  }
0x26: {  	[smem:$0x3F9E] =	sst s1;
	(tag) =	ssettag s2;
	_ =	strace s9  }
0x27: {  	s1 =	sld [smem:$0x3FAE]  }
0x28: {  	s2 =	sld [smem:$0x3FAF]  }
0x29: {  	s4 =	sld [smem:$0x3FB1]  }
0x2a: {  	p0 =	seq.s32 s5, $0x0;
	s5 =	sld [smem:$0x3FB2]  }
0x2b: {  	s6 =	sld [smem:$0x3FB3]  }
0x2c: {  	s7 =	sld [smem:$0x3FB4]  }
0x2d: {  	s3 =	simm.s32 $0x108;
	s8 =	sld [smem:$0x3FB5]  }
0x2e: {  	s3 =	simm.s32 @!p0 $0x1082;
	s9 =	sld [smem:$0x3FB6]  }
0x2f: {  	lr =	sadd.s32 s0, s3;
	s0 =	sld [smem:$0x3FAD]  }
0x30: {  	s3 =	sld [smem:$0x3FB0]  }
0x31: {  	[smem:$0x3FB9] =	sst s10  }
0x32: {  	s10 =	sld [smem:$0x3FB7];
	_ =	sdelay $0x3  }
0x33: {  	p0 =	seq.s32 s10, $0x1;
	s10 =	sld [smem:$0x3FB9];
	_ =	sdelay $0x3  }
0x34: {  	[smem:$0x3FB9] =	sst s10  }
0x35: {  	s10 =	sld [smem:$0x3FB8];
	_ =	sdelay $0x3  }
0x36: {  	p1 =	seq.s32 s10, $0x1;
	s10 =	sld [smem:$0x3FB9];
	_ =	sdelay $0x3  }
0x37: {  	[smem:$0x3FB9] =	sst s10  }
0x38: {  	s10 =	sld [smem:$0x3FBA]  }
0x39: {  	_ = 	snop;
	(pc) =	sbr.ind lr, $3  }
0x3a: {  	_ = 	snop  }
0x3b: {  	_ = 	snop  }
0x3c: {  	p2 =	seq.s32 s10, $0x1;
	s10 =	sld [smem:$0x3FB9]  }
0x3d: {  	_ =	shalt  }
0x3e: {  	_ =	shalt  }
0x3f: {  	_ =	shalt  }
0x40: {  	_ =	shalt  }
0x41: {  	_ =	shalt  }
0x42: {  	_ =	shalt  }
0x43: {  	_ =	shalt  }
0x44: {  	_ =	shalt  }
0x45: {  	_ =	shalt  }
0x46: {  	_ =	shalt  }
0x47: {  	_ =	shalt  }
0x48: {  	_ =	shalt  }
0x49: {  	_ =	shalt  }
0x4a: {  	_ =	shalt  }
0x4b: {  	_ =	shalt  }
0x4c: {  	_ =	shalt  }
0x4d: {  	_ =	shalt  }
0x4e: {  	_ =	shalt  }
0x4f: {  	_ =	shalt  }
0x50: {  	_ =	shalt  }
0x51: {  	_ =	shalt  }
0x52: {  	_ =	shalt  }
0x53: {  	_ =	shalt  }
0x54: {  	_ =	shalt  }
0x55: {  	_ =	shalt  }
0x56: {  	_ =	shalt  }
0x57: {  	_ =	shalt  }
0x58: {  	_ =	shalt  }
0x59: {  	_ =	shalt  }
0x5a: {  	_ =	shalt  }
0x5b: {  	_ =	shalt  }
0x5c: {  	_ =	shalt  }
0x5d: {  	_ =	shalt  }
0x5e: {  	_ =	shalt  }
0x5f: {  	_ =	shalt  }
0x60: {  	_ =	shalt  }
0x61: {  	_ =	shalt  }
0x62: {  	_ =	shalt  }
0x63: {  	_ =	shalt  }
0x64: {  	_ =	shalt  }
0x65: {  	_ =	shalt  }
0x66: {  	_ =	shalt  }
0x67: {  	_ =	shalt  }
0x68: {  	_ =	shalt  }
0x69: {  	_ =	shalt  }
0x6a: {  	_ =	shalt  }
0x6b: {  	_ =	shalt  }
0x6c: {  	_ =	shalt  }
0x6d: {  	_ =	shalt  }
0x6e: {  	_ =	shalt  }
0x6f: {  	_ =	shalt  }
0x70: {  	_ =	shalt  }
0x71: {  	_ =	shalt  }
0x72: {  	_ =	shalt  }
0x73: {  	_ =	shalt  }
0x74: {  	_ =	shalt  }
0x75: {  	_ =	shalt  }
0x76: {  	_ =	shalt  }
0x77: {  	_ =	shalt  }
0x78: {  	_ =	shalt  }
0x79: {  	_ =	shalt  }
0x7a: {  	_ =	shalt  }
0x7b: {  	_ =	shalt  }
0x7c: {  	_ =	shalt  }
0x7d: {  	_ =	shalt  }
0x7e: {  	_ =	shalt  }
0x7f: {  	_ =	shalt  }
0x80: {  	_ =	shalt  }
0x81: {  	_ =	shalt  }
0x82: {  	_ =	shalt  }
0x83: {  	_ =	shalt  }
0x84: {  	_ =	shalt  }
0x85: {  	_ =	shalt  }
0x86: {  	_ =	shalt  }
0x87: {  	_ =	shalt  }
.Lfunc_end0:
.L_simem_size_0:
called_computation_lowered:
.L_overlay_start_0:
0x88: {  	s2 =	sld [smem:$0x3FD9]  }
0x89: {  	s3 =	sld [smem:$0x3FFE];
	_ =	sdelay $0x1  }
0x8a: {  	s1 =	srdreg.scid  }
0x8b: {  	s0 =	sand.u32 $0x1, s1  }
0x8c: {  	s14 =	sshll.u32 s0, $0xA;
	s2 =	sadd.s32 s3, s2  }
0x8d: {  	s2 =	sadd.s32 s2, s14  }
0x8e: {  	[smem:$0x3FC5] =	sst s2  }
0x8f: {  	_ = 	snop  }
0x90: {  	s2 =	sld [smem:$0x3FD0];
	_ =	sdelay $0x1  }
0x91: {  	s15 =	sld [smem:$0x3FC9]  }
0x92: {  	s5 =	simm.s32 $0xA;
	s6 =	simm.s32 $0x10;
	s4 =	sld [smem:$0x3FC8]  }
0x93: {  	[smem:s6], [sflag:s5] =	dma.local [hbm:s2], $0x1  }
0x94: {  	_ =	swait.eq [sflag:s5], $0x1  }
0x95: {  	[sflag:s5] =	ssyncset.done $0x0  }
0x96: {  	[sflag:s5] =	ssyncadd.s32 $0xFFFFFFFF  }
0x97: {  	s16 =	sld [smem:$0x10];
	(tm) =	ssettm $0x1  }
0x98: {  	s17 =	sld [smem:$0x3FFB];
	_ =	sdelay $0x3  }
0x99: {  	_ =	strace s17  }
0x9a: {  	s5 =	sld [smem:$0x3FFC];
	_ =	sdelay $0x3  }
0x9b: {  	_ =	strace s5  }
0x9c: {  	s5 =	sld [smem:$0x3FFD];
	_ =	sdelay $0x3  }
0x9d: {  	_ =	strace s5  }
0x9e: {  	_ =	strace $0x8FFFFFFF  }
0x9f: {  	s18 =	sld [smem:$0x3FDB];
	_ =	sdelay $0x1  }
0xa0: {  	s19 =	simm.s32 $_scs_section_size  }
0xa1: {  	s7 =	simm.s32 $_size__tile_overlayer_lowered;
	s8 =	simm.s32 $_tile_overlayer_lowered  }
0xa2: {  	s22 =	simm.s32 $0x1BFF;
	s21 =	sshll.u32 s8, $0x1;
	s5 =	sadd.s32 s19, s18  }
0xa3: {  	s9 =	simm.s32 $0x0;
	s20 =	sshll.u32 s7, $0x1;
	s7 =	sadd.s32 s21, s5  }
0xa4: {  	[timem:s9], [sflag:s22] =	dma.local [hbm:s7], s20  }
0xa5: {  	_ =	swait.ge [sflag:s22], s20  }
0xa6: {  	s6 =	ssub.s32 $0x0, s20;
	[sflag:s22] =	ssyncset.done $0x0  }
0xa7: {  	[sflag:s22] =	ssyncadd.s32 s6;
	_ =	sdelay $0x1  }
0xa8: {  	s23 =	simm.s32 $0x1B8B  }
0xa9: {  	_ =	swait.ge [sflag:s23], $0x1  }
0xaa: {  	[sflag:s23] =	ssyncset.done $0x0  }
0xab: {  	s25 =	simm.s32 $0x1B8E;
	s24 =	sld [smem:$0x3FFE];
	[sflag:s23] =	ssyncadd.s32 $0xFFFFFFFF  }
0xac: {  	s26 =	simm.s32 $execute0_lowered;
	[smem:$0x3FD2] =	sst s25  }
0xad: {  	s7 =	sshll.u32 s26, $0x1;
	_ =	strace $0x80000046;
	[dreg:$0x1] =	wrdreg $0xFFFFFFFF  }
0xae: {  	s28 =	simm.s32 $_size_execute0_lowered;
	s5 =	sadd.s32 s5, s7;
	[dreg:$0x0] =	wrdreg $0x0  }
0xaf: {  	s7 =	sshll.u32 s28, $0x1;
	[dreg:$0x2] =	wrdreg s5  }
0xb0: {  	[dreg:$0x3] =	wrdreg s7  }
0xb1: {  	[dreg:$0x4] =	wrdreg $0xC0  }
0xb2: {  	_ =	task [dreg:s9], $0x5FFFF  }
0xb3: {  	[dreg:$0x1] =	wrdreg $0xFFFFFFFF  }
0xb4: {  	[dreg:$0x0] =	wrdreg $0x60  }
0xb5: {  	[dreg:$0x2] =	wrdreg s24  }
0xb6: {  	[dreg:$0x3] =	wrdreg s4  }
0xb7: {  	[dreg:$0x4] =	wrdreg s15  }
0xb8: {  	[dreg:$0x5] =	wrdreg s16  }
0xb9: {  	[dreg:$0x6] =	wrdreg $0x9  }
0xba: {  	_ =	task.clear_ibuf [dreg:s9], $0x7FFFF;
	_ =	strace $0x90000046  }
0xbb: {  	s29 =	simm.s32 $0x9;
	_ =	strace $0x80000048  }
0xbc: {  	_ =	swait.ge [sflag:s29], $0x1  }
0xbd: {  	[sflag:s29] =	ssyncadd.s32 $0xFFFFFFFF  }
0xbe: {  	_ =	strace $0x90000048  }
0xbf: {  	_ =	sfence  }
0xc0: {  	s30 =	sld [smem:$0x0];
	_ =	sdelay $0x2  }
0xc1: {  	s31 =	sshll.u32 s1, $0xD;
	s1 =	sshrl.u32 s1, $0x2  }
0xc2: {  	s3 =	sand.u32 $0x4000, s31;
	s1 =	sadd.s32 s1, s30  }
0xc3: {  	s0 =	sor.u32 s3, s0;
	s1 =	sshll.u32 s1, $0x11  }
0xc4: {  	s0 =	sor.u32 s1, s0  }
0xc5: {  	s0 =	sadd.s32 $0x8F2B, s0  }
0xc6: {  	[sflag:s0] =	ssyncadd.remote.s32 $0x1  }
0xc7: {  	_ =	sfence.sel $0xFFFF  }
0xc8: {  	[dreg:$0x0] =	wrdreg $0xFFFFFFFF;
	(pc) =	sbr.abs _section_cstart, $3  }
0xc9: {  	[dreg:$0x1] =	wrdreg $0xFFFFFFFF  }
0xca: {  	_ =	task.clear_ibuf [dreg:s9], $0x2FFFF;
	_ =	strace $0x9FFFFFFF  }
0xcb: {  	(tm) =	ssettm $0x7FFFFFFF  }
tec
execute0_lowered:
.L_overlay_start_1:
0x0: {  	(tag) =	ssettag $0x1  }
0x1: {  	v0 =	vimm.s32 $0x4380;
	vm0 =	vcmask $0x300  }
0x2: {  	vm14 =	vcmask $0x704;
	v0 =	vsel vm0, $0x0, v0  }
0x3: {  	vm15 =	vcmask $0xB08;
	v0 =	vsel vm14, $0x80, v0  }
0x4: {  	vm4 =	vcmask $0xF0C;
	v0 =	vsel vm15, $0x100, v0  }
0x5: {  	s0 =	rddreg [dreg:$0x0];
	vm5 =	vcmask $0x1310;
	v0 =	vsel vm4, $0x180, v0  }
0x6: {  	s3 =	srdreg.scid;
	s4 =	stileid.u32;
	vm6 =	vcmask $0x1714;
	v0 =	vsel vm5, $0x200, v0  }
0x7: {  	s1 =	rddreg [dreg:$0x1];
	vm7 =	vcmask $0x1B18;
	s3 =	sand.u32 $0x1, s3;
	s4 =	sshll.u32 s4, $0x1;
	v0 =	vsel vm6, $0x280, v0  }
0x8: {  	s2 =	rddreg [dreg:$0x2];
	vm8 =	vcmask $0x1F1C;
	s4 =	sor.u32 s3, s4;
	v0 =	vsel vm7, $0x300, v0  }
0x9: {  	s6 =	rddreg [dreg:$0x3];
	vm9 =	vcmask $0x2320;
	s5 =	smul.u32 $0xC35, s4;
	v0 =	vsel vm8, $0x380, v0  }
0xa: {  	s8 =	simm.s32 $0x0;
	vm10 =	vcmask $0x2724;
	s3 =	ssub.s32 $0x2, s3;
	s4 =	smul.u32 $0x186A, s4;
	v0 =	vsel vm9, $0x4000, v0  }
0xb: {  	vm11 =	vcmask $0x2B28;
	s14 =	simm.s32 $0x1;
	[smem:$0x7FF] =	sst s8;
	s29 =	sshrl.u32 s3, $0x1;
	v0 =	vsel vm10, $0x4080, v0  }
0xc: {  	vm12 =	vcmask $0x2F2C;
	_ =	strace $0x80000047;
	s3 =	ssub.s32 s3, s29;
	s30 =	sadd.s32 s6, s4;
	v1 =	vsel vm11, $0x4100, v0  }
0xd: {  	vm13 =	vcmask $0x3330;
	s7 =	sshrl.u32 s5, $0x3;
	s31 =	smax.u32 s3, $0x1;
	[dreg:$0x7] =	wrdreg s30;
	v0 =	vlaneseq.u32;
	v1 =	vsel vm12, $0x4180, v1  }
0xe: {  	vm14 =	vcmask $0x3734;
	s5 =	sand.u32 $0x7, s5;
	s0 =	sadd.s32 s7, s0;
	[dreg:$0x8] =	wrdreg s31;
	v2 =	vmul.u32 $0xFFFFFFFF, v0;
	v1 =	vsel vm13, $0x4200, v1  }
0xf: {  	s10 =	simm.s32 $0xC80;
	vm15 =	vcmask $0x3B38;
	[dreg:$0x5] =	wrdreg s5;
	s0 =	sadd.s32 $0x600, s0;
	v3 =	vsel vm14, $0x4280, v1  }
0x10: {  	s13 =	simm.s32 $0xA580;
	s3 =	simm.s32 $0x0;
	[dreg:$0x6] =	wrdreg s0;
	v1 =	vadd.s32 $0xC35, v2;
	v2 =	vimm.f32 $0.0e+00;
	v3 =	vsel vm15, $0x4300, v3  }
.LBB2_1:
0x11: {  	[dreg:$0x9] =	wrdreg s3  }
0x12: {  	s0 =	rddreg [dreg:$0x6]  }
0x13: {  	[tilespmem:s8], [sflag:$0x1] =	stream.linear.gather [hbm4b:s0+s8], $0xC48, $0x38;
	[tilespmem:$0x1E980] =	vst v63  }
0x14: {  	_ =	swait.ge [sflag:s14], $0xC48  }
0x15: {  	[sflag:s14] =	ssyncset.done $0x0  }
0x16: {  	[sflag:s14] =	ssyncadd.s32 $0xFFFFF3B8  }
0x17: {  	v4 =	vld [tilespmem:s5+$0x0];
	_ =	sdelay $0x4  }
0x18: {  	(v2sf) =	vpush v4, $0x0;
	_ =	sdelay $0xe  }
0x19: {  	s28 =	spop (v2sf)  }
0x1a: {  	s29 =	sand.u32 $0x7F, s28  }
0x1b: {  	s4 =	sshra.s32 s28, $0x1F;
	p0 =	slt.s32 s28, $0x1;
	p1 =	sne.s32 s29, $0x0  }
0x1c: {  	s30 =	sshrl.u32 s4, $0x19;
	p0 =	por !p0, !p1  }
0x1d: {  	s3 =	simm.s32 $0x1;
	s0 =	sadd.s32 s30, s28;
	p0 =	por !p0, !p0  }
0x1e: {  	s0 =	sshrl.u32 s0, $0x7;
	s3 =	simm.s32 @!p0 $0x0  }
0x1f: {  	s0 =	ssub.s32 s0, s3  }
0x20: {  	s7 =	sshll.u32 s0, $0x7  }
0x21: {  	p0 =	slt.s32 s7, $0x30C400;
	s6 =	smov.u32 s7  }
0x22: {  	s6 =	simm.s32 @!p0 $0x30C400  }
.Ltmp0:
0x23: {  	s31 =	sadd.s32 s1, s6;
	(pc) =	sbr.rel .LBB2_2-.Ltmp0, $4  }
0x24: {  	[tilespmem:s10], [sflag:$0x1] =	stream.linear.gather [hbm4b:s31+s8], $0x8000, $0x38;
	[tilespmem:$0x1E980] =	vst v63  }
0x25: {  	_ =	swait.ge [sflag:s14], $0x8000  }
0x26: {  	[sflag:s14] =	ssyncset.done $0x0  }
0x27: {  	s17 =	simm.s32 $0x0;
	[sflag:s14] =	ssyncadd.s32 $0xFFFF8000  }
.LBB2_146:
0x28: {  	v12 =	vmov v8;
	v10 =	vimm.f32 $-3.402823470e+38;
	v11 =	vimm.s32 $0x30D400  }
.LBB2_151:
0x29: {  	vm1 =	vlt.s32 v12, v9;
	v62 =	vsub.s32 v12, v14  }
0x2a: {  	v9 =	vnsel vm1, $0x0, v62  }
0x2b: {  	v63 =	vshll.u32 v9, $0x3  }
0x2c: {  	v9 =	vand.u32 $0x7F, v9;
	v14 =	vand.u32 $0xFFFFFC00, v63  }
0x2d: {  	v9 =	vor.u32 v9, v14;
	_ =	sdelay $0x1  }
0x2e: {  	_ =	swait.ge @!p0 [sflag:s6], $0x8000  }
0x2f: {  	[sflag:s6] =	ssyncset.done @!p0 $0x0  }
0x30: {  	[sflag:s6] =	ssyncadd.s32 @!p0 $0xFFFF8000  }
0x31: {  	v9 =	vld.idx.msk [tilespmem:v9+s10+$0x0], $0xffff;
	_ =	sdelay $0x1  }
0x32: {  	v13 =	vnsel @p1 vm0, $0xFF7FFFFF, v13  }
0x33: {  	vm0 =	vgt.f32 @p1 v13, v10  }
0x34: {  	v10 =	vsel @p1 vm0, v13, v10  }
0x35: {  	v8 =	vsel @p1 vm0, v8, v11;
	v6 =	vpsel p1, v10, v6;
	v9 =	vnsel vm1, $0xFF7FFFFF, v9  }
0x36: {  	v7 =	vpsel p1, v8, v7;
	vm15 =	vgt.f32 v9, v6  }
0x37: {  	v8 =	vsel vm15, v12, v7  }
0x38: {  	s6 =	smov.u32 s4;
	v7 =	vsel vm15, v9, v6;
	v6 =	vxor.u32 $0x80000000, v8  }
.LBB2_152:
0x39: {  	(xrf0) =	vmax.scan.msk.f32 $0xffff, v7;
	_ =	sdelay $0x5  }
0x3a: {  	v8, _, _ =	vpop (xrf0)  }
0x3b: {  	v8 =	vbroadcast v8, $0xF;
	_ =	sdelay $0x1  }
0x3c: {  	vm0 =	veq.f32 v7, v8  }
0x3d: {  	v6 =	vnsel vm0, $0x8030D400, v6  }
0x3e: {  	(xrf0) =	vmin.scan.msk.u32 $0xffff, v6;
	_ =	sdelay $0x5  }
0x3f: {  	v6, _, _ =	vpop (xrf0)  }
0x40: {  	(v2sf) =	vpush v6, $0xF  }
0x41: {  	s4 =	sxor.u32 $0x80000000, s19  }
0x42: {  	s15 =	sxor.u32 $0x80000000, s20;
	vm13 =	veq.s32 v0, $0x1;
	v6 =	vmov s4  }
0x43: {  	s16 =	sxor.u32 $0x80000000, s21;
	vm14 =	veq.s32 v0, $0x2;
	v6 =	vsel vm13, s15, v6  }
0x44: {  	s19 =	sxor.u32 $0x80000000, s22;
	vm15 =	veq.s32 v0, $0x3;
	v6 =	vsel vm14, s16, v6  }
0x45: {  	s20 =	sxor.u32 $0x80000000, s23;
	vm4 =	veq.s32 v0, $0x4;
	v6 =	vsel vm15, s19, v6  }
0x46: {  	s21 =	sxor.u32 $0x80000000, s24;
	vm5 =	veq.s32 v0, $0x5;
	v6 =	vsel vm4, s20, v6  }
0x47: {  	s22 =	sxor.u32 $0x80000000, s25;
	vm6 =	veq.s32 v0, $0x6;
	v6 =	vsel vm5, s21, v6  }
0x48: {  	s23 =	sxor.u32 $0x80000000, s26;
	vm7 =	veq.s32 v0, $0x7;
	v6 =	vsel vm6, s22, v6  }
0x49: {  	s24 =	sxor.u32 $0x80000000, s28;
	vm8 =	veq.s32 v0, $0x8;
	v6 =	vsel vm7, s23, v6  }
0x4a: {  	s25 =	sxor.u32 $0x80000000, s29;
	vm9 =	veq.s32 v0, $0x9;
	v6 =	vsel vm8, s24, v6  }
0x4b: {  	s26 =	sxor.u32 $0x80000000, s30;
	vm10 =	veq.s32 v0, $0xA;
	v6 =	vsel vm9, s25, v6  }
0x4c: {  	s3 =	sxor.u32 $0x80000000, s3;
	vm11 =	veq.s32 v0, $0xB;
	v6 =	vsel vm10, s26, v6  }
0x4d: {  	s0 =	sxor.u32 $0x80000000, s0;
	vm12 =	veq.s32 v0, $0xC;
	v6 =	vsel vm11, s3, v6  }
0x4e: {  	s28 =	sxor.u32 $0x80000000, s11;
	vm13 =	veq.s32 v0, $0xD;
	v6 =	vsel vm12, s0, v6  }
0x4f: {  	s29 =	sxor.u32 $0x80000000, s12;
	vm14 =	veq.s32 v0, $0xE;
	v6 =	vsel vm13, s28, v6;
	s30 =	spop (v2sf)  }
0x50: {  	vm15 =	veq.s32 v0, $0xF;
	v6 =	vsel vm14, s29, v6;
	s31 =	sxor.u32 $0x80000000, s30  }
0x51: {  	s0 =	smov.u32 s6;
	v6 =	vsel vm15, s31, v6  }
.LBB2_153:
0x52: {  	s17 =	sadd.s32 $0x1, s17  }
0x53: {  	p0 =	sne.s32 s17, $0xC4  }
.Ltmp1:
0x54: {  	_ = 	snop;
	(pc) =	sbr.rel @!p0 .LBB2_154-.Ltmp1, $4  }
0x55: {  	vm0 =	vgt.s32 v5, v4  }
0x56: {  	v4 =	vnsel vm0, $0x0, v6  }
0x57: {  	[tilespmem:s18+$0x8C80] =	vst v4;
	v4 =	vsel vm0, $0x3F800000, v2  }
0x58: {  	s6 =	smov.u32 s0;
	[tilespmem:s18+$0x9900] =	vst v4  }
.LBB2_2:
0x59: {  	s18 =	sshll.u32 s17, $0x4  }
0x5a: {  	s0 =	sor.u32 s18, s5  }
0x5b: {  	v4 =	vld [tilespmem:s0+$0x0]  }
0x5c: {  	v5 =	vld [tilespmem:s0+$0x1];
	_ =	sdelay $0x2  }
0x5d: {  	v6 =	vmov s18  }
0x5e: {  	vm0 =	vlt.u32 v6, v1  }
0x5f: {  	v5 =	vsel vm0, v5, v4  }
0x60: {  	v6 =	vxor.u32 $0x80000000, v5  }
0x61: {  	(xrf0) =	vmax.scan.msk.u32 $0xffff, v6;
	_ =	sdelay $0x1  }
0x62: {  	v6 =	vsub.s32 v5, v4  }
0x63: {  	v6 =	vxor.u32 $0x80000000, v6;
	_ =	sdelay $0x2  }
0x64: {  	(v2sf) =	vpush v4, $0x0;
	(xrf0) =	vmax.scan.msk.u32 $0xffff, v6;
	v6, _, _ =	vpop (xrf0)  }
0x65: {  	(v2sf) =	vpush v6, $0xF;
	_ =	sdelay $0x6  }
0x66: {  	v6, _, _ =	vpop (xrf0)  }
0x67: {  	(v2sf) =	vpush v6, $0xF;
	_ =	sdelay $0x5  }
0x68: {  	s3 =	spop (v2sf)  }
0x69: {  	s31 =	spop (v2sf)  }
0x6a: {  	s0 =	sxor.u32 $0x80000000, s31  }
0x6b: {  	s4 =	ssub.s32 s0, s3  }
0x6c: {  	p0 =	sgt.s32 s4, $0xF80  }
.Ltmp2:
0x6d: {  	_ = 	snop;
	(pc) =	sbr.rel @p0 .LBB2_16-.Ltmp2, $2  }
0x6e: {  	_ =	sdelay $0x2  }
0x6f: {  	s4 =	spop (v2sf)  }
0x70: {  	s8 =	sadd.s32 $0x1000, s6  }
0x71: {  	p0 =	sle.s32 s0, s8  }
0x72: {  	s0 =	sand.u32 @!p0 $0x7F, s3  }
0x73: {  	p1 =	slt.s32 @!p0 s3, $0x1;
	p2 =	sne.s32 @!p0 s0, $0x0  }
0x74: {  	s0 =	sshra.s32 @!p0 s3, $0x1F;
	p1 =	por @!p0 !p1, !p2  }
0x75: {  	s0 =	sshrl.u32 @!p0 s0, $0x19;
	p1 =	por @!p0 !p1, !p1  }
0x76: {  	s0 =	sadd.s32 @!p0 s0, s3;
	s3 =	simm.s32 @!p0 $0x1;
	p1 =	por !p1, p0  }
0x77: {  	s0 =	sshrl.u32 @!p0 s0, $0x7;
	s3 =	simm.s32 @p1 $0x0  }
0x78: {  	s0 =	ssub.s32 @!p0 s0, s3  }
0x79: {  	s0 =	sshll.u32 @!p0 s0, $0x7  }
0x7a: {  	p1 =	slt.s32 @!p0 s0, $0x30C400  }
0x7b: {  	p1 =	por !p1, p0  }
0x7c: {  	s0 =	simm.s32 @p1 $0x30C400  }
0x7d: {  	s11 =	simm.s32 @!p0 $0x0;
	s12 =	simm.s32 @!p0 $0xC80;
	s8 =	sadd.s32 @!p0 s1, s0  }
0x7e: {  	[tilespmem:s12], [sflag:$0x1] =	stream.linear.gather @!p0 [hbm4b:s8+s11], $0x8000, $0x38;
	[tilespmem:$0x1E980] =	vst v63  }
0x7f: {  	s11 =	sxor.u32 $0x80000000, s4  }
0x80: {  	p1 =	slt.s32 s11, $0x1  }
.Ltmp3:
0x81: {  	_ = 	snop;
	(pc) =	sbr.rel @p1 .LBB2_4-.Ltmp3, $4  }
0x82: {  	s3 =	simm.s32 @!p0 $0x1  }
0x83: {  	_ =	swait.ge @!p0 [sflag:s3], $0x8000  }
0x84: {  	[sflag:s3] =	ssyncset.done @!p0 $0x0  }
0x85: {  	s0 =	smov.u32 @p0 s6;
	[sflag:s3] =	ssyncadd.s32 @!p0 $0xFFFF8000  }
0x86: {  	p3 =	seq.s32 s11, $0x1  }
.Ltmp4:
0x87: {  	_ = 	snop;
	(pc) =	sbr.rel @p3 .LBB2_6-.Ltmp4, $3  }
0x88: {  	_ =	sdelay $0x1  }
0x89: {  	s3 =	simm.s32 $0x0;
	s4 =	simm.s32 $0x1  }
0x8a: {  	v8 =	vmov s0;
	v7 =	vimm.f32 $-3.402823470e+38;
	v6 =	vimm.s32 $0x30D400;
	p0 =	por $0x0, $0x0;
	p1 =	por $0x0, $0x0;
	p2 =	por $0x0, $0x0  }
0x8b: {  	v9 =	vadd.s32 s3, v4;
	p3 =	seq.s32 s11, $0x2  }
.Ltmp5:
0x8c: {  	vm0 =	vlt.s32 v9, v5;
	v10 =	vsub.s32 v9, v8;
	(pc) =	sbr.rel @p3 .LBB2_8-.Ltmp5, $4  }
0x8d: {  	v10 =	vnsel vm0, $0x0, v10  }
0x8e: {  	v11 =	vshll.u32 v10, $0x3  }
0x8f: {  	v10 =	vand.u32 $0x7F, v10;
	v11 =	vand.u32 $0xFFFFFC00, v11  }
0x90: {  	s6 =	simm.s32 $0x2;
	p0 =	por $0x1, $0x1;
	v11 =	vor.u32 v10, v11  }
0x91: {  	v10 =	vadd.s32 s4, v4;
	p3 =	seq.s32 s11, $0x3  }
.Ltmp6:
0x92: {  	vm3 =	vlt.s32 v10, v5;
	v12 =	vsub.s32 v10, v8;
	(pc) =	sbr.rel @p3 .LBB2_10-.Ltmp6, $4  }
0x93: {  	v12 =	vnsel vm3, $0x0, v12  }
0x94: {  	v13 =	vshll.u32 v12, $0x3  }
0x95: {  	vm0 =	vmmov vm0;
	v14 =	vand.u32 $0x7F, v12;
	v13 =	vand.u32 $0xFFFFFC00, v13  }
0x96: {  	s3 =	simm.s32 $0x3;
	p1 =	por $0x1, $0x1;
	vm1 =	vmmov vm0;
	v12 =	vld.idx.msk [tilespmem:v11+s10+$0x0], $0xffff;
	v11 =	vor.u32 v14, v13  }
0x97: {  	v18 =	vadd.s32 s6, v4  }
0x98: {  	p3 =	seq.s32 s11, $0x4;
	vm0 =	vlt.s32 v18, v5;
	v13 =	vsub.s32 v18, v8  }
.Ltmp7:
0x99: {  	v13 =	vnsel vm0, $0x0, v13;
	(pc) =	sbr.rel @p3 .LBB2_12-.Ltmp7, $4  }
0x9a: {  	v14 =	vshll.u32 v13, $0x3;
	v13 =	vand.u32 $0x7F, v13  }
0x9b: {  	vm3 =	vmmov vm3;
	v15 =	vimm.s32 $0x30D400  }
0x9c: {  	vm3 =	vmmov vm3;
	v14 =	vand.u32 $0xFFFFFC00, v14;
	v16 =	vnsel vm1, $0xFF7FFFFF, v12  }
0x9d: {  	v17 =	vld.idx.msk [tilespmem:v11+s10+$0x0], $0xffff;
	s4 =	simm.s32 $0x4;
	p2 =	por $0x1, $0x1;
	v11 =	vor.u32 v13, v14;
	vm2 =	vgt.f32 v16, v7;
	v14 =	vimm.f32 $-3.402823470e+38;
	v13 =	vmovc v9  }
.LBB2_13:
0x9e: {  	v15 =	vsel vm2, v13, v15;
	v13 =	vmovc v10;
	v10 =	vmov v18;
	v18 =	vadd.s32 s3, v4;
	s3 =	smov.u32 s4;
	s4 =	sadd.s32 $0x1, s4  }
0x9f: {  	v14 =	vsel vm2, v16, v14;
	p3 =	seq.s32 s11, s4  }
.Ltmp8:
0xa0: {  	vm4 =	vmmov vm0;
	v16 =	vsub.s32 v18, v8;
	vm0 =	vlt.s32 v18, v5;
	(pc) =	sbr.rel @!p3 .LBB2_13-.Ltmp8, $4  }
0xa1: {  	v16 =	vnsel vm0, $0x0, v16  }
0xa2: {  	v19 =	vshll.u32 v16, $0x3  }
0xa3: {  	v20 =	vand.u32 $0x7F, v16;
	v16 =	vnsel vm3, $0xFF7FFFFF, v17;
	v19 =	vand.u32 $0xFFFFFC00, v19;
	v17 =	vld.idx.msk [tilespmem:v11+s10+$0x0], $0xffff  }
0xa4: {  	vm3 =	vmmov vm4;
	vm2 =	vgt.f32 v16, v14;
	v11 =	vor.u32 v20, v19  }
0xa5: {  	v19 =	vmov v10;
	v10 =	vmov v18  }
.LBB2_15:
0xa6: {  	v18 =	vadd.s32 s3, v4  }
0xa7: {  	vm4 =	vlt.s32 v18, v5;
	v8 =	vsub.s32 v18, v8  }
0xa8: {  	v8 =	vnsel vm4, $0x0, v8  }
0xa9: {  	v20 =	vshll.u32 v8, $0x3  }
0xaa: {  	v8 =	vand.u32 $0x7F, v8;
	v20 =	vand.u32 $0xFFFFFC00, v20  }
0xab: {  	v11 =	vld.idx.msk @p0 [tilespmem:v11+s10+$0x0], $0xffff;
	v8 =	vor.u32 v8, v20  }
0xac: {  	v14 =	vsel @p2 vm2, v16, v14;
	vm0 =	vmmov @p0 vm0  }
0xad: {  	v13 =	vsel @p2 vm2, v13, v15;
	v14 =	vpsel p2, v14, v7;
	v16 =	vnsel @p1 vm3, $0xFF7FFFFF, v17  }
0xae: {  	v15 =	vmovc @p1 v19;
	v9 =	vpsel p0, v10, v9;
	vm0 =	vmmov @p0 vm0;
	vm3 =	vgt.f32 @p1 v16, v14  }
0xaf: {  	v15 =	vpsel p1, v15, v0;
	v16 =	vpsel p1, v16, v0;
	vm2 =	vmmov @p1 vm3  }
0xb0: {  	vm1 =	vmmov @p0 vm0;
	v11 =	vpsel p0, v11, v12;
	v12 =	vsel @p1 vm2, v16, v14;
	v8 =	vld.idx.msk [tilespmem:v8+s10+$0x0], $0xffff  }
0xb1: {  	v13 =	vpsel p2, v13, v6;
	v10 =	vnsel @p0 vm1, $0xFF7FFFFF, v11;
	v11 =	vpsel p1, v12, v7  }
0xb2: {  	v9 =	vpsel p0, v9, v0;
	vm15 =	vmmov vm4;
	vm1 =	vgt.f32 @p0 v10, v11  }
.Ltmp9:
0xb3: {  	v12 =	vsel @p1 vm2, v15, v13;
	v10 =	vpsel p0, v10, v0;
	vm1 =	vmmov @p0 vm1;
	(pc) =	sbr.rel .LBB2_153-.Ltmp9, $4  }
0xb4: {  	vm0 =	vmmov vm15;
	v12 =	vpsel p1, v12, v6;
	v10 =	vsel @p0 vm1, v10, v11  }
0xb5: {  	v9 =	vsel @p0 vm1, v9, v12;
	v7 =	vpsel p0, v10, v7;
	v8 =	vnsel vm0, $0xFF7FFFFF, v8  }
0xb6: {  	v6 =	vpsel p0, v9, v6;
	vm0 =	vgt.f32 v8, v7  }
0xb7: {  	v6 =	vsel vm0, v18, v6  }
.LBB2_16:
0xb8: {  	(v2sf) =	vpush v5, $0x0;
	_ =	sdelay $0xe  }
0xb9: {  	s0 =	spop (v2sf)  }
0xba: {  	p0 =	sge.s32 s3, s0  }
.Ltmp10:
0xbb: {  	_ = 	snop;
	(pc) =	sbr.rel @p0 .LBB2_17-.Ltmp10, $2  }
0xbc: {  	_ =	sdelay $0x2  }
0xbd: {  	v6 =	vimm.s32 $0x8030D400;
	v7 =	vimm.f32 $-3.402823470e+38  }
0xbe: {  	s12 =	sadd.s32 $0x10, s3;
	s4 =	sadd.s32 $0x1000, s6  }
0xbf: {  	p1 =	sle.s32 s12, s4  }
0xc0: {  	s4 =	sand.u32 @!p1 $0x7F, s3  }
0xc1: {  	p0 =	slt.s32 @!p1 s3, $0x1;
	p2 =	sne.s32 @!p1 s4, $0x0  }
0xc2: {  	s4 =	sshra.s32 @!p1 s3, $0x1F;
	p2 =	por @!p1 !p0, !p2;
	p0 =	por p1, p1  }
0xc3: {  	s4 =	sshrl.u32 @!p0 s4, $0x19;
	p2 =	por @!p0 !p2, !p2  }
0xc4: {  	s8 =	simm.s32 @!p0 $0x1;
	s4 =	sadd.s32 @!p0 s4, s3;
	p2 =	por !p2, p0  }
0xc5: {  	s4 =	sshrl.u32 @!p0 s4, $0x7;
	s8 =	simm.s32 @p2 $0x0  }
0xc6: {  	s4 =	ssub.s32 @!p0 s4, s8  }
0xc7: {  	s11 =	sshll.u32 @!p0 s4, $0x7  }
0xc8: {  	p2 =	slt.s32 @!p0 s11, $0x30C400  }
0xc9: {  	p2 =	por !p2, p0  }
0xca: {  	s11 =	simm.s32 @p2 $0x30C400;
	p2 =	slt.s32 s12, s0  }
.Ltmp11:
0xcb: {  	_ = 	snop;
	(pc) =	sbr.rel @!p2 .LBB2_19-.Ltmp11, $4  }
0xcc: {  	_ = 	snop  }
0xcd: {  	s8 =	simm.s32 @!p1 $0x0;
	s4 =	simm.s32 @!p1 $0xC80;
	p1 =	por $0x0, $0x0  }
0xce: {  	v11 =	vbroadcast v5, $0x0;
	v8 =	vimm.f32 $-3.402823470e+38;
	s14 =	sadd.s32 @!p0 s1, s11;
	s11 =	smov.u32 @p0 s6;
	s6 =	simm.s32 @!p0 $0x1  }
0xcf: {  	v9 =	vimm.s32 $0x30D400;
	v10 =	vadd.s32 s3, v0;
	[tilespmem:s4], [sflag:$0x1] =	stream.linear.gather @!p0 [hbm4b:s14+s8], $0x8000, $0x38;
	v16 =	vmov s11;
	[tilespmem:$0x1E980] =	vst v63  }
0xd0: {  	s3 =	sadd.s32 $0x10, s12;
	s4 =	sadd.s32 $0x1000, s11  }
0xd1: {  	_ =	swait.ge @!p0 [sflag:s6], $0x8000;
	p1 =	sle.s32 s3, s4  }
0xd2: {  	[sflag:s6] =	ssyncset.done @!p0 $0x0;
	s4 =	sand.u32 @!p1 $0x7F, s12  }
0xd3: {  	[sflag:s6] =	ssyncadd.s32 @!p0 $0xFFFF8000;
	p0 =	slt.s32 @!p1 s12, $0x1;
	p2 =	sne.s32 @!p1 s4, $0x0  }
0xd4: {  	s4 =	sshra.s32 @!p1 s12, $0x1F;
	p2 =	por @!p1 !p0, !p2;
	p0 =	por p1, p1  }
0xd5: {  	vm0 =	vlt.s32 v10, v11;
	v12 =	vsub.s32 v10, v16;
	s4 =	sshrl.u32 @!p0 s4, $0x19;
	p2 =	por @!p0 !p2, !p2  }
0xd6: {  	v12 =	vnsel vm0, $0x0, v12;
	s6 =	simm.s32 @!p0 $0x1;
	s4 =	sadd.s32 @!p0 s4, s12;
	p2 =	por !p2, p0  }
0xd7: {  	v13 =	vshll.u32 v12, $0x3;
	s4 =	sshrl.u32 @!p0 s4, $0x7;
	s6 =	simm.s32 @p2 $0x0  }
0xd8: {  	v12 =	vand.u32 $0x7F, v12;
	v13 =	vand.u32 $0xFFFFFC00, v13;
	s4 =	ssub.s32 @!p0 s4, s6  }
0xd9: {  	v12 =	vor.u32 v12, v13;
	s8 =	sshll.u32 @!p0 s4, $0x7  }
0xda: {  	p2 =	slt.s32 @!p0 s8, $0x30C400  }
0xdb: {  	p2 =	por !p2, p0  }
0xdc: {  	s8 =	simm.s32 @p2 $0x30C400;
	p2 =	slt.s32 s3, s0  }
.Ltmp12:
0xdd: {  	_ = 	snop;
	(pc) =	sbr.rel @!p2 .LBB2_21-.Ltmp12, $4  }
0xde: {  	s6 =	simm.s32 @!p1 $0x0;
	v15 =	vld.idx.msk [tilespmem:v12+s10+$0x0], $0xffff  }
0xdf: {  	s4 =	simm.s32 @!p1 $0xC80;
	s14 =	sadd.s32 @!p0 s1, s8;
	s8 =	smov.u32 @p0 s11  }
0xe0: {  	v14 =	vadd.s32 s12, v0;
	[tilespmem:s4], [sflag:$0x1] =	stream.linear.gather @!p0 [hbm4b:s14+s6], $0x8000, $0x38;
	[tilespmem:$0x1E980] =	vst v63  }
0xe1: {  	v13 =	vimm.s32 $0x30D400;
	p1 =	por $0x1, $0x1;
	v12 =	vimm.f32 $-3.402823470e+38;
	s6 =	simm.s32 @!p0 $0x1;
	v16 =	vmov s8  }
.LBB2_22:
0xe2: {  	s4 =	smov.u32 s8;
	s8 =	sadd.s32 $0x1000, s8  }
0xe3: {  	v16 =	vsub.s32 v14, v16;
	v15 =	vnsel vm0, $0xFF7FFFFF, v15;
	vm0 =	vlt.s32 v14, v11;
	s11 =	smov.u32 s3;
	s3 =	sadd.s32 $0x10, s3;
	_ =	swait.ge @!p0 [sflag:s6], $0x8000  }
0xe4: {  	p3 =	sle.s32 s3, s8;
	p2 =	slt.s32 s3, s0;
	v16 =	vnsel vm0, $0x0, v16;
	vm1 =	vgt.f32 v15, v12;
	[sflag:s6] =	ssyncset.done @!p0 $0x0  }
0xe5: {  	s8 =	sand.u32 @!p3 $0x7F, s11;
	s12 =	simm.s32 @!p3 $0xC80;
	v17 =	vand.u32 $0x7F, v16;
	v16 =	vshll.u32 v16, $0x3;
	v12 =	vsel vm1, v15, v12;
	[sflag:s6] =	ssyncadd.s32 @!p0 $0xFFFF8000  }
0xe6: {  	s14 =	simm.s32 @!p3 $0x0;
	v13 =	vsel vm1, v10, v13;
	v10 =	vmov v14;
	p0 =	slt.s32 @!p3 s11, $0x1;
	p4 =	sne.s32 @!p3 s8, $0x0;
	v15 =	vand.u32 $0xFFFFFC00, v16  }
0xe7: {  	s6 =	sshra.s32 @!p3 s11, $0x1F;
	p4 =	por @!p3 !p0, !p4;
	v14 =	vor.u32 v17, v15;
	p0 =	por p3, p3  }
0xe8: {  	s6 =	sshrl.u32 @!p0 s6, $0x19;
	p3 =	por @!p0 !p4, !p4;
	s16 =	simm.s32 @!p0 $0x1  }
0xe9: {  	s8 =	sadd.s32 @!p0 s6, s11;
	s6 =	simm.s32 @!p0 $0x1;
	p3 =	por !p3, p0  }
0xea: {  	s8 =	sshrl.u32 @!p0 s8, $0x7;
	s16 =	simm.s32 @p3 $0x0  }
0xeb: {  	s8 =	ssub.s32 @!p0 s8, s16  }
0xec: {  	s8 =	sshll.u32 @!p0 s8, $0x7;
	v15 =	vld.idx.msk [tilespmem:v14+s10+$0x0], $0xffff  }
.Ltmp13:
0xed: {  	p3 =	slt.s32 @!p0 s8, $0x30C400;
	(pc) =	sbr.rel @p2 .LBB2_22-.Ltmp13, $4  }
0xee: {  	p3 =	por !p3, p0  }
0xef: {  	s8 =	simm.s32 @p3 $0x30C400  }
0xf0: {  	s16 =	sadd.s32 @!p0 s1, s8;
	s8 =	smov.u32 @p0 s4  }
0xf1: {  	v14 =	vadd.s32 s11, v0;
	v16 =	vmov s8;
	[tilespmem:s12], [sflag:$0x1] =	stream.linear.gather @!p0 [hbm4b:s16+s14], $0x8000, $0x38;
	[tilespmem:$0x1E980] =	vst v63  }
0xf2: {  	s11 =	smov.u32 s8  }
.LBB2_24:
0xf3: {  	vm1 =	vlt.s32 v14, v11;
	v11 =	vsub.s32 v14, v16  }
0xf4: {  	v11 =	vnsel vm1, $0x0, v11  }
0xf5: {  	v63 =	vshll.u32 v11, $0x3  }
0xf6: {  	v11 =	vand.u32 $0x7F, v11;
	v16 =	vand.u32 $0xFFFFFC00, v63  }
0xf7: {  	v11 =	vor.u32 v11, v16;
	_ =	sdelay $0x1  }
0xf8: {  	_ =	swait.ge @!p0 [sflag:s6], $0x8000  }
0xf9: {  	[sflag:s6] =	ssyncset.done @!p0 $0x0  }
0xfa: {  	[sflag:s6] =	ssyncadd.s32 @!p0 $0xFFFF8000  }
0xfb: {  	v11 =	vld.idx.msk [tilespmem:v11+s10+$0x0], $0xffff;
	_ =	sdelay $0x1  }
0xfc: {  	v15 =	vnsel @p1 vm0, $0xFF7FFFFF, v15  }
0xfd: {  	vm0 =	vgt.f32 @p1 v15, v12  }
.Ltmp14:
0xfe: {  	v12 =	vsel @p1 vm0, v15, v12;
	(pc) =	sbr.rel .LBB2_25-.Ltmp14, $4  }
0xff: {  	v10 =	vsel @p1 vm0, v10, v13;
	v8 =	vpsel p1, v12, v8;
	v11 =	vnsel vm1, $0xFF7FFFFF, v11  }
0x100: {  	v9 =	vpsel p1, v10, v9;
	vm15 =	vgt.f32 v11, v8  }
0x101: {  	v9 =	vsel vm15, v14, v9  }
0x102: {  	s6 =	smov.u32 s11;
	v8 =	vsel vm15, v11, v8;
	v9 =	vxor.u32 $0x80000000, v9  }
.LBB2_17:
0x103: {  	v8 =	vimm.f32 $-3.402823470e+38;
	v9 =	vimm.s32 $0x8030D400  }
.LBB2_25:
0x104: {  	(xrf0) =	vmax.scan.msk.f32 $0xffff, v8;
	_ =	sdelay $0x5  }
0x105: {  	v10, _, _ =	vpop (xrf0)  }
0x106: {  	v10 =	vbroadcast v10, $0xF;
	_ =	sdelay $0x1  }
0x107: {  	vm0 =	veq.f32 v8, v10  }
0x108: {  	v8 =	vnsel vm0, $0x8030D400, v9  }
0x109: {  	(xrf0) =	vmin.scan.msk.u32 $0xffff, v8;
	_ =	sdelay $0x5  }
0x10a: {  	v8, _, _ =	vpop (xrf0)  }
0x10b: {  	(v2sf) =	vpush v8, $0xF  }
0x10c: {  	(v2sf) =	vpush v4, $0x1  }
0x10d: {  	(v2sf) =	vpush v5, $0x1;
	_ =	sdelay $0xc  }
0x10e: {  	s19 =	spop (v2sf)  }
0x10f: {  	s3 =	spop (v2sf)  }
0x110: {  	s0 =	spop (v2sf)  }
0x111: {  	p0 =	sge.s32 s3, s0  }
.Ltmp15:
0x112: {  	_ = 	snop;
	(pc) =	sbr.rel @p0 .LBB2_33-.Ltmp15, $1  }
0x113: {  	_ =	sdelay $0x3  }
0x114: {  	s12 =	sadd.s32 $0x10, s3;
	s4 =	sadd.s32 $0x1000, s6  }
0x115: {  	p1 =	sle.s32 s12, s4  }
0x116: {  	s4 =	sand.u32 @!p1 $0x7F, s3  }
0x117: {  	p0 =	slt.s32 @!p1 s3, $0x1;
	p2 =	sne.s32 @!p1 s4, $0x0  }
0x118: {  	s4 =	sshra.s32 @!p1 s3, $0x1F;
	p2 =	por @!p1 !p0, !p2;
	p0 =	por p1, p1  }
0x119: {  	s4 =	sshrl.u32 @!p0 s4, $0x19;
	p2 =	por @!p0 !p2, !p2  }
0x11a: {  	s8 =	simm.s32 @!p0 $0x1;
	s4 =	sadd.s32 @!p0 s4, s3;
	p2 =	por !p2, p0  }
0x11b: {  	s4 =	sshrl.u32 @!p0 s4, $0x7;
	s8 =	simm.s32 @p2 $0x0  }
0x11c: {  	s4 =	ssub.s32 @!p0 s4, s8  }
0x11d: {  	s11 =	sshll.u32 @!p0 s4, $0x7  }
0x11e: {  	p2 =	slt.s32 @!p0 s11, $0x30C400  }
0x11f: {  	p2 =	por !p2, p0  }
0x120: {  	s11 =	simm.s32 @p2 $0x30C400;
	p2 =	slt.s32 s12, s0  }
.Ltmp16:
0x121: {  	_ = 	snop;
	(pc) =	sbr.rel @!p2 .LBB2_27-.Ltmp16, $4  }
0x122: {  	_ = 	snop  }
0x123: {  	s8 =	simm.s32 @!p1 $0x0;
	s4 =	simm.s32 @!p1 $0xC80;
	p1 =	por $0x0, $0x0  }
0x124: {  	v9 =	vbroadcast v5, $0x1;
	v6 =	vimm.f32 $-3.402823470e+38;
	s14 =	sadd.s32 @!p0 s1, s11;
	s11 =	smov.u32 @p0 s6;
	s6 =	simm.s32 @!p0 $0x1  }
0x125: {  	v7 =	vimm.s32 $0x30D400;
	v8 =	vadd.s32 s3, v0;
	[tilespmem:s4], [sflag:$0x1] =	stream.linear.gather @!p0 [hbm4b:s14+s8], $0x8000, $0x38;
	v14 =	vmov s11;
	[tilespmem:$0x1E980] =	vst v63  }
0x126: {  	s3 =	sadd.s32 $0x10, s12;
	s4 =	sadd.s32 $0x1000, s11  }
0x127: {  	_ =	swait.ge @!p0 [sflag:s6], $0x8000;
	p1 =	sle.s32 s3, s4  }
0x128: {  	[sflag:s6] =	ssyncset.done @!p0 $0x0;
	s4 =	sand.u32 @!p1 $0x7F, s12  }
0x129: {  	[sflag:s6] =	ssyncadd.s32 @!p0 $0xFFFF8000;
	p0 =	slt.s32 @!p1 s12, $0x1;
	p2 =	sne.s32 @!p1 s4, $0x0  }
0x12a: {  	s4 =	sshra.s32 @!p1 s12, $0x1F;
	p2 =	por @!p1 !p0, !p2;
	p0 =	por p1, p1  }
0x12b: {  	vm0 =	vlt.s32 v8, v9;
	v10 =	vsub.s32 v8, v14;
	s4 =	sshrl.u32 @!p0 s4, $0x19;
	p2 =	por @!p0 !p2, !p2  }
0x12c: {  	v10 =	vnsel vm0, $0x0, v10;
	s6 =	simm.s32 @!p0 $0x1;
	s4 =	sadd.s32 @!p0 s4, s12;
	p2 =	por !p2, p0  }
0x12d: {  	v11 =	vshll.u32 v10, $0x3;
	s4 =	sshrl.u32 @!p0 s4, $0x7;
	s6 =	simm.s32 @p2 $0x0  }
0x12e: {  	v10 =	vand.u32 $0x7F, v10;
	v11 =	vand.u32 $0xFFFFFC00, v11;
	s4 =	ssub.s32 @!p0 s4, s6  }
0x12f: {  	v10 =	vor.u32 v10, v11;
	s8 =	sshll.u32 @!p0 s4, $0x7  }
0x130: {  	p2 =	slt.s32 @!p0 s8, $0x30C400  }
0x131: {  	p2 =	por !p2, p0  }
0x132: {  	s8 =	simm.s32 @p2 $0x30C400;
	p2 =	slt.s32 s3, s0  }
.Ltmp17:
0x133: {  	_ = 	snop;
	(pc) =	sbr.rel @!p2 .LBB2_29-.Ltmp17, $4  }
0x134: {  	s6 =	simm.s32 @!p1 $0x0;
	v13 =	vld.idx.msk [tilespmem:v10+s10+$0x0], $0xffff  }
0x135: {  	s4 =	simm.s32 @!p1 $0xC80;
	s14 =	sadd.s32 @!p0 s1, s8;
	s8 =	smov.u32 @p0 s11  }
0x136: {  	v12 =	vadd.s32 s12, v0;
	[tilespmem:s4], [sflag:$0x1] =	stream.linear.gather @!p0 [hbm4b:s14+s6], $0x8000, $0x38;
	[tilespmem:$0x1E980] =	vst v63  }
0x137: {  	v11 =	vimm.s32 $0x30D400;
	p1 =	por $0x1, $0x1;
	v10 =	vimm.f32 $-3.402823470e+38;
	s6 =	simm.s32 @!p0 $0x1;
	v14 =	vmov s8  }
.LBB2_30:
0x138: {  	s4 =	smov.u32 s8;
	s8 =	sadd.s32 $0x1000, s8  }
0x139: {  	v14 =	vsub.s32 v12, v14;
	v13 =	vnsel vm0, $0xFF7FFFFF, v13;
	vm0 =	vlt.s32 v12, v9;
	s11 =	smov.u32 s3;
	s3 =	sadd.s32 $0x10, s3;
	_ =	swait.ge @!p0 [sflag:s6], $0x8000  }
0x13a: {  	p3 =	sle.s32 s3, s8;
	p2 =	slt.s32 s3, s0;
	v14 =	vnsel vm0, $0x0, v14;
	vm1 =	vgt.f32 v13, v10;
	[sflag:s6] =	ssyncset.done @!p0 $0x0  }
0x13b: {  	s8 =	sand.u32 @!p3 $0x7F, s11;
	s12 =	simm.s32 @!p3 $0xC80;
	v15 =	vand.u32 $0x7F, v14;
	v14 =	vshll.u32 v14, $0x3;
	v10 =	vsel vm1, v13, v10;
	[sflag:s6] =	ssyncadd.s32 @!p0 $0xFFFF8000  }
0x13c: {  	s14 =	simm.s32 @!p3 $0x0;
	v11 =	vsel vm1, v8, v11;
	v8 =	vmov v12;
	p0 =	slt.s32 @!p3 s11, $0x1;
	p4 =	sne.s32 @!p3 s8, $0x0;
	v13 =	vand.u32 $0xFFFFFC00, v14  }
0x13d: {  	s6 =	sshra.s32 @!p3 s11, $0x1F;
	p4 =	por @!p3 !p0, !p4;
	v12 =	vor.u32 v15, v13;
	p0 =	por p3, p3  }
0x13e: {  	s6 =	sshrl.u32 @!p0 s6, $0x19;
	p3 =	por @!p0 !p4, !p4;
	s16 =	simm.s32 @!p0 $0x1  }
0x13f: {  	s8 =	sadd.s32 @!p0 s6, s11;
	s6 =	simm.s32 @!p0 $0x1;
	p3 =	por !p3, p0  }
0x140: {  	s8 =	sshrl.u32 @!p0 s8, $0x7;
	s16 =	simm.s32 @p3 $0x0  }
0x141: {  	s8 =	ssub.s32 @!p0 s8, s16  }
0x142: {  	s8 =	sshll.u32 @!p0 s8, $0x7;
	v13 =	vld.idx.msk [tilespmem:v12+s10+$0x0], $0xffff  }
.Ltmp18:
0x143: {  	p3 =	slt.s32 @!p0 s8, $0x30C400;
	(pc) =	sbr.rel @p2 .LBB2_30-.Ltmp18, $4  }
0x144: {  	p3 =	por !p3, p0  }
0x145: {  	s8 =	simm.s32 @p3 $0x30C400  }
0x146: {  	s16 =	sadd.s32 @!p0 s1, s8;
	s8 =	smov.u32 @p0 s4  }
0x147: {  	v12 =	vadd.s32 s11, v0;
	v14 =	vmov s8;
	[tilespmem:s12], [sflag:$0x1] =	stream.linear.gather @!p0 [hbm4b:s16+s14], $0x8000, $0x38;
	[tilespmem:$0x1E980] =	vst v63  }
0x148: {  	s11 =	smov.u32 s8  }
.LBB2_32:
0x149: {  	vm1 =	vlt.s32 v12, v9;
	v62 =	vsub.s32 v12, v14  }
0x14a: {  	v9 =	vnsel vm1, $0x0, v62  }
0x14b: {  	v63 =	vshll.u32 v9, $0x3  }
0x14c: {  	v9 =	vand.u32 $0x7F, v9;
	v14 =	vand.u32 $0xFFFFFC00, v63  }
0x14d: {  	v9 =	vor.u32 v9, v14;
	_ =	sdelay $0x1  }
0x14e: {  	_ =	swait.ge @!p0 [sflag:s6], $0x8000  }
0x14f: {  	[sflag:s6] =	ssyncset.done @!p0 $0x0  }
0x150: {  	[sflag:s6] =	ssyncadd.s32 @!p0 $0xFFFF8000  }
0x151: {  	v9 =	vld.idx.msk [tilespmem:v9+s10+$0x0], $0xffff;
	_ =	sdelay $0x1  }
0x152: {  	v13 =	vnsel @p1 vm0, $0xFF7FFFFF, v13  }
0x153: {  	vm0 =	vgt.f32 @p1 v13, v10  }
0x154: {  	v10 =	vsel @p1 vm0, v13, v10  }
0x155: {  	v8 =	vsel @p1 vm0, v8, v11;
	v6 =	vpsel p1, v10, v6;
	v9 =	vnsel vm1, $0xFF7FFFFF, v9  }
0x156: {  	v7 =	vpsel p1, v8, v7;
	vm15 =	vgt.f32 v9, v6  }
0x157: {  	v8 =	vsel vm15, v12, v7  }
0x158: {  	s6 =	smov.u32 s11;
	v7 =	vsel vm15, v9, v6;
	v6 =	vxor.u32 $0x80000000, v8  }
.LBB2_33:
0x159: {  	(xrf0) =	vmax.scan.msk.f32 $0xffff, v7;
	_ =	sdelay $0x5  }
0x15a: {  	v8, _, _ =	vpop (xrf0)  }
0x15b: {  	v8 =	vbroadcast v8, $0xF;
	_ =	sdelay $0x1  }
0x15c: {  	vm0 =	veq.f32 v7, v8  }
0x15d: {  	v6 =	vnsel vm0, $0x8030D400, v6  }
0x15e: {  	(xrf0) =	vmin.scan.msk.u32 $0xffff, v6;
	_ =	sdelay $0x5  }
0x15f: {  	v6, _, _ =	vpop (xrf0)  }
0x160: {  	(v2sf) =	vpush v6, $0xF  }
0x161: {  	(v2sf) =	vpush v4, $0x2  }
0x162: {  	(v2sf) =	vpush v5, $0x2;
	_ =	sdelay $0xc  }
0x163: {  	s20 =	spop (v2sf)  }
0x164: {  	s3 =	spop (v2sf)  }
0x165: {  	s0 =	spop (v2sf)  }
0x166: {  	p0 =	sge.s32 s3, s0  }
.Ltmp19:
0x167: {  	_ = 	snop;
	(pc) =	sbr.rel @p0 .LBB2_34-.Ltmp19, $2  }
0x168: {  	_ =	sdelay $0x2  }
0x169: {  	v7 =	vimm.f32 $-3.402823470e+38;
	v6 =	vimm.s32 $0x8030D400  }
0x16a: {  	s12 =	sadd.s32 $0x10, s3;
	s4 =	sadd.s32 $0x1000, s6  }
0x16b: {  	p1 =	sle.s32 s12, s4  }
0x16c: {  	s4 =	sand.u32 @!p1 $0x7F, s3  }
0x16d: {  	p0 =	slt.s32 @!p1 s3, $0x1;
	p2 =	sne.s32 @!p1 s4, $0x0  }
0x16e: {  	s4 =	sshra.s32 @!p1 s3, $0x1F;
	p2 =	por @!p1 !p0, !p2;
	p0 =	por p1, p1  }
0x16f: {  	s4 =	sshrl.u32 @!p0 s4, $0x19;
	p2 =	por @!p0 !p2, !p2  }
0x170: {  	s8 =	simm.s32 @!p0 $0x1;
	s4 =	sadd.s32 @!p0 s4, s3;
	p2 =	por !p2, p0  }
0x171: {  	s4 =	sshrl.u32 @!p0 s4, $0x7;
	s8 =	simm.s32 @p2 $0x0  }
0x172: {  	s4 =	ssub.s32 @!p0 s4, s8  }
0x173: {  	s11 =	sshll.u32 @!p0 s4, $0x7  }
0x174: {  	p2 =	slt.s32 @!p0 s11, $0x30C400  }
0x175: {  	p2 =	por !p2, p0  }
0x176: {  	s11 =	simm.s32 @p2 $0x30C400;
	p2 =	slt.s32 s12, s0  }
.Ltmp20:
0x177: {  	_ = 	snop;
	(pc) =	sbr.rel @!p2 .LBB2_36-.Ltmp20, $4  }
0x178: {  	_ = 	snop  }
0x179: {  	s8 =	simm.s32 @!p1 $0x0;
	s4 =	simm.s32 @!p1 $0xC80;
	p1 =	por $0x0, $0x0  }
0x17a: {  	v11 =	vbroadcast v5, $0x2;
	v8 =	vimm.f32 $-3.402823470e+38;
	s14 =	sadd.s32 @!p0 s1, s11;
	s11 =	smov.u32 @p0 s6;
	s6 =	simm.s32 @!p0 $0x1  }
0x17b: {  	v9 =	vimm.s32 $0x30D400;
	v10 =	vadd.s32 s3, v0;
	[tilespmem:s4], [sflag:$0x1] =	stream.linear.gather @!p0 [hbm4b:s14+s8], $0x8000, $0x38;
	v16 =	vmov s11;
	[tilespmem:$0x1E980] =	vst v63  }
0x17c: {  	s3 =	sadd.s32 $0x10, s12;
	s4 =	sadd.s32 $0x1000, s11  }
0x17d: {  	_ =	swait.ge @!p0 [sflag:s6], $0x8000;
	p1 =	sle.s32 s3, s4  }
0x17e: {  	[sflag:s6] =	ssyncset.done @!p0 $0x0;
	s4 =	sand.u32 @!p1 $0x7F, s12  }
0x17f: {  	[sflag:s6] =	ssyncadd.s32 @!p0 $0xFFFF8000;
	p0 =	slt.s32 @!p1 s12, $0x1;
	p2 =	sne.s32 @!p1 s4, $0x0  }
0x180: {  	s4 =	sshra.s32 @!p1 s12, $0x1F;
	p2 =	por @!p1 !p0, !p2;
	p0 =	por p1, p1  }
0x181: {  	vm0 =	vlt.s32 v10, v11;
	v12 =	vsub.s32 v10, v16;
	s4 =	sshrl.u32 @!p0 s4, $0x19;
	p2 =	por @!p0 !p2, !p2  }
0x182: {  	v12 =	vnsel vm0, $0x0, v12;
	s6 =	simm.s32 @!p0 $0x1;
	s4 =	sadd.s32 @!p0 s4, s12;
	p2 =	por !p2, p0  }
0x183: {  	v13 =	vshll.u32 v12, $0x3;
	s4 =	sshrl.u32 @!p0 s4, $0x7;
	s6 =	simm.s32 @p2 $0x0  }
0x184: {  	v12 =	vand.u32 $0x7F, v12;
	v13 =	vand.u32 $0xFFFFFC00, v13;
	s4 =	ssub.s32 @!p0 s4, s6  }
0x185: {  	v12 =	vor.u32 v12, v13;
	s8 =	sshll.u32 @!p0 s4, $0x7  }
0x186: {  	p2 =	slt.s32 @!p0 s8, $0x30C400  }
0x187: {  	p2 =	por !p2, p0  }
0x188: {  	s8 =	simm.s32 @p2 $0x30C400;
	p2 =	slt.s32 s3, s0  }
.Ltmp21:
0x189: {  	_ = 	snop;
	(pc) =	sbr.rel @!p2 .LBB2_38-.Ltmp21, $4  }
0x18a: {  	s6 =	simm.s32 @!p1 $0x0;
	v15 =	vld.idx.msk [tilespmem:v12+s10+$0x0], $0xffff  }
0x18b: {  	s4 =	simm.s32 @!p1 $0xC80;
	s14 =	sadd.s32 @!p0 s1, s8;
	s8 =	smov.u32 @p0 s11  }
0x18c: {  	v14 =	vadd.s32 s12, v0;
	[tilespmem:s4], [sflag:$0x1] =	stream.linear.gather @!p0 [hbm4b:s14+s6], $0x8000, $0x38;
	[tilespmem:$0x1E980] =	vst v63  }
0x18d: {  	v13 =	vimm.s32 $0x30D400;
	p1 =	por $0x1, $0x1;
	v12 =	vimm.f32 $-3.402823470e+38;
	s6 =	simm.s32 @!p0 $0x1;
	v16 =	vmov s8  }
.LBB2_39:
0x18e: {  	s4 =	smov.u32 s8;
	s8 =	sadd.s32 $0x1000, s8  }
0x18f: {  	v16 =	vsub.s32 v14, v16;
	v15 =	vnsel vm0, $0xFF7FFFFF, v15;
	vm0 =	vlt.s32 v14, v11;
	s11 =	smov.u32 s3;
	s3 =	sadd.s32 $0x10, s3;
	_ =	swait.ge @!p0 [sflag:s6], $0x8000  }
0x190: {  	p3 =	sle.s32 s3, s8;
	p2 =	slt.s32 s3, s0;
	v16 =	vnsel vm0, $0x0, v16;
	vm1 =	vgt.f32 v15, v12;
	[sflag:s6] =	ssyncset.done @!p0 $0x0  }
0x191: {  	s8 =	sand.u32 @!p3 $0x7F, s11;
	s12 =	simm.s32 @!p3 $0xC80;
	v17 =	vand.u32 $0x7F, v16;
	v16 =	vshll.u32 v16, $0x3;
	v12 =	vsel vm1, v15, v12;
	[sflag:s6] =	ssyncadd.s32 @!p0 $0xFFFF8000  }
0x192: {  	s14 =	simm.s32 @!p3 $0x0;
	v13 =	vsel vm1, v10, v13;
	v10 =	vmov v14;
	p0 =	slt.s32 @!p3 s11, $0x1;
	p4 =	sne.s32 @!p3 s8, $0x0;
	v15 =	vand.u32 $0xFFFFFC00, v16  }
0x193: {  	s6 =	sshra.s32 @!p3 s11, $0x1F;
	p4 =	por @!p3 !p0, !p4;
	v14 =	vor.u32 v17, v15;
	p0 =	por p3, p3  }
0x194: {  	s6 =	sshrl.u32 @!p0 s6, $0x19;
	p3 =	por @!p0 !p4, !p4;
	s16 =	simm.s32 @!p0 $0x1  }
0x195: {  	s8 =	sadd.s32 @!p0 s6, s11;
	s6 =	simm.s32 @!p0 $0x1;
	p3 =	por !p3, p0  }
0x196: {  	s8 =	sshrl.u32 @!p0 s8, $0x7;
	s16 =	simm.s32 @p3 $0x0  }
0x197: {  	s8 =	ssub.s32 @!p0 s8, s16  }
0x198: {  	s8 =	sshll.u32 @!p0 s8, $0x7;
	v15 =	vld.idx.msk [tilespmem:v14+s10+$0x0], $0xffff  }
.Ltmp22:
0x199: {  	p3 =	slt.s32 @!p0 s8, $0x30C400;
	(pc) =	sbr.rel @p2 .LBB2_39-.Ltmp22, $4  }
0x19a: {  	p3 =	por !p3, p0  }
0x19b: {  	s8 =	simm.s32 @p3 $0x30C400  }
0x19c: {  	s16 =	sadd.s32 @!p0 s1, s8;
	s8 =	smov.u32 @p0 s4  }
0x19d: {  	v14 =	vadd.s32 s11, v0;
	v16 =	vmov s8;
	[tilespmem:s12], [sflag:$0x1] =	stream.linear.gather @!p0 [hbm4b:s16+s14], $0x8000, $0x38;
	[tilespmem:$0x1E980] =	vst v63  }
0x19e: {  	s11 =	smov.u32 s8  }
.LBB2_41:
0x19f: {  	vm1 =	vlt.s32 v14, v11;
	v11 =	vsub.s32 v14, v16  }
0x1a0: {  	v11 =	vnsel vm1, $0x0, v11  }
0x1a1: {  	v63 =	vshll.u32 v11, $0x3  }
0x1a2: {  	v11 =	vand.u32 $0x7F, v11;
	v16 =	vand.u32 $0xFFFFFC00, v63  }
0x1a3: {  	v11 =	vor.u32 v11, v16;
	_ =	sdelay $0x1  }
0x1a4: {  	_ =	swait.ge @!p0 [sflag:s6], $0x8000  }
0x1a5: {  	[sflag:s6] =	ssyncset.done @!p0 $0x0  }
0x1a6: {  	[sflag:s6] =	ssyncadd.s32 @!p0 $0xFFFF8000  }
0x1a7: {  	v11 =	vld.idx.msk [tilespmem:v11+s10+$0x0], $0xffff;
	_ =	sdelay $0x1  }
0x1a8: {  	v15 =	vnsel @p1 vm0, $0xFF7FFFFF, v15  }
0x1a9: {  	vm0 =	vgt.f32 @p1 v15, v12  }
.Ltmp23:
0x1aa: {  	v12 =	vsel @p1 vm0, v15, v12;
	(pc) =	sbr.rel .LBB2_42-.Ltmp23, $4  }
0x1ab: {  	v10 =	vsel @p1 vm0, v10, v13;
	v8 =	vpsel p1, v12, v8;
	v11 =	vnsel vm1, $0xFF7FFFFF, v11  }
0x1ac: {  	v9 =	vpsel p1, v10, v9;
	vm15 =	vgt.f32 v11, v8  }
0x1ad: {  	v9 =	vsel vm15, v14, v9  }
0x1ae: {  	s6 =	smov.u32 s11;
	v8 =	vsel vm15, v11, v8;
	v9 =	vxor.u32 $0x80000000, v9  }
.LBB2_34:
0x1af: {  	v8 =	vimm.f32 $-3.402823470e+38;
	v9 =	vimm.s32 $0x8030D400  }
.LBB2_42:
0x1b0: {  	(xrf0) =	vmax.scan.msk.f32 $0xffff, v8;
	_ =	sdelay $0x5  }
0x1b1: {  	v10, _, _ =	vpop (xrf0)  }
0x1b2: {  	v10 =	vbroadcast v10, $0xF;
	_ =	sdelay $0x1  }
0x1b3: {  	vm0 =	veq.f32 v8, v10  }
0x1b4: {  	v8 =	vnsel vm0, $0x8030D400, v9  }
0x1b5: {  	(xrf0) =	vmin.scan.msk.u32 $0xffff, v8;
	_ =	sdelay $0x5  }
0x1b6: {  	v8, _, _ =	vpop (xrf0)  }
0x1b7: {  	(v2sf) =	vpush v8, $0xF  }
0x1b8: {  	(v2sf) =	vpush v4, $0x3  }
0x1b9: {  	(v2sf) =	vpush v5, $0x3;
	_ =	sdelay $0xc  }
0x1ba: {  	s21 =	spop (v2sf)  }
0x1bb: {  	s3 =	spop (v2sf)  }
0x1bc: {  	s0 =	spop (v2sf)  }
0x1bd: {  	p0 =	sge.s32 s3, s0  }
.Ltmp24:
0x1be: {  	_ = 	snop;
	(pc) =	sbr.rel @p0 .LBB2_50-.Ltmp24, $1  }
0x1bf: {  	_ =	sdelay $0x3  }
0x1c0: {  	s12 =	sadd.s32 $0x10, s3;
	s4 =	sadd.s32 $0x1000, s6  }
0x1c1: {  	p1 =	sle.s32 s12, s4  }
0x1c2: {  	s4 =	sand.u32 @!p1 $0x7F, s3  }
0x1c3: {  	p0 =	slt.s32 @!p1 s3, $0x1;
	p2 =	sne.s32 @!p1 s4, $0x0  }
0x1c4: {  	s4 =	sshra.s32 @!p1 s3, $0x1F;
	p2 =	por @!p1 !p0, !p2;
	p0 =	por p1, p1  }
0x1c5: {  	s4 =	sshrl.u32 @!p0 s4, $0x19;
	p2 =	por @!p0 !p2, !p2  }
0x1c6: {  	s8 =	simm.s32 @!p0 $0x1;
	s4 =	sadd.s32 @!p0 s4, s3;
	p2 =	por !p2, p0  }
0x1c7: {  	s4 =	sshrl.u32 @!p0 s4, $0x7;
	s8 =	simm.s32 @p2 $0x0  }
0x1c8: {  	s4 =	ssub.s32 @!p0 s4, s8  }
0x1c9: {  	s11 =	sshll.u32 @!p0 s4, $0x7  }
0x1ca: {  	p2 =	slt.s32 @!p0 s11, $0x30C400  }
0x1cb: {  	p2 =	por !p2, p0  }
0x1cc: {  	s11 =	simm.s32 @p2 $0x30C400;
	p2 =	slt.s32 s12, s0  }
.Ltmp25:
0x1cd: {  	_ = 	snop;
	(pc) =	sbr.rel @!p2 .LBB2_44-.Ltmp25, $4  }
0x1ce: {  	_ = 	snop  }
0x1cf: {  	s8 =	simm.s32 @!p1 $0x0;
	s4 =	simm.s32 @!p1 $0xC80;
	p1 =	por $0x0, $0x0  }
0x1d0: {  	v9 =	vbroadcast v5, $0x3;
	v6 =	vimm.f32 $-3.402823470e+38;
	s14 =	sadd.s32 @!p0 s1, s11;
	s11 =	smov.u32 @p0 s6;
	s6 =	simm.s32 @!p0 $0x1  }
0x1d1: {  	v7 =	vimm.s32 $0x30D400;
	v8 =	vadd.s32 s3, v0;
	[tilespmem:s4], [sflag:$0x1] =	stream.linear.gather @!p0 [hbm4b:s14+s8], $0x8000, $0x38;
	v14 =	vmov s11;
	[tilespmem:$0x1E980] =	vst v63  }
0x1d2: {  	s3 =	sadd.s32 $0x10, s12;
	s4 =	sadd.s32 $0x1000, s11  }
0x1d3: {  	_ =	swait.ge @!p0 [sflag:s6], $0x8000;
	p1 =	sle.s32 s3, s4  }
0x1d4: {  	[sflag:s6] =	ssyncset.done @!p0 $0x0;
	s4 =	sand.u32 @!p1 $0x7F, s12  }
0x1d5: {  	[sflag:s6] =	ssyncadd.s32 @!p0 $0xFFFF8000;
	p0 =	slt.s32 @!p1 s12, $0x1;
	p2 =	sne.s32 @!p1 s4, $0x0  }
0x1d6: {  	s4 =	sshra.s32 @!p1 s12, $0x1F;
	p2 =	por @!p1 !p0, !p2;
	p0 =	por p1, p1  }
0x1d7: {  	vm0 =	vlt.s32 v8, v9;
	v10 =	vsub.s32 v8, v14;
	s4 =	sshrl.u32 @!p0 s4, $0x19;
	p2 =	por @!p0 !p2, !p2  }
0x1d8: {  	v10 =	vnsel vm0, $0x0, v10;
	s6 =	simm.s32 @!p0 $0x1;
	s4 =	sadd.s32 @!p0 s4, s12;
	p2 =	por !p2, p0  }
0x1d9: {  	v11 =	vshll.u32 v10, $0x3;
	s4 =	sshrl.u32 @!p0 s4, $0x7;
	s6 =	simm.s32 @p2 $0x0  }
0x1da: {  	v10 =	vand.u32 $0x7F, v10;
	v11 =	vand.u32 $0xFFFFFC00, v11;
	s4 =	ssub.s32 @!p0 s4, s6  }
0x1db: {  	v10 =	vor.u32 v10, v11;
	s8 =	sshll.u32 @!p0 s4, $0x7  }
0x1dc: {  	p2 =	slt.s32 @!p0 s8, $0x30C400  }
0x1dd: {  	p2 =	por !p2, p0  }
0x1de: {  	s8 =	simm.s32 @p2 $0x30C400;
	p2 =	slt.s32 s3, s0  }
.Ltmp26:
0x1df: {  	_ = 	snop;
	(pc) =	sbr.rel @!p2 .LBB2_46-.Ltmp26, $4  }
0x1e0: {  	s6 =	simm.s32 @!p1 $0x0;
	v13 =	vld.idx.msk [tilespmem:v10+s10+$0x0], $0xffff  }
0x1e1: {  	s4 =	simm.s32 @!p1 $0xC80;
	s14 =	sadd.s32 @!p0 s1, s8;
	s8 =	smov.u32 @p0 s11  }
0x1e2: {  	v12 =	vadd.s32 s12, v0;
	[tilespmem:s4], [sflag:$0x1] =	stream.linear.gather @!p0 [hbm4b:s14+s6], $0x8000, $0x38;
	[tilespmem:$0x1E980] =	vst v63  }
0x1e3: {  	v11 =	vimm.s32 $0x30D400;
	p1 =	por $0x1, $0x1;
	v10 =	vimm.f32 $-3.402823470e+38;
	s6 =	simm.s32 @!p0 $0x1;
	v14 =	vmov s8  }
.LBB2_47:
0x1e4: {  	s4 =	smov.u32 s8;
	s8 =	sadd.s32 $0x1000, s8  }
0x1e5: {  	v14 =	vsub.s32 v12, v14;
	v13 =	vnsel vm0, $0xFF7FFFFF, v13;
	vm0 =	vlt.s32 v12, v9;
	s11 =	smov.u32 s3;
	s3 =	sadd.s32 $0x10, s3;
	_ =	swait.ge @!p0 [sflag:s6], $0x8000  }
0x1e6: {  	p3 =	sle.s32 s3, s8;
	p2 =	slt.s32 s3, s0;
	v14 =	vnsel vm0, $0x0, v14;
	vm1 =	vgt.f32 v13, v10;
	[sflag:s6] =	ssyncset.done @!p0 $0x0  }
0x1e7: {  	s8 =	sand.u32 @!p3 $0x7F, s11;
	s12 =	simm.s32 @!p3 $0xC80;
	v15 =	vand.u32 $0x7F, v14;
	v14 =	vshll.u32 v14, $0x3;
	v10 =	vsel vm1, v13, v10;
	[sflag:s6] =	ssyncadd.s32 @!p0 $0xFFFF8000  }
0x1e8: {  	s14 =	simm.s32 @!p3 $0x0;
	v11 =	vsel vm1, v8, v11;
	v8 =	vmov v12;
	p0 =	slt.s32 @!p3 s11, $0x1;
	p4 =	sne.s32 @!p3 s8, $0x0;
	v13 =	vand.u32 $0xFFFFFC00, v14  }
0x1e9: {  	s6 =	sshra.s32 @!p3 s11, $0x1F;
	p4 =	por @!p3 !p0, !p4;
	v12 =	vor.u32 v15, v13;
	p0 =	por p3, p3  }
0x1ea: {  	s6 =	sshrl.u32 @!p0 s6, $0x19;
	p3 =	por @!p0 !p4, !p4;
	s16 =	simm.s32 @!p0 $0x1  }
0x1eb: {  	s8 =	sadd.s32 @!p0 s6, s11;
	s6 =	simm.s32 @!p0 $0x1;
	p3 =	por !p3, p0  }
0x1ec: {  	s8 =	sshrl.u32 @!p0 s8, $0x7;
	s16 =	simm.s32 @p3 $0x0  }
0x1ed: {  	s8 =	ssub.s32 @!p0 s8, s16  }
0x1ee: {  	s8 =	sshll.u32 @!p0 s8, $0x7;
	v13 =	vld.idx.msk [tilespmem:v12+s10+$0x0], $0xffff  }
.Ltmp27:
0x1ef: {  	p3 =	slt.s32 @!p0 s8, $0x30C400;
	(pc) =	sbr.rel @p2 .LBB2_47-.Ltmp27, $4  }
0x1f0: {  	p3 =	por !p3, p0  }
0x1f1: {  	s8 =	simm.s32 @p3 $0x30C400  }
0x1f2: {  	s16 =	sadd.s32 @!p0 s1, s8;
	s8 =	smov.u32 @p0 s4  }
0x1f3: {  	v12 =	vadd.s32 s11, v0;
	v14 =	vmov s8;
	[tilespmem:s12], [sflag:$0x1] =	stream.linear.gather @!p0 [hbm4b:s16+s14], $0x8000, $0x38;
	[tilespmem:$0x1E980] =	vst v63  }
0x1f4: {  	s11 =	smov.u32 s8  }
.LBB2_49:
0x1f5: {  	vm1 =	vlt.s32 v12, v9;
	v62 =	vsub.s32 v12, v14  }
0x1f6: {  	v9 =	vnsel vm1, $0x0, v62  }
0x1f7: {  	v63 =	vshll.u32 v9, $0x3  }
0x1f8: {  	v9 =	vand.u32 $0x7F, v9;
	v14 =	vand.u32 $0xFFFFFC00, v63  }
0x1f9: {  	v9 =	vor.u32 v9, v14;
	_ =	sdelay $0x1  }
0x1fa: {  	_ =	swait.ge @!p0 [sflag:s6], $0x8000  }
0x1fb: {  	[sflag:s6] =	ssyncset.done @!p0 $0x0  }
0x1fc: {  	[sflag:s6] =	ssyncadd.s32 @!p0 $0xFFFF8000  }
0x1fd: {  	v9 =	vld.idx.msk [tilespmem:v9+s10+$0x0], $0xffff;
	_ =	sdelay $0x1  }
0x1fe: {  	v13 =	vnsel @p1 vm0, $0xFF7FFFFF, v13  }
0x1ff: {  	vm0 =	vgt.f32 @p1 v13, v10  }
0x200: {  	v10 =	vsel @p1 vm0, v13, v10  }
0x201: {  	v8 =	vsel @p1 vm0, v8, v11;
	v6 =	vpsel p1, v10, v6;
	v9 =	vnsel vm1, $0xFF7FFFFF, v9  }
0x202: {  	v7 =	vpsel p1, v8, v7;
	vm15 =	vgt.f32 v9, v6  }
0x203: {  	v8 =	vsel vm15, v12, v7  }
0x204: {  	s6 =	smov.u32 s11;
	v7 =	vsel vm15, v9, v6;
	v6 =	vxor.u32 $0x80000000, v8  }
.LBB2_50:
0x205: {  	(xrf0) =	vmax.scan.msk.f32 $0xffff, v7;
	_ =	sdelay $0x5  }
0x206: {  	v8, _, _ =	vpop (xrf0)  }
0x207: {  	v8 =	vbroadcast v8, $0xF;
	_ =	sdelay $0x1  }
0x208: {  	vm0 =	veq.f32 v7, v8  }
0x209: {  	v6 =	vnsel vm0, $0x8030D400, v6  }
0x20a: {  	(xrf0) =	vmin.scan.msk.u32 $0xffff, v6;
	_ =	sdelay $0x5  }
0x20b: {  	v6, _, _ =	vpop (xrf0)  }
0x20c: {  	(v2sf) =	vpush v6, $0xF  }
0x20d: {  	(v2sf) =	vpush v4, $0x4  }
0x20e: {  	(v2sf) =	vpush v5, $0x4;
	_ =	sdelay $0xc  }
0x20f: {  	s22 =	spop (v2sf)  }
0x210: {  	s3 =	spop (v2sf)  }
0x211: {  	s0 =	spop (v2sf)  }
0x212: {  	p0 =	sge.s32 s3, s0  }
.Ltmp28:
0x213: {  	_ = 	snop;
	(pc) =	sbr.rel @p0 .LBB2_51-.Ltmp28, $2  }
0x214: {  	_ =	sdelay $0x2  }
0x215: {  	v7 =	vimm.f32 $-3.402823470e+38;
	v6 =	vimm.s32 $0x8030D400  }
0x216: {  	s12 =	sadd.s32 $0x10, s3;
	s4 =	sadd.s32 $0x1000, s6  }
0x217: {  	p1 =	sle.s32 s12, s4  }
0x218: {  	s4 =	sand.u32 @!p1 $0x7F, s3  }
0x219: {  	p0 =	slt.s32 @!p1 s3, $0x1;
	p2 =	sne.s32 @!p1 s4, $0x0  }
0x21a: {  	s4 =	sshra.s32 @!p1 s3, $0x1F;
	p2 =	por @!p1 !p0, !p2;
	p0 =	por p1, p1  }
0x21b: {  	s4 =	sshrl.u32 @!p0 s4, $0x19;
	p2 =	por @!p0 !p2, !p2  }
0x21c: {  	s8 =	simm.s32 @!p0 $0x1;
	s4 =	sadd.s32 @!p0 s4, s3;
	p2 =	por !p2, p0  }
0x21d: {  	s4 =	sshrl.u32 @!p0 s4, $0x7;
	s8 =	simm.s32 @p2 $0x0  }
0x21e: {  	s4 =	ssub.s32 @!p0 s4, s8  }
0x21f: {  	s11 =	sshll.u32 @!p0 s4, $0x7  }
0x220: {  	p2 =	slt.s32 @!p0 s11, $0x30C400  }
0x221: {  	p2 =	por !p2, p0  }
0x222: {  	s11 =	simm.s32 @p2 $0x30C400;
	p2 =	slt.s32 s12, s0  }
.Ltmp29:
0x223: {  	_ = 	snop;
	(pc) =	sbr.rel @!p2 .LBB2_53-.Ltmp29, $4  }
0x224: {  	_ = 	snop  }
0x225: {  	s8 =	simm.s32 @!p1 $0x0;
	s4 =	simm.s32 @!p1 $0xC80;
	p1 =	por $0x0, $0x0  }
0x226: {  	v11 =	vbroadcast v5, $0x4;
	v8 =	vimm.f32 $-3.402823470e+38;
	s14 =	sadd.s32 @!p0 s1, s11;
	s11 =	smov.u32 @p0 s6;
	s6 =	simm.s32 @!p0 $0x1  }
0x227: {  	v9 =	vimm.s32 $0x30D400;
	v10 =	vadd.s32 s3, v0;
	[tilespmem:s4], [sflag:$0x1] =	stream.linear.gather @!p0 [hbm4b:s14+s8], $0x8000, $0x38;
	v16 =	vmov s11;
	[tilespmem:$0x1E980] =	vst v63  }
0x228: {  	s3 =	sadd.s32 $0x10, s12;
	s4 =	sadd.s32 $0x1000, s11  }
0x229: {  	_ =	swait.ge @!p0 [sflag:s6], $0x8000;
	p1 =	sle.s32 s3, s4  }
0x22a: {  	[sflag:s6] =	ssyncset.done @!p0 $0x0;
	s4 =	sand.u32 @!p1 $0x7F, s12  }
0x22b: {  	[sflag:s6] =	ssyncadd.s32 @!p0 $0xFFFF8000;
	p0 =	slt.s32 @!p1 s12, $0x1;
	p2 =	sne.s32 @!p1 s4, $0x0  }
0x22c: {  	s4 =	sshra.s32 @!p1 s12, $0x1F;
	p2 =	por @!p1 !p0, !p2;
	p0 =	por p1, p1  }
0x22d: {  	vm0 =	vlt.s32 v10, v11;
	v12 =	vsub.s32 v10, v16;
	s4 =	sshrl.u32 @!p0 s4, $0x19;
	p2 =	por @!p0 !p2, !p2  }
0x22e: {  	v12 =	vnsel vm0, $0x0, v12;
	s6 =	simm.s32 @!p0 $0x1;
	s4 =	sadd.s32 @!p0 s4, s12;
	p2 =	por !p2, p0  }
0x22f: {  	v13 =	vshll.u32 v12, $0x3;
	s4 =	sshrl.u32 @!p0 s4, $0x7;
	s6 =	simm.s32 @p2 $0x0  }
0x230: {  	v12 =	vand.u32 $0x7F, v12;
	v13 =	vand.u32 $0xFFFFFC00, v13;
	s4 =	ssub.s32 @!p0 s4, s6  }
0x231: {  	v12 =	vor.u32 v12, v13;
	s8 =	sshll.u32 @!p0 s4, $0x7  }
0x232: {  	p2 =	slt.s32 @!p0 s8, $0x30C400  }
0x233: {  	p2 =	por !p2, p0  }
0x234: {  	s8 =	simm.s32 @p2 $0x30C400;
	p2 =	slt.s32 s3, s0  }
.Ltmp30:
0x235: {  	_ = 	snop;
	(pc) =	sbr.rel @!p2 .LBB2_55-.Ltmp30, $4  }
0x236: {  	s6 =	simm.s32 @!p1 $0x0;
	v15 =	vld.idx.msk [tilespmem:v12+s10+$0x0], $0xffff  }
0x237: {  	s4 =	simm.s32 @!p1 $0xC80;
	s14 =	sadd.s32 @!p0 s1, s8;
	s8 =	smov.u32 @p0 s11  }
0x238: {  	v14 =	vadd.s32 s12, v0;
	[tilespmem:s4], [sflag:$0x1] =	stream.linear.gather @!p0 [hbm4b:s14+s6], $0x8000, $0x38;
	[tilespmem:$0x1E980] =	vst v63  }
0x239: {  	v13 =	vimm.s32 $0x30D400;
	p1 =	por $0x1, $0x1;
	v12 =	vimm.f32 $-3.402823470e+38;
	s6 =	simm.s32 @!p0 $0x1;
	v16 =	vmov s8  }
.LBB2_56:
0x23a: {  	s4 =	smov.u32 s8;
	s8 =	sadd.s32 $0x1000, s8  }
0x23b: {  	v16 =	vsub.s32 v14, v16;
	v15 =	vnsel vm0, $0xFF7FFFFF, v15;
	vm0 =	vlt.s32 v14, v11;
	s11 =	smov.u32 s3;
	s3 =	sadd.s32 $0x10, s3;
	_ =	swait.ge @!p0 [sflag:s6], $0x8000  }
0x23c: {  	p3 =	sle.s32 s3, s8;
	p2 =	slt.s32 s3, s0;
	v16 =	vnsel vm0, $0x0, v16;
	vm1 =	vgt.f32 v15, v12;
	[sflag:s6] =	ssyncset.done @!p0 $0x0  }
0x23d: {  	s8 =	sand.u32 @!p3 $0x7F, s11;
	s12 =	simm.s32 @!p3 $0xC80;
	v17 =	vand.u32 $0x7F, v16;
	v16 =	vshll.u32 v16, $0x3;
	v12 =	vsel vm1, v15, v12;
	[sflag:s6] =	ssyncadd.s32 @!p0 $0xFFFF8000  }
0x23e: {  	s14 =	simm.s32 @!p3 $0x0;
	v13 =	vsel vm1, v10, v13;
	v10 =	vmov v14;
	p0 =	slt.s32 @!p3 s11, $0x1;
	p4 =	sne.s32 @!p3 s8, $0x0;
	v15 =	vand.u32 $0xFFFFFC00, v16  }
0x23f: {  	s6 =	sshra.s32 @!p3 s11, $0x1F;
	p4 =	por @!p3 !p0, !p4;
	v14 =	vor.u32 v17, v15;
	p0 =	por p3, p3  }
0x240: {  	s6 =	sshrl.u32 @!p0 s6, $0x19;
	p3 =	por @!p0 !p4, !p4;
	s16 =	simm.s32 @!p0 $0x1  }
0x241: {  	s8 =	sadd.s32 @!p0 s6, s11;
	s6 =	simm.s32 @!p0 $0x1;
	p3 =	por !p3, p0  }
0x242: {  	s8 =	sshrl.u32 @!p0 s8, $0x7;
	s16 =	simm.s32 @p3 $0x0  }
0x243: {  	s8 =	ssub.s32 @!p0 s8, s16  }
0x244: {  	s8 =	sshll.u32 @!p0 s8, $0x7;
	v15 =	vld.idx.msk [tilespmem:v14+s10+$0x0], $0xffff  }
.Ltmp31:
0x245: {  	p3 =	slt.s32 @!p0 s8, $0x30C400;
	(pc) =	sbr.rel @p2 .LBB2_56-.Ltmp31, $4  }
0x246: {  	p3 =	por !p3, p0  }
0x247: {  	s8 =	simm.s32 @p3 $0x30C400  }
0x248: {  	s16 =	sadd.s32 @!p0 s1, s8;
	s8 =	smov.u32 @p0 s4  }
0x249: {  	v14 =	vadd.s32 s11, v0;
	v16 =	vmov s8;
	[tilespmem:s12], [sflag:$0x1] =	stream.linear.gather @!p0 [hbm4b:s16+s14], $0x8000, $0x38;
	[tilespmem:$0x1E980] =	vst v63  }
0x24a: {  	s11 =	smov.u32 s8  }
.LBB2_58:
0x24b: {  	vm1 =	vlt.s32 v14, v11;
	v11 =	vsub.s32 v14, v16  }
0x24c: {  	v11 =	vnsel vm1, $0x0, v11  }
0x24d: {  	v63 =	vshll.u32 v11, $0x3  }
0x24e: {  	v11 =	vand.u32 $0x7F, v11;
	v16 =	vand.u32 $0xFFFFFC00, v63  }
0x24f: {  	v11 =	vor.u32 v11, v16;
	_ =	sdelay $0x1  }
0x250: {  	_ =	swait.ge @!p0 [sflag:s6], $0x8000  }
0x251: {  	[sflag:s6] =	ssyncset.done @!p0 $0x0  }
0x252: {  	[sflag:s6] =	ssyncadd.s32 @!p0 $0xFFFF8000  }
0x253: {  	v11 =	vld.idx.msk [tilespmem:v11+s10+$0x0], $0xffff;
	_ =	sdelay $0x1  }
0x254: {  	v15 =	vnsel @p1 vm0, $0xFF7FFFFF, v15  }
0x255: {  	vm0 =	vgt.f32 @p1 v15, v12  }
.Ltmp32:
0x256: {  	v12 =	vsel @p1 vm0, v15, v12;
	(pc) =	sbr.rel .LBB2_59-.Ltmp32, $4  }
0x257: {  	v10 =	vsel @p1 vm0, v10, v13;
	v8 =	vpsel p1, v12, v8;
	v11 =	vnsel vm1, $0xFF7FFFFF, v11  }
0x258: {  	v9 =	vpsel p1, v10, v9;
	vm15 =	vgt.f32 v11, v8  }
0x259: {  	v9 =	vsel vm15, v14, v9  }
0x25a: {  	s6 =	smov.u32 s11;
	v8 =	vsel vm15, v11, v8;
	v9 =	vxor.u32 $0x80000000, v9  }
.LBB2_51:
0x25b: {  	v8 =	vimm.f32 $-3.402823470e+38;
	v9 =	vimm.s32 $0x8030D400  }
.LBB2_59:
0x25c: {  	(xrf0) =	vmax.scan.msk.f32 $0xffff, v8;
	_ =	sdelay $0x5  }
0x25d: {  	v10, _, _ =	vpop (xrf0)  }
0x25e: {  	v10 =	vbroadcast v10, $0xF;
	_ =	sdelay $0x1  }
0x25f: {  	vm0 =	veq.f32 v8, v10  }
0x260: {  	v8 =	vnsel vm0, $0x8030D400, v9  }
0x261: {  	(xrf0) =	vmin.scan.msk.u32 $0xffff, v8;
	_ =	sdelay $0x5  }
0x262: {  	v8, _, _ =	vpop (xrf0)  }
0x263: {  	(v2sf) =	vpush v8, $0xF  }
0x264: {  	(v2sf) =	vpush v4, $0x5  }
0x265: {  	(v2sf) =	vpush v5, $0x5;
	_ =	sdelay $0xc  }
0x266: {  	s23 =	spop (v2sf)  }
0x267: {  	s3 =	spop (v2sf)  }
0x268: {  	s0 =	spop (v2sf)  }
0x269: {  	p0 =	sge.s32 s3, s0  }
.Ltmp33:
0x26a: {  	_ = 	snop;
	(pc) =	sbr.rel @p0 .LBB2_67-.Ltmp33, $1  }
0x26b: {  	_ =	sdelay $0x3  }
0x26c: {  	s12 =	sadd.s32 $0x10, s3;
	s4 =	sadd.s32 $0x1000, s6  }
0x26d: {  	p1 =	sle.s32 s12, s4  }
0x26e: {  	s4 =	sand.u32 @!p1 $0x7F, s3  }
0x26f: {  	p0 =	slt.s32 @!p1 s3, $0x1;
	p2 =	sne.s32 @!p1 s4, $0x0  }
0x270: {  	s4 =	sshra.s32 @!p1 s3, $0x1F;
	p2 =	por @!p1 !p0, !p2;
	p0 =	por p1, p1  }
0x271: {  	s4 =	sshrl.u32 @!p0 s4, $0x19;
	p2 =	por @!p0 !p2, !p2  }
0x272: {  	s8 =	simm.s32 @!p0 $0x1;
	s4 =	sadd.s32 @!p0 s4, s3;
	p2 =	por !p2, p0  }
0x273: {  	s4 =	sshrl.u32 @!p0 s4, $0x7;
	s8 =	simm.s32 @p2 $0x0  }
0x274: {  	s4 =	ssub.s32 @!p0 s4, s8  }
0x275: {  	s11 =	sshll.u32 @!p0 s4, $0x7  }
0x276: {  	p2 =	slt.s32 @!p0 s11, $0x30C400  }
0x277: {  	p2 =	por !p2, p0  }
0x278: {  	s11 =	simm.s32 @p2 $0x30C400;
	p2 =	slt.s32 s12, s0  }
.Ltmp34:
0x279: {  	_ = 	snop;
	(pc) =	sbr.rel @!p2 .LBB2_61-.Ltmp34, $4  }
0x27a: {  	_ = 	snop  }
0x27b: {  	s8 =	simm.s32 @!p1 $0x0;
	s4 =	simm.s32 @!p1 $0xC80;
	p1 =	por $0x0, $0x0  }
0x27c: {  	v9 =	vbroadcast v5, $0x5;
	v6 =	vimm.f32 $-3.402823470e+38;
	s14 =	sadd.s32 @!p0 s1, s11;
	s11 =	smov.u32 @p0 s6;
	s6 =	simm.s32 @!p0 $0x1  }
0x27d: {  	v7 =	vimm.s32 $0x30D400;
	v8 =	vadd.s32 s3, v0;
	[tilespmem:s4], [sflag:$0x1] =	stream.linear.gather @!p0 [hbm4b:s14+s8], $0x8000, $0x38;
	v14 =	vmov s11;
	[tilespmem:$0x1E980] =	vst v63  }
0x27e: {  	s3 =	sadd.s32 $0x10, s12;
	s4 =	sadd.s32 $0x1000, s11  }
0x27f: {  	_ =	swait.ge @!p0 [sflag:s6], $0x8000;
	p1 =	sle.s32 s3, s4  }
0x280: {  	[sflag:s6] =	ssyncset.done @!p0 $0x0;
	s4 =	sand.u32 @!p1 $0x7F, s12  }
0x281: {  	[sflag:s6] =	ssyncadd.s32 @!p0 $0xFFFF8000;
	p0 =	slt.s32 @!p1 s12, $0x1;
	p2 =	sne.s32 @!p1 s4, $0x0  }
0x282: {  	s4 =	sshra.s32 @!p1 s12, $0x1F;
	p2 =	por @!p1 !p0, !p2;
	p0 =	por p1, p1  }
0x283: {  	vm0 =	vlt.s32 v8, v9;
	v10 =	vsub.s32 v8, v14;
	s4 =	sshrl.u32 @!p0 s4, $0x19;
	p2 =	por @!p0 !p2, !p2  }
0x284: {  	v10 =	vnsel vm0, $0x0, v10;
	s6 =	simm.s32 @!p0 $0x1;
	s4 =	sadd.s32 @!p0 s4, s12;
	p2 =	por !p2, p0  }
0x285: {  	v11 =	vshll.u32 v10, $0x3;
	s4 =	sshrl.u32 @!p0 s4, $0x7;
	s6 =	simm.s32 @p2 $0x0  }
0x286: {  	v10 =	vand.u32 $0x7F, v10;
	v11 =	vand.u32 $0xFFFFFC00, v11;
	s4 =	ssub.s32 @!p0 s4, s6  }
0x287: {  	v10 =	vor.u32 v10, v11;
	s8 =	sshll.u32 @!p0 s4, $0x7  }
0x288: {  	p2 =	slt.s32 @!p0 s8, $0x30C400  }
0x289: {  	p2 =	por !p2, p0  }
0x28a: {  	s8 =	simm.s32 @p2 $0x30C400;
	p2 =	slt.s32 s3, s0  }
.Ltmp35:
0x28b: {  	_ = 	snop;
	(pc) =	sbr.rel @!p2 .LBB2_63-.Ltmp35, $4  }
0x28c: {  	s6 =	simm.s32 @!p1 $0x0;
	v13 =	vld.idx.msk [tilespmem:v10+s10+$0x0], $0xffff  }
0x28d: {  	s4 =	simm.s32 @!p1 $0xC80;
	s14 =	sadd.s32 @!p0 s1, s8;
	s8 =	smov.u32 @p0 s11  }
0x28e: {  	v12 =	vadd.s32 s12, v0;
	[tilespmem:s4], [sflag:$0x1] =	stream.linear.gather @!p0 [hbm4b:s14+s6], $0x8000, $0x38;
	[tilespmem:$0x1E980] =	vst v63  }
0x28f: {  	v11 =	vimm.s32 $0x30D400;
	p1 =	por $0x1, $0x1;
	v10 =	vimm.f32 $-3.402823470e+38;
	s6 =	simm.s32 @!p0 $0x1;
	v14 =	vmov s8  }
.LBB2_64:
0x290: {  	s4 =	smov.u32 s8;
	s8 =	sadd.s32 $0x1000, s8  }
0x291: {  	v14 =	vsub.s32 v12, v14;
	v13 =	vnsel vm0, $0xFF7FFFFF, v13;
	vm0 =	vlt.s32 v12, v9;
	s11 =	smov.u32 s3;
	s3 =	sadd.s32 $0x10, s3;
	_ =	swait.ge @!p0 [sflag:s6], $0x8000  }
0x292: {  	p3 =	sle.s32 s3, s8;
	p2 =	slt.s32 s3, s0;
	v14 =	vnsel vm0, $0x0, v14;
	vm1 =	vgt.f32 v13, v10;
	[sflag:s6] =	ssyncset.done @!p0 $0x0  }
0x293: {  	s8 =	sand.u32 @!p3 $0x7F, s11;
	s12 =	simm.s32 @!p3 $0xC80;
	v15 =	vand.u32 $0x7F, v14;
	v14 =	vshll.u32 v14, $0x3;
	v10 =	vsel vm1, v13, v10;
	[sflag:s6] =	ssyncadd.s32 @!p0 $0xFFFF8000  }
0x294: {  	s14 =	simm.s32 @!p3 $0x0;
	v11 =	vsel vm1, v8, v11;
	v8 =	vmov v12;
	p0 =	slt.s32 @!p3 s11, $0x1;
	p4 =	sne.s32 @!p3 s8, $0x0;
	v13 =	vand.u32 $0xFFFFFC00, v14  }
0x295: {  	s6 =	sshra.s32 @!p3 s11, $0x1F;
	p4 =	por @!p3 !p0, !p4;
	v12 =	vor.u32 v15, v13;
	p0 =	por p3, p3  }
0x296: {  	s6 =	sshrl.u32 @!p0 s6, $0x19;
	p3 =	por @!p0 !p4, !p4;
	s16 =	simm.s32 @!p0 $0x1  }
0x297: {  	s8 =	sadd.s32 @!p0 s6, s11;
	s6 =	simm.s32 @!p0 $0x1;
	p3 =	por !p3, p0  }
0x298: {  	s8 =	sshrl.u32 @!p0 s8, $0x7;
	s16 =	simm.s32 @p3 $0x0  }
0x299: {  	s8 =	ssub.s32 @!p0 s8, s16  }
0x29a: {  	s8 =	sshll.u32 @!p0 s8, $0x7;
	v13 =	vld.idx.msk [tilespmem:v12+s10+$0x0], $0xffff  }
.Ltmp36:
0x29b: {  	p3 =	slt.s32 @!p0 s8, $0x30C400;
	(pc) =	sbr.rel @p2 .LBB2_64-.Ltmp36, $4  }
0x29c: {  	p3 =	por !p3, p0  }
0x29d: {  	s8 =	simm.s32 @p3 $0x30C400  }
0x29e: {  	s16 =	sadd.s32 @!p0 s1, s8;
	s8 =	smov.u32 @p0 s4  }
0x29f: {  	v12 =	vadd.s32 s11, v0;
	v14 =	vmov s8;
	[tilespmem:s12], [sflag:$0x1] =	stream.linear.gather @!p0 [hbm4b:s16+s14], $0x8000, $0x38;
	[tilespmem:$0x1E980] =	vst v63  }
0x2a0: {  	s11 =	smov.u32 s8  }
.LBB2_66:
0x2a1: {  	vm1 =	vlt.s32 v12, v9;
	v62 =	vsub.s32 v12, v14  }
0x2a2: {  	v9 =	vnsel vm1, $0x0, v62  }
0x2a3: {  	v63 =	vshll.u32 v9, $0x3  }
0x2a4: {  	v9 =	vand.u32 $0x7F, v9;
	v14 =	vand.u32 $0xFFFFFC00, v63  }
0x2a5: {  	v9 =	vor.u32 v9, v14;
	_ =	sdelay $0x1  }
0x2a6: {  	_ =	swait.ge @!p0 [sflag:s6], $0x8000  }
0x2a7: {  	[sflag:s6] =	ssyncset.done @!p0 $0x0  }
0x2a8: {  	[sflag:s6] =	ssyncadd.s32 @!p0 $0xFFFF8000  }
0x2a9: {  	v9 =	vld.idx.msk [tilespmem:v9+s10+$0x0], $0xffff;
	_ =	sdelay $0x1  }
0x2aa: {  	v13 =	vnsel @p1 vm0, $0xFF7FFFFF, v13  }
0x2ab: {  	vm0 =	vgt.f32 @p1 v13, v10  }
0x2ac: {  	v10 =	vsel @p1 vm0, v13, v10  }
0x2ad: {  	v8 =	vsel @p1 vm0, v8, v11;
	v6 =	vpsel p1, v10, v6;
	v9 =	vnsel vm1, $0xFF7FFFFF, v9  }
0x2ae: {  	v7 =	vpsel p1, v8, v7;
	vm15 =	vgt.f32 v9, v6  }
0x2af: {  	v8 =	vsel vm15, v12, v7  }
0x2b0: {  	s6 =	smov.u32 s11;
	v7 =	vsel vm15, v9, v6;
	v6 =	vxor.u32 $0x80000000, v8  }
.LBB2_67:
0x2b1: {  	(xrf0) =	vmax.scan.msk.f32 $0xffff, v7;
	_ =	sdelay $0x5  }
0x2b2: {  	v8, _, _ =	vpop (xrf0)  }
0x2b3: {  	v8 =	vbroadcast v8, $0xF;
	_ =	sdelay $0x1  }
0x2b4: {  	vm0 =	veq.f32 v7, v8  }
0x2b5: {  	v6 =	vnsel vm0, $0x8030D400, v6  }
0x2b6: {  	(xrf0) =	vmin.scan.msk.u32 $0xffff, v6;
	_ =	sdelay $0x5  }
0x2b7: {  	v6, _, _ =	vpop (xrf0)  }
0x2b8: {  	(v2sf) =	vpush v6, $0xF  }
0x2b9: {  	(v2sf) =	vpush v4, $0x6  }
0x2ba: {  	(v2sf) =	vpush v5, $0x6;
	_ =	sdelay $0xc  }
0x2bb: {  	s24 =	spop (v2sf)  }
0x2bc: {  	s3 =	spop (v2sf)  }
0x2bd: {  	s0 =	spop (v2sf)  }
0x2be: {  	p0 =	sge.s32 s3, s0  }
.Ltmp37:
0x2bf: {  	_ = 	snop;
	(pc) =	sbr.rel @p0 .LBB2_68-.Ltmp37, $2  }
0x2c0: {  	_ =	sdelay $0x2  }
0x2c1: {  	v7 =	vimm.f32 $-3.402823470e+38;
	v6 =	vimm.s32 $0x8030D400  }
0x2c2: {  	s12 =	sadd.s32 $0x10, s3;
	s4 =	sadd.s32 $0x1000, s6  }
0x2c3: {  	p1 =	sle.s32 s12, s4  }
0x2c4: {  	s4 =	sand.u32 @!p1 $0x7F, s3  }
0x2c5: {  	p0 =	slt.s32 @!p1 s3, $0x1;
	p2 =	sne.s32 @!p1 s4, $0x0  }
0x2c6: {  	s4 =	sshra.s32 @!p1 s3, $0x1F;
	p2 =	por @!p1 !p0, !p2;
	p0 =	por p1, p1  }
0x2c7: {  	s4 =	sshrl.u32 @!p0 s4, $0x19;
	p2 =	por @!p0 !p2, !p2  }
0x2c8: {  	s8 =	simm.s32 @!p0 $0x1;
	s4 =	sadd.s32 @!p0 s4, s3;
	p2 =	por !p2, p0  }
0x2c9: {  	s4 =	sshrl.u32 @!p0 s4, $0x7;
	s8 =	simm.s32 @p2 $0x0  }
0x2ca: {  	s4 =	ssub.s32 @!p0 s4, s8  }
0x2cb: {  	s11 =	sshll.u32 @!p0 s4, $0x7  }
0x2cc: {  	p2 =	slt.s32 @!p0 s11, $0x30C400  }
0x2cd: {  	p2 =	por !p2, p0  }
0x2ce: {  	s11 =	simm.s32 @p2 $0x30C400;
	p2 =	slt.s32 s12, s0  }
.Ltmp38:
0x2cf: {  	_ = 	snop;
	(pc) =	sbr.rel @!p2 .LBB2_70-.Ltmp38, $4  }
0x2d0: {  	_ = 	snop  }
0x2d1: {  	s8 =	simm.s32 @!p1 $0x0;
	s4 =	simm.s32 @!p1 $0xC80;
	p1 =	por $0x0, $0x0  }
0x2d2: {  	v11 =	vbroadcast v5, $0x6;
	v8 =	vimm.f32 $-3.402823470e+38;
	s14 =	sadd.s32 @!p0 s1, s11;
	s11 =	smov.u32 @p0 s6;
	s6 =	simm.s32 @!p0 $0x1  }
0x2d3: {  	v9 =	vimm.s32 $0x30D400;
	v10 =	vadd.s32 s3, v0;
	[tilespmem:s4], [sflag:$0x1] =	stream.linear.gather @!p0 [hbm4b:s14+s8], $0x8000, $0x38;
	v16 =	vmov s11;
	[tilespmem:$0x1E980] =	vst v63  }
0x2d4: {  	s3 =	sadd.s32 $0x10, s12;
	s4 =	sadd.s32 $0x1000, s11  }
0x2d5: {  	_ =	swait.ge @!p0 [sflag:s6], $0x8000;
	p1 =	sle.s32 s3, s4  }
0x2d6: {  	[sflag:s6] =	ssyncset.done @!p0 $0x0;
	s4 =	sand.u32 @!p1 $0x7F, s12  }
0x2d7: {  	[sflag:s6] =	ssyncadd.s32 @!p0 $0xFFFF8000;
	p0 =	slt.s32 @!p1 s12, $0x1;
	p2 =	sne.s32 @!p1 s4, $0x0  }
0x2d8: {  	s4 =	sshra.s32 @!p1 s12, $0x1F;
	p2 =	por @!p1 !p0, !p2;
	p0 =	por p1, p1  }
0x2d9: {  	vm0 =	vlt.s32 v10, v11;
	v12 =	vsub.s32 v10, v16;
	s4 =	sshrl.u32 @!p0 s4, $0x19;
	p2 =	por @!p0 !p2, !p2  }
0x2da: {  	v12 =	vnsel vm0, $0x0, v12;
	s6 =	simm.s32 @!p0 $0x1;
	s4 =	sadd.s32 @!p0 s4, s12;
	p2 =	por !p2, p0  }
0x2db: {  	v13 =	vshll.u32 v12, $0x3;
	s4 =	sshrl.u32 @!p0 s4, $0x7;
	s6 =	simm.s32 @p2 $0x0  }
0x2dc: {  	v12 =	vand.u32 $0x7F, v12;
	v13 =	vand.u32 $0xFFFFFC00, v13;
	s4 =	ssub.s32 @!p0 s4, s6  }
0x2dd: {  	v12 =	vor.u32 v12, v13;
	s8 =	sshll.u32 @!p0 s4, $0x7  }
0x2de: {  	p2 =	slt.s32 @!p0 s8, $0x30C400  }
0x2df: {  	p2 =	por !p2, p0  }
0x2e0: {  	s8 =	simm.s32 @p2 $0x30C400;
	p2 =	slt.s32 s3, s0  }
.Ltmp39:
0x2e1: {  	_ = 	snop;
	(pc) =	sbr.rel @!p2 .LBB2_72-.Ltmp39, $4  }
0x2e2: {  	s6 =	simm.s32 @!p1 $0x0;
	v15 =	vld.idx.msk [tilespmem:v12+s10+$0x0], $0xffff  }
0x2e3: {  	s4 =	simm.s32 @!p1 $0xC80;
	s14 =	sadd.s32 @!p0 s1, s8;
	s8 =	smov.u32 @p0 s11  }
0x2e4: {  	v14 =	vadd.s32 s12, v0;
	[tilespmem:s4], [sflag:$0x1] =	stream.linear.gather @!p0 [hbm4b:s14+s6], $0x8000, $0x38;
	[tilespmem:$0x1E980] =	vst v63  }
0x2e5: {  	v13 =	vimm.s32 $0x30D400;
	p1 =	por $0x1, $0x1;
	v12 =	vimm.f32 $-3.402823470e+38;
	s6 =	simm.s32 @!p0 $0x1;
	v16 =	vmov s8  }
.LBB2_73:
0x2e6: {  	s4 =	smov.u32 s8;
	s8 =	sadd.s32 $0x1000, s8  }
0x2e7: {  	v16 =	vsub.s32 v14, v16;
	v15 =	vnsel vm0, $0xFF7FFFFF, v15;
	vm0 =	vlt.s32 v14, v11;
	s11 =	smov.u32 s3;
	s3 =	sadd.s32 $0x10, s3;
	_ =	swait.ge @!p0 [sflag:s6], $0x8000  }
0x2e8: {  	p3 =	sle.s32 s3, s8;
	p2 =	slt.s32 s3, s0;
	v16 =	vnsel vm0, $0x0, v16;
	vm1 =	vgt.f32 v15, v12;
	[sflag:s6] =	ssyncset.done @!p0 $0x0  }
0x2e9: {  	s8 =	sand.u32 @!p3 $0x7F, s11;
	s12 =	simm.s32 @!p3 $0xC80;
	v17 =	vand.u32 $0x7F, v16;
	v16 =	vshll.u32 v16, $0x3;
	v12 =	vsel vm1, v15, v12;
	[sflag:s6] =	ssyncadd.s32 @!p0 $0xFFFF8000  }
0x2ea: {  	s14 =	simm.s32 @!p3 $0x0;
	v13 =	vsel vm1, v10, v13;
	v10 =	vmov v14;
	p0 =	slt.s32 @!p3 s11, $0x1;
	p4 =	sne.s32 @!p3 s8, $0x0;
	v15 =	vand.u32 $0xFFFFFC00, v16  }
0x2eb: {  	s6 =	sshra.s32 @!p3 s11, $0x1F;
	p4 =	por @!p3 !p0, !p4;
	v14 =	vor.u32 v17, v15;
	p0 =	por p3, p3  }
0x2ec: {  	s6 =	sshrl.u32 @!p0 s6, $0x19;
	p3 =	por @!p0 !p4, !p4;
	s16 =	simm.s32 @!p0 $0x1  }
0x2ed: {  	s8 =	sadd.s32 @!p0 s6, s11;
	s6 =	simm.s32 @!p0 $0x1;
	p3 =	por !p3, p0  }
0x2ee: {  	s8 =	sshrl.u32 @!p0 s8, $0x7;
	s16 =	simm.s32 @p3 $0x0  }
0x2ef: {  	s8 =	ssub.s32 @!p0 s8, s16  }
0x2f0: {  	s8 =	sshll.u32 @!p0 s8, $0x7;
	v15 =	vld.idx.msk [tilespmem:v14+s10+$0x0], $0xffff  }
.Ltmp40:
0x2f1: {  	p3 =	slt.s32 @!p0 s8, $0x30C400;
	(pc) =	sbr.rel @p2 .LBB2_73-.Ltmp40, $4  }
0x2f2: {  	p3 =	por !p3, p0  }
0x2f3: {  	s8 =	simm.s32 @p3 $0x30C400  }
0x2f4: {  	s16 =	sadd.s32 @!p0 s1, s8;
	s8 =	smov.u32 @p0 s4  }
0x2f5: {  	v14 =	vadd.s32 s11, v0;
	v16 =	vmov s8;
	[tilespmem:s12], [sflag:$0x1] =	stream.linear.gather @!p0 [hbm4b:s16+s14], $0x8000, $0x38;
	[tilespmem:$0x1E980] =	vst v63  }
0x2f6: {  	s11 =	smov.u32 s8  }
.LBB2_75:
0x2f7: {  	vm1 =	vlt.s32 v14, v11;
	v11 =	vsub.s32 v14, v16  }
0x2f8: {  	v11 =	vnsel vm1, $0x0, v11  }
0x2f9: {  	v63 =	vshll.u32 v11, $0x3  }
0x2fa: {  	v11 =	vand.u32 $0x7F, v11;
	v16 =	vand.u32 $0xFFFFFC00, v63  }
0x2fb: {  	v11 =	vor.u32 v11, v16;
	_ =	sdelay $0x1  }
0x2fc: {  	_ =	swait.ge @!p0 [sflag:s6], $0x8000  }
0x2fd: {  	[sflag:s6] =	ssyncset.done @!p0 $0x0  }
0x2fe: {  	[sflag:s6] =	ssyncadd.s32 @!p0 $0xFFFF8000  }
0x2ff: {  	v11 =	vld.idx.msk [tilespmem:v11+s10+$0x0], $0xffff;
	_ =	sdelay $0x1  }
0x300: {  	v15 =	vnsel @p1 vm0, $0xFF7FFFFF, v15  }
0x301: {  	vm0 =	vgt.f32 @p1 v15, v12  }
.Ltmp41:
0x302: {  	v12 =	vsel @p1 vm0, v15, v12;
	(pc) =	sbr.rel .LBB2_76-.Ltmp41, $4  }
0x303: {  	v10 =	vsel @p1 vm0, v10, v13;
	v8 =	vpsel p1, v12, v8;
	v11 =	vnsel vm1, $0xFF7FFFFF, v11  }
0x304: {  	v9 =	vpsel p1, v10, v9;
	vm15 =	vgt.f32 v11, v8  }
0x305: {  	v9 =	vsel vm15, v14, v9  }
0x306: {  	s6 =	smov.u32 s11;
	v8 =	vsel vm15, v11, v8;
	v9 =	vxor.u32 $0x80000000, v9  }
.LBB2_68:
0x307: {  	v8 =	vimm.f32 $-3.402823470e+38;
	v9 =	vimm.s32 $0x8030D400  }
.LBB2_76:
0x308: {  	(xrf0) =	vmax.scan.msk.f32 $0xffff, v8;
	_ =	sdelay $0x5  }
0x309: {  	v10, _, _ =	vpop (xrf0)  }
0x30a: {  	v10 =	vbroadcast v10, $0xF;
	_ =	sdelay $0x1  }
0x30b: {  	vm0 =	veq.f32 v8, v10  }
0x30c: {  	v8 =	vnsel vm0, $0x8030D400, v9  }
0x30d: {  	(xrf0) =	vmin.scan.msk.u32 $0xffff, v8;
	_ =	sdelay $0x5  }
0x30e: {  	v8, _, _ =	vpop (xrf0)  }
0x30f: {  	(v2sf) =	vpush v8, $0xF  }
0x310: {  	(v2sf) =	vpush v4, $0x7  }
0x311: {  	(v2sf) =	vpush v5, $0x7;
	_ =	sdelay $0xc  }
0x312: {  	s25 =	spop (v2sf)  }
0x313: {  	s3 =	spop (v2sf)  }
0x314: {  	s0 =	spop (v2sf)  }
0x315: {  	p0 =	sge.s32 s3, s0  }
.Ltmp42:
0x316: {  	_ = 	snop;
	(pc) =	sbr.rel @p0 .LBB2_84-.Ltmp42, $1  }
0x317: {  	_ =	sdelay $0x3  }
0x318: {  	s12 =	sadd.s32 $0x10, s3;
	s4 =	sadd.s32 $0x1000, s6  }
0x319: {  	p1 =	sle.s32 s12, s4  }
0x31a: {  	s4 =	sand.u32 @!p1 $0x7F, s3  }
0x31b: {  	p0 =	slt.s32 @!p1 s3, $0x1;
	p2 =	sne.s32 @!p1 s4, $0x0  }
0x31c: {  	s4 =	sshra.s32 @!p1 s3, $0x1F;
	p2 =	por @!p1 !p0, !p2;
	p0 =	por p1, p1  }
0x31d: {  	s4 =	sshrl.u32 @!p0 s4, $0x19;
	p2 =	por @!p0 !p2, !p2  }
0x31e: {  	s8 =	simm.s32 @!p0 $0x1;
	s4 =	sadd.s32 @!p0 s4, s3;
	p2 =	por !p2, p0  }
0x31f: {  	s4 =	sshrl.u32 @!p0 s4, $0x7;
	s8 =	simm.s32 @p2 $0x0  }
0x320: {  	s4 =	ssub.s32 @!p0 s4, s8  }
0x321: {  	s11 =	sshll.u32 @!p0 s4, $0x7  }
0x322: {  	p2 =	slt.s32 @!p0 s11, $0x30C400  }
0x323: {  	p2 =	por !p2, p0  }
0x324: {  	s11 =	simm.s32 @p2 $0x30C400;
	p2 =	slt.s32 s12, s0  }
.Ltmp43:
0x325: {  	_ = 	snop;
	(pc) =	sbr.rel @!p2 .LBB2_78-.Ltmp43, $4  }
0x326: {  	_ = 	snop  }
0x327: {  	s8 =	simm.s32 @!p1 $0x0;
	s4 =	simm.s32 @!p1 $0xC80;
	p1 =	por $0x0, $0x0  }
0x328: {  	v9 =	vbroadcast v5, $0x7;
	v6 =	vimm.f32 $-3.402823470e+38;
	s14 =	sadd.s32 @!p0 s1, s11;
	s11 =	smov.u32 @p0 s6;
	s6 =	simm.s32 @!p0 $0x1  }
0x329: {  	v7 =	vimm.s32 $0x30D400;
	v8 =	vadd.s32 s3, v0;
	[tilespmem:s4], [sflag:$0x1] =	stream.linear.gather @!p0 [hbm4b:s14+s8], $0x8000, $0x38;
	v14 =	vmov s11;
	[tilespmem:$0x1E980] =	vst v63  }
0x32a: {  	s3 =	sadd.s32 $0x10, s12;
	s4 =	sadd.s32 $0x1000, s11  }
0x32b: {  	_ =	swait.ge @!p0 [sflag:s6], $0x8000;
	p1 =	sle.s32 s3, s4  }
0x32c: {  	[sflag:s6] =	ssyncset.done @!p0 $0x0;
	s4 =	sand.u32 @!p1 $0x7F, s12  }
0x32d: {  	[sflag:s6] =	ssyncadd.s32 @!p0 $0xFFFF8000;
	p0 =	slt.s32 @!p1 s12, $0x1;
	p2 =	sne.s32 @!p1 s4, $0x0  }
0x32e: {  	s4 =	sshra.s32 @!p1 s12, $0x1F;
	p2 =	por @!p1 !p0, !p2;
	p0 =	por p1, p1  }
0x32f: {  	vm0 =	vlt.s32 v8, v9;
	v10 =	vsub.s32 v8, v14;
	s4 =	sshrl.u32 @!p0 s4, $0x19;
	p2 =	por @!p0 !p2, !p2  }
0x330: {  	v10 =	vnsel vm0, $0x0, v10;
	s6 =	simm.s32 @!p0 $0x1;
	s4 =	sadd.s32 @!p0 s4, s12;
	p2 =	por !p2, p0  }
0x331: {  	v11 =	vshll.u32 v10, $0x3;
	s4 =	sshrl.u32 @!p0 s4, $0x7;
	s6 =	simm.s32 @p2 $0x0  }
0x332: {  	v10 =	vand.u32 $0x7F, v10;
	v11 =	vand.u32 $0xFFFFFC00, v11;
	s4 =	ssub.s32 @!p0 s4, s6  }
0x333: {  	v10 =	vor.u32 v10, v11;
	s8 =	sshll.u32 @!p0 s4, $0x7  }
0x334: {  	p2 =	slt.s32 @!p0 s8, $0x30C400  }
0x335: {  	p2 =	por !p2, p0  }
0x336: {  	s8 =	simm.s32 @p2 $0x30C400;
	p2 =	slt.s32 s3, s0  }
.Ltmp44:
0x337: {  	_ = 	snop;
	(pc) =	sbr.rel @!p2 .LBB2_80-.Ltmp44, $4  }
0x338: {  	s6 =	simm.s32 @!p1 $0x0;
	v13 =	vld.idx.msk [tilespmem:v10+s10+$0x0], $0xffff  }
0x339: {  	s4 =	simm.s32 @!p1 $0xC80;
	s14 =	sadd.s32 @!p0 s1, s8;
	s8 =	smov.u32 @p0 s11  }
0x33a: {  	v12 =	vadd.s32 s12, v0;
	[tilespmem:s4], [sflag:$0x1] =	stream.linear.gather @!p0 [hbm4b:s14+s6], $0x8000, $0x38;
	[tilespmem:$0x1E980] =	vst v63  }
0x33b: {  	v11 =	vimm.s32 $0x30D400;
	p1 =	por $0x1, $0x1;
	v10 =	vimm.f32 $-3.402823470e+38;
	s6 =	simm.s32 @!p0 $0x1;
	v14 =	vmov s8  }
.LBB2_81:
0x33c: {  	s4 =	smov.u32 s8;
	s8 =	sadd.s32 $0x1000, s8  }
0x33d: {  	v14 =	vsub.s32 v12, v14;
	v13 =	vnsel vm0, $0xFF7FFFFF, v13;
	vm0 =	vlt.s32 v12, v9;
	s11 =	smov.u32 s3;
	s3 =	sadd.s32 $0x10, s3;
	_ =	swait.ge @!p0 [sflag:s6], $0x8000  }
0x33e: {  	p3 =	sle.s32 s3, s8;
	p2 =	slt.s32 s3, s0;
	v14 =	vnsel vm0, $0x0, v14;
	vm1 =	vgt.f32 v13, v10;
	[sflag:s6] =	ssyncset.done @!p0 $0x0  }
0x33f: {  	s8 =	sand.u32 @!p3 $0x7F, s11;
	s12 =	simm.s32 @!p3 $0xC80;
	v15 =	vand.u32 $0x7F, v14;
	v14 =	vshll.u32 v14, $0x3;
	v10 =	vsel vm1, v13, v10;
	[sflag:s6] =	ssyncadd.s32 @!p0 $0xFFFF8000  }
0x340: {  	s14 =	simm.s32 @!p3 $0x0;
	v11 =	vsel vm1, v8, v11;
	v8 =	vmov v12;
	p0 =	slt.s32 @!p3 s11, $0x1;
	p4 =	sne.s32 @!p3 s8, $0x0;
	v13 =	vand.u32 $0xFFFFFC00, v14  }
0x341: {  	s6 =	sshra.s32 @!p3 s11, $0x1F;
	p4 =	por @!p3 !p0, !p4;
	v12 =	vor.u32 v15, v13;
	p0 =	por p3, p3  }
0x342: {  	s6 =	sshrl.u32 @!p0 s6, $0x19;
	p3 =	por @!p0 !p4, !p4;
	s16 =	simm.s32 @!p0 $0x1  }
0x343: {  	s8 =	sadd.s32 @!p0 s6, s11;
	s6 =	simm.s32 @!p0 $0x1;
	p3 =	por !p3, p0  }
0x344: {  	s8 =	sshrl.u32 @!p0 s8, $0x7;
	s16 =	simm.s32 @p3 $0x0  }
0x345: {  	s8 =	ssub.s32 @!p0 s8, s16  }
0x346: {  	s8 =	sshll.u32 @!p0 s8, $0x7;
	v13 =	vld.idx.msk [tilespmem:v12+s10+$0x0], $0xffff  }
.Ltmp45:
0x347: {  	p3 =	slt.s32 @!p0 s8, $0x30C400;
	(pc) =	sbr.rel @p2 .LBB2_81-.Ltmp45, $4  }
0x348: {  	p3 =	por !p3, p0  }
0x349: {  	s8 =	simm.s32 @p3 $0x30C400  }
0x34a: {  	s16 =	sadd.s32 @!p0 s1, s8;
	s8 =	smov.u32 @p0 s4  }
0x34b: {  	v12 =	vadd.s32 s11, v0;
	v14 =	vmov s8;
	[tilespmem:s12], [sflag:$0x1] =	stream.linear.gather @!p0 [hbm4b:s16+s14], $0x8000, $0x38;
	[tilespmem:$0x1E980] =	vst v63  }
0x34c: {  	s11 =	smov.u32 s8  }
.LBB2_83:
0x34d: {  	vm1 =	vlt.s32 v12, v9;
	v62 =	vsub.s32 v12, v14  }
0x34e: {  	v9 =	vnsel vm1, $0x0, v62  }
0x34f: {  	v63 =	vshll.u32 v9, $0x3  }
0x350: {  	v9 =	vand.u32 $0x7F, v9;
	v14 =	vand.u32 $0xFFFFFC00, v63  }
0x351: {  	v9 =	vor.u32 v9, v14;
	_ =	sdelay $0x1  }
0x352: {  	_ =	swait.ge @!p0 [sflag:s6], $0x8000  }
0x353: {  	[sflag:s6] =	ssyncset.done @!p0 $0x0  }
0x354: {  	[sflag:s6] =	ssyncadd.s32 @!p0 $0xFFFF8000  }
0x355: {  	v9 =	vld.idx.msk [tilespmem:v9+s10+$0x0], $0xffff;
	_ =	sdelay $0x1  }
0x356: {  	v13 =	vnsel @p1 vm0, $0xFF7FFFFF, v13  }
0x357: {  	vm0 =	vgt.f32 @p1 v13, v10  }
0x358: {  	v10 =	vsel @p1 vm0, v13, v10  }
0x359: {  	v8 =	vsel @p1 vm0, v8, v11;
	v6 =	vpsel p1, v10, v6;
	v9 =	vnsel vm1, $0xFF7FFFFF, v9  }
0x35a: {  	v7 =	vpsel p1, v8, v7;
	vm15 =	vgt.f32 v9, v6  }
0x35b: {  	v8 =	vsel vm15, v12, v7  }
0x35c: {  	s6 =	smov.u32 s11;
	v7 =	vsel vm15, v9, v6;
	v6 =	vxor.u32 $0x80000000, v8  }
.LBB2_84:
0x35d: {  	(xrf0) =	vmax.scan.msk.f32 $0xffff, v7;
	_ =	sdelay $0x5  }
0x35e: {  	v8, _, _ =	vpop (xrf0)  }
0x35f: {  	v8 =	vbroadcast v8, $0xF;
	_ =	sdelay $0x1  }
0x360: {  	vm0 =	veq.f32 v7, v8  }
0x361: {  	v6 =	vnsel vm0, $0x8030D400, v6  }
0x362: {  	(xrf0) =	vmin.scan.msk.u32 $0xffff, v6;
	_ =	sdelay $0x5  }
0x363: {  	v6, _, _ =	vpop (xrf0)  }
0x364: {  	(v2sf) =	vpush v6, $0xF  }
0x365: {  	(v2sf) =	vpush v4, $0x8  }
0x366: {  	(v2sf) =	vpush v5, $0x8;
	_ =	sdelay $0xc  }
0x367: {  	s26 =	spop (v2sf)  }
0x368: {  	s3 =	spop (v2sf)  }
0x369: {  	s0 =	spop (v2sf)  }
0x36a: {  	p0 =	sge.s32 s3, s0  }
.Ltmp46:
0x36b: {  	_ = 	snop;
	(pc) =	sbr.rel @p0 .LBB2_85-.Ltmp46, $2  }
0x36c: {  	_ =	sdelay $0x2  }
0x36d: {  	v7 =	vimm.f32 $-3.402823470e+38;
	v6 =	vimm.s32 $0x8030D400  }
0x36e: {  	s12 =	sadd.s32 $0x10, s3;
	s4 =	sadd.s32 $0x1000, s6  }
0x36f: {  	p1 =	sle.s32 s12, s4  }
0x370: {  	s4 =	sand.u32 @!p1 $0x7F, s3  }
0x371: {  	p0 =	slt.s32 @!p1 s3, $0x1;
	p2 =	sne.s32 @!p1 s4, $0x0  }
0x372: {  	s4 =	sshra.s32 @!p1 s3, $0x1F;
	p2 =	por @!p1 !p0, !p2;
	p0 =	por p1, p1  }
0x373: {  	s4 =	sshrl.u32 @!p0 s4, $0x19;
	p2 =	por @!p0 !p2, !p2  }
0x374: {  	s8 =	simm.s32 @!p0 $0x1;
	s4 =	sadd.s32 @!p0 s4, s3;
	p2 =	por !p2, p0  }
0x375: {  	s4 =	sshrl.u32 @!p0 s4, $0x7;
	s8 =	simm.s32 @p2 $0x0  }
0x376: {  	s4 =	ssub.s32 @!p0 s4, s8  }
0x377: {  	s11 =	sshll.u32 @!p0 s4, $0x7  }
0x378: {  	p2 =	slt.s32 @!p0 s11, $0x30C400  }
0x379: {  	p2 =	por !p2, p0  }
0x37a: {  	s11 =	simm.s32 @p2 $0x30C400;
	p2 =	slt.s32 s12, s0  }
.Ltmp47:
0x37b: {  	_ = 	snop;
	(pc) =	sbr.rel @!p2 .LBB2_87-.Ltmp47, $4  }
0x37c: {  	_ = 	snop  }
0x37d: {  	s8 =	simm.s32 @!p1 $0x0;
	s4 =	simm.s32 @!p1 $0xC80;
	p1 =	por $0x0, $0x0  }
0x37e: {  	v11 =	vbroadcast v5, $0x8;
	v8 =	vimm.f32 $-3.402823470e+38;
	s14 =	sadd.s32 @!p0 s1, s11;
	s11 =	smov.u32 @p0 s6;
	s6 =	simm.s32 @!p0 $0x1  }
0x37f: {  	v9 =	vimm.s32 $0x30D400;
	v10 =	vadd.s32 s3, v0;
	[tilespmem:s4], [sflag:$0x1] =	stream.linear.gather @!p0 [hbm4b:s14+s8], $0x8000, $0x38;
	v16 =	vmov s11;
	[tilespmem:$0x1E980] =	vst v63  }
0x380: {  	s3 =	sadd.s32 $0x10, s12;
	s4 =	sadd.s32 $0x1000, s11  }
0x381: {  	_ =	swait.ge @!p0 [sflag:s6], $0x8000;
	p1 =	sle.s32 s3, s4  }
0x382: {  	[sflag:s6] =	ssyncset.done @!p0 $0x0;
	s4 =	sand.u32 @!p1 $0x7F, s12  }
0x383: {  	[sflag:s6] =	ssyncadd.s32 @!p0 $0xFFFF8000;
	p0 =	slt.s32 @!p1 s12, $0x1;
	p2 =	sne.s32 @!p1 s4, $0x0  }
0x384: {  	s4 =	sshra.s32 @!p1 s12, $0x1F;
	p2 =	por @!p1 !p0, !p2;
	p0 =	por p1, p1  }
0x385: {  	vm0 =	vlt.s32 v10, v11;
	v12 =	vsub.s32 v10, v16;
	s4 =	sshrl.u32 @!p0 s4, $0x19;
	p2 =	por @!p0 !p2, !p2  }
0x386: {  	v12 =	vnsel vm0, $0x0, v12;
	s6 =	simm.s32 @!p0 $0x1;
	s4 =	sadd.s32 @!p0 s4, s12;
	p2 =	por !p2, p0  }
0x387: {  	v13 =	vshll.u32 v12, $0x3;
	s4 =	sshrl.u32 @!p0 s4, $0x7;
	s6 =	simm.s32 @p2 $0x0  }
0x388: {  	v12 =	vand.u32 $0x7F, v12;
	v13 =	vand.u32 $0xFFFFFC00, v13;
	s4 =	ssub.s32 @!p0 s4, s6  }
0x389: {  	v12 =	vor.u32 v12, v13;
	s8 =	sshll.u32 @!p0 s4, $0x7  }
0x38a: {  	p2 =	slt.s32 @!p0 s8, $0x30C400  }
0x38b: {  	p2 =	por !p2, p0  }
0x38c: {  	s8 =	simm.s32 @p2 $0x30C400;
	p2 =	slt.s32 s3, s0  }
.Ltmp48:
0x38d: {  	_ = 	snop;
	(pc) =	sbr.rel @!p2 .LBB2_89-.Ltmp48, $4  }
0x38e: {  	s6 =	simm.s32 @!p1 $0x0;
	v15 =	vld.idx.msk [tilespmem:v12+s10+$0x0], $0xffff  }
0x38f: {  	s4 =	simm.s32 @!p1 $0xC80;
	s14 =	sadd.s32 @!p0 s1, s8;
	s8 =	smov.u32 @p0 s11  }
0x390: {  	v14 =	vadd.s32 s12, v0;
	[tilespmem:s4], [sflag:$0x1] =	stream.linear.gather @!p0 [hbm4b:s14+s6], $0x8000, $0x38;
	[tilespmem:$0x1E980] =	vst v63  }
0x391: {  	v13 =	vimm.s32 $0x30D400;
	p1 =	por $0x1, $0x1;
	v12 =	vimm.f32 $-3.402823470e+38;
	s6 =	simm.s32 @!p0 $0x1;
	v16 =	vmov s8  }
.LBB2_90:
0x392: {  	s4 =	smov.u32 s8;
	s8 =	sadd.s32 $0x1000, s8  }
0x393: {  	v16 =	vsub.s32 v14, v16;
	v15 =	vnsel vm0, $0xFF7FFFFF, v15;
	vm0 =	vlt.s32 v14, v11;
	s11 =	smov.u32 s3;
	s3 =	sadd.s32 $0x10, s3;
	_ =	swait.ge @!p0 [sflag:s6], $0x8000  }
0x394: {  	p3 =	sle.s32 s3, s8;
	p2 =	slt.s32 s3, s0;
	v16 =	vnsel vm0, $0x0, v16;
	vm1 =	vgt.f32 v15, v12;
	[sflag:s6] =	ssyncset.done @!p0 $0x0  }
0x395: {  	s8 =	sand.u32 @!p3 $0x7F, s11;
	s12 =	simm.s32 @!p3 $0xC80;
	v17 =	vand.u32 $0x7F, v16;
	v16 =	vshll.u32 v16, $0x3;
	v12 =	vsel vm1, v15, v12;
	[sflag:s6] =	ssyncadd.s32 @!p0 $0xFFFF8000  }
0x396: {  	s14 =	simm.s32 @!p3 $0x0;
	v13 =	vsel vm1, v10, v13;
	v10 =	vmov v14;
	p0 =	slt.s32 @!p3 s11, $0x1;
	p4 =	sne.s32 @!p3 s8, $0x0;
	v15 =	vand.u32 $0xFFFFFC00, v16  }
0x397: {  	s6 =	sshra.s32 @!p3 s11, $0x1F;
	p4 =	por @!p3 !p0, !p4;
	v14 =	vor.u32 v17, v15;
	p0 =	por p3, p3  }
0x398: {  	s6 =	sshrl.u32 @!p0 s6, $0x19;
	p3 =	por @!p0 !p4, !p4;
	s16 =	simm.s32 @!p0 $0x1  }
0x399: {  	s8 =	sadd.s32 @!p0 s6, s11;
	s6 =	simm.s32 @!p0 $0x1;
	p3 =	por !p3, p0  }
0x39a: {  	s8 =	sshrl.u32 @!p0 s8, $0x7;
	s16 =	simm.s32 @p3 $0x0  }
0x39b: {  	s8 =	ssub.s32 @!p0 s8, s16  }
0x39c: {  	s8 =	sshll.u32 @!p0 s8, $0x7;
	v15 =	vld.idx.msk [tilespmem:v14+s10+$0x0], $0xffff  }
.Ltmp49:
0x39d: {  	p3 =	slt.s32 @!p0 s8, $0x30C400;
	(pc) =	sbr.rel @p2 .LBB2_90-.Ltmp49, $4  }
0x39e: {  	p3 =	por !p3, p0  }
0x39f: {  	s8 =	simm.s32 @p3 $0x30C400  }
0x3a0: {  	s16 =	sadd.s32 @!p0 s1, s8;
	s8 =	smov.u32 @p0 s4  }
0x3a1: {  	v14 =	vadd.s32 s11, v0;
	v16 =	vmov s8;
	[tilespmem:s12], [sflag:$0x1] =	stream.linear.gather @!p0 [hbm4b:s16+s14], $0x8000, $0x38;
	[tilespmem:$0x1E980] =	vst v63  }
0x3a2: {  	s11 =	smov.u32 s8  }
.LBB2_92:
0x3a3: {  	vm1 =	vlt.s32 v14, v11;
	v11 =	vsub.s32 v14, v16  }
0x3a4: {  	v11 =	vnsel vm1, $0x0, v11  }
0x3a5: {  	v63 =	vshll.u32 v11, $0x3  }
0x3a6: {  	v11 =	vand.u32 $0x7F, v11;
	v16 =	vand.u32 $0xFFFFFC00, v63  }
0x3a7: {  	v11 =	vor.u32 v11, v16;
	_ =	sdelay $0x1  }
0x3a8: {  	_ =	swait.ge @!p0 [sflag:s6], $0x8000  }
0x3a9: {  	[sflag:s6] =	ssyncset.done @!p0 $0x0  }
0x3aa: {  	[sflag:s6] =	ssyncadd.s32 @!p0 $0xFFFF8000  }
0x3ab: {  	v11 =	vld.idx.msk [tilespmem:v11+s10+$0x0], $0xffff;
	_ =	sdelay $0x1  }
0x3ac: {  	v15 =	vnsel @p1 vm0, $0xFF7FFFFF, v15  }
0x3ad: {  	vm0 =	vgt.f32 @p1 v15, v12  }
.Ltmp50:
0x3ae: {  	v12 =	vsel @p1 vm0, v15, v12;
	(pc) =	sbr.rel .LBB2_93-.Ltmp50, $4  }
0x3af: {  	v10 =	vsel @p1 vm0, v10, v13;
	v8 =	vpsel p1, v12, v8;
	v11 =	vnsel vm1, $0xFF7FFFFF, v11  }
0x3b0: {  	v9 =	vpsel p1, v10, v9;
	vm15 =	vgt.f32 v11, v8  }
0x3b1: {  	v9 =	vsel vm15, v14, v9  }
0x3b2: {  	s6 =	smov.u32 s11;
	v8 =	vsel vm15, v11, v8;
	v9 =	vxor.u32 $0x80000000, v9  }
.LBB2_85:
0x3b3: {  	v8 =	vimm.f32 $-3.402823470e+38;
	v9 =	vimm.s32 $0x8030D400  }
.LBB2_93:
0x3b4: {  	(xrf0) =	vmax.scan.msk.f32 $0xffff, v8;
	_ =	sdelay $0x5  }
0x3b5: {  	v10, _, _ =	vpop (xrf0)  }
0x3b6: {  	v10 =	vbroadcast v10, $0xF;
	_ =	sdelay $0x1  }
0x3b7: {  	vm0 =	veq.f32 v8, v10  }
0x3b8: {  	v8 =	vnsel vm0, $0x8030D400, v9  }
0x3b9: {  	(xrf0) =	vmin.scan.msk.u32 $0xffff, v8;
	_ =	sdelay $0x5  }
0x3ba: {  	v8, _, _ =	vpop (xrf0)  }
0x3bb: {  	(v2sf) =	vpush v8, $0xF  }
0x3bc: {  	(v2sf) =	vpush v4, $0x9  }
0x3bd: {  	(v2sf) =	vpush v5, $0x9;
	_ =	sdelay $0xc  }
0x3be: {  	s28 =	spop (v2sf)  }
0x3bf: {  	s3 =	spop (v2sf)  }
0x3c0: {  	s0 =	spop (v2sf)  }
0x3c1: {  	p0 =	sge.s32 s3, s0  }
.Ltmp51:
0x3c2: {  	_ = 	snop;
	(pc) =	sbr.rel @p0 .LBB2_101-.Ltmp51, $1  }
0x3c3: {  	_ =	sdelay $0x3  }
0x3c4: {  	s12 =	sadd.s32 $0x10, s3;
	s4 =	sadd.s32 $0x1000, s6  }
0x3c5: {  	p1 =	sle.s32 s12, s4  }
0x3c6: {  	s4 =	sand.u32 @!p1 $0x7F, s3  }
0x3c7: {  	p0 =	slt.s32 @!p1 s3, $0x1;
	p2 =	sne.s32 @!p1 s4, $0x0  }
0x3c8: {  	s4 =	sshra.s32 @!p1 s3, $0x1F;
	p2 =	por @!p1 !p0, !p2;
	p0 =	por p1, p1  }
0x3c9: {  	s4 =	sshrl.u32 @!p0 s4, $0x19;
	p2 =	por @!p0 !p2, !p2  }
0x3ca: {  	s8 =	simm.s32 @!p0 $0x1;
	s4 =	sadd.s32 @!p0 s4, s3;
	p2 =	por !p2, p0  }
0x3cb: {  	s4 =	sshrl.u32 @!p0 s4, $0x7;
	s8 =	simm.s32 @p2 $0x0  }
0x3cc: {  	s4 =	ssub.s32 @!p0 s4, s8  }
0x3cd: {  	s11 =	sshll.u32 @!p0 s4, $0x7  }
0x3ce: {  	p2 =	slt.s32 @!p0 s11, $0x30C400  }
0x3cf: {  	p2 =	por !p2, p0  }
0x3d0: {  	s11 =	simm.s32 @p2 $0x30C400;
	p2 =	slt.s32 s12, s0  }
.Ltmp52:
0x3d1: {  	_ = 	snop;
	(pc) =	sbr.rel @!p2 .LBB2_95-.Ltmp52, $4  }
0x3d2: {  	_ = 	snop  }
0x3d3: {  	s8 =	simm.s32 @!p1 $0x0;
	s4 =	simm.s32 @!p1 $0xC80;
	p1 =	por $0x0, $0x0  }
0x3d4: {  	v9 =	vbroadcast v5, $0x9;
	v6 =	vimm.f32 $-3.402823470e+38;
	s14 =	sadd.s32 @!p0 s1, s11;
	s11 =	smov.u32 @p0 s6;
	s6 =	simm.s32 @!p0 $0x1  }
0x3d5: {  	v7 =	vimm.s32 $0x30D400;
	v8 =	vadd.s32 s3, v0;
	[tilespmem:s4], [sflag:$0x1] =	stream.linear.gather @!p0 [hbm4b:s14+s8], $0x8000, $0x38;
	v14 =	vmov s11;
	[tilespmem:$0x1E980] =	vst v63  }
0x3d6: {  	s3 =	sadd.s32 $0x10, s12;
	s4 =	sadd.s32 $0x1000, s11  }
0x3d7: {  	_ =	swait.ge @!p0 [sflag:s6], $0x8000;
	p1 =	sle.s32 s3, s4  }
0x3d8: {  	[sflag:s6] =	ssyncset.done @!p0 $0x0;
	s4 =	sand.u32 @!p1 $0x7F, s12  }
0x3d9: {  	[sflag:s6] =	ssyncadd.s32 @!p0 $0xFFFF8000;
	p0 =	slt.s32 @!p1 s12, $0x1;
	p2 =	sne.s32 @!p1 s4, $0x0  }
0x3da: {  	s4 =	sshra.s32 @!p1 s12, $0x1F;
	p2 =	por @!p1 !p0, !p2;
	p0 =	por p1, p1  }
0x3db: {  	vm0 =	vlt.s32 v8, v9;
	v10 =	vsub.s32 v8, v14;
	s4 =	sshrl.u32 @!p0 s4, $0x19;
	p2 =	por @!p0 !p2, !p2  }
0x3dc: {  	v10 =	vnsel vm0, $0x0, v10;
	s6 =	simm.s32 @!p0 $0x1;
	s4 =	sadd.s32 @!p0 s4, s12;
	p2 =	por !p2, p0  }
0x3dd: {  	v11 =	vshll.u32 v10, $0x3;
	s4 =	sshrl.u32 @!p0 s4, $0x7;
	s6 =	simm.s32 @p2 $0x0  }
0x3de: {  	v10 =	vand.u32 $0x7F, v10;
	v11 =	vand.u32 $0xFFFFFC00, v11;
	s4 =	ssub.s32 @!p0 s4, s6  }
0x3df: {  	v10 =	vor.u32 v10, v11;
	s8 =	sshll.u32 @!p0 s4, $0x7  }
0x3e0: {  	p2 =	slt.s32 @!p0 s8, $0x30C400  }
0x3e1: {  	p2 =	por !p2, p0  }
0x3e2: {  	s8 =	simm.s32 @p2 $0x30C400;
	p2 =	slt.s32 s3, s0  }
.Ltmp53:
0x3e3: {  	_ = 	snop;
	(pc) =	sbr.rel @!p2 .LBB2_97-.Ltmp53, $4  }
0x3e4: {  	s6 =	simm.s32 @!p1 $0x0;
	v13 =	vld.idx.msk [tilespmem:v10+s10+$0x0], $0xffff  }
0x3e5: {  	s4 =	simm.s32 @!p1 $0xC80;
	s14 =	sadd.s32 @!p0 s1, s8;
	s8 =	smov.u32 @p0 s11  }
0x3e6: {  	v12 =	vadd.s32 s12, v0;
	[tilespmem:s4], [sflag:$0x1] =	stream.linear.gather @!p0 [hbm4b:s14+s6], $0x8000, $0x38;
	[tilespmem:$0x1E980] =	vst v63  }
0x3e7: {  	v11 =	vimm.s32 $0x30D400;
	p1 =	por $0x1, $0x1;
	v10 =	vimm.f32 $-3.402823470e+38;
	s6 =	simm.s32 @!p0 $0x1;
	v14 =	vmov s8  }
.LBB2_98:
0x3e8: {  	s4 =	smov.u32 s8;
	s8 =	sadd.s32 $0x1000, s8  }
0x3e9: {  	v14 =	vsub.s32 v12, v14;
	v13 =	vnsel vm0, $0xFF7FFFFF, v13;
	vm0 =	vlt.s32 v12, v9;
	s11 =	smov.u32 s3;
	s3 =	sadd.s32 $0x10, s3;
	_ =	swait.ge @!p0 [sflag:s6], $0x8000  }
0x3ea: {  	p3 =	sle.s32 s3, s8;
	p2 =	slt.s32 s3, s0;
	v14 =	vnsel vm0, $0x0, v14;
	vm1 =	vgt.f32 v13, v10;
	[sflag:s6] =	ssyncset.done @!p0 $0x0  }
0x3eb: {  	s8 =	sand.u32 @!p3 $0x7F, s11;
	s12 =	simm.s32 @!p3 $0xC80;
	v15 =	vand.u32 $0x7F, v14;
	v14 =	vshll.u32 v14, $0x3;
	v10 =	vsel vm1, v13, v10;
	[sflag:s6] =	ssyncadd.s32 @!p0 $0xFFFF8000  }
0x3ec: {  	s14 =	simm.s32 @!p3 $0x0;
	v11 =	vsel vm1, v8, v11;
	v8 =	vmov v12;
	p0 =	slt.s32 @!p3 s11, $0x1;
	p4 =	sne.s32 @!p3 s8, $0x0;
	v13 =	vand.u32 $0xFFFFFC00, v14  }
0x3ed: {  	s6 =	sshra.s32 @!p3 s11, $0x1F;
	p4 =	por @!p3 !p0, !p4;
	v12 =	vor.u32 v15, v13;
	p0 =	por p3, p3  }
0x3ee: {  	s6 =	sshrl.u32 @!p0 s6, $0x19;
	p3 =	por @!p0 !p4, !p4;
	s16 =	simm.s32 @!p0 $0x1  }
0x3ef: {  	s8 =	sadd.s32 @!p0 s6, s11;
	s6 =	simm.s32 @!p0 $0x1;
	p3 =	por !p3, p0  }
0x3f0: {  	s8 =	sshrl.u32 @!p0 s8, $0x7;
	s16 =	simm.s32 @p3 $0x0  }
0x3f1: {  	s8 =	ssub.s32 @!p0 s8, s16  }
0x3f2: {  	s8 =	sshll.u32 @!p0 s8, $0x7;
	v13 =	vld.idx.msk [tilespmem:v12+s10+$0x0], $0xffff  }
.Ltmp54:
0x3f3: {  	p3 =	slt.s32 @!p0 s8, $0x30C400;
	(pc) =	sbr.rel @p2 .LBB2_98-.Ltmp54, $4  }
0x3f4: {  	p3 =	por !p3, p0  }
0x3f5: {  	s8 =	simm.s32 @p3 $0x30C400  }
0x3f6: {  	s16 =	sadd.s32 @!p0 s1, s8;
	s8 =	smov.u32 @p0 s4  }
0x3f7: {  	v12 =	vadd.s32 s11, v0;
	v14 =	vmov s8;
	[tilespmem:s12], [sflag:$0x1] =	stream.linear.gather @!p0 [hbm4b:s16+s14], $0x8000, $0x38;
	[tilespmem:$0x1E980] =	vst v63  }
0x3f8: {  	s11 =	smov.u32 s8  }
.LBB2_100:
0x3f9: {  	vm1 =	vlt.s32 v12, v9;
	v62 =	vsub.s32 v12, v14  }
0x3fa: {  	v9 =	vnsel vm1, $0x0, v62  }
0x3fb: {  	v63 =	vshll.u32 v9, $0x3  }
0x3fc: {  	v9 =	vand.u32 $0x7F, v9;
	v14 =	vand.u32 $0xFFFFFC00, v63  }
0x3fd: {  	v9 =	vor.u32 v9, v14;
	_ =	sdelay $0x1  }
0x3fe: {  	_ =	swait.ge @!p0 [sflag:s6], $0x8000  }
0x3ff: {  	[sflag:s6] =	ssyncset.done @!p0 $0x0  }
0x400: {  	[sflag:s6] =	ssyncadd.s32 @!p0 $0xFFFF8000  }
0x401: {  	v9 =	vld.idx.msk [tilespmem:v9+s10+$0x0], $0xffff;
	_ =	sdelay $0x1  }
0x402: {  	v13 =	vnsel @p1 vm0, $0xFF7FFFFF, v13  }
0x403: {  	vm0 =	vgt.f32 @p1 v13, v10  }
0x404: {  	v10 =	vsel @p1 vm0, v13, v10  }
0x405: {  	v8 =	vsel @p1 vm0, v8, v11;
	v6 =	vpsel p1, v10, v6;
	v9 =	vnsel vm1, $0xFF7FFFFF, v9  }
0x406: {  	v7 =	vpsel p1, v8, v7;
	vm15 =	vgt.f32 v9, v6  }
0x407: {  	v8 =	vsel vm15, v12, v7  }
0x408: {  	s6 =	smov.u32 s11;
	v7 =	vsel vm15, v9, v6;
	v6 =	vxor.u32 $0x80000000, v8  }
.LBB2_101:
0x409: {  	(xrf0) =	vmax.scan.msk.f32 $0xffff, v7;
	_ =	sdelay $0x5  }
0x40a: {  	v8, _, _ =	vpop (xrf0)  }
0x40b: {  	v8 =	vbroadcast v8, $0xF;
	_ =	sdelay $0x1  }
0x40c: {  	vm0 =	veq.f32 v7, v8  }
0x40d: {  	v6 =	vnsel vm0, $0x8030D400, v6  }
0x40e: {  	(xrf0) =	vmin.scan.msk.u32 $0xffff, v6;
	_ =	sdelay $0x5  }
0x40f: {  	v6, _, _ =	vpop (xrf0)  }
0x410: {  	(v2sf) =	vpush v6, $0xF  }
0x411: {  	(v2sf) =	vpush v4, $0xA  }
0x412: {  	(v2sf) =	vpush v5, $0xA;
	_ =	sdelay $0xc  }
0x413: {  	s29 =	spop (v2sf)  }
0x414: {  	s3 =	spop (v2sf)  }
0x415: {  	s0 =	spop (v2sf)  }
0x416: {  	p0 =	sge.s32 s3, s0  }
.Ltmp55:
0x417: {  	_ = 	snop;
	(pc) =	sbr.rel @p0 .LBB2_102-.Ltmp55, $2  }
0x418: {  	_ =	sdelay $0x2  }
0x419: {  	v7 =	vimm.f32 $-3.402823470e+38;
	v6 =	vimm.s32 $0x8030D400  }
0x41a: {  	s12 =	sadd.s32 $0x10, s3;
	s4 =	sadd.s32 $0x1000, s6  }
0x41b: {  	p1 =	sle.s32 s12, s4  }
0x41c: {  	s4 =	sand.u32 @!p1 $0x7F, s3  }
0x41d: {  	p0 =	slt.s32 @!p1 s3, $0x1;
	p2 =	sne.s32 @!p1 s4, $0x0  }
0x41e: {  	s4 =	sshra.s32 @!p1 s3, $0x1F;
	p2 =	por @!p1 !p0, !p2;
	p0 =	por p1, p1  }
0x41f: {  	s4 =	sshrl.u32 @!p0 s4, $0x19;
	p2 =	por @!p0 !p2, !p2  }
0x420: {  	s8 =	simm.s32 @!p0 $0x1;
	s4 =	sadd.s32 @!p0 s4, s3;
	p2 =	por !p2, p0  }
0x421: {  	s4 =	sshrl.u32 @!p0 s4, $0x7;
	s8 =	simm.s32 @p2 $0x0  }
0x422: {  	s4 =	ssub.s32 @!p0 s4, s8  }
0x423: {  	s11 =	sshll.u32 @!p0 s4, $0x7  }
0x424: {  	p2 =	slt.s32 @!p0 s11, $0x30C400  }
0x425: {  	p2 =	por !p2, p0  }
0x426: {  	s11 =	simm.s32 @p2 $0x30C400;
	p2 =	slt.s32 s12, s0  }
.Ltmp56:
0x427: {  	_ = 	snop;
	(pc) =	sbr.rel @!p2 .LBB2_104-.Ltmp56, $4  }
0x428: {  	_ = 	snop  }
0x429: {  	s8 =	simm.s32 @!p1 $0x0;
	s4 =	simm.s32 @!p1 $0xC80;
	p1 =	por $0x0, $0x0  }
0x42a: {  	v11 =	vbroadcast v5, $0xA;
	v8 =	vimm.f32 $-3.402823470e+38;
	s14 =	sadd.s32 @!p0 s1, s11;
	s11 =	smov.u32 @p0 s6;
	s6 =	simm.s32 @!p0 $0x1  }
0x42b: {  	v9 =	vimm.s32 $0x30D400;
	v10 =	vadd.s32 s3, v0;
	[tilespmem:s4], [sflag:$0x1] =	stream.linear.gather @!p0 [hbm4b:s14+s8], $0x8000, $0x38;
	v16 =	vmov s11;
	[tilespmem:$0x1E980] =	vst v63  }
0x42c: {  	s3 =	sadd.s32 $0x10, s12;
	s4 =	sadd.s32 $0x1000, s11  }
0x42d: {  	_ =	swait.ge @!p0 [sflag:s6], $0x8000;
	p1 =	sle.s32 s3, s4  }
0x42e: {  	[sflag:s6] =	ssyncset.done @!p0 $0x0;
	s4 =	sand.u32 @!p1 $0x7F, s12  }
0x42f: {  	[sflag:s6] =	ssyncadd.s32 @!p0 $0xFFFF8000;
	p0 =	slt.s32 @!p1 s12, $0x1;
	p2 =	sne.s32 @!p1 s4, $0x0  }
0x430: {  	s4 =	sshra.s32 @!p1 s12, $0x1F;
	p2 =	por @!p1 !p0, !p2;
	p0 =	por p1, p1  }
0x431: {  	vm0 =	vlt.s32 v10, v11;
	v12 =	vsub.s32 v10, v16;
	s4 =	sshrl.u32 @!p0 s4, $0x19;
	p2 =	por @!p0 !p2, !p2  }
0x432: {  	v12 =	vnsel vm0, $0x0, v12;
	s6 =	simm.s32 @!p0 $0x1;
	s4 =	sadd.s32 @!p0 s4, s12;
	p2 =	por !p2, p0  }
0x433: {  	v13 =	vshll.u32 v12, $0x3;
	s4 =	sshrl.u32 @!p0 s4, $0x7;
	s6 =	simm.s32 @p2 $0x0  }
0x434: {  	v12 =	vand.u32 $0x7F, v12;
	v13 =	vand.u32 $0xFFFFFC00, v13;
	s4 =	ssub.s32 @!p0 s4, s6  }
0x435: {  	v12 =	vor.u32 v12, v13;
	s8 =	sshll.u32 @!p0 s4, $0x7  }
0x436: {  	p2 =	slt.s32 @!p0 s8, $0x30C400  }
0x437: {  	p2 =	por !p2, p0  }
0x438: {  	s8 =	simm.s32 @p2 $0x30C400;
	p2 =	slt.s32 s3, s0  }
.Ltmp57:
0x439: {  	_ = 	snop;
	(pc) =	sbr.rel @!p2 .LBB2_106-.Ltmp57, $4  }
0x43a: {  	s6 =	simm.s32 @!p1 $0x0;
	v15 =	vld.idx.msk [tilespmem:v12+s10+$0x0], $0xffff  }
0x43b: {  	s4 =	simm.s32 @!p1 $0xC80;
	s14 =	sadd.s32 @!p0 s1, s8;
	s8 =	smov.u32 @p0 s11  }
0x43c: {  	v14 =	vadd.s32 s12, v0;
	[tilespmem:s4], [sflag:$0x1] =	stream.linear.gather @!p0 [hbm4b:s14+s6], $0x8000, $0x38;
	[tilespmem:$0x1E980] =	vst v63  }
0x43d: {  	v13 =	vimm.s32 $0x30D400;
	p1 =	por $0x1, $0x1;
	v12 =	vimm.f32 $-3.402823470e+38;
	s6 =	simm.s32 @!p0 $0x1;
	v16 =	vmov s8  }
.LBB2_107:
0x43e: {  	s4 =	smov.u32 s8;
	s8 =	sadd.s32 $0x1000, s8  }
0x43f: {  	v16 =	vsub.s32 v14, v16;
	v15 =	vnsel vm0, $0xFF7FFFFF, v15;
	vm0 =	vlt.s32 v14, v11;
	s11 =	smov.u32 s3;
	s3 =	sadd.s32 $0x10, s3;
	_ =	swait.ge @!p0 [sflag:s6], $0x8000  }
0x440: {  	p3 =	sle.s32 s3, s8;
	p2 =	slt.s32 s3, s0;
	v16 =	vnsel vm0, $0x0, v16;
	vm1 =	vgt.f32 v15, v12;
	[sflag:s6] =	ssyncset.done @!p0 $0x0  }
0x441: {  	s8 =	sand.u32 @!p3 $0x7F, s11;
	s12 =	simm.s32 @!p3 $0xC80;
	v17 =	vand.u32 $0x7F, v16;
	v16 =	vshll.u32 v16, $0x3;
	v12 =	vsel vm1, v15, v12;
	[sflag:s6] =	ssyncadd.s32 @!p0 $0xFFFF8000  }
0x442: {  	s14 =	simm.s32 @!p3 $0x0;
	v13 =	vsel vm1, v10, v13;
	v10 =	vmov v14;
	p0 =	slt.s32 @!p3 s11, $0x1;
	p4 =	sne.s32 @!p3 s8, $0x0;
	v15 =	vand.u32 $0xFFFFFC00, v16  }
0x443: {  	s6 =	sshra.s32 @!p3 s11, $0x1F;
	p4 =	por @!p3 !p0, !p4;
	v14 =	vor.u32 v17, v15;
	p0 =	por p3, p3  }
0x444: {  	s6 =	sshrl.u32 @!p0 s6, $0x19;
	p3 =	por @!p0 !p4, !p4;
	s16 =	simm.s32 @!p0 $0x1  }
0x445: {  	s8 =	sadd.s32 @!p0 s6, s11;
	s6 =	simm.s32 @!p0 $0x1;
	p3 =	por !p3, p0  }
0x446: {  	s8 =	sshrl.u32 @!p0 s8, $0x7;
	s16 =	simm.s32 @p3 $0x0  }
0x447: {  	s8 =	ssub.s32 @!p0 s8, s16  }
0x448: {  	s8 =	sshll.u32 @!p0 s8, $0x7;
	v15 =	vld.idx.msk [tilespmem:v14+s10+$0x0], $0xffff  }
.Ltmp58:
0x449: {  	p3 =	slt.s32 @!p0 s8, $0x30C400;
	(pc) =	sbr.rel @p2 .LBB2_107-.Ltmp58, $4  }
0x44a: {  	p3 =	por !p3, p0  }
0x44b: {  	s8 =	simm.s32 @p3 $0x30C400  }
0x44c: {  	s16 =	sadd.s32 @!p0 s1, s8;
	s8 =	smov.u32 @p0 s4  }
0x44d: {  	v14 =	vadd.s32 s11, v0;
	v16 =	vmov s8;
	[tilespmem:s12], [sflag:$0x1] =	stream.linear.gather @!p0 [hbm4b:s16+s14], $0x8000, $0x38;
	[tilespmem:$0x1E980] =	vst v63  }
0x44e: {  	s11 =	smov.u32 s8  }
.LBB2_109:
0x44f: {  	vm1 =	vlt.s32 v14, v11;
	v11 =	vsub.s32 v14, v16  }
0x450: {  	v11 =	vnsel vm1, $0x0, v11  }
0x451: {  	v63 =	vshll.u32 v11, $0x3  }
0x452: {  	v11 =	vand.u32 $0x7F, v11;
	v16 =	vand.u32 $0xFFFFFC00, v63  }
0x453: {  	v11 =	vor.u32 v11, v16;
	_ =	sdelay $0x1  }
0x454: {  	_ =	swait.ge @!p0 [sflag:s6], $0x8000  }
0x455: {  	[sflag:s6] =	ssyncset.done @!p0 $0x0  }
0x456: {  	[sflag:s6] =	ssyncadd.s32 @!p0 $0xFFFF8000  }
0x457: {  	v11 =	vld.idx.msk [tilespmem:v11+s10+$0x0], $0xffff;
	_ =	sdelay $0x1  }
0x458: {  	v15 =	vnsel @p1 vm0, $0xFF7FFFFF, v15  }
0x459: {  	vm0 =	vgt.f32 @p1 v15, v12  }
.Ltmp59:
0x45a: {  	v12 =	vsel @p1 vm0, v15, v12;
	(pc) =	sbr.rel .LBB2_110-.Ltmp59, $4  }
0x45b: {  	v10 =	vsel @p1 vm0, v10, v13;
	v8 =	vpsel p1, v12, v8;
	v11 =	vnsel vm1, $0xFF7FFFFF, v11  }
0x45c: {  	v9 =	vpsel p1, v10, v9;
	vm15 =	vgt.f32 v11, v8  }
0x45d: {  	v9 =	vsel vm15, v14, v9  }
0x45e: {  	s6 =	smov.u32 s11;
	v8 =	vsel vm15, v11, v8;
	v9 =	vxor.u32 $0x80000000, v9  }
.LBB2_102:
0x45f: {  	v8 =	vimm.f32 $-3.402823470e+38;
	v9 =	vimm.s32 $0x8030D400  }
.LBB2_110:
0x460: {  	(xrf0) =	vmax.scan.msk.f32 $0xffff, v8;
	_ =	sdelay $0x5  }
0x461: {  	v10, _, _ =	vpop (xrf0)  }
0x462: {  	v10 =	vbroadcast v10, $0xF;
	_ =	sdelay $0x1  }
0x463: {  	vm0 =	veq.f32 v8, v10  }
0x464: {  	v8 =	vnsel vm0, $0x8030D400, v9  }
0x465: {  	(xrf0) =	vmin.scan.msk.u32 $0xffff, v8;
	_ =	sdelay $0x5  }
0x466: {  	v8, _, _ =	vpop (xrf0)  }
0x467: {  	(v2sf) =	vpush v8, $0xF  }
0x468: {  	(v2sf) =	vpush v4, $0xB  }
0x469: {  	(v2sf) =	vpush v5, $0xB;
	_ =	sdelay $0xc  }
0x46a: {  	s30 =	spop (v2sf)  }
0x46b: {  	s3 =	spop (v2sf)  }
0x46c: {  	s0 =	spop (v2sf)  }
0x46d: {  	p0 =	sge.s32 s3, s0  }
.Ltmp60:
0x46e: {  	_ = 	snop;
	(pc) =	sbr.rel @p0 .LBB2_118-.Ltmp60, $1  }
0x46f: {  	_ =	sdelay $0x3  }
0x470: {  	s12 =	sadd.s32 $0x10, s3;
	s4 =	sadd.s32 $0x1000, s6  }
0x471: {  	p1 =	sle.s32 s12, s4  }
0x472: {  	s4 =	sand.u32 @!p1 $0x7F, s3  }
0x473: {  	p0 =	slt.s32 @!p1 s3, $0x1;
	p2 =	sne.s32 @!p1 s4, $0x0  }
0x474: {  	s4 =	sshra.s32 @!p1 s3, $0x1F;
	p2 =	por @!p1 !p0, !p2;
	p0 =	por p1, p1  }
0x475: {  	s4 =	sshrl.u32 @!p0 s4, $0x19;
	p2 =	por @!p0 !p2, !p2  }
0x476: {  	s8 =	simm.s32 @!p0 $0x1;
	s4 =	sadd.s32 @!p0 s4, s3;
	p2 =	por !p2, p0  }
0x477: {  	s4 =	sshrl.u32 @!p0 s4, $0x7;
	s8 =	simm.s32 @p2 $0x0  }
0x478: {  	s4 =	ssub.s32 @!p0 s4, s8  }
0x479: {  	s11 =	sshll.u32 @!p0 s4, $0x7  }
0x47a: {  	p2 =	slt.s32 @!p0 s11, $0x30C400  }
0x47b: {  	p2 =	por !p2, p0  }
0x47c: {  	s11 =	simm.s32 @p2 $0x30C400;
	p2 =	slt.s32 s12, s0  }
.Ltmp61:
0x47d: {  	_ = 	snop;
	(pc) =	sbr.rel @!p2 .LBB2_112-.Ltmp61, $4  }
0x47e: {  	_ = 	snop  }
0x47f: {  	s8 =	simm.s32 @!p1 $0x0;
	s4 =	simm.s32 @!p1 $0xC80;
	p1 =	por $0x0, $0x0  }
0x480: {  	v9 =	vbroadcast v5, $0xB;
	v6 =	vimm.f32 $-3.402823470e+38;
	s14 =	sadd.s32 @!p0 s1, s11;
	s11 =	smov.u32 @p0 s6;
	s6 =	simm.s32 @!p0 $0x1  }
0x481: {  	v7 =	vimm.s32 $0x30D400;
	v8 =	vadd.s32 s3, v0;
	[tilespmem:s4], [sflag:$0x1] =	stream.linear.gather @!p0 [hbm4b:s14+s8], $0x8000, $0x38;
	v14 =	vmov s11;
	[tilespmem:$0x1E980] =	vst v63  }
0x482: {  	s3 =	sadd.s32 $0x10, s12;
	s4 =	sadd.s32 $0x1000, s11  }
0x483: {  	_ =	swait.ge @!p0 [sflag:s6], $0x8000;
	p1 =	sle.s32 s3, s4  }
0x484: {  	[sflag:s6] =	ssyncset.done @!p0 $0x0;
	s4 =	sand.u32 @!p1 $0x7F, s12  }
0x485: {  	[sflag:s6] =	ssyncadd.s32 @!p0 $0xFFFF8000;
	p0 =	slt.s32 @!p1 s12, $0x1;
	p2 =	sne.s32 @!p1 s4, $0x0  }
0x486: {  	s4 =	sshra.s32 @!p1 s12, $0x1F;
	p2 =	por @!p1 !p0, !p2;
	p0 =	por p1, p1  }
0x487: {  	vm0 =	vlt.s32 v8, v9;
	v10 =	vsub.s32 v8, v14;
	s4 =	sshrl.u32 @!p0 s4, $0x19;
	p2 =	por @!p0 !p2, !p2  }
0x488: {  	v10 =	vnsel vm0, $0x0, v10;
	s6 =	simm.s32 @!p0 $0x1;
	s4 =	sadd.s32 @!p0 s4, s12;
	p2 =	por !p2, p0  }
0x489: {  	v11 =	vshll.u32 v10, $0x3;
	s4 =	sshrl.u32 @!p0 s4, $0x7;
	s6 =	simm.s32 @p2 $0x0  }
0x48a: {  	v10 =	vand.u32 $0x7F, v10;
	v11 =	vand.u32 $0xFFFFFC00, v11;
	s4 =	ssub.s32 @!p0 s4, s6  }
0x48b: {  	v10 =	vor.u32 v10, v11;
	s8 =	sshll.u32 @!p0 s4, $0x7  }
0x48c: {  	p2 =	slt.s32 @!p0 s8, $0x30C400  }
0x48d: {  	p2 =	por !p2, p0  }
0x48e: {  	s8 =	simm.s32 @p2 $0x30C400;
	p2 =	slt.s32 s3, s0  }
.Ltmp62:
0x48f: {  	_ = 	snop;
	(pc) =	sbr.rel @!p2 .LBB2_114-.Ltmp62, $4  }
0x490: {  	s6 =	simm.s32 @!p1 $0x0;
	v13 =	vld.idx.msk [tilespmem:v10+s10+$0x0], $0xffff  }
0x491: {  	s4 =	simm.s32 @!p1 $0xC80;
	s14 =	sadd.s32 @!p0 s1, s8;
	s8 =	smov.u32 @p0 s11  }
0x492: {  	v12 =	vadd.s32 s12, v0;
	[tilespmem:s4], [sflag:$0x1] =	stream.linear.gather @!p0 [hbm4b:s14+s6], $0x8000, $0x38;
	[tilespmem:$0x1E980] =	vst v63  }
0x493: {  	v11 =	vimm.s32 $0x30D400;
	p1 =	por $0x1, $0x1;
	v10 =	vimm.f32 $-3.402823470e+38;
	s6 =	simm.s32 @!p0 $0x1;
	v14 =	vmov s8  }
.LBB2_115:
0x494: {  	s4 =	smov.u32 s8;
	s8 =	sadd.s32 $0x1000, s8  }
0x495: {  	v14 =	vsub.s32 v12, v14;
	v13 =	vnsel vm0, $0xFF7FFFFF, v13;
	vm0 =	vlt.s32 v12, v9;
	s11 =	smov.u32 s3;
	s3 =	sadd.s32 $0x10, s3;
	_ =	swait.ge @!p0 [sflag:s6], $0x8000  }
0x496: {  	p3 =	sle.s32 s3, s8;
	p2 =	slt.s32 s3, s0;
	v14 =	vnsel vm0, $0x0, v14;
	vm1 =	vgt.f32 v13, v10;
	[sflag:s6] =	ssyncset.done @!p0 $0x0  }
0x497: {  	s8 =	sand.u32 @!p3 $0x7F, s11;
	s12 =	simm.s32 @!p3 $0xC80;
	v15 =	vand.u32 $0x7F, v14;
	v14 =	vshll.u32 v14, $0x3;
	v10 =	vsel vm1, v13, v10;
	[sflag:s6] =	ssyncadd.s32 @!p0 $0xFFFF8000  }
0x498: {  	s14 =	simm.s32 @!p3 $0x0;
	v11 =	vsel vm1, v8, v11;
	v8 =	vmov v12;
	p0 =	slt.s32 @!p3 s11, $0x1;
	p4 =	sne.s32 @!p3 s8, $0x0;
	v13 =	vand.u32 $0xFFFFFC00, v14  }
0x499: {  	s6 =	sshra.s32 @!p3 s11, $0x1F;
	p4 =	por @!p3 !p0, !p4;
	v12 =	vor.u32 v15, v13;
	p0 =	por p3, p3  }
0x49a: {  	s6 =	sshrl.u32 @!p0 s6, $0x19;
	p3 =	por @!p0 !p4, !p4;
	s16 =	simm.s32 @!p0 $0x1  }
0x49b: {  	s8 =	sadd.s32 @!p0 s6, s11;
	s6 =	simm.s32 @!p0 $0x1;
	p3 =	por !p3, p0  }
0x49c: {  	s8 =	sshrl.u32 @!p0 s8, $0x7;
	s16 =	simm.s32 @p3 $0x0  }
0x49d: {  	s8 =	ssub.s32 @!p0 s8, s16  }
0x49e: {  	s8 =	sshll.u32 @!p0 s8, $0x7;
	v13 =	vld.idx.msk [tilespmem:v12+s10+$0x0], $0xffff  }
.Ltmp63:
0x49f: {  	p3 =	slt.s32 @!p0 s8, $0x30C400;
	(pc) =	sbr.rel @p2 .LBB2_115-.Ltmp63, $4  }
0x4a0: {  	p3 =	por !p3, p0  }
0x4a1: {  	s8 =	simm.s32 @p3 $0x30C400  }
0x4a2: {  	s16 =	sadd.s32 @!p0 s1, s8;
	s8 =	smov.u32 @p0 s4  }
0x4a3: {  	v12 =	vadd.s32 s11, v0;
	v14 =	vmov s8;
	[tilespmem:s12], [sflag:$0x1] =	stream.linear.gather @!p0 [hbm4b:s16+s14], $0x8000, $0x38;
	[tilespmem:$0x1E980] =	vst v63  }
0x4a4: {  	s11 =	smov.u32 s8  }
.LBB2_117:
0x4a5: {  	vm1 =	vlt.s32 v12, v9;
	v62 =	vsub.s32 v12, v14  }
0x4a6: {  	v9 =	vnsel vm1, $0x0, v62  }
0x4a7: {  	v63 =	vshll.u32 v9, $0x3  }
0x4a8: {  	v9 =	vand.u32 $0x7F, v9;
	v14 =	vand.u32 $0xFFFFFC00, v63  }
0x4a9: {  	v9 =	vor.u32 v9, v14;
	_ =	sdelay $0x1  }
0x4aa: {  	_ =	swait.ge @!p0 [sflag:s6], $0x8000  }
0x4ab: {  	[sflag:s6] =	ssyncset.done @!p0 $0x0  }
0x4ac: {  	[sflag:s6] =	ssyncadd.s32 @!p0 $0xFFFF8000  }
0x4ad: {  	v9 =	vld.idx.msk [tilespmem:v9+s10+$0x0], $0xffff;
	_ =	sdelay $0x1  }
0x4ae: {  	v13 =	vnsel @p1 vm0, $0xFF7FFFFF, v13  }
0x4af: {  	vm0 =	vgt.f32 @p1 v13, v10  }
0x4b0: {  	v10 =	vsel @p1 vm0, v13, v10  }
0x4b1: {  	v8 =	vsel @p1 vm0, v8, v11;
	v6 =	vpsel p1, v10, v6;
	v9 =	vnsel vm1, $0xFF7FFFFF, v9  }
0x4b2: {  	v7 =	vpsel p1, v8, v7;
	vm15 =	vgt.f32 v9, v6  }
0x4b3: {  	v8 =	vsel vm15, v12, v7  }
0x4b4: {  	s6 =	smov.u32 s11;
	v7 =	vsel vm15, v9, v6;
	v6 =	vxor.u32 $0x80000000, v8  }
.LBB2_118:
0x4b5: {  	(xrf0) =	vmax.scan.msk.f32 $0xffff, v7;
	_ =	sdelay $0x5  }
0x4b6: {  	v8, _, _ =	vpop (xrf0)  }
0x4b7: {  	v8 =	vbroadcast v8, $0xF;
	_ =	sdelay $0x1  }
0x4b8: {  	vm0 =	veq.f32 v7, v8  }
0x4b9: {  	v6 =	vnsel vm0, $0x8030D400, v6  }
0x4ba: {  	(xrf0) =	vmin.scan.msk.u32 $0xffff, v6;
	_ =	sdelay $0x5  }
0x4bb: {  	v6, _, _ =	vpop (xrf0)  }
0x4bc: {  	(v2sf) =	vpush v6, $0xF  }
0x4bd: {  	(v2sf) =	vpush v4, $0xC  }
0x4be: {  	(v2sf) =	vpush v5, $0xC;
	_ =	sdelay $0xc  }
0x4bf: {  	s3 =	spop (v2sf)  }
0x4c0: {  	s8 =	spop (v2sf)  }
0x4c1: {  	s0 =	spop (v2sf)  }
0x4c2: {  	p0 =	sge.s32 s8, s0  }
.Ltmp64:
0x4c3: {  	_ = 	snop;
	(pc) =	sbr.rel @p0 .LBB2_119-.Ltmp64, $2  }
0x4c4: {  	_ =	sdelay $0x2  }
0x4c5: {  	v7 =	vimm.f32 $-3.402823470e+38;
	v6 =	vimm.s32 $0x8030D400  }
0x4c6: {  	s14 =	sadd.s32 $0x10, s8;
	s4 =	sadd.s32 $0x1000, s6  }
0x4c7: {  	p1 =	sle.s32 s14, s4  }
0x4c8: {  	s4 =	sand.u32 @!p1 $0x7F, s8  }
0x4c9: {  	p0 =	slt.s32 @!p1 s8, $0x1;
	p2 =	sne.s32 @!p1 s4, $0x0  }
0x4ca: {  	s4 =	sshra.s32 @!p1 s8, $0x1F;
	p2 =	por @!p1 !p0, !p2;
	p0 =	por p1, p1  }
0x4cb: {  	s4 =	sshrl.u32 @!p0 s4, $0x19;
	p2 =	por @!p0 !p2, !p2  }
0x4cc: {  	s11 =	simm.s32 @!p0 $0x1;
	s4 =	sadd.s32 @!p0 s4, s8;
	p2 =	por !p2, p0  }
0x4cd: {  	s4 =	sshrl.u32 @!p0 s4, $0x7;
	s11 =	simm.s32 @p2 $0x0  }
0x4ce: {  	s4 =	ssub.s32 @!p0 s4, s11  }
0x4cf: {  	s12 =	sshll.u32 @!p0 s4, $0x7  }
0x4d0: {  	p2 =	slt.s32 @!p0 s12, $0x30C400  }
0x4d1: {  	p2 =	por !p2, p0  }
0x4d2: {  	s12 =	simm.s32 @p2 $0x30C400;
	p2 =	slt.s32 s14, s0  }
.Ltmp65:
0x4d3: {  	_ = 	snop;
	(pc) =	sbr.rel @!p2 .LBB2_121-.Ltmp65, $4  }
0x4d4: {  	_ = 	snop  }
0x4d5: {  	s11 =	simm.s32 @!p1 $0x0;
	s4 =	simm.s32 @!p1 $0xC80;
	p1 =	por $0x0, $0x0  }
0x4d6: {  	v11 =	vbroadcast v5, $0xC;
	v8 =	vimm.f32 $-3.402823470e+38;
	s16 =	sadd.s32 @!p0 s1, s12;
	s12 =	smov.u32 @p0 s6;
	s6 =	simm.s32 @!p0 $0x1  }
0x4d7: {  	v9 =	vimm.s32 $0x30D400;
	v10 =	vadd.s32 s8, v0;
	[tilespmem:s4], [sflag:$0x1] =	stream.linear.gather @!p0 [hbm4b:s16+s11], $0x8000, $0x38;
	v16 =	vmov s12;
	[tilespmem:$0x1E980] =	vst v63  }
0x4d8: {  	s11 =	sadd.s32 $0x10, s14;
	s4 =	sadd.s32 $0x1000, s12  }
0x4d9: {  	_ =	swait.ge @!p0 [sflag:s6], $0x8000;
	p1 =	sle.s32 s11, s4  }
0x4da: {  	[sflag:s6] =	ssyncset.done @!p0 $0x0;
	s4 =	sand.u32 @!p1 $0x7F, s14  }
0x4db: {  	[sflag:s6] =	ssyncadd.s32 @!p0 $0xFFFF8000;
	p0 =	slt.s32 @!p1 s14, $0x1;
	p2 =	sne.s32 @!p1 s4, $0x0  }
0x4dc: {  	s4 =	sshra.s32 @!p1 s14, $0x1F;
	p2 =	por @!p1 !p0, !p2;
	p0 =	por p1, p1  }
0x4dd: {  	vm0 =	vlt.s32 v10, v11;
	v12 =	vsub.s32 v10, v16;
	s4 =	sshrl.u32 @!p0 s4, $0x19;
	p2 =	por @!p0 !p2, !p2  }
0x4de: {  	v12 =	vnsel vm0, $0x0, v12;
	s6 =	simm.s32 @!p0 $0x1;
	s4 =	sadd.s32 @!p0 s4, s14;
	p2 =	por !p2, p0  }
0x4df: {  	v13 =	vshll.u32 v12, $0x3;
	s4 =	sshrl.u32 @!p0 s4, $0x7;
	s6 =	simm.s32 @p2 $0x0  }
0x4e0: {  	v12 =	vand.u32 $0x7F, v12;
	v13 =	vand.u32 $0xFFFFFC00, v13;
	s4 =	ssub.s32 @!p0 s4, s6  }
0x4e1: {  	v12 =	vor.u32 v12, v13;
	s8 =	sshll.u32 @!p0 s4, $0x7  }
0x4e2: {  	p2 =	slt.s32 @!p0 s8, $0x30C400  }
0x4e3: {  	p2 =	por !p2, p0  }
0x4e4: {  	s8 =	simm.s32 @p2 $0x30C400;
	p2 =	slt.s32 s11, s0  }
.Ltmp66:
0x4e5: {  	_ = 	snop;
	(pc) =	sbr.rel @!p2 .LBB2_123-.Ltmp66, $4  }
0x4e6: {  	s6 =	simm.s32 @!p1 $0x0;
	v15 =	vld.idx.msk [tilespmem:v12+s10+$0x0], $0xffff  }
0x4e7: {  	s4 =	simm.s32 @!p1 $0xC80;
	s16 =	sadd.s32 @!p0 s1, s8;
	s8 =	smov.u32 @p0 s12  }
0x4e8: {  	v14 =	vadd.s32 s14, v0;
	[tilespmem:s4], [sflag:$0x1] =	stream.linear.gather @!p0 [hbm4b:s16+s6], $0x8000, $0x38;
	[tilespmem:$0x1E980] =	vst v63  }
0x4e9: {  	v13 =	vimm.s32 $0x30D400;
	p1 =	por $0x1, $0x1;
	v12 =	vimm.f32 $-3.402823470e+38;
	s6 =	simm.s32 @!p0 $0x1;
	v16 =	vmov s8  }
.LBB2_124:
0x4ea: {  	s4 =	smov.u32 s8;
	s8 =	sadd.s32 $0x1000, s8  }
0x4eb: {  	v16 =	vsub.s32 v14, v16;
	v15 =	vnsel vm0, $0xFF7FFFFF, v15;
	vm0 =	vlt.s32 v14, v11;
	s12 =	smov.u32 s11;
	s11 =	sadd.s32 $0x10, s11;
	_ =	swait.ge @!p0 [sflag:s6], $0x8000  }
0x4ec: {  	p3 =	sle.s32 s11, s8;
	p2 =	slt.s32 s11, s0;
	v16 =	vnsel vm0, $0x0, v16;
	vm1 =	vgt.f32 v15, v12;
	[sflag:s6] =	ssyncset.done @!p0 $0x0  }
0x4ed: {  	s8 =	sand.u32 @!p3 $0x7F, s12;
	s14 =	simm.s32 @!p3 $0xC80;
	v17 =	vand.u32 $0x7F, v16;
	v16 =	vshll.u32 v16, $0x3;
	v12 =	vsel vm1, v15, v12;
	[sflag:s6] =	ssyncadd.s32 @!p0 $0xFFFF8000  }
0x4ee: {  	s16 =	simm.s32 @!p3 $0x0;
	v13 =	vsel vm1, v10, v13;
	v10 =	vmov v14;
	p0 =	slt.s32 @!p3 s12, $0x1;
	p4 =	sne.s32 @!p3 s8, $0x0;
	v15 =	vand.u32 $0xFFFFFC00, v16  }
0x4ef: {  	s6 =	sshra.s32 @!p3 s12, $0x1F;
	p4 =	por @!p3 !p0, !p4;
	v14 =	vor.u32 v17, v15;
	p0 =	por p3, p3  }
0x4f0: {  	s6 =	sshrl.u32 @!p0 s6, $0x19;
	p3 =	por @!p0 !p4, !p4;
	s31 =	simm.s32 @!p0 $0x1  }
0x4f1: {  	s8 =	sadd.s32 @!p0 s6, s12;
	s6 =	simm.s32 @!p0 $0x1;
	p3 =	por !p3, p0  }
0x4f2: {  	s8 =	sshrl.u32 @!p0 s8, $0x7;
	s31 =	simm.s32 @p3 $0x0  }
0x4f3: {  	s8 =	ssub.s32 @!p0 s8, s31  }
0x4f4: {  	s8 =	sshll.u32 @!p0 s8, $0x7;
	v15 =	vld.idx.msk [tilespmem:v14+s10+$0x0], $0xffff  }
.Ltmp67:
0x4f5: {  	p3 =	slt.s32 @!p0 s8, $0x30C400;
	(pc) =	sbr.rel @p2 .LBB2_124-.Ltmp67, $4  }
0x4f6: {  	p3 =	por !p3, p0  }
0x4f7: {  	s8 =	simm.s32 @p3 $0x30C400  }
0x4f8: {  	s31 =	sadd.s32 @!p0 s1, s8;
	s8 =	smov.u32 @p0 s4  }
0x4f9: {  	v14 =	vadd.s32 s12, v0;
	v16 =	vmov s8;
	[tilespmem:s14], [sflag:$0x1] =	stream.linear.gather @!p0 [hbm4b:s31+s16], $0x8000, $0x38;
	[tilespmem:$0x1E980] =	vst v63  }
0x4fa: {  	s12 =	smov.u32 s8  }
.LBB2_126:
0x4fb: {  	vm1 =	vlt.s32 v14, v11;
	v11 =	vsub.s32 v14, v16  }
0x4fc: {  	v11 =	vnsel vm1, $0x0, v11  }
0x4fd: {  	v63 =	vshll.u32 v11, $0x3  }
0x4fe: {  	v11 =	vand.u32 $0x7F, v11;
	v16 =	vand.u32 $0xFFFFFC00, v63  }
0x4ff: {  	v11 =	vor.u32 v11, v16;
	_ =	sdelay $0x1  }
0x500: {  	_ =	swait.ge @!p0 [sflag:s6], $0x8000  }
0x501: {  	[sflag:s6] =	ssyncset.done @!p0 $0x0  }
0x502: {  	[sflag:s6] =	ssyncadd.s32 @!p0 $0xFFFF8000  }
0x503: {  	v11 =	vld.idx.msk [tilespmem:v11+s10+$0x0], $0xffff;
	_ =	sdelay $0x1  }
0x504: {  	v15 =	vnsel @p1 vm0, $0xFF7FFFFF, v15  }
0x505: {  	vm0 =	vgt.f32 @p1 v15, v12  }
.Ltmp68:
0x506: {  	v12 =	vsel @p1 vm0, v15, v12;
	(pc) =	sbr.rel .LBB2_127-.Ltmp68, $4  }
0x507: {  	v10 =	vsel @p1 vm0, v10, v13;
	v8 =	vpsel p1, v12, v8;
	v11 =	vnsel vm1, $0xFF7FFFFF, v11  }
0x508: {  	v9 =	vpsel p1, v10, v9;
	vm15 =	vgt.f32 v11, v8  }
0x509: {  	v9 =	vsel vm15, v14, v9  }
0x50a: {  	s6 =	smov.u32 s12;
	v8 =	vsel vm15, v11, v8;
	v9 =	vxor.u32 $0x80000000, v9  }
.LBB2_119:
0x50b: {  	v8 =	vimm.f32 $-3.402823470e+38;
	v9 =	vimm.s32 $0x8030D400  }
.LBB2_127:
0x50c: {  	(xrf0) =	vmax.scan.msk.f32 $0xffff, v8;
	_ =	sdelay $0x5  }
0x50d: {  	v10, _, _ =	vpop (xrf0)  }
0x50e: {  	v10 =	vbroadcast v10, $0xF;
	_ =	sdelay $0x1  }
0x50f: {  	vm0 =	veq.f32 v8, v10  }
0x510: {  	v8 =	vnsel vm0, $0x8030D400, v9  }
0x511: {  	(xrf0) =	vmin.scan.msk.u32 $0xffff, v8;
	_ =	sdelay $0x5  }
0x512: {  	v8, _, _ =	vpop (xrf0)  }
0x513: {  	(v2sf) =	vpush v8, $0xF  }
0x514: {  	(v2sf) =	vpush v4, $0xD  }
0x515: {  	(v2sf) =	vpush v5, $0xD;
	_ =	sdelay $0xc  }
0x516: {  	s0 =	spop (v2sf)  }
0x517: {  	s4 =	spop (v2sf)  }
0x518: {  	s11 =	spop (v2sf)  }
0x519: {  	p0 =	sge.s32 s4, s11  }
.Ltmp69:
0x51a: {  	_ = 	snop;
	(pc) =	sbr.rel @p0 .LBB2_135-.Ltmp69, $1  }
0x51b: {  	_ =	sdelay $0x3  }
0x51c: {  	s16 =	sadd.s32 $0x10, s4;
	s8 =	sadd.s32 $0x1000, s6  }
0x51d: {  	p1 =	sle.s32 s16, s8  }
0x51e: {  	s8 =	sand.u32 @!p1 $0x7F, s4  }
0x51f: {  	p0 =	slt.s32 @!p1 s4, $0x1;
	p2 =	sne.s32 @!p1 s8, $0x0  }
0x520: {  	s8 =	sshra.s32 @!p1 s4, $0x1F;
	p2 =	por @!p1 !p0, !p2;
	p0 =	por p1, p1  }
0x521: {  	s8 =	sshrl.u32 @!p0 s8, $0x19;
	p2 =	por @!p0 !p2, !p2  }
0x522: {  	s12 =	simm.s32 @!p0 $0x1;
	s8 =	sadd.s32 @!p0 s8, s4;
	p2 =	por !p2, p0  }
0x523: {  	s8 =	sshrl.u32 @!p0 s8, $0x7;
	s12 =	simm.s32 @p2 $0x0  }
0x524: {  	s8 =	ssub.s32 @!p0 s8, s12  }
0x525: {  	s14 =	sshll.u32 @!p0 s8, $0x7  }
0x526: {  	p2 =	slt.s32 @!p0 s14, $0x30C400  }
0x527: {  	p2 =	por !p2, p0  }
0x528: {  	s14 =	simm.s32 @p2 $0x30C400;
	p2 =	slt.s32 s16, s11  }
.Ltmp70:
0x529: {  	_ = 	snop;
	(pc) =	sbr.rel @!p2 .LBB2_129-.Ltmp70, $4  }
0x52a: {  	_ = 	snop  }
0x52b: {  	s12 =	simm.s32 @!p1 $0x0;
	s8 =	simm.s32 @!p1 $0xC80;
	p1 =	por $0x0, $0x0  }
0x52c: {  	v9 =	vbroadcast v5, $0xD;
	v6 =	vimm.f32 $-3.402823470e+38;
	s31 =	sadd.s32 @!p0 s1, s14;
	s14 =	smov.u32 @p0 s6;
	s6 =	simm.s32 @!p0 $0x1  }
0x52d: {  	v7 =	vimm.s32 $0x30D400;
	v8 =	vadd.s32 s4, v0;
	[tilespmem:s8], [sflag:$0x1] =	stream.linear.gather @!p0 [hbm4b:s31+s12], $0x8000, $0x38;
	v14 =	vmov s14;
	[tilespmem:$0x1E980] =	vst v63  }
0x52e: {  	s12 =	sadd.s32 $0x10, s16;
	s4 =	sadd.s32 $0x1000, s14  }
0x52f: {  	_ =	swait.ge @!p0 [sflag:s6], $0x8000;
	p1 =	sle.s32 s12, s4  }
0x530: {  	[sflag:s6] =	ssyncset.done @!p0 $0x0;
	s4 =	sand.u32 @!p1 $0x7F, s16  }
0x531: {  	[sflag:s6] =	ssyncadd.s32 @!p0 $0xFFFF8000;
	p0 =	slt.s32 @!p1 s16, $0x1;
	p2 =	sne.s32 @!p1 s4, $0x0  }
0x532: {  	s4 =	sshra.s32 @!p1 s16, $0x1F;
	p2 =	por @!p1 !p0, !p2;
	p0 =	por p1, p1  }
0x533: {  	vm0 =	vlt.s32 v8, v9;
	v10 =	vsub.s32 v8, v14;
	s4 =	sshrl.u32 @!p0 s4, $0x19;
	p2 =	por @!p0 !p2, !p2  }
0x534: {  	v10 =	vnsel vm0, $0x0, v10;
	s6 =	simm.s32 @!p0 $0x1;
	s4 =	sadd.s32 @!p0 s4, s16;
	p2 =	por !p2, p0  }
0x535: {  	v11 =	vshll.u32 v10, $0x3;
	s4 =	sshrl.u32 @!p0 s4, $0x7;
	s6 =	simm.s32 @p2 $0x0  }
0x536: {  	v10 =	vand.u32 $0x7F, v10;
	v11 =	vand.u32 $0xFFFFFC00, v11;
	s4 =	ssub.s32 @!p0 s4, s6  }
0x537: {  	v10 =	vor.u32 v10, v11;
	s8 =	sshll.u32 @!p0 s4, $0x7  }
0x538: {  	p2 =	slt.s32 @!p0 s8, $0x30C400  }
0x539: {  	p2 =	por !p2, p0  }
0x53a: {  	s8 =	simm.s32 @p2 $0x30C400;
	p2 =	slt.s32 s12, s11  }
.Ltmp71:
0x53b: {  	_ = 	snop;
	(pc) =	sbr.rel @!p2 .LBB2_131-.Ltmp71, $4  }
0x53c: {  	s6 =	simm.s32 @!p1 $0x0;
	v13 =	vld.idx.msk [tilespmem:v10+s10+$0x0], $0xffff  }
0x53d: {  	s4 =	simm.s32 @!p1 $0xC80;
	s31 =	sadd.s32 @!p0 s1, s8;
	s8 =	smov.u32 @p0 s14  }
0x53e: {  	v12 =	vadd.s32 s16, v0;
	[tilespmem:s4], [sflag:$0x1] =	stream.linear.gather @!p0 [hbm4b:s31+s6], $0x8000, $0x38;
	[tilespmem:$0x1E980] =	vst v63  }
0x53f: {  	v11 =	vimm.s32 $0x30D400;
	p1 =	por $0x1, $0x1;
	v10 =	vimm.f32 $-3.402823470e+38;
	s6 =	simm.s32 @!p0 $0x1;
	v14 =	vmov s8  }
.LBB2_132:
0x540: {  	s4 =	smov.u32 s8;
	s8 =	sadd.s32 $0x1000, s8  }
0x541: {  	v14 =	vsub.s32 v12, v14;
	v13 =	vnsel vm0, $0xFF7FFFFF, v13;
	vm0 =	vlt.s32 v12, v9;
	s14 =	smov.u32 s12;
	s12 =	sadd.s32 $0x10, s12;
	_ =	swait.ge @!p0 [sflag:s6], $0x8000  }
0x542: {  	p3 =	sle.s32 s12, s8;
	p2 =	slt.s32 s12, s11;
	v14 =	vnsel vm0, $0x0, v14;
	vm1 =	vgt.f32 v13, v10;
	[sflag:s6] =	ssyncset.done @!p0 $0x0  }
0x543: {  	s8 =	sand.u32 @!p3 $0x7F, s14;
	s16 =	simm.s32 @!p3 $0xC80;
	v15 =	vand.u32 $0x7F, v14;
	v14 =	vshll.u32 v14, $0x3;
	v10 =	vsel vm1, v13, v10;
	[sflag:s6] =	ssyncadd.s32 @!p0 $0xFFFF8000  }
0x544: {  	s31 =	simm.s32 @!p3 $0x0;
	v11 =	vsel vm1, v8, v11;
	v8 =	vmov v12;
	p0 =	slt.s32 @!p3 s14, $0x1;
	p4 =	sne.s32 @!p3 s8, $0x0;
	v13 =	vand.u32 $0xFFFFFC00, v14  }
0x545: {  	s6 =	sshra.s32 @!p3 s14, $0x1F;
	p4 =	por @!p3 !p0, !p4;
	v12 =	vor.u32 v15, v13;
	p0 =	por p3, p3  }
0x546: {  	s6 =	sshrl.u32 @!p0 s6, $0x19;
	p3 =	por @!p0 !p4, !p4;
	s9 =	simm.s32 @!p0 $0x1  }
0x547: {  	s8 =	sadd.s32 @!p0 s6, s14;
	s6 =	simm.s32 @!p0 $0x1;
	p3 =	por !p3, p0  }
0x548: {  	s8 =	sshrl.u32 @!p0 s8, $0x7;
	s9 =	simm.s32 @p3 $0x0  }
0x549: {  	s8 =	ssub.s32 @!p0 s8, s9  }
0x54a: {  	s8 =	sshll.u32 @!p0 s8, $0x7;
	v13 =	vld.idx.msk [tilespmem:v12+s10+$0x0], $0xffff  }
.Ltmp72:
0x54b: {  	p3 =	slt.s32 @!p0 s8, $0x30C400;
	(pc) =	sbr.rel @p2 .LBB2_132-.Ltmp72, $4  }
0x54c: {  	p3 =	por !p3, p0  }
0x54d: {  	s8 =	simm.s32 @p3 $0x30C400  }
0x54e: {  	s9 =	sadd.s32 @!p0 s1, s8;
	s8 =	smov.u32 @p0 s4  }
0x54f: {  	v12 =	vadd.s32 s14, v0;
	v14 =	vmov s8;
	[tilespmem:s16], [sflag:$0x1] =	stream.linear.gather @!p0 [hbm4b:s9+s31], $0x8000, $0x38;
	[tilespmem:$0x1E980] =	vst v63  }
0x550: {  	s14 =	smov.u32 s8  }
.LBB2_134:
0x551: {  	vm1 =	vlt.s32 v12, v9;
	v62 =	vsub.s32 v12, v14  }
0x552: {  	v9 =	vnsel vm1, $0x0, v62  }
0x553: {  	v63 =	vshll.u32 v9, $0x3  }
0x554: {  	v9 =	vand.u32 $0x7F, v9;
	v14 =	vand.u32 $0xFFFFFC00, v63  }
0x555: {  	v9 =	vor.u32 v9, v14;
	_ =	sdelay $0x1  }
0x556: {  	_ =	swait.ge @!p0 [sflag:s6], $0x8000  }
0x557: {  	[sflag:s6] =	ssyncset.done @!p0 $0x0  }
0x558: {  	[sflag:s6] =	ssyncadd.s32 @!p0 $0xFFFF8000  }
0x559: {  	v9 =	vld.idx.msk [tilespmem:v9+s10+$0x0], $0xffff;
	_ =	sdelay $0x1  }
0x55a: {  	v13 =	vnsel @p1 vm0, $0xFF7FFFFF, v13  }
0x55b: {  	vm0 =	vgt.f32 @p1 v13, v10  }
0x55c: {  	v10 =	vsel @p1 vm0, v13, v10  }
0x55d: {  	v8 =	vsel @p1 vm0, v8, v11;
	v6 =	vpsel p1, v10, v6;
	v9 =	vnsel vm1, $0xFF7FFFFF, v9  }
0x55e: {  	v7 =	vpsel p1, v8, v7;
	vm15 =	vgt.f32 v9, v6  }
0x55f: {  	v8 =	vsel vm15, v12, v7  }
0x560: {  	s6 =	smov.u32 s14;
	v7 =	vsel vm15, v9, v6;
	v6 =	vxor.u32 $0x80000000, v8  }
.LBB2_135:
0x561: {  	(xrf0) =	vmax.scan.msk.f32 $0xffff, v7;
	_ =	sdelay $0x5  }
0x562: {  	v8, _, _ =	vpop (xrf0)  }
0x563: {  	v8 =	vbroadcast v8, $0xF;
	_ =	sdelay $0x1  }
0x564: {  	vm0 =	veq.f32 v7, v8  }
0x565: {  	v6 =	vnsel vm0, $0x8030D400, v6  }
0x566: {  	(xrf0) =	vmin.scan.msk.u32 $0xffff, v6;
	_ =	sdelay $0x5  }
0x567: {  	v6, _, _ =	vpop (xrf0)  }
0x568: {  	(v2sf) =	vpush v6, $0xF  }
0x569: {  	(v2sf) =	vpush v4, $0xE  }
0x56a: {  	(v2sf) =	vpush v5, $0xE;
	_ =	sdelay $0xc  }
0x56b: {  	s11 =	spop (v2sf)  }
0x56c: {  	s8 =	spop (v2sf)  }
0x56d: {  	s12 =	spop (v2sf)  }
0x56e: {  	p0 =	sge.s32 s8, s12  }
.Ltmp73:
0x56f: {  	_ = 	snop;
	(pc) =	sbr.rel @p0 .LBB2_136-.Ltmp73, $2  }
0x570: {  	_ =	sdelay $0x2  }
0x571: {  	v7 =	vimm.f32 $-3.402823470e+38;
	v6 =	vimm.s32 $0x8030D400  }
0x572: {  	s16 =	sadd.s32 $0x10, s8;
	s4 =	sadd.s32 $0x1000, s6  }
0x573: {  	p1 =	sle.s32 s16, s4  }
0x574: {  	s4 =	sand.u32 @!p1 $0x7F, s8  }
0x575: {  	p0 =	slt.s32 @!p1 s8, $0x1;
	p2 =	sne.s32 @!p1 s4, $0x0  }
0x576: {  	s4 =	sshra.s32 @!p1 s8, $0x1F;
	p2 =	por @!p1 !p0, !p2;
	p0 =	por p1, p1  }
0x577: {  	s4 =	sshrl.u32 @!p0 s4, $0x19;
	p2 =	por @!p0 !p2, !p2  }
0x578: {  	s9 =	simm.s32 @!p0 $0x1;
	s4 =	sadd.s32 @!p0 s4, s8;
	p2 =	por !p2, p0  }
0x579: {  	s4 =	sshrl.u32 @!p0 s4, $0x7;
	s9 =	simm.s32 @p2 $0x0  }
0x57a: {  	s4 =	ssub.s32 @!p0 s4, s9  }
0x57b: {  	s31 =	sshll.u32 @!p0 s4, $0x7  }
0x57c: {  	p2 =	slt.s32 @!p0 s31, $0x30C400  }
0x57d: {  	p2 =	por !p2, p0  }
0x57e: {  	s31 =	simm.s32 @p2 $0x30C400;
	p2 =	slt.s32 s16, s12  }
.Ltmp74:
0x57f: {  	_ = 	snop;
	(pc) =	sbr.rel @!p2 .LBB2_138-.Ltmp74, $4  }
0x580: {  	_ = 	snop  }
0x581: {  	s9 =	simm.s32 @!p1 $0x0;
	s4 =	simm.s32 @!p1 $0xC80;
	p1 =	por $0x0, $0x0  }
0x582: {  	v11 =	vbroadcast v5, $0xE;
	v8 =	vimm.f32 $-3.402823470e+38;
	s14 =	sadd.s32 @!p0 s1, s31;
	s31 =	smov.u32 @p0 s6;
	s6 =	simm.s32 @!p0 $0x1  }
0x583: {  	v9 =	vimm.s32 $0x30D400;
	v10 =	vadd.s32 s8, v0;
	[tilespmem:s4], [sflag:$0x1] =	stream.linear.gather @!p0 [hbm4b:s14+s9], $0x8000, $0x38;
	v16 =	vmov s31;
	[tilespmem:$0x1E980] =	vst v63  }
0x584: {  	s14 =	sadd.s32 $0x10, s16;
	s4 =	sadd.s32 $0x1000, s31  }
0x585: {  	_ =	swait.ge @!p0 [sflag:s6], $0x8000;
	p1 =	sle.s32 s14, s4  }
0x586: {  	[sflag:s6] =	ssyncset.done @!p0 $0x0;
	s4 =	sand.u32 @!p1 $0x7F, s16  }
0x587: {  	[sflag:s6] =	ssyncadd.s32 @!p0 $0xFFFF8000;
	p0 =	slt.s32 @!p1 s16, $0x1;
	p2 =	sne.s32 @!p1 s4, $0x0  }
0x588: {  	s4 =	sshra.s32 @!p1 s16, $0x1F;
	p2 =	por @!p1 !p0, !p2;
	p0 =	por p1, p1  }
0x589: {  	vm0 =	vlt.s32 v10, v11;
	v12 =	vsub.s32 v10, v16;
	s4 =	sshrl.u32 @!p0 s4, $0x19;
	p2 =	por @!p0 !p2, !p2  }
0x58a: {  	v12 =	vnsel vm0, $0x0, v12;
	s6 =	simm.s32 @!p0 $0x1;
	s4 =	sadd.s32 @!p0 s4, s16;
	p2 =	por !p2, p0  }
0x58b: {  	v13 =	vshll.u32 v12, $0x3;
	s4 =	sshrl.u32 @!p0 s4, $0x7;
	s6 =	simm.s32 @p2 $0x0  }
0x58c: {  	v12 =	vand.u32 $0x7F, v12;
	v13 =	vand.u32 $0xFFFFFC00, v13;
	s4 =	ssub.s32 @!p0 s4, s6  }
0x58d: {  	v12 =	vor.u32 v12, v13;
	s8 =	sshll.u32 @!p0 s4, $0x7  }
0x58e: {  	p2 =	slt.s32 @!p0 s8, $0x30C400  }
0x58f: {  	p2 =	por !p2, p0  }
0x590: {  	s8 =	simm.s32 @p2 $0x30C400;
	p2 =	slt.s32 s14, s12  }
.Ltmp75:
0x591: {  	_ = 	snop;
	(pc) =	sbr.rel @!p2 .LBB2_140-.Ltmp75, $4  }
0x592: {  	s6 =	simm.s32 @!p1 $0x0;
	v15 =	vld.idx.msk [tilespmem:v12+s10+$0x0], $0xffff  }
0x593: {  	s4 =	simm.s32 @!p1 $0xC80;
	s9 =	sadd.s32 @!p0 s1, s8;
	s8 =	smov.u32 @p0 s31  }
0x594: {  	v14 =	vadd.s32 s16, v0;
	[tilespmem:s4], [sflag:$0x1] =	stream.linear.gather @!p0 [hbm4b:s9+s6], $0x8000, $0x38;
	[tilespmem:$0x1E980] =	vst v63  }
0x595: {  	v13 =	vimm.s32 $0x30D400;
	p1 =	por $0x1, $0x1;
	v12 =	vimm.f32 $-3.402823470e+38;
	s6 =	simm.s32 @!p0 $0x1;
	v16 =	vmov s8  }
.LBB2_141:
0x596: {  	s4 =	smov.u32 s8;
	s8 =	sadd.s32 $0x1000, s8  }
0x597: {  	v16 =	vsub.s32 v14, v16;
	v15 =	vnsel vm0, $0xFF7FFFFF, v15;
	vm0 =	vlt.s32 v14, v11;
	s9 =	smov.u32 s14;
	s14 =	sadd.s32 $0x10, s14;
	_ =	swait.ge @!p0 [sflag:s6], $0x8000  }
0x598: {  	p3 =	sle.s32 s14, s8;
	p2 =	slt.s32 s14, s12;
	v16 =	vnsel vm0, $0x0, v16;
	vm1 =	vgt.f32 v15, v12;
	[sflag:s6] =	ssyncset.done @!p0 $0x0  }
0x599: {  	s8 =	sand.u32 @!p3 $0x7F, s9;
	s16 =	simm.s32 @!p3 $0xC80;
	v17 =	vand.u32 $0x7F, v16;
	v16 =	vshll.u32 v16, $0x3;
	v12 =	vsel vm1, v15, v12;
	[sflag:s6] =	ssyncadd.s32 @!p0 $0xFFFF8000  }
0x59a: {  	s31 =	simm.s32 @!p3 $0x0;
	v13 =	vsel vm1, v10, v13;
	v10 =	vmov v14;
	p0 =	slt.s32 @!p3 s9, $0x1;
	p4 =	sne.s32 @!p3 s8, $0x0;
	v15 =	vand.u32 $0xFFFFFC00, v16  }
0x59b: {  	s6 =	sshra.s32 @!p3 s9, $0x1F;
	p4 =	por @!p3 !p0, !p4;
	v14 =	vor.u32 v17, v15;
	p0 =	por p3, p3  }
0x59c: {  	s6 =	sshrl.u32 @!p0 s6, $0x19;
	p3 =	por @!p0 !p4, !p4;
	s15 =	simm.s32 @!p0 $0x1  }
0x59d: {  	s8 =	sadd.s32 @!p0 s6, s9;
	s6 =	simm.s32 @!p0 $0x1;
	p3 =	por !p3, p0  }
0x59e: {  	s8 =	sshrl.u32 @!p0 s8, $0x7;
	s15 =	simm.s32 @p3 $0x0  }
0x59f: {  	s8 =	ssub.s32 @!p0 s8, s15  }
0x5a0: {  	s8 =	sshll.u32 @!p0 s8, $0x7;
	v15 =	vld.idx.msk [tilespmem:v14+s10+$0x0], $0xffff  }
.Ltmp76:
0x5a1: {  	p3 =	slt.s32 @!p0 s8, $0x30C400;
	(pc) =	sbr.rel @p2 .LBB2_141-.Ltmp76, $4  }
0x5a2: {  	p3 =	por !p3, p0  }
0x5a3: {  	s8 =	simm.s32 @p3 $0x30C400  }
0x5a4: {  	s15 =	sadd.s32 @!p0 s1, s8;
	s8 =	smov.u32 @p0 s4  }
0x5a5: {  	v14 =	vadd.s32 s9, v0;
	v16 =	vmov s8;
	[tilespmem:s16], [sflag:$0x1] =	stream.linear.gather @!p0 [hbm4b:s15+s31], $0x8000, $0x38;
	[tilespmem:$0x1E980] =	vst v63  }
0x5a6: {  	s31 =	smov.u32 s8  }
.LBB2_143:
0x5a7: {  	vm1 =	vlt.s32 v14, v11;
	v11 =	vsub.s32 v14, v16  }
0x5a8: {  	v11 =	vnsel vm1, $0x0, v11  }
0x5a9: {  	v63 =	vshll.u32 v11, $0x3  }
0x5aa: {  	v11 =	vand.u32 $0x7F, v11;
	v16 =	vand.u32 $0xFFFFFC00, v63  }
0x5ab: {  	v11 =	vor.u32 v11, v16;
	_ =	sdelay $0x1  }
0x5ac: {  	_ =	swait.ge @!p0 [sflag:s6], $0x8000  }
0x5ad: {  	[sflag:s6] =	ssyncset.done @!p0 $0x0  }
0x5ae: {  	[sflag:s6] =	ssyncadd.s32 @!p0 $0xFFFF8000  }
0x5af: {  	v11 =	vld.idx.msk [tilespmem:v11+s10+$0x0], $0xffff;
	_ =	sdelay $0x1  }
0x5b0: {  	v15 =	vnsel @p1 vm0, $0xFF7FFFFF, v15  }
0x5b1: {  	vm0 =	vgt.f32 @p1 v15, v12  }
.Ltmp77:
0x5b2: {  	v12 =	vsel @p1 vm0, v15, v12;
	(pc) =	sbr.rel .LBB2_144-.Ltmp77, $4  }
0x5b3: {  	v10 =	vsel @p1 vm0, v10, v13;
	v8 =	vpsel p1, v12, v8;
	v11 =	vnsel vm1, $0xFF7FFFFF, v11  }
0x5b4: {  	v9 =	vpsel p1, v10, v9;
	vm15 =	vgt.f32 v11, v8  }
0x5b5: {  	v9 =	vsel vm15, v14, v9  }
0x5b6: {  	s6 =	smov.u32 s31;
	v8 =	vsel vm15, v11, v8;
	v9 =	vxor.u32 $0x80000000, v9  }
.LBB2_136:
0x5b7: {  	v8 =	vimm.f32 $-3.402823470e+38;
	v9 =	vimm.s32 $0x8030D400  }
.LBB2_144:
0x5b8: {  	(xrf0) =	vmax.scan.msk.f32 $0xffff, v8;
	_ =	sdelay $0x5  }
0x5b9: {  	v10, _, _ =	vpop (xrf0)  }
0x5ba: {  	v10 =	vbroadcast v10, $0xF;
	_ =	sdelay $0x1  }
0x5bb: {  	vm0 =	veq.f32 v8, v10  }
0x5bc: {  	v8 =	vnsel vm0, $0x8030D400, v9  }
0x5bd: {  	(xrf0) =	vmin.scan.msk.u32 $0xffff, v8;
	_ =	sdelay $0x5  }
0x5be: {  	v8, _, _ =	vpop (xrf0)  }
0x5bf: {  	(v2sf) =	vpush v8, $0xF  }
0x5c0: {  	(v2sf) =	vpush v4, $0xF  }
0x5c1: {  	(v2sf) =	vpush v5, $0xF;
	_ =	sdelay $0xc  }
0x5c2: {  	s12 =	spop (v2sf)  }
0x5c3: {  	s16 =	spop (v2sf)  }
0x5c4: {  	s14 =	spop (v2sf)  }
0x5c5: {  	p0 =	sge.s32 s16, s14  }
.Ltmp78:
0x5c6: {  	_ = 	snop;
	(pc) =	sbr.rel @p0 .LBB2_152-.Ltmp78, $1  }
0x5c7: {  	_ =	sdelay $0x3  }
0x5c8: {  	s8 =	sadd.s32 $0x10, s16;
	s4 =	sadd.s32 $0x1000, s6  }
0x5c9: {  	p1 =	sle.s32 s8, s4  }
0x5ca: {  	s4 =	sand.u32 @!p1 $0x7F, s16  }
0x5cb: {  	p0 =	slt.s32 @!p1 s16, $0x1;
	p2 =	sne.s32 @!p1 s4, $0x0  }
0x5cc: {  	s4 =	sshra.s32 @!p1 s16, $0x1F;
	p2 =	por @!p1 !p0, !p2;
	p0 =	por p1, p1  }
0x5cd: {  	s4 =	sshrl.u32 @!p0 s4, $0x19;
	p2 =	por @!p0 !p2, !p2  }
0x5ce: {  	s9 =	simm.s32 @!p0 $0x1;
	s4 =	sadd.s32 @!p0 s4, s16;
	p2 =	por !p2, p0  }
0x5cf: {  	s4 =	sshrl.u32 @!p0 s4, $0x7;
	s9 =	simm.s32 @p2 $0x0  }
0x5d0: {  	s4 =	ssub.s32 @!p0 s4, s9  }
0x5d1: {  	s4 =	sshll.u32 @!p0 s4, $0x7  }
0x5d2: {  	p2 =	slt.s32 @!p0 s4, $0x30C400  }
0x5d3: {  	p2 =	por !p2, p0  }
0x5d4: {  	s4 =	simm.s32 @p2 $0x30C400;
	p2 =	slt.s32 s8, s14  }
.Ltmp79:
0x5d5: {  	_ = 	snop;
	(pc) =	sbr.rel @!p2 .LBB2_146-.Ltmp79, $4  }
0x5d6: {  	_ = 	snop  }
0x5d7: {  	s15 =	simm.s32 @!p1 $0x0;
	s9 =	simm.s32 @!p1 $0xC80;
	p1 =	por $0x0, $0x0  }
0x5d8: {  	v9 =	vbroadcast v5, $0xF;
	v6 =	vimm.f32 $-3.402823470e+38;
	s31 =	sadd.s32 @!p0 s1, s4;
	s4 =	smov.u32 @p0 s6;
	s6 =	simm.s32 @!p0 $0x1  }
0x5d9: {  	v7 =	vimm.s32 $0x30D400;
	v8 =	vadd.s32 s16, v0;
	[tilespmem:s9], [sflag:$0x1] =	stream.linear.gather @!p0 [hbm4b:s31+s15], $0x8000, $0x38;
	v14 =	vmov s4;
	[tilespmem:$0x1E980] =	vst v63  }
0x5da: {  	s31 =	sadd.s32 $0x10, s8;
	s9 =	sadd.s32 $0x1000, s4  }
0x5db: {  	_ =	swait.ge @!p0 [sflag:s6], $0x8000;
	p1 =	sle.s32 s31, s9  }
0x5dc: {  	[sflag:s6] =	ssyncset.done @!p0 $0x0;
	s9 =	sand.u32 @!p1 $0x7F, s8  }
0x5dd: {  	[sflag:s6] =	ssyncadd.s32 @!p0 $0xFFFF8000;
	p0 =	slt.s32 @!p1 s8, $0x1;
	p2 =	sne.s32 @!p1 s9, $0x0  }
0x5de: {  	s6 =	sshra.s32 @!p1 s8, $0x1F;
	p2 =	por @!p1 !p0, !p2;
	p0 =	por p1, p1  }
0x5df: {  	vm0 =	vlt.s32 v8, v9;
	v10 =	vsub.s32 v8, v14;
	s6 =	sshrl.u32 @!p0 s6, $0x19;
	p2 =	por @!p0 !p2, !p2  }
0x5e0: {  	v10 =	vnsel vm0, $0x0, v10;
	s9 =	simm.s32 @!p0 $0x1;
	s6 =	sadd.s32 @!p0 s6, s8;
	p2 =	por !p2, p0  }
0x5e1: {  	v11 =	vshll.u32 v10, $0x3;
	s6 =	sshrl.u32 @!p0 s6, $0x7;
	s9 =	simm.s32 @p2 $0x0  }
0x5e2: {  	v10 =	vand.u32 $0x7F, v10;
	v11 =	vand.u32 $0xFFFFFC00, v11;
	s6 =	ssub.s32 @!p0 s6, s9  }
0x5e3: {  	v10 =	vor.u32 v10, v11;
	s16 =	sshll.u32 @!p0 s6, $0x7  }
0x5e4: {  	p2 =	slt.s32 @!p0 s16, $0x30C400  }
0x5e5: {  	p2 =	por !p2, p0  }
0x5e6: {  	s16 =	simm.s32 @p2 $0x30C400;
	p2 =	slt.s32 s31, s14  }
.Ltmp80:
0x5e7: {  	_ = 	snop;
	(pc) =	sbr.rel @!p2 .LBB2_148-.Ltmp80, $4  }
0x5e8: {  	s9 =	simm.s32 @!p1 $0x0;
	v13 =	vld.idx.msk [tilespmem:v10+s10+$0x0], $0xffff  }
0x5e9: {  	s6 =	simm.s32 @!p1 $0xC80;
	s15 =	sadd.s32 @!p0 s1, s16;
	s16 =	smov.u32 @p0 s4  }
0x5ea: {  	v12 =	vadd.s32 s8, v0;
	[tilespmem:s6], [sflag:$0x1] =	stream.linear.gather @!p0 [hbm4b:s15+s9], $0x8000, $0x38;
	[tilespmem:$0x1E980] =	vst v63  }
0x5eb: {  	v11 =	vimm.s32 $0x30D400;
	p1 =	por $0x1, $0x1;
	v10 =	vimm.f32 $-3.402823470e+38;
	s6 =	simm.s32 @!p0 $0x1;
	v14 =	vmov s16  }
.LBB2_149:
0x5ec: {  	s4 =	smov.u32 s16;
	s8 =	sadd.s32 $0x1000, s16  }
0x5ed: {  	v14 =	vsub.s32 v12, v14;
	v13 =	vnsel vm0, $0xFF7FFFFF, v13;
	vm0 =	vlt.s32 v12, v9;
	s9 =	smov.u32 s31;
	s31 =	sadd.s32 $0x10, s31;
	_ =	swait.ge @!p0 [sflag:s6], $0x8000  }
0x5ee: {  	p3 =	sle.s32 s31, s8;
	p2 =	slt.s32 s31, s14;
	v14 =	vnsel vm0, $0x0, v14;
	vm1 =	vgt.f32 v13, v10;
	[sflag:s6] =	ssyncset.done @!p0 $0x0  }
0x5ef: {  	s8 =	sand.u32 @!p3 $0x7F, s9;
	s15 =	simm.s32 @!p3 $0xC80;
	v15 =	vand.u32 $0x7F, v14;
	v14 =	vshll.u32 v14, $0x3;
	v10 =	vsel vm1, v13, v10;
	[sflag:s6] =	ssyncadd.s32 @!p0 $0xFFFF8000  }
0x5f0: {  	v11 =	vsel vm1, v8, v11;
	v8 =	vmov v12;
	p0 =	slt.s32 @!p3 s9, $0x1;
	p4 =	sne.s32 @!p3 s8, $0x0;
	s8 =	simm.s32 @!p3 $0x0;
	v13 =	vand.u32 $0xFFFFFC00, v14  }
0x5f1: {  	s6 =	sshra.s32 @!p3 s9, $0x1F;
	p4 =	por @!p3 !p0, !p4;
	v12 =	vor.u32 v15, v13;
	p0 =	por p3, p3  }
0x5f2: {  	s6 =	sshrl.u32 @!p0 s6, $0x19;
	p3 =	por @!p0 !p4, !p4;
	s5 =	simm.s32 @!p0 $0x1  }
0x5f3: {  	s16 =	sadd.s32 @!p0 s6, s9;
	s6 =	simm.s32 @!p0 $0x1;
	p3 =	por !p3, p0  }
0x5f4: {  	s16 =	sshrl.u32 @!p0 s16, $0x7;
	s5 =	simm.s32 @p3 $0x0  }
0x5f5: {  	s5 =	ssub.s32 @!p0 s16, s5  }
0x5f6: {  	s16 =	sshll.u32 @!p0 s5, $0x7;
	v13 =	vld.idx.msk [tilespmem:v12+s10+$0x0], $0xffff  }
.Ltmp81:
0x5f7: {  	p3 =	slt.s32 @!p0 s16, $0x30C400;
	(pc) =	sbr.rel @p2 .LBB2_149-.Ltmp81, $4  }
0x5f8: {  	p3 =	por !p3, p0  }
0x5f9: {  	s16 =	simm.s32 @p3 $0x30C400  }
0x5fa: {  	s5 =	sadd.s32 @!p0 s1, s16;
	s16 =	smov.u32 @p0 s4  }
0x5fb: {  	v12 =	vadd.s32 s9, v0;
	v14 =	vmov s16;
	[tilespmem:s15], [sflag:$0x1] =	stream.linear.gather @!p0 [hbm4b:s5+s8], $0x8000, $0x38;
	[tilespmem:$0x1E980] =	vst v63  }
.Ltmp82:
0x5fc: {  	(pc) =	sbr.rel .LBB2_151-.Ltmp82, $2  }
0x5fd: {  	_ =	sdelay $0x2  }
0x5fe: {  	s4 =	smov.u32 s16;
	s5 =	rddreg [dreg:$0x5]  }
.LBB2_4:
.Ltmp83:
0x5ff: {  	(pc) =	sbr.rel .LBB2_153-.Ltmp83, $2  }
0x600: {  	_ =	sdelay $0x2  }
0x601: {  	v6 =	vimm.s32 $0x30D400  }
.LBB2_6:
.Ltmp84:
0x602: {  	(pc) =	sbr.rel .LBB2_15-.Ltmp84, $2  }
0x603: {  	_ =	sdelay $0x2  }
0x604: {  	v14 =	vimm.f32 $-3.402823470e+38;
	v15 =	vimm.s32 $0x30D400  }
.LBB2_8:
.Ltmp85:
0x605: {  	(pc) =	sbr.rel .LBB2_15-.Ltmp85, $2  }
0x606: {  	_ =	sdelay $0x2  }
0x607: {  	v10 =	vmov v9;
	s3 =	simm.s32 $0x1;
	v14 =	vimm.f32 $-3.402823470e+38;
	v15 =	vimm.s32 $0x30D400  }
.LBB2_10:
.Ltmp86:
0x608: {  	_ = 	snop;
	(pc) =	sbr.rel .LBB2_15-.Ltmp86, $3  }
0x609: {  	_ =	sdelay $0x1  }
0x60a: {  	v14 =	vimm.f32 $-3.402823470e+38  }
0x60b: {  	s3 =	simm.s32 $0x2;
	v15 =	vimm.s32 $0x30D400;
	v19 =	vmovc v9;
	vm0 =	vmmov vm3;
	vm3 =	vmmov vm1;
	v17 =	vmovc v12  }
.LBB2_12:
.Ltmp87:
0x60c: {  	(pc) =	sbr.rel .LBB2_15-.Ltmp87, $2  }
0x60d: {  	_ =	sdelay $0x2  }
0x60e: {  	v19 =	vmovc v10;
	v14 =	vimm.f32 $-3.402823470e+38;
	v13 =	vmovc v9;
	v15 =	vimm.s32 $0x30D400;
	v10 =	vmov v18  }
.LBB2_19:
.Ltmp88:
0x60f: {  	(pc) =	sbr.rel .LBB2_24-.Ltmp88, $2  }
0x610: {  	_ =	sdelay $0x2  }
0x611: {  	v14 =	vmov v10;
	v12 =	vimm.f32 $-3.402823470e+38;
	v13 =	vimm.s32 $0x30D400  }
.LBB2_27:
.Ltmp89:
0x612: {  	(pc) =	sbr.rel .LBB2_32-.Ltmp89, $2  }
0x613: {  	_ =	sdelay $0x2  }
0x614: {  	v12 =	vmov v8;
	v10 =	vimm.f32 $-3.402823470e+38;
	v11 =	vimm.s32 $0x30D400  }
.LBB2_36:
.Ltmp90:
0x615: {  	(pc) =	sbr.rel .LBB2_41-.Ltmp90, $2  }
0x616: {  	_ =	sdelay $0x2  }
0x617: {  	v14 =	vmov v10;
	v12 =	vimm.f32 $-3.402823470e+38;
	v13 =	vimm.s32 $0x30D400  }
.LBB2_44:
.Ltmp91:
0x618: {  	(pc) =	sbr.rel .LBB2_49-.Ltmp91, $2  }
0x619: {  	_ =	sdelay $0x2  }
0x61a: {  	v12 =	vmov v8;
	v10 =	vimm.f32 $-3.402823470e+38;
	v11 =	vimm.s32 $0x30D400  }
.LBB2_53:
.Ltmp92:
0x61b: {  	(pc) =	sbr.rel .LBB2_58-.Ltmp92, $2  }
0x61c: {  	_ =	sdelay $0x2  }
0x61d: {  	v14 =	vmov v10;
	v12 =	vimm.f32 $-3.402823470e+38;
	v13 =	vimm.s32 $0x30D400  }
.LBB2_61:
.Ltmp93:
0x61e: {  	(pc) =	sbr.rel .LBB2_66-.Ltmp93, $2  }
0x61f: {  	_ =	sdelay $0x2  }
0x620: {  	v12 =	vmov v8;
	v10 =	vimm.f32 $-3.402823470e+38;
	v11 =	vimm.s32 $0x30D400  }
.LBB2_70:
.Ltmp94:
0x621: {  	(pc) =	sbr.rel .LBB2_75-.Ltmp94, $2  }
0x622: {  	_ =	sdelay $0x2  }
0x623: {  	v14 =	vmov v10;
	v12 =	vimm.f32 $-3.402823470e+38;
	v13 =	vimm.s32 $0x30D400  }
.LBB2_78:
.Ltmp95:
0x624: {  	(pc) =	sbr.rel .LBB2_83-.Ltmp95, $2  }
0x625: {  	_ =	sdelay $0x2  }
0x626: {  	v12 =	vmov v8;
	v10 =	vimm.f32 $-3.402823470e+38;
	v11 =	vimm.s32 $0x30D400  }
.LBB2_87:
.Ltmp96:
0x627: {  	(pc) =	sbr.rel .LBB2_92-.Ltmp96, $2  }
0x628: {  	_ =	sdelay $0x2  }
0x629: {  	v14 =	vmov v10;
	v12 =	vimm.f32 $-3.402823470e+38;
	v13 =	vimm.s32 $0x30D400  }
.LBB2_95:
.Ltmp97:
0x62a: {  	(pc) =	sbr.rel .LBB2_100-.Ltmp97, $2  }
0x62b: {  	_ =	sdelay $0x2  }
0x62c: {  	v12 =	vmov v8;
	v10 =	vimm.f32 $-3.402823470e+38;
	v11 =	vimm.s32 $0x30D400  }
.LBB2_104:
.Ltmp98:
0x62d: {  	(pc) =	sbr.rel .LBB2_109-.Ltmp98, $2  }
0x62e: {  	_ =	sdelay $0x2  }
0x62f: {  	v14 =	vmov v10;
	v12 =	vimm.f32 $-3.402823470e+38;
	v13 =	vimm.s32 $0x30D400  }
.LBB2_112:
.Ltmp99:
0x630: {  	(pc) =	sbr.rel .LBB2_117-.Ltmp99, $2  }
0x631: {  	_ =	sdelay $0x2  }
0x632: {  	v12 =	vmov v8;
	v10 =	vimm.f32 $-3.402823470e+38;
	v11 =	vimm.s32 $0x30D400  }
.LBB2_121:
.Ltmp100:
0x633: {  	(pc) =	sbr.rel .LBB2_126-.Ltmp100, $2  }
0x634: {  	_ =	sdelay $0x2  }
0x635: {  	v14 =	vmov v10;
	v12 =	vimm.f32 $-3.402823470e+38;
	v13 =	vimm.s32 $0x30D400  }
.LBB2_129:
.Ltmp101:
0x636: {  	(pc) =	sbr.rel .LBB2_134-.Ltmp101, $2  }
0x637: {  	_ =	sdelay $0x2  }
0x638: {  	v12 =	vmov v8;
	v10 =	vimm.f32 $-3.402823470e+38;
	v11 =	vimm.s32 $0x30D400  }
.LBB2_138:
.Ltmp102:
0x639: {  	(pc) =	sbr.rel .LBB2_143-.Ltmp102, $2  }
0x63a: {  	_ =	sdelay $0x2  }
0x63b: {  	v14 =	vmov v10;
	v12 =	vimm.f32 $-3.402823470e+38;
	v13 =	vimm.s32 $0x30D400  }
.LBB2_21:
.Ltmp103:
0x63c: {  	(pc) =	sbr.rel .LBB2_24-.Ltmp103, $2  }
0x63d: {  	_ =	sdelay $0x2  }
0x63e: {  	s11 =	smov.u32 s8;
	v12 =	vimm.f32 $-3.402823470e+38;
	v13 =	vimm.s32 $0x30D400  }
.LBB2_29:
.Ltmp104:
0x63f: {  	(pc) =	sbr.rel .LBB2_32-.Ltmp104, $2  }
0x640: {  	_ =	sdelay $0x2  }
0x641: {  	s11 =	smov.u32 s8;
	v10 =	vimm.f32 $-3.402823470e+38;
	v11 =	vimm.s32 $0x30D400  }
.LBB2_38:
.Ltmp105:
0x642: {  	(pc) =	sbr.rel .LBB2_41-.Ltmp105, $2  }
0x643: {  	_ =	sdelay $0x2  }
0x644: {  	s11 =	smov.u32 s8;
	v12 =	vimm.f32 $-3.402823470e+38;
	v13 =	vimm.s32 $0x30D400  }
.LBB2_46:
.Ltmp106:
0x645: {  	(pc) =	sbr.rel .LBB2_49-.Ltmp106, $2  }
0x646: {  	_ =	sdelay $0x2  }
0x647: {  	s11 =	smov.u32 s8;
	v10 =	vimm.f32 $-3.402823470e+38;
	v11 =	vimm.s32 $0x30D400  }
.LBB2_55:
.Ltmp107:
0x648: {  	(pc) =	sbr.rel .LBB2_58-.Ltmp107, $2  }
0x649: {  	_ =	sdelay $0x2  }
0x64a: {  	s11 =	smov.u32 s8;
	v12 =	vimm.f32 $-3.402823470e+38;
	v13 =	vimm.s32 $0x30D400  }
.LBB2_63:
.Ltmp108:
0x64b: {  	(pc) =	sbr.rel .LBB2_66-.Ltmp108, $2  }
0x64c: {  	_ =	sdelay $0x2  }
0x64d: {  	s11 =	smov.u32 s8;
	v10 =	vimm.f32 $-3.402823470e+38;
	v11 =	vimm.s32 $0x30D400  }
.LBB2_72:
.Ltmp109:
0x64e: {  	(pc) =	sbr.rel .LBB2_75-.Ltmp109, $2  }
0x64f: {  	_ =	sdelay $0x2  }
0x650: {  	s11 =	smov.u32 s8;
	v12 =	vimm.f32 $-3.402823470e+38;
	v13 =	vimm.s32 $0x30D400  }
.LBB2_80:
.Ltmp110:
0x651: {  	(pc) =	sbr.rel .LBB2_83-.Ltmp110, $2  }
0x652: {  	_ =	sdelay $0x2  }
0x653: {  	s11 =	smov.u32 s8;
	v10 =	vimm.f32 $-3.402823470e+38;
	v11 =	vimm.s32 $0x30D400  }
.LBB2_89:
.Ltmp111:
0x654: {  	(pc) =	sbr.rel .LBB2_92-.Ltmp111, $2  }
0x655: {  	_ =	sdelay $0x2  }
0x656: {  	s11 =	smov.u32 s8;
	v12 =	vimm.f32 $-3.402823470e+38;
	v13 =	vimm.s32 $0x30D400  }
.LBB2_97:
.Ltmp112:
0x657: {  	(pc) =	sbr.rel .LBB2_100-.Ltmp112, $2  }
0x658: {  	_ =	sdelay $0x2  }
0x659: {  	s11 =	smov.u32 s8;
	v10 =	vimm.f32 $-3.402823470e+38;
	v11 =	vimm.s32 $0x30D400  }
.LBB2_106:
.Ltmp113:
0x65a: {  	(pc) =	sbr.rel .LBB2_109-.Ltmp113, $2  }
0x65b: {  	_ =	sdelay $0x2  }
0x65c: {  	s11 =	smov.u32 s8;
	v12 =	vimm.f32 $-3.402823470e+38;
	v13 =	vimm.s32 $0x30D400  }
.LBB2_114:
.Ltmp114:
0x65d: {  	(pc) =	sbr.rel .LBB2_117-.Ltmp114, $2  }
0x65e: {  	_ =	sdelay $0x2  }
0x65f: {  	s11 =	smov.u32 s8;
	v10 =	vimm.f32 $-3.402823470e+38;
	v11 =	vimm.s32 $0x30D400  }
.LBB2_123:
.Ltmp115:
0x660: {  	(pc) =	sbr.rel .LBB2_126-.Ltmp115, $2  }
0x661: {  	_ =	sdelay $0x2  }
0x662: {  	s12 =	smov.u32 s8;
	v12 =	vimm.f32 $-3.402823470e+38;
	v13 =	vimm.s32 $0x30D400  }
.LBB2_131:
.Ltmp116:
0x663: {  	(pc) =	sbr.rel .LBB2_134-.Ltmp116, $2  }
0x664: {  	_ =	sdelay $0x2  }
0x665: {  	s14 =	smov.u32 s8;
	v10 =	vimm.f32 $-3.402823470e+38;
	v11 =	vimm.s32 $0x30D400  }
.LBB2_140:
.Ltmp117:
0x666: {  	(pc) =	sbr.rel .LBB2_143-.Ltmp117, $2  }
0x667: {  	_ =	sdelay $0x2  }
0x668: {  	s31 =	smov.u32 s8;
	v12 =	vimm.f32 $-3.402823470e+38;
	v13 =	vimm.s32 $0x30D400  }
.LBB2_148:
.Ltmp118:
0x669: {  	(pc) =	sbr.rel .LBB2_151-.Ltmp118, $2  }
0x66a: {  	_ =	sdelay $0x2  }
0x66b: {  	s4 =	smov.u32 s16;
	v10 =	vimm.f32 $-3.402823470e+38;
	v11 =	vimm.s32 $0x30D400;
	s5 =	rddreg [dreg:$0x5]  }
.LBB2_154:
0x66c: {  	p0 =	slt.s32 s7, $0x30CC00  }
0x66d: {  	s3 =	simm.s32 $0x4000;
	s7 =	simm.s32 @!p0 $0x30CC00  }
0x66e: {  	s4 =	simm.s32 $0x186A000;
	s14 =	simm.s32 $0x1;
	s0 =	sadd.s32 s2, s7  }
0x66f: {  	[tilespmem:s13], [sflag:$0x1] =	stream.strided.gather [hbm4b:s0+s3], $0x8000, s4, s3, $0x38;
	[tilespmem:$0x1E980] =	vst v63  }
0x670: {  	_ =	swait.ge [sflag:s14], $0x8000  }
0x671: {  	[sflag:s14] =	ssyncset.done $0x0  }
0x672: {  	s17 =	simm.s32 $0x12600;
	s3 =	simm.s32 $0x0;
	[sflag:s14] =	ssyncadd.s32 $0xFFFF8000  }
.LBB2_155:
0x673: {  	s0 =	sshra.s32 s3, $0x2  }
0x674: {  	v5 =	vld [tilespmem:s0+$0x8C80];
	_ =	sdelay $0x4  }
0x675: {  	(v2sf) =	vpush v5, $0x0;
	_ =	sdelay $0xe  }
0x676: {  	s5 =	sadd.s32 $0x800, s7;
	s4 =	spop (v2sf)  }
0x677: {  	p1 =	slt.s32 s4, s5  }
0x678: {  	s6 =	sand.u32 @!p1 $0x7F, s4  }
0x679: {  	p0 =	slt.s32 @!p1 s4, $0x1;
	p2 =	sne.s32 @!p1 s6, $0x0  }
0x67a: {  	s6 =	sshra.s32 @!p1 s4, $0x1F;
	p0 =	por @!p1 !p0, !p2  }
0x67b: {  	s6 =	sshrl.u32 @!p1 s6, $0x19;
	p0 =	por @!p1 !p0, !p0  }
0x67c: {  	s8 =	simm.s32 @!p1 $0x1;
	s6 =	sadd.s32 @!p1 s6, s4;
	p0 =	por !p0, p1  }
0x67d: {  	s6 =	sshrl.u32 @!p1 s6, $0x7;
	s8 =	simm.s32 @p0 $0x0  }
0x67e: {  	s6 =	ssub.s32 @!p1 s6, s8  }
0x67f: {  	s6 =	sshll.u32 @!p1 s6, $0x7  }
0x680: {  	p0 =	slt.s32 @!p1 s6, $0x30CC00  }
0x681: {  	p0 =	por !p0, p1  }
0x682: {  	v4 =	vld [tilespmem:s0+$0x9900];
	s0 =	simm.s32 @!p1 $0x4000;
	s11 =	simm.s32 @!p1 $0x186A000;
	s6 =	simm.s32 @p0 $0x30CC00  }
0x683: {  	s12 =	simm.s32 @!p1 $0xA580;
	s8 =	simm.s32 @!p1 $0x1;
	s9 =	sadd.s32 @!p1 s2, s6  }
0x684: {  	[tilespmem:s12], [sflag:$0x1] =	stream.strided.gather @!p1 [hbm4b:s9+s0], $0x8000, s11, s0, $0x38;
	[tilespmem:$0x1E980] =	vst v63  }
0x685: {  	_ =	swait.ge @!p1 [sflag:s8], $0x8000  }
0x686: {  	(v2sf) =	vpush v5, $0x1;
	_ =	sdelay $0x7  }
0x687: {  	s0 =	sadd.s32 @!p1 $0x800, s6;
	s6 =	smov.u32 @p1 s7  }
0x688: {  	s4 =	ssub.s32 s4, s6  }
0x689: {  	p0 =	sgt.s32 s4, $0x0  }
0x68a: {  	s4 =	simm.s32 @!p0 $0x0  }
0x68b: {  	v6 =	vmov s4  }
0x68c: {  	v7 =	vshll.u32 v6, $0x3  }
0x68d: {  	v6 =	vand.u32 $0x7F, v6;
	v7 =	vand.u32 $0xFFFFFC00, v7  }
0x68e: {  	s0 =	smov.u32 @p1 s5;
	v6 =	vor.u32 v6, v7;
	s4 =	spop (v2sf)  }
0x68f: {  	v6 =	vadd.s32 v3, v6;
	p0 =	slt.s32 s4, s0  }
0x690: {  	s5 =	sand.u32 @!p0 $0x7F, s4  }
0x691: {  	p2 =	slt.s32 @!p0 s4, $0x1;
	p3 =	sne.s32 @!p0 s5, $0x0  }
0x692: {  	[sflag:s8] =	ssyncset.done @!p1 $0x0;
	s5 =	sshra.s32 @!p0 s4, $0x1F;
	p2 =	por @!p0 !p2, !p3  }
0x693: {  	[sflag:s8] =	ssyncadd.s32 @!p1 $0xFFFF8000;
	s5 =	sshrl.u32 @!p0 s5, $0x19;
	p1 =	por @!p0 !p2, !p2  }
0x694: {  	v6 =	vld.idx.msk [tilespmem:v6+s13+$0x0], $0xffff;
	s7 =	simm.s32 @!p0 $0x1;
	s5 =	sadd.s32 @!p0 s5, s4;
	p1 =	por !p1, p0  }
0x695: {  	s5 =	sshrl.u32 @!p0 s5, $0x7;
	s7 =	simm.s32 @p1 $0x0  }
0x696: {  	s5 =	ssub.s32 @!p0 s5, s7  }
0x697: {  	v19 =	vbroadcast v4, $0x0;
	s5 =	sshll.u32 @!p0 s5, $0x7  }
0x698: {  	p1 =	slt.s32 @!p0 s5, $0x30CC00  }
0x699: {  	v6 =	vmul.f32 v6, v19;
	p1 =	por !p1, p0  }
0x69a: {  	s9 =	simm.s32 @!p0 $0x4000;
	s11 =	simm.s32 @!p0 $0x186A000;
	s5 =	simm.s32 @p1 $0x30CC00  }
0x69b: {  	s12 =	simm.s32 @!p0 $0xA580;
	[tilespmem:s17+$0xFFFFFF80] =	vst v6;
	s7 =	simm.s32 @!p0 $0x1;
	s8 =	sadd.s32 @!p0 s2, s5  }
0x69c: {  	[tilespmem:s12], [sflag:$0x1] =	stream.strided.gather @!p0 [hbm4b:s8+s9], $0x8000, s11, s9, $0x38;
	[tilespmem:$0x1E980] =	vst v63  }
0x69d: {  	_ =	swait.ge @!p0 [sflag:s7], $0x8000  }
0x69e: {  	(v2sf) =	vpush v5, $0x2;
	_ =	sdelay $0x7  }
0x69f: {  	s8 =	sadd.s32 @!p0 $0x800, s5;
	s5 =	smov.u32 @p0 s6  }
0x6a0: {  	s4 =	ssub.s32 s4, s5  }
0x6a1: {  	p1 =	sgt.s32 s4, $0x0  }
0x6a2: {  	s4 =	simm.s32 @!p1 $0x0  }
0x6a3: {  	v20 =	vmov s4  }
0x6a4: {  	v21 =	vshll.u32 v20, $0x3  }
0x6a5: {  	v6 =	vand.u32 $0x7F, v20;
	v7 =	vand.u32 $0xFFFFFC00, v21  }
0x6a6: {  	s8 =	smov.u32 @p0 s0;
	v6 =	vor.u32 v6, v7;
	s0 =	spop (v2sf)  }
0x6a7: {  	v6 =	vadd.s32 v3, v6;
	p1 =	slt.s32 s0, s8  }
0x6a8: {  	s4 =	sand.u32 @!p1 $0x7F, s0  }
0x6a9: {  	p2 =	slt.s32 @!p1 s0, $0x1;
	p3 =	sne.s32 @!p1 s4, $0x0  }
0x6aa: {  	[sflag:s7] =	ssyncset.done @!p0 $0x0;
	s4 =	sshra.s32 @!p1 s0, $0x1F;
	p2 =	por @!p1 !p2, !p3  }
0x6ab: {  	[sflag:s7] =	ssyncadd.s32 @!p0 $0xFFFF8000;
	s4 =	sshrl.u32 @!p1 s4, $0x19;
	p0 =	por @!p1 !p2, !p2  }
0x6ac: {  	v6 =	vld.idx.msk [tilespmem:v6+s13+$0x0], $0xffff;
	s6 =	simm.s32 @!p1 $0x1;
	s4 =	sadd.s32 @!p1 s4, s0;
	p0 =	por !p0, p1  }
0x6ad: {  	s4 =	sshrl.u32 @!p1 s4, $0x7;
	s6 =	simm.s32 @p0 $0x0  }
0x6ae: {  	s4 =	ssub.s32 @!p1 s4, s6  }
0x6af: {  	v22 =	vbroadcast v4, $0x1;
	s4 =	sshll.u32 @!p1 s4, $0x7  }
0x6b0: {  	p0 =	slt.s32 @!p1 s4, $0x30CC00  }
0x6b1: {  	v6 =	vmul.f32 v6, v22;
	p0 =	por !p0, p1  }
0x6b2: {  	s9 =	simm.s32 @!p1 $0x4000;
	s11 =	simm.s32 @!p1 $0x186A000;
	s4 =	simm.s32 @p0 $0x30CC00  }
0x6b3: {  	s12 =	simm.s32 @!p1 $0xA580;
	[tilespmem:s17+$0xFFFFFF90] =	vst v6;
	s6 =	simm.s32 @!p1 $0x1;
	s7 =	sadd.s32 @!p1 s2, s4  }
0x6b4: {  	[tilespmem:s12], [sflag:$0x1] =	stream.strided.gather @!p1 [hbm4b:s7+s9], $0x8000, s11, s9, $0x38;
	[tilespmem:$0x1E980] =	vst v63  }
0x6b5: {  	_ =	swait.ge @!p1 [sflag:s6], $0x8000  }
0x6b6: {  	(v2sf) =	vpush v5, $0x3;
	_ =	sdelay $0x7  }
0x6b7: {  	s7 =	sadd.s32 @!p1 $0x800, s4;
	s4 =	smov.u32 @p1 s5  }
0x6b8: {  	s0 =	ssub.s32 s0, s4  }
0x6b9: {  	p0 =	sgt.s32 s0, $0x0  }
0x6ba: {  	s0 =	simm.s32 @!p0 $0x0  }
0x6bb: {  	v23 =	vmov s0  }
0x6bc: {  	v24 =	vshll.u32 v23, $0x3  }
0x6bd: {  	v6 =	vand.u32 $0x7F, v23;
	v7 =	vand.u32 $0xFFFFFC00, v24  }
0x6be: {  	s7 =	smov.u32 @p1 s8;
	v6 =	vor.u32 v6, v7;
	s0 =	spop (v2sf)  }
0x6bf: {  	v6 =	vadd.s32 v3, v6;
	p0 =	slt.s32 s0, s7  }
0x6c0: {  	s5 =	sand.u32 @!p0 $0x7F, s0  }
0x6c1: {  	p2 =	slt.s32 @!p0 s0, $0x1;
	p3 =	sne.s32 @!p0 s5, $0x0  }
0x6c2: {  	[sflag:s6] =	ssyncset.done @!p1 $0x0;
	s5 =	sshra.s32 @!p0 s0, $0x1F;
	p2 =	por @!p0 !p2, !p3  }
0x6c3: {  	[sflag:s6] =	ssyncadd.s32 @!p1 $0xFFFF8000;
	s5 =	sshrl.u32 @!p0 s5, $0x19;
	p1 =	por @!p0 !p2, !p2  }
0x6c4: {  	v6 =	vld.idx.msk [tilespmem:v6+s13+$0x0], $0xffff;
	s6 =	simm.s32 @!p0 $0x1;
	s5 =	sadd.s32 @!p0 s5, s0;
	p1 =	por !p1, p0  }
0x6c5: {  	s5 =	sshrl.u32 @!p0 s5, $0x7;
	s6 =	simm.s32 @p1 $0x0  }
0x6c6: {  	s5 =	ssub.s32 @!p0 s5, s6  }
0x6c7: {  	v25 =	vbroadcast v4, $0x2;
	s5 =	sshll.u32 @!p0 s5, $0x7  }
0x6c8: {  	p1 =	slt.s32 @!p0 s5, $0x30CC00  }
0x6c9: {  	v6 =	vmul.f32 v6, v25;
	p1 =	por !p1, p0  }
0x6ca: {  	s9 =	simm.s32 @!p0 $0x4000;
	s11 =	simm.s32 @!p0 $0x186A000;
	s5 =	simm.s32 @p1 $0x30CC00  }
0x6cb: {  	s12 =	simm.s32 @!p0 $0xA580;
	[tilespmem:s17+$0xFFFFFFA0] =	vst v6;
	s6 =	simm.s32 @!p0 $0x1;
	s8 =	sadd.s32 @!p0 s2, s5  }
0x6cc: {  	[tilespmem:s12], [sflag:$0x1] =	stream.strided.gather @!p0 [hbm4b:s8+s9], $0x8000, s11, s9, $0x38;
	[tilespmem:$0x1E980] =	vst v63  }
0x6cd: {  	_ =	swait.ge @!p0 [sflag:s6], $0x8000  }
0x6ce: {  	(v2sf) =	vpush v5, $0x4;
	_ =	sdelay $0x7  }
0x6cf: {  	s8 =	sadd.s32 @!p0 $0x800, s5;
	s5 =	smov.u32 @p0 s4  }
0x6d0: {  	s0 =	ssub.s32 s0, s5  }
0x6d1: {  	p1 =	sgt.s32 s0, $0x0  }
0x6d2: {  	s0 =	simm.s32 @!p1 $0x0  }
0x6d3: {  	v26 =	vmov s0  }
0x6d4: {  	v27 =	vshll.u32 v26, $0x3  }
0x6d5: {  	v6 =	vand.u32 $0x7F, v26;
	v7 =	vand.u32 $0xFFFFFC00, v27  }
0x6d6: {  	s8 =	smov.u32 @p0 s7;
	v6 =	vor.u32 v6, v7;
	s0 =	spop (v2sf)  }
0x6d7: {  	v6 =	vadd.s32 v3, v6;
	p1 =	slt.s32 s0, s8  }
0x6d8: {  	s4 =	sand.u32 @!p1 $0x7F, s0  }
0x6d9: {  	p2 =	slt.s32 @!p1 s0, $0x1;
	p3 =	sne.s32 @!p1 s4, $0x0  }
0x6da: {  	[sflag:s6] =	ssyncset.done @!p0 $0x0;
	s4 =	sshra.s32 @!p1 s0, $0x1F;
	p2 =	por @!p1 !p2, !p3  }
0x6db: {  	[sflag:s6] =	ssyncadd.s32 @!p0 $0xFFFF8000;
	s4 =	sshrl.u32 @!p1 s4, $0x19;
	p0 =	por @!p1 !p2, !p2  }
0x6dc: {  	v6 =	vld.idx.msk [tilespmem:v6+s13+$0x0], $0xffff;
	s6 =	simm.s32 @!p1 $0x1;
	s4 =	sadd.s32 @!p1 s4, s0;
	p0 =	por !p0, p1  }
0x6dd: {  	s4 =	sshrl.u32 @!p1 s4, $0x7;
	s6 =	simm.s32 @p0 $0x0  }
0x6de: {  	s4 =	ssub.s32 @!p1 s4, s6  }
0x6df: {  	v28 =	vbroadcast v4, $0x3;
	s4 =	sshll.u32 @!p1 s4, $0x7  }
0x6e0: {  	p0 =	slt.s32 @!p1 s4, $0x30CC00  }
0x6e1: {  	v6 =	vmul.f32 v6, v28;
	p0 =	por !p0, p1  }
0x6e2: {  	s9 =	simm.s32 @!p1 $0x4000;
	s11 =	simm.s32 @!p1 $0x186A000;
	s4 =	simm.s32 @p0 $0x30CC00  }
0x6e3: {  	s12 =	simm.s32 @!p1 $0xA580;
	[tilespmem:s17+$0xFFFFFFB0] =	vst v6;
	s6 =	simm.s32 @!p1 $0x1;
	s7 =	sadd.s32 @!p1 s2, s4  }
0x6e4: {  	[tilespmem:s12], [sflag:$0x1] =	stream.strided.gather @!p1 [hbm4b:s7+s9], $0x8000, s11, s9, $0x38;
	[tilespmem:$0x1E980] =	vst v63  }
0x6e5: {  	_ =	swait.ge @!p1 [sflag:s6], $0x8000  }
0x6e6: {  	(v2sf) =	vpush v5, $0x5;
	_ =	sdelay $0x7  }
0x6e7: {  	s7 =	sadd.s32 @!p1 $0x800, s4;
	s4 =	smov.u32 @p1 s5  }
0x6e8: {  	s0 =	ssub.s32 s0, s4  }
0x6e9: {  	p0 =	sgt.s32 s0, $0x0  }
0x6ea: {  	s0 =	simm.s32 @!p0 $0x0  }
0x6eb: {  	v29 =	vmov s0  }
0x6ec: {  	v30 =	vshll.u32 v29, $0x3  }
0x6ed: {  	v6 =	vand.u32 $0x7F, v29;
	v7 =	vand.u32 $0xFFFFFC00, v30  }
0x6ee: {  	s7 =	smov.u32 @p1 s8;
	v6 =	vor.u32 v6, v7;
	s0 =	spop (v2sf)  }
0x6ef: {  	v6 =	vadd.s32 v3, v6;
	p0 =	slt.s32 s0, s7  }
0x6f0: {  	s5 =	sand.u32 @!p0 $0x7F, s0  }
0x6f1: {  	p2 =	slt.s32 @!p0 s0, $0x1;
	p3 =	sne.s32 @!p0 s5, $0x0  }
0x6f2: {  	[sflag:s6] =	ssyncset.done @!p1 $0x0;
	s5 =	sshra.s32 @!p0 s0, $0x1F;
	p2 =	por @!p0 !p2, !p3  }
0x6f3: {  	[sflag:s6] =	ssyncadd.s32 @!p1 $0xFFFF8000;
	s5 =	sshrl.u32 @!p0 s5, $0x19;
	p1 =	por @!p0 !p2, !p2  }
0x6f4: {  	v6 =	vld.idx.msk [tilespmem:v6+s13+$0x0], $0xffff;
	s6 =	simm.s32 @!p0 $0x1;
	s5 =	sadd.s32 @!p0 s5, s0;
	p1 =	por !p1, p0  }
0x6f5: {  	s5 =	sshrl.u32 @!p0 s5, $0x7;
	s6 =	simm.s32 @p1 $0x0  }
0x6f6: {  	s5 =	ssub.s32 @!p0 s5, s6  }
0x6f7: {  	v31 =	vbroadcast v4, $0x4;
	s5 =	sshll.u32 @!p0 s5, $0x7  }
0x6f8: {  	p1 =	slt.s32 @!p0 s5, $0x30CC00  }
0x6f9: {  	v6 =	vmul.f32 v6, v31;
	p1 =	por !p1, p0  }
0x6fa: {  	s9 =	simm.s32 @!p0 $0x4000;
	s11 =	simm.s32 @!p0 $0x186A000;
	s5 =	simm.s32 @p1 $0x30CC00  }
0x6fb: {  	s12 =	simm.s32 @!p0 $0xA580;
	[tilespmem:s17+$0xFFFFFFC0] =	vst v6;
	s6 =	simm.s32 @!p0 $0x1;
	s8 =	sadd.s32 @!p0 s2, s5  }
0x6fc: {  	[tilespmem:s12], [sflag:$0x1] =	stream.strided.gather @!p0 [hbm4b:s8+s9], $0x8000, s11, s9, $0x38;
	[tilespmem:$0x1E980] =	vst v63  }
0x6fd: {  	_ =	swait.ge @!p0 [sflag:s6], $0x8000  }
0x6fe: {  	(v2sf) =	vpush v5, $0x6;
	_ =	sdelay $0x7  }
0x6ff: {  	s8 =	sadd.s32 @!p0 $0x800, s5;
	s5 =	smov.u32 @p0 s4  }
0x700: {  	s0 =	ssub.s32 s0, s5  }
0x701: {  	p1 =	sgt.s32 s0, $0x0  }
0x702: {  	s0 =	simm.s32 @!p1 $0x0  }
0x703: {  	v32 =	vmov s0  }
0x704: {  	v33 =	vshll.u32 v32, $0x3  }
0x705: {  	v6 =	vand.u32 $0x7F, v32;
	v7 =	vand.u32 $0xFFFFFC00, v33  }
0x706: {  	s8 =	smov.u32 @p0 s7;
	v6 =	vor.u32 v6, v7;
	s0 =	spop (v2sf)  }
0x707: {  	v6 =	vadd.s32 v3, v6;
	p1 =	slt.s32 s0, s8  }
0x708: {  	s4 =	sand.u32 @!p1 $0x7F, s0  }
0x709: {  	p2 =	slt.s32 @!p1 s0, $0x1;
	p3 =	sne.s32 @!p1 s4, $0x0  }
0x70a: {  	[sflag:s6] =	ssyncset.done @!p0 $0x0;
	s4 =	sshra.s32 @!p1 s0, $0x1F;
	p2 =	por @!p1 !p2, !p3  }
0x70b: {  	[sflag:s6] =	ssyncadd.s32 @!p0 $0xFFFF8000;
	s4 =	sshrl.u32 @!p1 s4, $0x19;
	p0 =	por @!p1 !p2, !p2  }
0x70c: {  	v6 =	vld.idx.msk [tilespmem:v6+s13+$0x0], $0xffff;
	s6 =	simm.s32 @!p1 $0x1;
	s4 =	sadd.s32 @!p1 s4, s0;
	p0 =	por !p0, p1  }
0x70d: {  	s4 =	sshrl.u32 @!p1 s4, $0x7;
	s6 =	simm.s32 @p0 $0x0  }
0x70e: {  	s4 =	ssub.s32 @!p1 s4, s6  }
0x70f: {  	v34 =	vbroadcast v4, $0x5;
	s4 =	sshll.u32 @!p1 s4, $0x7  }
0x710: {  	p0 =	slt.s32 @!p1 s4, $0x30CC00  }
0x711: {  	v6 =	vmul.f32 v6, v34;
	p0 =	por !p0, p1  }
0x712: {  	s9 =	simm.s32 @!p1 $0x4000;
	s11 =	simm.s32 @!p1 $0x186A000;
	s4 =	simm.s32 @p0 $0x30CC00  }
0x713: {  	s12 =	simm.s32 @!p1 $0xA580;
	[tilespmem:s17+$0xFFFFFFD0] =	vst v6;
	s6 =	simm.s32 @!p1 $0x1;
	s7 =	sadd.s32 @!p1 s2, s4  }
0x714: {  	[tilespmem:s12], [sflag:$0x1] =	stream.strided.gather @!p1 [hbm4b:s7+s9], $0x8000, s11, s9, $0x38;
	[tilespmem:$0x1E980] =	vst v63  }
0x715: {  	_ =	swait.ge @!p1 [sflag:s6], $0x8000  }
0x716: {  	(v2sf) =	vpush v5, $0x7;
	_ =	sdelay $0x7  }
0x717: {  	s7 =	sadd.s32 @!p1 $0x800, s4;
	s4 =	smov.u32 @p1 s5  }
0x718: {  	s0 =	ssub.s32 s0, s4  }
0x719: {  	p0 =	sgt.s32 s0, $0x0  }
0x71a: {  	s0 =	simm.s32 @!p0 $0x0  }
0x71b: {  	v35 =	vmov s0  }
0x71c: {  	v36 =	vshll.u32 v35, $0x3  }
0x71d: {  	v6 =	vand.u32 $0x7F, v35;
	v7 =	vand.u32 $0xFFFFFC00, v36  }
0x71e: {  	s7 =	smov.u32 @p1 s8;
	v6 =	vor.u32 v6, v7;
	s0 =	spop (v2sf)  }
0x71f: {  	v6 =	vadd.s32 v3, v6;
	p0 =	slt.s32 s0, s7  }
0x720: {  	s5 =	sand.u32 @!p0 $0x7F, s0  }
0x721: {  	p2 =	slt.s32 @!p0 s0, $0x1;
	p3 =	sne.s32 @!p0 s5, $0x0  }
0x722: {  	[sflag:s6] =	ssyncset.done @!p1 $0x0;
	s5 =	sshra.s32 @!p0 s0, $0x1F;
	p2 =	por @!p0 !p2, !p3  }
0x723: {  	[sflag:s6] =	ssyncadd.s32 @!p1 $0xFFFF8000;
	s5 =	sshrl.u32 @!p0 s5, $0x19;
	p1 =	por @!p0 !p2, !p2  }
0x724: {  	v6 =	vld.idx.msk [tilespmem:v6+s13+$0x0], $0xffff;
	s6 =	simm.s32 @!p0 $0x1;
	s5 =	sadd.s32 @!p0 s5, s0;
	p1 =	por !p1, p0  }
0x725: {  	s5 =	sshrl.u32 @!p0 s5, $0x7;
	s6 =	simm.s32 @p1 $0x0  }
0x726: {  	s5 =	ssub.s32 @!p0 s5, s6  }
0x727: {  	v37 =	vbroadcast v4, $0x6;
	s5 =	sshll.u32 @!p0 s5, $0x7  }
0x728: {  	p1 =	slt.s32 @!p0 s5, $0x30CC00  }
0x729: {  	v6 =	vmul.f32 v6, v37;
	p1 =	por !p1, p0  }
0x72a: {  	s9 =	simm.s32 @!p0 $0x4000;
	s11 =	simm.s32 @!p0 $0x186A000;
	s5 =	simm.s32 @p1 $0x30CC00  }
0x72b: {  	s12 =	simm.s32 @!p0 $0xA580;
	[tilespmem:s17+$0xFFFFFFE0] =	vst v6;
	s6 =	simm.s32 @!p0 $0x1;
	s8 =	sadd.s32 @!p0 s2, s5  }
0x72c: {  	[tilespmem:s12], [sflag:$0x1] =	stream.strided.gather @!p0 [hbm4b:s8+s9], $0x8000, s11, s9, $0x38;
	[tilespmem:$0x1E980] =	vst v63  }
0x72d: {  	_ =	swait.ge @!p0 [sflag:s6], $0x8000  }
0x72e: {  	(v2sf) =	vpush v5, $0x8;
	_ =	sdelay $0x7  }
0x72f: {  	s8 =	sadd.s32 @!p0 $0x800, s5;
	s5 =	smov.u32 @p0 s4  }
0x730: {  	s0 =	ssub.s32 s0, s5  }
0x731: {  	p1 =	sgt.s32 s0, $0x0  }
0x732: {  	s0 =	simm.s32 @!p1 $0x0  }
0x733: {  	v38 =	vmov s0  }
0x734: {  	v39 =	vshll.u32 v38, $0x3  }
0x735: {  	v6 =	vand.u32 $0x7F, v38;
	v7 =	vand.u32 $0xFFFFFC00, v39  }
0x736: {  	s8 =	smov.u32 @p0 s7;
	v6 =	vor.u32 v6, v7;
	s0 =	spop (v2sf)  }
0x737: {  	v6 =	vadd.s32 v3, v6;
	p1 =	slt.s32 s0, s8  }
0x738: {  	s4 =	sand.u32 @!p1 $0x7F, s0  }
0x739: {  	p2 =	slt.s32 @!p1 s0, $0x1;
	p3 =	sne.s32 @!p1 s4, $0x0  }
0x73a: {  	[sflag:s6] =	ssyncset.done @!p0 $0x0;
	s4 =	sshra.s32 @!p1 s0, $0x1F;
	p2 =	por @!p1 !p2, !p3  }
0x73b: {  	[sflag:s6] =	ssyncadd.s32 @!p0 $0xFFFF8000;
	s4 =	sshrl.u32 @!p1 s4, $0x19;
	p0 =	por @!p1 !p2, !p2  }
0x73c: {  	v6 =	vld.idx.msk [tilespmem:v6+s13+$0x0], $0xffff;
	s6 =	simm.s32 @!p1 $0x1;
	s4 =	sadd.s32 @!p1 s4, s0;
	p0 =	por !p0, p1  }
0x73d: {  	s4 =	sshrl.u32 @!p1 s4, $0x7;
	s6 =	simm.s32 @p0 $0x0  }
0x73e: {  	s4 =	ssub.s32 @!p1 s4, s6  }
0x73f: {  	v40 =	vbroadcast v4, $0x7;
	s4 =	sshll.u32 @!p1 s4, $0x7  }
0x740: {  	p0 =	slt.s32 @!p1 s4, $0x30CC00  }
0x741: {  	v6 =	vmul.f32 v6, v40;
	p0 =	por !p0, p1  }
0x742: {  	s9 =	simm.s32 @!p1 $0x4000;
	s11 =	simm.s32 @!p1 $0x186A000;
	s4 =	simm.s32 @p0 $0x30CC00  }
0x743: {  	s12 =	simm.s32 @!p1 $0xA580;
	[tilespmem:s17+$0xFFFFFFF0] =	vst v6;
	s6 =	simm.s32 @!p1 $0x1;
	s7 =	sadd.s32 @!p1 s2, s4  }
0x744: {  	[tilespmem:s12], [sflag:$0x1] =	stream.strided.gather @!p1 [hbm4b:s7+s9], $0x8000, s11, s9, $0x38;
	[tilespmem:$0x1E980] =	vst v63  }
0x745: {  	_ =	swait.ge @!p1 [sflag:s6], $0x8000  }
0x746: {  	(v2sf) =	vpush v5, $0x9;
	_ =	sdelay $0x7  }
0x747: {  	s7 =	sadd.s32 @!p1 $0x800, s4;
	s4 =	smov.u32 @p1 s5  }
0x748: {  	s0 =	ssub.s32 s0, s4  }
0x749: {  	p0 =	sgt.s32 s0, $0x0  }
0x74a: {  	s0 =	simm.s32 @!p0 $0x0  }
0x74b: {  	v41 =	vmov s0  }
0x74c: {  	v42 =	vshll.u32 v41, $0x3  }
0x74d: {  	v6 =	vand.u32 $0x7F, v41;
	v7 =	vand.u32 $0xFFFFFC00, v42  }
0x74e: {  	s7 =	smov.u32 @p1 s8;
	v6 =	vor.u32 v6, v7;
	s0 =	spop (v2sf)  }
0x74f: {  	v6 =	vadd.s32 v3, v6;
	p0 =	slt.s32 s0, s7  }
0x750: {  	s5 =	sand.u32 @!p0 $0x7F, s0  }
0x751: {  	p2 =	slt.s32 @!p0 s0, $0x1;
	p3 =	sne.s32 @!p0 s5, $0x0  }
0x752: {  	[sflag:s6] =	ssyncset.done @!p1 $0x0;
	s5 =	sshra.s32 @!p0 s0, $0x1F;
	p2 =	por @!p0 !p2, !p3  }
0x753: {  	[sflag:s6] =	ssyncadd.s32 @!p1 $0xFFFF8000;
	s5 =	sshrl.u32 @!p0 s5, $0x19;
	p1 =	por @!p0 !p2, !p2  }
0x754: {  	v6 =	vld.idx.msk [tilespmem:v6+s13+$0x0], $0xffff;
	s6 =	simm.s32 @!p0 $0x1;
	s5 =	sadd.s32 @!p0 s5, s0;
	p1 =	por !p1, p0  }
0x755: {  	s5 =	sshrl.u32 @!p0 s5, $0x7;
	s6 =	simm.s32 @p1 $0x0  }
0x756: {  	s5 =	ssub.s32 @!p0 s5, s6  }
0x757: {  	v43 =	vbroadcast v4, $0x8;
	s5 =	sshll.u32 @!p0 s5, $0x7  }
0x758: {  	p1 =	slt.s32 @!p0 s5, $0x30CC00  }
0x759: {  	v6 =	vmul.f32 v6, v43;
	p1 =	por !p1, p0  }
0x75a: {  	s9 =	simm.s32 @!p0 $0x4000;
	s11 =	simm.s32 @!p0 $0x186A000;
	s5 =	simm.s32 @p1 $0x30CC00  }
0x75b: {  	s12 =	simm.s32 @!p0 $0xA580;
	[tilespmem:s17+$0x0] =	vst v6;
	s6 =	simm.s32 @!p0 $0x1;
	s8 =	sadd.s32 @!p0 s2, s5  }
0x75c: {  	[tilespmem:s12], [sflag:$0x1] =	stream.strided.gather @!p0 [hbm4b:s8+s9], $0x8000, s11, s9, $0x38;
	[tilespmem:$0x1E980] =	vst v63  }
0x75d: {  	_ =	swait.ge @!p0 [sflag:s6], $0x8000  }
0x75e: {  	(v2sf) =	vpush v5, $0xA;
	_ =	sdelay $0x7  }
0x75f: {  	s8 =	sadd.s32 @!p0 $0x800, s5;
	s5 =	smov.u32 @p0 s4  }
0x760: {  	s0 =	ssub.s32 s0, s5  }
0x761: {  	p1 =	sgt.s32 s0, $0x0  }
0x762: {  	s0 =	simm.s32 @!p1 $0x0  }
0x763: {  	v44 =	vmov s0  }
0x764: {  	v45 =	vshll.u32 v44, $0x3  }
0x765: {  	v6 =	vand.u32 $0x7F, v44;
	v7 =	vand.u32 $0xFFFFFC00, v45  }
0x766: {  	s8 =	smov.u32 @p0 s7;
	v6 =	vor.u32 v6, v7;
	s0 =	spop (v2sf)  }
0x767: {  	v6 =	vadd.s32 v3, v6;
	p1 =	slt.s32 s0, s8  }
0x768: {  	s4 =	sand.u32 @!p1 $0x7F, s0  }
0x769: {  	p2 =	slt.s32 @!p1 s0, $0x1;
	p3 =	sne.s32 @!p1 s4, $0x0  }
0x76a: {  	[sflag:s6] =	ssyncset.done @!p0 $0x0;
	s4 =	sshra.s32 @!p1 s0, $0x1F;
	p2 =	por @!p1 !p2, !p3  }
0x76b: {  	[sflag:s6] =	ssyncadd.s32 @!p0 $0xFFFF8000;
	s4 =	sshrl.u32 @!p1 s4, $0x19;
	p0 =	por @!p1 !p2, !p2  }
0x76c: {  	v6 =	vld.idx.msk [tilespmem:v6+s13+$0x0], $0xffff;
	s6 =	simm.s32 @!p1 $0x1;
	s4 =	sadd.s32 @!p1 s4, s0;
	p0 =	por !p0, p1  }
0x76d: {  	s4 =	sshrl.u32 @!p1 s4, $0x7;
	s6 =	simm.s32 @p0 $0x0  }
0x76e: {  	s4 =	ssub.s32 @!p1 s4, s6  }
0x76f: {  	v46 =	vbroadcast v4, $0x9;
	s4 =	sshll.u32 @!p1 s4, $0x7  }
0x770: {  	p0 =	slt.s32 @!p1 s4, $0x30CC00  }
0x771: {  	v6 =	vmul.f32 v6, v46;
	p0 =	por !p0, p1  }
0x772: {  	s9 =	simm.s32 @!p1 $0x4000;
	s11 =	simm.s32 @!p1 $0x186A000;
	s4 =	simm.s32 @p0 $0x30CC00  }
0x773: {  	s12 =	simm.s32 @!p1 $0xA580;
	[tilespmem:s17+$0x10] =	vst v6;
	s6 =	simm.s32 @!p1 $0x1;
	s7 =	sadd.s32 @!p1 s2, s4  }
0x774: {  	[tilespmem:s12], [sflag:$0x1] =	stream.strided.gather @!p1 [hbm4b:s7+s9], $0x8000, s11, s9, $0x38;
	[tilespmem:$0x1E980] =	vst v63  }
0x775: {  	_ =	swait.ge @!p1 [sflag:s6], $0x8000  }
0x776: {  	(v2sf) =	vpush v5, $0xB;
	_ =	sdelay $0x7  }
0x777: {  	s7 =	sadd.s32 @!p1 $0x800, s4;
	s4 =	smov.u32 @p1 s5  }
0x778: {  	s0 =	ssub.s32 s0, s4  }
0x779: {  	p0 =	sgt.s32 s0, $0x0  }
0x77a: {  	s0 =	simm.s32 @!p0 $0x0  }
0x77b: {  	v47 =	vmov s0  }
0x77c: {  	v48 =	vshll.u32 v47, $0x3  }
0x77d: {  	v6 =	vand.u32 $0x7F, v47;
	v7 =	vand.u32 $0xFFFFFC00, v48  }
0x77e: {  	s7 =	smov.u32 @p1 s8;
	v6 =	vor.u32 v6, v7;
	s0 =	spop (v2sf)  }
0x77f: {  	v6 =	vadd.s32 v3, v6;
	p0 =	slt.s32 s0, s7  }
0x780: {  	s5 =	sand.u32 @!p0 $0x7F, s0  }
0x781: {  	p2 =	slt.s32 @!p0 s0, $0x1;
	p3 =	sne.s32 @!p0 s5, $0x0  }
0x782: {  	[sflag:s6] =	ssyncset.done @!p1 $0x0;
	s5 =	sshra.s32 @!p0 s0, $0x1F;
	p2 =	por @!p0 !p2, !p3  }
0x783: {  	[sflag:s6] =	ssyncadd.s32 @!p1 $0xFFFF8000;
	s5 =	sshrl.u32 @!p0 s5, $0x19;
	p1 =	por @!p0 !p2, !p2  }
0x784: {  	v6 =	vld.idx.msk [tilespmem:v6+s13+$0x0], $0xffff;
	s6 =	simm.s32 @!p0 $0x1;
	s5 =	sadd.s32 @!p0 s5, s0;
	p1 =	por !p1, p0  }
0x785: {  	s5 =	sshrl.u32 @!p0 s5, $0x7;
	s6 =	simm.s32 @p1 $0x0  }
0x786: {  	s5 =	ssub.s32 @!p0 s5, s6  }
0x787: {  	v49 =	vbroadcast v4, $0xA;
	s5 =	sshll.u32 @!p0 s5, $0x7  }
0x788: {  	p1 =	slt.s32 @!p0 s5, $0x30CC00  }
0x789: {  	v6 =	vmul.f32 v6, v49;
	p1 =	por !p1, p0  }
0x78a: {  	s9 =	simm.s32 @!p0 $0x4000;
	s11 =	simm.s32 @!p0 $0x186A000;
	s5 =	simm.s32 @p1 $0x30CC00  }
0x78b: {  	s12 =	simm.s32 @!p0 $0xA580;
	[tilespmem:s17+$0x20] =	vst v6;
	s6 =	simm.s32 @!p0 $0x1;
	s8 =	sadd.s32 @!p0 s2, s5  }
0x78c: {  	[tilespmem:s12], [sflag:$0x1] =	stream.strided.gather @!p0 [hbm4b:s8+s9], $0x8000, s11, s9, $0x38;
	[tilespmem:$0x1E980] =	vst v63  }
0x78d: {  	_ =	swait.ge @!p0 [sflag:s6], $0x8000  }
0x78e: {  	(v2sf) =	vpush v5, $0xC;
	_ =	sdelay $0x7  }
0x78f: {  	s8 =	sadd.s32 @!p0 $0x800, s5;
	s5 =	smov.u32 @p0 s4  }
0x790: {  	s0 =	ssub.s32 s0, s5  }
0x791: {  	p1 =	sgt.s32 s0, $0x0  }
0x792: {  	s0 =	simm.s32 @!p1 $0x0  }
0x793: {  	v50 =	vmov s0  }
0x794: {  	v51 =	vshll.u32 v50, $0x3  }
0x795: {  	v6 =	vand.u32 $0x7F, v50;
	v7 =	vand.u32 $0xFFFFFC00, v51  }
0x796: {  	s8 =	smov.u32 @p0 s7;
	v6 =	vor.u32 v6, v7;
	s0 =	spop (v2sf)  }
0x797: {  	v6 =	vadd.s32 v3, v6;
	p1 =	slt.s32 s0, s8  }
0x798: {  	s4 =	sand.u32 @!p1 $0x7F, s0  }
0x799: {  	p2 =	slt.s32 @!p1 s0, $0x1;
	p3 =	sne.s32 @!p1 s4, $0x0  }
0x79a: {  	[sflag:s6] =	ssyncset.done @!p0 $0x0;
	s4 =	sshra.s32 @!p1 s0, $0x1F;
	p2 =	por @!p1 !p2, !p3  }
0x79b: {  	[sflag:s6] =	ssyncadd.s32 @!p0 $0xFFFF8000;
	s4 =	sshrl.u32 @!p1 s4, $0x19;
	p0 =	por @!p1 !p2, !p2  }
0x79c: {  	v6 =	vld.idx.msk [tilespmem:v6+s13+$0x0], $0xffff;
	s6 =	simm.s32 @!p1 $0x1;
	s4 =	sadd.s32 @!p1 s4, s0;
	p0 =	por !p0, p1  }
0x79d: {  	s4 =	sshrl.u32 @!p1 s4, $0x7;
	s6 =	simm.s32 @p0 $0x0  }
0x79e: {  	s4 =	ssub.s32 @!p1 s4, s6  }
0x79f: {  	v52 =	vbroadcast v4, $0xB;
	s4 =	sshll.u32 @!p1 s4, $0x7  }
0x7a0: {  	p0 =	slt.s32 @!p1 s4, $0x30CC00  }
0x7a1: {  	v6 =	vmul.f32 v6, v52;
	p0 =	por !p0, p1  }
0x7a2: {  	s9 =	simm.s32 @!p1 $0x4000;
	s11 =	simm.s32 @!p1 $0x186A000;
	s4 =	simm.s32 @p0 $0x30CC00  }
0x7a3: {  	s12 =	simm.s32 @!p1 $0xA580;
	[tilespmem:s17+$0x30] =	vst v6;
	s6 =	simm.s32 @!p1 $0x1;
	s7 =	sadd.s32 @!p1 s2, s4  }
0x7a4: {  	[tilespmem:s12], [sflag:$0x1] =	stream.strided.gather @!p1 [hbm4b:s7+s9], $0x8000, s11, s9, $0x38;
	[tilespmem:$0x1E980] =	vst v63  }
0x7a5: {  	_ =	swait.ge @!p1 [sflag:s6], $0x8000  }
0x7a6: {  	(v2sf) =	vpush v5, $0xD;
	_ =	sdelay $0x7  }
0x7a7: {  	s7 =	sadd.s32 @!p1 $0x800, s4;
	s4 =	smov.u32 @p1 s5  }
0x7a8: {  	s0 =	ssub.s32 s0, s4  }
0x7a9: {  	p0 =	sgt.s32 s0, $0x0  }
0x7aa: {  	s0 =	simm.s32 @!p0 $0x0  }
0x7ab: {  	v53 =	vmov s0  }
0x7ac: {  	v54 =	vshll.u32 v53, $0x3  }
0x7ad: {  	v6 =	vand.u32 $0x7F, v53;
	v7 =	vand.u32 $0xFFFFFC00, v54  }
0x7ae: {  	s7 =	smov.u32 @p1 s8;
	v6 =	vor.u32 v6, v7;
	s5 =	spop (v2sf)  }
0x7af: {  	v6 =	vadd.s32 v3, v6;
	p2 =	slt.s32 s5, s7  }
0x7b0: {  	s0 =	sand.u32 @!p2 $0x7F, s5  }
0x7b1: {  	p0 =	slt.s32 @!p2 s5, $0x1;
	p3 =	sne.s32 @!p2 s0, $0x0  }
0x7b2: {  	[sflag:s6] =	ssyncset.done @!p1 $0x0;
	s0 =	sshra.s32 @!p2 s5, $0x1F;
	p0 =	por @!p2 !p0, !p3  }
0x7b3: {  	[sflag:s6] =	ssyncadd.s32 @!p1 $0xFFFF8000;
	s0 =	sshrl.u32 @!p2 s0, $0x19;
	p0 =	por @!p2 !p0, !p0  }
0x7b4: {  	v6 =	vld.idx.msk [tilespmem:v6+s13+$0x0], $0xffff;
	s6 =	simm.s32 @!p2 $0x1;
	s0 =	sadd.s32 @!p2 s0, s5;
	p0 =	por !p0, p2  }
0x7b5: {  	s0 =	sshrl.u32 @!p2 s0, $0x7;
	s6 =	simm.s32 @p0 $0x0  }
0x7b6: {  	s0 =	ssub.s32 @!p2 s0, s6  }
0x7b7: {  	v55 =	vbroadcast v4, $0xC;
	s0 =	sshll.u32 @!p2 s0, $0x7  }
0x7b8: {  	p0 =	slt.s32 @!p2 s0, $0x30CC00  }
0x7b9: {  	v6 =	vmul.f32 v6, v55;
	p0 =	por !p0, p2  }
0x7ba: {  	s9 =	simm.s32 @!p2 $0x4000;
	s11 =	simm.s32 @!p2 $0x186A000;
	s0 =	simm.s32 @p0 $0x30CC00  }
0x7bb: {  	s12 =	simm.s32 @!p2 $0xA580;
	[tilespmem:s17+$0x40] =	vst v6;
	s6 =	simm.s32 @!p2 $0x1;
	s8 =	sadd.s32 @!p2 s2, s0  }
0x7bc: {  	[tilespmem:s12], [sflag:$0x1] =	stream.strided.gather @!p2 [hbm4b:s8+s9], $0x8000, s11, s9, $0x38;
	[tilespmem:$0x1E980] =	vst v63  }
0x7bd: {  	_ =	swait.ge @!p2 [sflag:s6], $0x8000  }
0x7be: {  	(v2sf) =	vpush v5, $0xE;
	_ =	sdelay $0x7  }
0x7bf: {  	s8 =	sadd.s32 @!p2 $0x800, s0;
	s0 =	smov.u32 @p2 s4  }
0x7c0: {  	s4 =	ssub.s32 s5, s0  }
0x7c1: {  	p0 =	sgt.s32 s4, $0x0  }
0x7c2: {  	s4 =	simm.s32 @!p0 $0x0  }
0x7c3: {  	v56 =	vmov s4  }
0x7c4: {  	v57 =	vshll.u32 v56, $0x3  }
0x7c5: {  	v6 =	vand.u32 $0x7F, v56;
	v7 =	vand.u32 $0xFFFFFC00, v57  }
0x7c6: {  	s8 =	smov.u32 @p2 s7;
	v6 =	vor.u32 v6, v7;
	s4 =	spop (v2sf)  }
0x7c7: {  	v6 =	vadd.s32 v3, v6;
	p0 =	slt.s32 s4, s8  }
0x7c8: {  	s5 =	sand.u32 @!p0 $0x7F, s4  }
0x7c9: {  	p1 =	slt.s32 @!p0 s4, $0x1;
	p3 =	sne.s32 @!p0 s5, $0x0  }
0x7ca: {  	[sflag:s6] =	ssyncset.done @!p2 $0x0;
	s5 =	sshra.s32 @!p0 s4, $0x1F;
	p1 =	por @!p0 !p1, !p3  }
0x7cb: {  	[sflag:s6] =	ssyncadd.s32 @!p2 $0xFFFF8000;
	s5 =	sshrl.u32 @!p0 s5, $0x19;
	p1 =	por @!p0 !p1, !p1  }
0x7cc: {  	v6 =	vld.idx.msk [tilespmem:v6+s13+$0x0], $0xffff;
	s6 =	simm.s32 @!p0 $0x1;
	s5 =	sadd.s32 @!p0 s5, s4;
	p1 =	por !p1, p0  }
0x7cd: {  	s5 =	sshrl.u32 @!p0 s5, $0x7;
	s6 =	simm.s32 @p1 $0x0  }
0x7ce: {  	s5 =	ssub.s32 @!p0 s5, s6  }
0x7cf: {  	v58 =	vbroadcast v4, $0xD;
	s5 =	sshll.u32 @!p0 s5, $0x7  }
0x7d0: {  	p1 =	slt.s32 @!p0 s5, $0x30CC00  }
0x7d1: {  	v6 =	vmul.f32 v6, v58;
	p1 =	por !p1, p0  }
0x7d2: {  	s9 =	simm.s32 @!p0 $0x4000;
	s11 =	simm.s32 @!p0 $0x186A000;
	s5 =	simm.s32 @p1 $0x30CC00  }
0x7d3: {  	s12 =	simm.s32 @!p0 $0xA580;
	[tilespmem:s17+$0x50] =	vst v6;
	s6 =	simm.s32 @!p0 $0x1;
	s7 =	sadd.s32 @!p0 s2, s5  }
0x7d4: {  	[tilespmem:s12], [sflag:$0x1] =	stream.strided.gather @!p0 [hbm4b:s7+s9], $0x8000, s11, s9, $0x38;
	[tilespmem:$0x1E980] =	vst v63  }
0x7d5: {  	_ =	swait.ge @!p0 [sflag:s6], $0x8000  }
0x7d6: {  	(v2sf) =	vpush v5, $0xF;
	_ =	sdelay $0xd  }
0x7d7: {  	s7 =	sadd.s32 @!p0 $0x800, s5  }
0x7d8: {  	s7 =	smov.u32 @p0 s8;
	s8 =	spop (v2sf)  }
0x7d9: {  	p1 =	slt.s32 s8, s7  }
0x7da: {  	s5 =	smov.u32 @p0 s0;
	s0 =	sand.u32 @!p1 $0x7F, s8  }
0x7db: {  	s4 =	ssub.s32 s4, s5;
	p2 =	slt.s32 @!p1 s8, $0x1;
	p3 =	sne.s32 @!p1 s0, $0x0  }
0x7dc: {  	p2 =	por @!p1 !p2, !p3;
	p3 =	sgt.s32 s4, $0x0  }
0x7dd: {  	s0 =	sshra.s32 @!p1 s8, $0x1F;
	s4 =	simm.s32 @!p3 $0x0  }
0x7de: {  	s0 =	sshrl.u32 @!p1 s0, $0x19;
	p2 =	por @!p1 !p2, !p2;
	v5 =	vmov s4  }
0x7df: {  	s0 =	sadd.s32 @!p1 s0, s8;
	p2 =	por !p2, p1;
	s4 =	simm.s32 @!p1 $0x1;
	v59 =	vshll.u32 v5, $0x3  }
0x7e0: {  	s0 =	sshrl.u32 @!p1 s0, $0x7;
	s4 =	simm.s32 @p2 $0x0;
	v5 =	vand.u32 $0x7F, v5;
	v6 =	vand.u32 $0xFFFFFC00, v59  }
0x7e1: {  	s0 =	ssub.s32 @!p1 s0, s4;
	v5 =	vor.u32 v5, v6  }
0x7e2: {  	s7 =	sshll.u32 @!p1 s0, $0x7;
	v5 =	vadd.s32 v3, v5  }
0x7e3: {  	p2 =	slt.s32 @!p1 s7, $0x30CC00  }
0x7e4: {  	p2 =	por !p2, p1  }
0x7e5: {  	[sflag:s6] =	ssyncset.done @!p0 $0x0;
	s7 =	simm.s32 @p2 $0x30CC00  }
0x7e6: {  	[sflag:s6] =	ssyncadd.s32 @!p0 $0xFFFF8000;
	s0 =	sadd.s32 @!p1 s2, s7;
	s7 =	smov.u32 @p1 s5  }
0x7e7: {  	s4 =	ssub.s32 s8, s7;
	v5 =	vld.idx.msk [tilespmem:v5+s13+$0x0], $0xffff  }
0x7e8: {  	p0 =	sgt.s32 s4, $0x0  }
0x7e9: {  	s4 =	simm.s32 @!p0 $0x0  }
0x7ea: {  	v60 =	vbroadcast v4, $0xE;
	v61 =	vmov s4  }
0x7eb: {  	v8 =	vshll.u32 v61, $0x3  }
0x7ec: {  	v62 =	vand.u32 $0x7F, v61;
	v63 =	vand.u32 $0xFFFFFC00, v8;
	v5 =	vmul.f32 v5, v60  }
0x7ed: {  	s6 =	simm.s32 @!p1 $0x186A000;
	v6 =	vor.u32 v62, v63  }
0x7ee: {  	s5 =	simm.s32 @!p1 $0x4000;
	s8 =	simm.s32 @!p1 $0xA580;
	s4 =	simm.s32 @!p1 $0x1;
	[tilespmem:s17+$0x60] =	vst v5;
	v5 =	vadd.s32 v3, v6  }
0x7ef: {  	[tilespmem:s8], [sflag:$0x1] =	stream.strided.gather @!p1 [hbm4b:s0+s5], $0x8000, s6, s5, $0x38;
	[tilespmem:$0x1E980] =	vst v63  }
0x7f0: {  	_ =	swait.ge @!p1 [sflag:s4], $0x8000  }
0x7f1: {  	[sflag:s4] =	ssyncset.done @!p1 $0x0  }
0x7f2: {  	[sflag:s4] =	ssyncadd.s32 @!p1 $0xFFFF8000  }
0x7f3: {  	v5 =	vld.idx.msk [tilespmem:v5+s13+$0x0], $0xffff  }
0x7f4: {  	s3 =	sadd.s32 $0x40, s3  }
0x7f5: {  	p0 =	sne.s32 s3, $0x3100  }
.Ltmp119:
0x7f6: {  	v4 =	vbroadcast v4, $0xF;
	(pc) =	sbr.rel @p0 .LBB2_155-.Ltmp119, $3  }
0x7f7: {  	_ = 	snop  }
0x7f8: {  	v4 =	vmul.f32 v5, v4;
	_ =	sdelay $0x1  }
0x7f9: {  	[tilespmem:s17+$0x70] =	vst v4;
	s17 =	sadd.s32 $0x100, s17  }
0x7fa: {  	s8 =	simm.s32 $0x0;
	s0 =	rddreg [dreg:$0x7];
	s3 =	simm.s32 $0x12580  }
0x7fb: {  	[hbm4b:s0+s8] =	stream.linear.scatter [tilespmem:s3], [sflag:$0x1], $0xC350, $0x38;
	[tilespmem:$0x1E980] =	vst v63  }
0x7fc: {  	_ =	swait.ge [sflag:s14], $0xC350  }
0x7fd: {  	s30 =	rddreg [dreg:$0x9]  }
0x7fe: {  	s31 =	rddreg [dreg:$0x8];
	s3 =	sadd.s32 $0x1, s30  }
0x7ff: {  	p0 =	sne.s32 s3, s31  }
.Ltmp120:
0x800: {  	_ = 	snop;
	(pc) =	sbr.rel @p0 .LBB2_1-.Ltmp120, $3  }
0x801: {  	_ =	sdelay $0x1  }
0x802: {  	[sflag:s14] =	ssyncset.done $0x0  }
0x803: {  	s5 =	rddreg [dreg:$0x5];
	[sflag:s14] =	ssyncadd.s32 $0xFFFF3CB0  }
0x804: {  	_ =	sfence.sel $0x180000  }
0x805: {  	[bflag:$0x0] =	sbarrier.arrive $0xFFFF  }
0x806: {  	_ =	strace $0x90000047  }
0x807: {  	s0 =	stileid.u32;
	[bflag:$0x2] =	sbarrier.arrive $0xFFFF  }
0x808: {  	p0 =	sne.s32 s0, $0x0;
	s0 =	rddreg [dreg:$0x4]  }
0x809: {  	s0 =	sadd.s32 @!p0 $0x100000, s0  }
0x80a: {  	[sflag:s0] =	ssyncadd.tile.s32 @!p0 $0x1;
	_ =	shalt  }
.Lfunc_end2:
_tile_overlayer_lowered:
.L_overlay_start_2:
0x80b: {  	(tag) =	ssettag $0x2  }
0x80c: {  	s0 =	rddreg [dreg:$0x0];
	s2 =	stileid.u32  }
0x80d: {  	s1 =	rddreg [dreg:$0x1];
	p0 =	sne.s32 s2, $0x0  }
0x80e: {  	s3 =	rddreg [dreg:$0x2];
	[bflag:$0x3] =	sbarrier.arrive $0xFFFF;
	s2 =	simm.s32 @!p0 $0x1C01  }
0x80f: {  	[timem:s3], [sflag:s2] =	dma.local @!p0 [hbm:s0], s1  }
0x810: {  	s0 =	simm.s32 @!p0 $0x1  }
0x811: {  	_ =	swait.ge @!p0 [sflag:s0], s1  }
0x812: {  	s1 =	ssub.s32 @!p0 $0x0, s1;
	[sflag:s0] =	ssyncset.done @!p0 $0x0  }
0x813: {  	[sflag:s0] =	ssyncadd.s32 @!p0 s1  }
0x814: {  	[bflag:$0x3] =	sbarrier.arrive $0xFFFF  }
0x815: {  	_ =	shalt  }

</sc_bundles>
